<compile_context>
chip_gen: v7x
topology: tpu7x:2x2x1
jax: 0.10.2.dev20260603
libtpu: 0.0.44.dev20260713+nightly
codegen_flags: <defaults>
</compile_context>

<pallas_src>
import functools

import numpy as np
import jax
import jax.numpy as jnp
from jax import lax
from jax.experimental import pallas as pl
from jax.experimental.pallas import tpu as pltpu
from jax.experimental.pallas import tpu_sc as plsc

N_NODES = 10000
D_FEAT = 128
HID = 16
N_CLS = 10
N_EDGES = 320000

NPAD = 10016
ROWS_PER_SUB = NPAD // 16
EB = 128
NCH = 4
EBS = EB * NCH
NW = 32
E_TOT = N_EDGES + N_NODES
NSB = 22
NPAIR = NSB // 2
EPW = NSB * EBS
EPAD = EPW * NW
IRPW = EPW // EB
IDX_ROWS = EPAD // EB + EB
EPS = 1e-12

PK = N_NODES * HID // 128

_BD = np.kron(np.eye(8, dtype=np.float32), np.ones((HID, HID), np.float32))



def _entry_body(x_ref, w1_ref, b1_ref, h_ref, hn_ref):
    h = jnp.dot(x_ref[...], w1_ref[...], preferred_element_type=jnp.float32)
    h = jnp.maximum(h + b1_ref[...], 0.0)
    nrm = jnp.sqrt(jnp.sum(h * h, axis=1, keepdims=True))
    hn = h / jnp.maximum(nrm, EPS)
    h_ref[...] = h
    hn_ref[...] = hn


_entry = pl.pallas_call(
    _entry_body,
    out_shape=[
        jax.ShapeDtypeStruct((N_NODES, HID), jnp.float32),
        jax.ShapeDtypeStruct((N_NODES, HID), jnp.float32),
    ],
)


def _mid_body(n0_ref, n1_ref, d0_ref, d1_ref, bd_ref, beta_ref,
              h2_ref, hn_ref, hnb_ref):
    h2 = (n0_ref[...] + n1_ref[...]) / (d0_ref[...] + d1_ref[...])
    ss = jnp.dot(h2 * h2, bd_ref[...], preferred_element_type=jnp.float32)
    hn = h2 / jnp.maximum(jnp.sqrt(ss), EPS)
    h2_ref[...] = h2
    hn_ref[...] = hn
    hnb_ref[...] = hn * beta_ref[0, 0]


_mid = pl.pallas_call(
    _mid_body,
    out_shape=[
        jax.ShapeDtypeStruct((PK, 128), jnp.float32),
        jax.ShapeDtypeStruct((PK, 128), jnp.float32),
        jax.ShapeDtypeStruct((PK, 128), jnp.float32),
    ],
)


def _comb_body(n0_ref, n1_ref, d0_ref, d1_ref, h3_ref):
    h3_ref[...] = (n0_ref[...] + n1_ref[...]) / (d0_ref[...] + d1_ref[...])


_comb = pl.pallas_call(
    _comb_body,
    out_shape=jax.ShapeDtypeStruct((PK, 128), jnp.float32),
)


def _exit_body(h3_ref, w2_ref, b2_ref, out_ref):
    logits = jnp.dot(h3_ref[...], w2_ref[...],
                     preferred_element_type=jnp.float32)
    logits = logits + b2_ref[...]
    m = jnp.max(logits, axis=1, keepdims=True)
    z = logits - m
    out_ref[...] = z - jnp.log(jnp.sum(jnp.exp(z), axis=1, keepdims=True))


_exit = pl.pallas_call(
    _exit_body,
    out_shape=jax.ShapeDtypeStruct((N_NODES, N_CLS), jnp.float32),
)



def _lane_sum(v):
    lane = lax.iota(jnp.int32, 16)
    for m in (1, 2, 4, 8):
        idx = jnp.bitwise_xor(lane, m)
        v = v + v.at[idx].get(mode="promise_in_bounds")
    return v


_sc_mesh = plsc.VectorSubcoreMesh(core_axis_name="c", subcore_axis_name="s")


@functools.partial(
    pl.kernel,
    mesh=_sc_mesh,
    compiler_params=pltpu.CompilerParams(use_tc_tiling_on_sc=False),
    out_type=[
        jax.ShapeDtypeStruct((2, NPAD, HID), jnp.float32),
        jax.ShapeDtypeStruct((2, NPAD, HID), jnp.float32),
    ],
    scratch_types=[
        pltpu.VMEM((NCH, EB), jnp.int32),
        pltpu.VMEM((NCH, EB), jnp.int32),
        pltpu.VMEM((EBS, 2, HID), jnp.float32),
        pltpu.VMEM((EBS, HID), jnp.float32),
        pltpu.VMEM((EBS, HID), jnp.float32),
        pltpu.VMEM((EBS, HID), jnp.float32),
        pltpu.VMEM((NCH, EB), jnp.int32),
        pltpu.VMEM((NCH, EB), jnp.int32),
        pltpu.VMEM((EBS, 2, HID), jnp.float32),
        pltpu.VMEM((EBS, HID), jnp.float32),
        pltpu.VMEM((EBS, HID), jnp.float32),
        pltpu.VMEM((EBS, HID), jnp.float32),
        pltpu.VMEM_SHARED((NPAD, HID), jnp.float32),
        pltpu.VMEM_SHARED((NPAD, HID), jnp.float32),
        pltpu.SemaphoreType.DMA,
        pltpu.SemaphoreType.DMA,
        pltpu.SemaphoreType.DMA,
        pltpu.SemaphoreType.DMA,
    ],
)
def _prop(tsrc, thn, src_i, dst_i, zrows, out_n, out_d,
          sidx0, didx0, srow0, drow0, onum0, oden0,
          sidx1, didx1, srow1, drow1, onum1, oden1,
          accn, accd, semg0, semg1, sems0, sems1):
    cid = lax.axis_index("c")
    sid = lax.axis_index("s")
    wid = cid * 16 + sid
    r0 = sid * ROWS_PER_SUB
    pltpu.sync_copy(zrows.at[pl.ds(r0, ROWS_PER_SUB)],
                    accn.at[pl.ds(r0, ROWS_PER_SUB)])
    pltpu.sync_copy(zrows.at[pl.ds(r0, ROWS_PER_SUB)],
                    accd.at[pl.ds(r0, ROWS_PER_SUB)])
    plsc.subcore_barrier()

    base = wid * IRPW
    sets = ((sidx0, didx0, srow0, drow0, onum0, oden0, semg0, sems0),
            (sidx1, didx1, srow1, drow1, onum1, oden1, semg1, sems1))

    def fetch(ro, st):
        sidx, didx, srow, drow, _, _, semg, _ = st
        pltpu.sync_copy(src_i.at[pl.ds(ro, NCH)], sidx)
        pltpu.sync_copy(dst_i.at[pl.ds(ro, NCH)], didx)
        gathers = []
        for j in range(NCH):
            gathers.append(pltpu.async_copy(
                tsrc.at[sidx.at[j]], srow.at[pl.ds(j * EB, EB)], semg))
            gathers.append(pltpu.async_copy(
                thn.at[didx.at[j]], drow.at[pl.ds(j * EB, EB)], semg))
        return gathers

    def compute(st):
        _, _, srow, drow, onum, oden, _, _ = st

        def edge(e, c2):
            hn_s = srow[e, 0, :]
            h_s = srow[e, 1, :]
            hn_d = drow[e, :]
            w = jnp.exp(_lane_sum(hn_s * hn_d))
            onum[e, :] = w * h_s
            oden[e, :] = w
            return c2

        lax.fori_loop(0, EBS, edge, 0)

    def scatter(st):
        _, didx, _, _, onum, oden, _, sems = st
        descs = []
        for j in range(NCH):
            descs.append(pltpu.async_copy(
                onum.at[pl.ds(j * EB, EB)], accn.at[didx.at[j]], sems,
                add=True))
            descs.append(pltpu.async_copy(
                oden.at[pl.ds(j * EB, EB)], accd.at[didx.at[j]], sems,
                add=True))
        return descs

    def drain(descs):
        for d in descs:
            d.wait()

    g0 = fetch(base, sets[0])

    def pair(t, carry):
        ro = base + t * 2 * NCH
        g1 = fetch(ro + NCH, sets[1])
        drain(g0)
        compute(sets[0])
        s0 = scatter(sets[0])
        drain(g1)
        drain(s0)
        fetch(ro + 2 * NCH, sets[0])
        compute(sets[1])
        s1 = scatter(sets[1])
        drain(s1)
        return carry

    lax.fori_loop(0, NPAIR, pair, 0)
    drain(g0)
    plsc.subcore_barrier()
    pltpu.sync_copy(accn.at[pl.ds(r0, ROWS_PER_SUB)],
                    out_n.at[cid, pl.ds(r0, ROWS_PER_SUB)])
    pltpu.sync_copy(accd.at[pl.ds(r0, ROWS_PER_SUB)],
                    out_d.at[cid, pl.ds(r0, ROWS_PER_SUB)])



def _packed(an, ad):
    num = an[:, :N_NODES, :].reshape(2, PK, 128)
    den = ad[:, :N_NODES, :].reshape(2, PK, 128)
    return num[0], num[1], den[0], den[1]


def kernel(x, edge_index, W1, b1, beta2, W2, b2):
    loop_idx = jnp.arange(N_NODES, dtype=jnp.int32)
    src = jnp.concatenate([edge_index[0].astype(jnp.int32), loop_idx])
    dst = jnp.concatenate([edge_index[1].astype(jnp.int32), loop_idx])
    npe = IDX_ROWS * EB - E_TOT
    src = jnp.concatenate(
        [src, jnp.full((npe,), N_NODES, jnp.int32)]).reshape(IDX_ROWS, EB)
    dst = jnp.concatenate(
        [dst, N_NODES + (jnp.arange(npe, dtype=jnp.int32) % (NPAD - N_NODES))]
    ).reshape(IDX_ROWS, EB)
    zrows = jnp.zeros((NPAD, HID), jnp.float32)
    bd = jnp.asarray(_BD)
    pad_t = ((0, NPAD - N_NODES), (0, 0), (0, 0))
    pad_n = ((0, NPAD - N_NODES), (0, 0))

    h, hn = _entry(x, W1, b1.reshape(1, HID))
    tsrc1 = jnp.pad(jnp.stack([hn, h], axis=1), pad_t)
    thn1 = jnp.pad(hn, pad_n)
    an1, ad1 = _prop(tsrc1, thn1, src, dst, zrows)

    n0, n1, d0, d1 = _packed(an1, ad1)
    h2p, hn2p, hnb2p = _mid(n0, n1, d0, d1, bd, beta2.reshape(1, 1))
    h2 = h2p.reshape(N_NODES, HID)
    hn2 = hn2p.reshape(N_NODES, HID)
    hnb2 = hnb2p.reshape(N_NODES, HID)
    tsrc2 = jnp.pad(jnp.stack([hn2, h2], axis=1), pad_t)
    thn2 = jnp.pad(hnb2, pad_n)
    an2, ad2 = _prop(tsrc2, thn2, src, dst, zrows)

    n0, n1, d0, d1 = _packed(an2, ad2)
    h3 = _comb(n0, n1, d0, d1).reshape(N_NODES, HID)
    return _exit(h3, W2, b2.reshape(1, N_CLS))

# --- scband reference (transcript-rebuilt; emitter-appended) ---
"""Pipeline reference for scband-net-67929202753769 (READ-ONLY COPY).

The authoritative reference and input builder live on the scoring server;
editing this copy changes nothing except your own understanding.
"""

import jax, jax.numpy as jnp
import numpy as np

N_NODES = 10000
D_FEAT = 128
HIDDEN = 16
N_CLASSES = 10
N_EDGES = 320000


def _normalize(x, eps=1e-12):
    norm = jnp.sqrt(jnp.sum(x * x, axis=-1, keepdims=True))
    return x / jnp.maximum(norm, eps)


def _agnn_prop(x, src, dst, beta, num_nodes):
    # AGNNConv: attention = softmax_j(beta * cos(x_i, x_j)); out_i = sum_j alpha_ij x_j
    x_norm = _normalize(x)
    alpha = beta * jnp.sum(x_norm[src] * x_norm[dst], axis=-1)  # [E]
    # segment softmax over destination nodes
    amax = jax.ops.segment_max(alpha, dst, num_segments=num_nodes)
    alpha = jnp.exp(alpha - amax[dst])
    denom = jax.ops.segment_sum(alpha, dst, num_segments=num_nodes)
    alpha = alpha / denom[dst]
    out = jax.ops.segment_sum(alpha[:, None] * x[src], dst, num_segments=num_nodes)
    return out


def setup_inputs(seed: int = 0) -> dict:
    key = jax.random.key(seed)
    k1, k2, k3, k4, k5, k6 = jax.random.split(key, 6)
    x = jax.random.normal(k1, (N_NODES, D_FEAT), dtype=jnp.float32)
    edge_index = jax.random.randint(k2, (2, N_EDGES), 0, N_NODES, dtype=jnp.int64 if jax.config.jax_enable_x64 else jnp.int32).astype(jnp.int32)
    W1 = jax.random.normal(k3, (D_FEAT, HIDDEN), dtype=jnp.float32) * (1.0 / np.sqrt(D_FEAT))
    b1 = jnp.zeros((HIDDEN,), dtype=jnp.float32)
    beta2 = jnp.ones((1,), dtype=jnp.float32)
    W2 = jax.random.normal(k4, (HIDDEN, N_CLASSES), dtype=jnp.float32) * (1.0 / np.sqrt(HIDDEN))
    b2 = jnp.zeros((N_CLASSES,), dtype=jnp.float32)
    return {"x": x, "edge_index": edge_index, "W1": W1, "b1": b1, "beta2": beta2, "W2": W2, "b2": b2}


def reference(x, edge_index, W1, b1, beta2, W2, b2):
    num_nodes = x.shape[0]
    # add self loops (PyG AGNNConv default add_self_loops=True)
    loop = jnp.arange(num_nodes, dtype=edge_index.dtype)
    src = jnp.concatenate([edge_index[0], loop])
    dst = jnp.concatenate([edge_index[1], loop])
    # dropout is identity in eval mode
    h = jax.nn.relu(x @ W1 + b1)
    h = _agnn_prop(h, src, dst, jnp.float32(1.0), num_nodes)   # prop1: beta fixed = 1 (requires_grad=False)
    h = _agnn_prop(h, src, dst, beta2[0], num_nodes)           # prop2: learnable beta
    logits = h @ W2 + b2
    return jax.nn.log_softmax(logits, axis=1)

if __name__ == "__main__":
    import jax
    _d = setup_inputs()
    print(jax.jit(kernel)(*tuple(_d.values())))

</pallas_src>

<mosaic_0001>
#map = affine_map<(d0, d1) -> (0, 0, 0)>
#map1 = affine_map<(d0, d1) -> (0, 0)>
module attributes {stable_mosaic.version = 14 : i64} {
  func.func @_prop(%arg0: i32, %arg1: i32, %arg2: memref<10016x2x16xf32, #tpu.memory_space<hbm>>, %arg3: memref<10016x16xf32, #tpu.memory_space<hbm>>, %arg4: memref<2944x128xi32, #tpu.memory_space<hbm>>, %arg5: memref<2944x128xi32, #tpu.memory_space<hbm>>, %arg6: memref<10016x16xf32, #tpu.memory_space<hbm>>, %arg7: memref<2x10016x16xf32, #tpu.memory_space<hbm>>, %arg8: memref<2x10016x16xf32, #tpu.memory_space<hbm>>, %arg9: memref<4x128xi32, #tpu.memory_space<vmem>>, %arg10: memref<4x128xi32, #tpu.memory_space<vmem>>, %arg11: memref<512x2x16xf32, #tpu.memory_space<vmem>>, %arg12: memref<512x16xf32, #tpu.memory_space<vmem>>, %arg13: memref<512x16xf32, #tpu.memory_space<vmem>>, %arg14: memref<512x16xf32, #tpu.memory_space<vmem>>, %arg15: memref<4x128xi32, #tpu.memory_space<vmem>>, %arg16: memref<4x128xi32, #tpu.memory_space<vmem>>, %arg17: memref<512x2x16xf32, #tpu.memory_space<vmem>>, %arg18: memref<512x16xf32, #tpu.memory_space<vmem>>, %arg19: memref<512x16xf32, #tpu.memory_space<vmem>>, %arg20: memref<512x16xf32, #tpu.memory_space<vmem>>, %arg21: memref<10016x16xf32, #tpu.memory_space<vmem_shared>>, %arg22: memref<10016x16xf32, #tpu.memory_space<vmem_shared>>, %arg23: memref<!tpu.dma_semaphore, #tpu.memory_space<semaphore_mem>>, %arg24: memref<!tpu.dma_semaphore, #tpu.memory_space<semaphore_mem>>, %arg25: memref<!tpu.dma_semaphore, #tpu.memory_space<semaphore_mem>>, %arg26: memref<!tpu.dma_semaphore, #tpu.memory_space<semaphore_mem>>) attributes {dimension_semantics = [#tpu.dimension_semantics<core_parallel>, #tpu.dimension_semantics<subcore_parallel>], iteration_bounds = array<i64: 2, 16>, scalar_prefetch = 0 : i64, scratch_operands = 18 : i64, tpu.core_type = #tpu.core_type<sc_vector_subcore>, window_params = [{transform_indices = #map}, {transform_indices = #map1}, {transform_indices = #map1}, {transform_indices = #map1}, {transform_indices = #map1}, {transform_indices = #map}, {transform_indices = #map}]} {
    %mul3A = arith.constant 16 : i32
    %mul3A_0 = arith.muli %arg0, %mul3A : i32
    %add3A = arith.addi %mul3A_0, %arg1 : i32
    %mul3A_1 = arith.constant 626 : i32
    %mul3A_2 = arith.muli %arg1, %mul3A_1 : i32
    "tpu.region"() ({
      %run_scoped3A = tpu.sem_alloc : memref<!tpu.dma_semaphore, #tpu.memory_space<semaphore_mem>>
      %dma_start3A_193 = arith.constant 0 : i32
      %dma_start3A_194 = tpu.memref_slice %arg21[%mul3A_2, %dma_start3A_193] : memref<10016x16xf32, #tpu.memory_space<vmem_shared>> -> memref<626x16xf32, #tpu.memory_space<vmem_shared>>
      %dma_start3A_195 = arith.constant 0 : i32
      %dma_start3A_196 = tpu.memref_slice %arg6[%mul3A_2, %dma_start3A_195] : memref<10016x16xf32, #tpu.memory_space<hbm>> -> memref<626x16xf32, #tpu.memory_space<hbm>>
      tpu.enqueue_dma source(%dma_start3A_196 : memref<626x16xf32, #tpu.memory_space<hbm>>) target(%dma_start3A_194 : memref<626x16xf32, #tpu.memory_space<vmem_shared>>) target_semaphore(%run_scoped3A : memref<!tpu.dma_semaphore, #tpu.memory_space<semaphore_mem>>)
      %dma_wait3A_197 = arith.constant 0 : i32
      %dma_wait3A_198 = tpu.memref_slice %arg21[%mul3A_2, %dma_wait3A_197] : memref<10016x16xf32, #tpu.memory_space<vmem_shared>> -> memref<626x16xf32, #tpu.memory_space<vmem_shared>>
      %dma_wait3A_199 = arith.constant 0 : i32
      %dma_wait3A_200 = tpu.memref_slice %arg6[%mul3A_2, %dma_wait3A_199] : memref<10016x16xf32, #tpu.memory_space<hbm>> -> memref<626x16xf32, #tpu.memory_space<hbm>>
      tpu.wait_dma2 semaphore(%run_scoped3A : memref<!tpu.dma_semaphore, #tpu.memory_space<semaphore_mem>>) src(%dma_wait3A_200 : memref<626x16xf32, #tpu.memory_space<hbm>>) dst(%dma_wait3A_198 : memref<626x16xf32, #tpu.memory_space<vmem_shared>>)
      tpu.yield
    }) : () -> ()
    "tpu.region"() ({
      %run_scoped3A = tpu.sem_alloc : memref<!tpu.dma_semaphore, #tpu.memory_space<semaphore_mem>>
      %dma_start3A_193 = arith.constant 0 : i32
      %dma_start3A_194 = tpu.memref_slice %arg22[%mul3A_2, %dma_start3A_193] : memref<10016x16xf32, #tpu.memory_space<vmem_shared>> -> memref<626x16xf32, #tpu.memory_space<vmem_shared>>
      %dma_start3A_195 = arith.constant 0 : i32
      %dma_start3A_196 = tpu.memref_slice %arg6[%mul3A_2, %dma_start3A_195] : memref<10016x16xf32, #tpu.memory_space<hbm>> -> memref<626x16xf32, #tpu.memory_space<hbm>>
      tpu.enqueue_dma source(%dma_start3A_196 : memref<626x16xf32, #tpu.memory_space<hbm>>) target(%dma_start3A_194 : memref<626x16xf32, #tpu.memory_space<vmem_shared>>) target_semaphore(%run_scoped3A : memref<!tpu.dma_semaphore, #tpu.memory_space<semaphore_mem>>)
      %dma_wait3A_197 = arith.constant 0 : i32
      %dma_wait3A_198 = tpu.memref_slice %arg22[%mul3A_2, %dma_wait3A_197] : memref<10016x16xf32, #tpu.memory_space<vmem_shared>> -> memref<626x16xf32, #tpu.memory_space<vmem_shared>>
      %dma_wait3A_199 = arith.constant 0 : i32
      %dma_wait3A_200 = tpu.memref_slice %arg6[%mul3A_2, %dma_wait3A_199] : memref<10016x16xf32, #tpu.memory_space<hbm>> -> memref<626x16xf32, #tpu.memory_space<hbm>>
      tpu.wait_dma2 semaphore(%run_scoped3A : memref<!tpu.dma_semaphore, #tpu.memory_space<semaphore_mem>>) src(%dma_wait3A_200 : memref<626x16xf32, #tpu.memory_space<hbm>>) dst(%dma_wait3A_198 : memref<626x16xf32, #tpu.memory_space<vmem_shared>>)
      tpu.yield
    }) : () -> ()
    %barrier3A = arith.constant 0 : index
    tpu.barrier barrier_id(%barrier3A)
    %mul3A_3 = arith.constant 88 : i32
    %mul3A_4 = arith.muli %add3A, %mul3A_3 : i32
    "tpu.region"() ({
      %run_scoped3A = tpu.sem_alloc : memref<!tpu.dma_semaphore, #tpu.memory_space<semaphore_mem>>
      %dma_start3A_193 = arith.constant 0 : i32
      %dma_start3A_194 = tpu.memref_slice %arg4[%mul3A_4, %dma_start3A_193] : memref<2944x128xi32, #tpu.memory_space<hbm>> -> memref<4x128xi32, #tpu.memory_space<hbm>>
      %dma_start3A_195 = arith.constant 0 : i32
      %dma_start3A_196 = tpu.memref_slice %arg4[%mul3A_4, %dma_start3A_195] : memref<2944x128xi32, #tpu.memory_space<hbm>> -> memref<4x128xi32, #tpu.memory_space<hbm>>
      tpu.enqueue_dma source(%dma_start3A_196 : memref<4x128xi32, #tpu.memory_space<hbm>>) target(%arg9 : memref<4x128xi32, #tpu.memory_space<vmem>>) target_semaphore(%run_scoped3A : memref<!tpu.dma_semaphore, #tpu.memory_space<semaphore_mem>>)
      %dma_wait3A_197 = arith.constant 0 : i32
      %dma_wait3A_198 = tpu.memref_slice %arg4[%mul3A_4, %dma_wait3A_197] : memref<2944x128xi32, #tpu.memory_space<hbm>> -> memref<4x128xi32, #tpu.memory_space<hbm>>
      %dma_wait3A_199 = arith.constant 0 : i32
      %dma_wait3A_200 = tpu.memref_slice %arg4[%mul3A_4, %dma_wait3A_199] : memref<2944x128xi32, #tpu.memory_space<hbm>> -> memref<4x128xi32, #tpu.memory_space<hbm>>
      tpu.wait_dma2 semaphore(%run_scoped3A : memref<!tpu.dma_semaphore, #tpu.memory_space<semaphore_mem>>) src(%dma_wait3A_200 : memref<4x128xi32, #tpu.memory_space<hbm>>) dst(%arg9 : memref<4x128xi32, #tpu.memory_space<vmem>>)
      tpu.yield
    }) : () -> ()
    "tpu.region"() ({
      %run_scoped3A = tpu.sem_alloc : memref<!tpu.dma_semaphore, #tpu.memory_space<semaphore_mem>>
      %dma_start3A_193 = arith.constant 0 : i32
      %dma_start3A_194 = tpu.memref_slice %arg5[%mul3A_4, %dma_start3A_193] : memref<2944x128xi32, #tpu.memory_space<hbm>> -> memref<4x128xi32, #tpu.memory_space<hbm>>
      %dma_start3A_195 = arith.constant 0 : i32
      %dma_start3A_196 = tpu.memref_slice %arg5[%mul3A_4, %dma_start3A_195] : memref<2944x128xi32, #tpu.memory_space<hbm>> -> memref<4x128xi32, #tpu.memory_space<hbm>>
      tpu.enqueue_dma source(%dma_start3A_196 : memref<4x128xi32, #tpu.memory_space<hbm>>) target(%arg10 : memref<4x128xi32, #tpu.memory_space<vmem>>) target_semaphore(%run_scoped3A : memref<!tpu.dma_semaphore, #tpu.memory_space<semaphore_mem>>)
      %dma_wait3A_197 = arith.constant 0 : i32
      %dma_wait3A_198 = tpu.memref_slice %arg5[%mul3A_4, %dma_wait3A_197] : memref<2944x128xi32, #tpu.memory_space<hbm>> -> memref<4x128xi32, #tpu.memory_space<hbm>>
      %dma_wait3A_199 = arith.constant 0 : i32
      %dma_wait3A_200 = tpu.memref_slice %arg5[%mul3A_4, %dma_wait3A_199] : memref<2944x128xi32, #tpu.memory_space<hbm>> -> memref<4x128xi32, #tpu.memory_space<hbm>>
      tpu.wait_dma2 semaphore(%run_scoped3A : memref<!tpu.dma_semaphore, #tpu.memory_space<semaphore_mem>>) src(%dma_wait3A_200 : memref<4x128xi32, #tpu.memory_space<hbm>>) dst(%arg10 : memref<4x128xi32, #tpu.memory_space<vmem>>)
      tpu.yield
    }) : () -> ()
    %dma_start3A = arith.constant 0 : i32
    %dma_start3A_5 = arith.constant 0 : i32
    %dma_start3A_6 = arith.constant 0 : i32
    %dma_start3A_7 = arith.constant 0 : i32
    %dma_start3A_8 = tpu.memref_slice %arg11[%dma_start3A_5, %dma_start3A_6, %dma_start3A_7] : memref<512x2x16xf32, #tpu.memory_space<vmem>> -> memref<128x2x16xf32, #tpu.memory_space<vmem>>
    %dma_start3A_9 = arith.constant 0 : i32
    %dma_start3A_10 = tpu.memref_slice %arg9[%dma_start3A, %dma_start3A_9] : memref<4x128xi32, #tpu.memory_space<vmem>> -> memref<1x128xi32, #tpu.memory_space<vmem>>
    %dma_start3A_11 = tpu.memref_squeeze %dma_start3A_10 : memref<1x128xi32, #tpu.memory_space<vmem>> -> memref<128xi32, #tpu.memory_space<vmem>>
    %dma_start3A_12 = arith.constant 0 : i32
    %dma_start3A_13 = arith.constant 0 : i32
    %dma_start3A_14 = arith.constant 0 : i32
    %dma_start3A_15 = tpu.memref_slice %arg2[%dma_start3A_12, %dma_start3A_13, %dma_start3A_14] : memref<10016x2x16xf32, #tpu.memory_space<hbm>> -> memref<10016x2x16xf32, #tpu.memory_space<hbm>>
    tpu.enqueue_indirect_dma source(%dma_start3A_15 : memref<10016x2x16xf32, #tpu.memory_space<hbm>>) target(%dma_start3A_8 : memref<128x2x16xf32, #tpu.memory_space<vmem>>) offsets(%dma_start3A_11 : memref<128xi32, #tpu.memory_space<vmem>>) semaphore(%arg23 : memref<!tpu.dma_semaphore, #tpu.memory_space<semaphore_mem>>)
    %dma_start3A_16 = arith.constant 0 : i32
    %dma_start3A_17 = arith.constant 0 : i32
    %dma_start3A_18 = arith.constant 0 : i32
    %dma_start3A_19 = tpu.memref_slice %arg12[%dma_start3A_17, %dma_start3A_18] : memref<512x16xf32, #tpu.memory_space<vmem>> -> memref<128x16xf32, #tpu.memory_space<vmem>>
    %dma_start3A_20 = arith.constant 0 : i32
    %dma_start3A_21 = tpu.memref_slice %arg10[%dma_start3A_16, %dma_start3A_20] : memref<4x128xi32, #tpu.memory_space<vmem>> -> memref<1x128xi32, #tpu.memory_space<vmem>>
    %dma_start3A_22 = tpu.memref_squeeze %dma_start3A_21 : memref<1x128xi32, #tpu.memory_space<vmem>> -> memref<128xi32, #tpu.memory_space<vmem>>
    %dma_start3A_23 = arith.constant 0 : i32
    %dma_start3A_24 = arith.constant 0 : i32
    %dma_start3A_25 = tpu.memref_slice %arg3[%dma_start3A_23, %dma_start3A_24] : memref<10016x16xf32, #tpu.memory_space<hbm>> -> memref<10016x16xf32, #tpu.memory_space<hbm>>
    tpu.enqueue_indirect_dma source(%dma_start3A_25 : memref<10016x16xf32, #tpu.memory_space<hbm>>) target(%dma_start3A_19 : memref<128x16xf32, #tpu.memory_space<vmem>>) offsets(%dma_start3A_22 : memref<128xi32, #tpu.memory_space<vmem>>) semaphore(%arg23 : memref<!tpu.dma_semaphore, #tpu.memory_space<semaphore_mem>>)
    %dma_start3A_26 = arith.constant 1 : i32
    %dma_start3A_27 = arith.constant 128 : i32
    %dma_start3A_28 = arith.constant 0 : i32
    %dma_start3A_29 = arith.constant 0 : i32
    %dma_start3A_30 = tpu.memref_slice %arg11[%dma_start3A_27, %dma_start3A_28, %dma_start3A_29] : memref<512x2x16xf32, #tpu.memory_space<vmem>> -> memref<128x2x16xf32, #tpu.memory_space<vmem>>
    %dma_start3A_31 = arith.constant 0 : i32
    %dma_start3A_32 = tpu.memref_slice %arg9[%dma_start3A_26, %dma_start3A_31] : memref<4x128xi32, #tpu.memory_space<vmem>> -> memref<1x128xi32, #tpu.memory_space<vmem>>
    %dma_start3A_33 = tpu.memref_squeeze %dma_start3A_32 : memref<1x128xi32, #tpu.memory_space<vmem>> -> memref<128xi32, #tpu.memory_space<vmem>>
    %dma_start3A_34 = arith.constant 0 : i32
    %dma_start3A_35 = arith.constant 0 : i32
    %dma_start3A_36 = arith.constant 0 : i32
    %dma_start3A_37 = tpu.memref_slice %arg2[%dma_start3A_34, %dma_start3A_35, %dma_start3A_36] : memref<10016x2x16xf32, #tpu.memory_space<hbm>> -> memref<10016x2x16xf32, #tpu.memory_space<hbm>>
    tpu.enqueue_indirect_dma source(%dma_start3A_37 : memref<10016x2x16xf32, #tpu.memory_space<hbm>>) target(%dma_start3A_30 : memref<128x2x16xf32, #tpu.memory_space<vmem>>) offsets(%dma_start3A_33 : memref<128xi32, #tpu.memory_space<vmem>>) semaphore(%arg23 : memref<!tpu.dma_semaphore, #tpu.memory_space<semaphore_mem>>)
    %dma_start3A_38 = arith.constant 1 : i32
    %dma_start3A_39 = arith.constant 128 : i32
    %dma_start3A_40 = arith.constant 0 : i32
    %dma_start3A_41 = tpu.memref_slice %arg12[%dma_start3A_39, %dma_start3A_40] : memref<512x16xf32, #tpu.memory_space<vmem>> -> memref<128x16xf32, #tpu.memory_space<vmem>>
    %dma_start3A_42 = arith.constant 0 : i32
    %dma_start3A_43 = tpu.memref_slice %arg10[%dma_start3A_38, %dma_start3A_42] : memref<4x128xi32, #tpu.memory_space<vmem>> -> memref<1x128xi32, #tpu.memory_space<vmem>>
    %dma_start3A_44 = tpu.memref_squeeze %dma_start3A_43 : memref<1x128xi32, #tpu.memory_space<vmem>> -> memref<128xi32, #tpu.memory_space<vmem>>
    %dma_start3A_45 = arith.constant 0 : i32
    %dma_start3A_46 = arith.constant 0 : i32
    %dma_start3A_47 = tpu.memref_slice %arg3[%dma_start3A_45, %dma_start3A_46] : memref<10016x16xf32, #tpu.memory_space<hbm>> -> memref<10016x16xf32, #tpu.memory_space<hbm>>
    tpu.enqueue_indirect_dma source(%dma_start3A_47 : memref<10016x16xf32, #tpu.memory_space<hbm>>) target(%dma_start3A_41 : memref<128x16xf32, #tpu.memory_space<vmem>>) offsets(%dma_start3A_44 : memref<128xi32, #tpu.memory_space<vmem>>) semaphore(%arg23 : memref<!tpu.dma_semaphore, #tpu.memory_space<semaphore_mem>>)
    %dma_start3A_48 = arith.constant 2 : i32
    %dma_start3A_49 = arith.constant 256 : i32
    %dma_start3A_50 = arith.constant 0 : i32
    %dma_start3A_51 = arith.constant 0 : i32
    %dma_start3A_52 = tpu.memref_slice %arg11[%dma_start3A_49, %dma_start3A_50, %dma_start3A_51] : memref<512x2x16xf32, #tpu.memory_space<vmem>> -> memref<128x2x16xf32, #tpu.memory_space<vmem>>
    %dma_start3A_53 = arith.constant 0 : i32
    %dma_start3A_54 = tpu.memref_slice %arg9[%dma_start3A_48, %dma_start3A_53] : memref<4x128xi32, #tpu.memory_space<vmem>> -> memref<1x128xi32, #tpu.memory_space<vmem>>
    %dma_start3A_55 = tpu.memref_squeeze %dma_start3A_54 : memref<1x128xi32, #tpu.memory_space<vmem>> -> memref<128xi32, #tpu.memory_space<vmem>>
    %dma_start3A_56 = arith.constant 0 : i32
    %dma_start3A_57 = arith.constant 0 : i32
    %dma_start3A_58 = arith.constant 0 : i32
    %dma_start3A_59 = tpu.memref_slice %arg2[%dma_start3A_56, %dma_start3A_57, %dma_start3A_58] : memref<10016x2x16xf32, #tpu.memory_space<hbm>> -> memref<10016x2x16xf32, #tpu.memory_space<hbm>>
    tpu.enqueue_indirect_dma source(%dma_start3A_59 : memref<10016x2x16xf32, #tpu.memory_space<hbm>>) target(%dma_start3A_52 : memref<128x2x16xf32, #tpu.memory_space<vmem>>) offsets(%dma_start3A_55 : memref<128xi32, #tpu.memory_space<vmem>>) semaphore(%arg23 : memref<!tpu.dma_semaphore, #tpu.memory_space<semaphore_mem>>)
    %dma_start3A_60 = arith.constant 2 : i32
    %dma_start3A_61 = arith.constant 256 : i32
    %dma_start3A_62 = arith.constant 0 : i32
    %dma_start3A_63 = tpu.memref_slice %arg12[%dma_start3A_61, %dma_start3A_62] : memref<512x16xf32, #tpu.memory_space<vmem>> -> memref<128x16xf32, #tpu.memory_space<vmem>>
    %dma_start3A_64 = arith.constant 0 : i32
    %dma_start3A_65 = tpu.memref_slice %arg10[%dma_start3A_60, %dma_start3A_64] : memref<4x128xi32, #tpu.memory_space<vmem>> -> memref<1x128xi32, #tpu.memory_space<vmem>>
    %dma_start3A_66 = tpu.memref_squeeze %dma_start3A_65 : memref<1x128xi32, #tpu.memory_space<vmem>> -> memref<128xi32, #tpu.memory_space<vmem>>
    %dma_start3A_67 = arith.constant 0 : i32
    %dma_start3A_68 = arith.constant 0 : i32
    %dma_start3A_69 = tpu.memref_slice %arg3[%dma_start3A_67, %dma_start3A_68] : memref<10016x16xf32, #tpu.memory_space<hbm>> -> memref<10016x16xf32, #tpu.memory_space<hbm>>
    tpu.enqueue_indirect_dma source(%dma_start3A_69 : memref<10016x16xf32, #tpu.memory_space<hbm>>) target(%dma_start3A_63 : memref<128x16xf32, #tpu.memory_space<vmem>>) offsets(%dma_start3A_66 : memref<128xi32, #tpu.memory_space<vmem>>) semaphore(%arg23 : memref<!tpu.dma_semaphore, #tpu.memory_space<semaphore_mem>>)
    %dma_start3A_70 = arith.constant 3 : i32
    %dma_start3A_71 = arith.constant 384 : i32
    %dma_start3A_72 = arith.constant 0 : i32
    %dma_start3A_73 = arith.constant 0 : i32
    %dma_start3A_74 = tpu.memref_slice %arg11[%dma_start3A_71, %dma_start3A_72, %dma_start3A_73] : memref<512x2x16xf32, #tpu.memory_space<vmem>> -> memref<128x2x16xf32, #tpu.memory_space<vmem>>
    %dma_start3A_75 = arith.constant 0 : i32
    %dma_start3A_76 = tpu.memref_slice %arg9[%dma_start3A_70, %dma_start3A_75] : memref<4x128xi32, #tpu.memory_space<vmem>> -> memref<1x128xi32, #tpu.memory_space<vmem>>
    %dma_start3A_77 = tpu.memref_squeeze %dma_start3A_76 : memref<1x128xi32, #tpu.memory_space<vmem>> -> memref<128xi32, #tpu.memory_space<vmem>>
    %dma_start3A_78 = arith.constant 0 : i32
    %dma_start3A_79 = arith.constant 0 : i32
    %dma_start3A_80 = arith.constant 0 : i32
    %dma_start3A_81 = tpu.memref_slice %arg2[%dma_start3A_78, %dma_start3A_79, %dma_start3A_80] : memref<10016x2x16xf32, #tpu.memory_space<hbm>> -> memref<10016x2x16xf32, #tpu.memory_space<hbm>>
    tpu.enqueue_indirect_dma source(%dma_start3A_81 : memref<10016x2x16xf32, #tpu.memory_space<hbm>>) target(%dma_start3A_74 : memref<128x2x16xf32, #tpu.memory_space<vmem>>) offsets(%dma_start3A_77 : memref<128xi32, #tpu.memory_space<vmem>>) semaphore(%arg23 : memref<!tpu.dma_semaphore, #tpu.memory_space<semaphore_mem>>)
    %dma_start3A_82 = arith.constant 3 : i32
    %dma_start3A_83 = arith.constant 384 : i32
    %dma_start3A_84 = arith.constant 0 : i32
    %dma_start3A_85 = tpu.memref_slice %arg12[%dma_start3A_83, %dma_start3A_84] : memref<512x16xf32, #tpu.memory_space<vmem>> -> memref<128x16xf32, #tpu.memory_space<vmem>>
    %dma_start3A_86 = arith.constant 0 : i32
    %dma_start3A_87 = tpu.memref_slice %arg10[%dma_start3A_82, %dma_start3A_86] : memref<4x128xi32, #tpu.memory_space<vmem>> -> memref<1x128xi32, #tpu.memory_space<vmem>>
    %dma_start3A_88 = tpu.memref_squeeze %dma_start3A_87 : memref<1x128xi32, #tpu.memory_space<vmem>> -> memref<128xi32, #tpu.memory_space<vmem>>
    %dma_start3A_89 = arith.constant 0 : i32
    %dma_start3A_90 = arith.constant 0 : i32
    %dma_start3A_91 = tpu.memref_slice %arg3[%dma_start3A_89, %dma_start3A_90] : memref<10016x16xf32, #tpu.memory_space<hbm>> -> memref<10016x16xf32, #tpu.memory_space<hbm>>
    tpu.enqueue_indirect_dma source(%dma_start3A_91 : memref<10016x16xf32, #tpu.memory_space<hbm>>) target(%dma_start3A_85 : memref<128x16xf32, #tpu.memory_space<vmem>>) offsets(%dma_start3A_88 : memref<128xi32, #tpu.memory_space<vmem>>) semaphore(%arg23 : memref<!tpu.dma_semaphore, #tpu.memory_space<semaphore_mem>>)
    %scan3A = arith.constant 0 : i32
    %scan3A_92 = arith.constant 0 : i32
    %scan3A_93 = arith.constant 0 : i32
    %scan3A_94 = arith.constant 1 : i32
    %scan3A_95 = arith.constant 1 : i32
    %scan3A_96 = arith.constant 2 : i32
    %scan3A_97 = arith.constant 2 : i32
    %scan3A_98 = arith.constant 3 : i32
    %scan3A_99 = arith.constant 3 : i32
    %scan3A_100 = arith.constant 0 : i32
    %scan3A_101 = arith.constant 11 : i32
    %scan3A_102 = arith.addi %scan3A_100, %scan3A_101 : i32
    %scan3A_103 = arith.constant 1 : i32
    scf.for %scan3A_193 = %scan3A_100 to %scan3A_102 step %scan3A_103  : i32 {
      %mul3A_194 = arith.constant 2 : i32
      %mul3A_195 = arith.muli %scan3A_193, %mul3A_194 : i32
      %mul3A_196 = arith.constant 4 : i32
      %mul3A_197 = arith.muli %mul3A_195, %mul3A_196 : i32
      %add3A_198 = arith.addi %mul3A_4, %mul3A_197 : i32
      %add3A_199 = arith.constant 4 : i32
      %add3A_200 = arith.addi %add3A_198, %add3A_199 : i32
      "tpu.region"() ({
        %run_scoped3A = tpu.sem_alloc : memref<!tpu.dma_semaphore, #tpu.memory_space<semaphore_mem>>
        %dma_start3A_879 = arith.constant 0 : i32
        %dma_start3A_880 = tpu.memref_slice %arg4[%add3A_200, %dma_start3A_879] : memref<2944x128xi32, #tpu.memory_space<hbm>> -> memref<4x128xi32, #tpu.memory_space<hbm>>
        %dma_start3A_881 = arith.constant 0 : i32
        %dma_start3A_882 = tpu.memref_slice %arg4[%add3A_200, %dma_start3A_881] : memref<2944x128xi32, #tpu.memory_space<hbm>> -> memref<4x128xi32, #tpu.memory_space<hbm>>
        tpu.enqueue_dma source(%dma_start3A_882 : memref<4x128xi32, #tpu.memory_space<hbm>>) target(%arg15 : memref<4x128xi32, #tpu.memory_space<vmem>>) target_semaphore(%run_scoped3A : memref<!tpu.dma_semaphore, #tpu.memory_space<semaphore_mem>>)
        %dma_wait3A_883 = arith.constant 0 : i32
        %dma_wait3A_884 = tpu.memref_slice %arg4[%add3A_200, %dma_wait3A_883] : memref<2944x128xi32, #tpu.memory_space<hbm>> -> memref<4x128xi32, #tpu.memory_space<hbm>>
        %dma_wait3A_885 = arith.constant 0 : i32
        %dma_wait3A_886 = tpu.memref_slice %arg4[%add3A_200, %dma_wait3A_885] : memref<2944x128xi32, #tpu.memory_space<hbm>> -> memref<4x128xi32, #tpu.memory_space<hbm>>
        tpu.wait_dma2 semaphore(%run_scoped3A : memref<!tpu.dma_semaphore, #tpu.memory_space<semaphore_mem>>) src(%dma_wait3A_886 : memref<4x128xi32, #tpu.memory_space<hbm>>) dst(%arg15 : memref<4x128xi32, #tpu.memory_space<vmem>>)
        tpu.yield
      }) : () -> ()
      "tpu.region"() ({
        %run_scoped3A = tpu.sem_alloc : memref<!tpu.dma_semaphore, #tpu.memory_space<semaphore_mem>>
        %dma_start3A_879 = arith.constant 0 : i32
        %dma_start3A_880 = tpu.memref_slice %arg5[%add3A_200, %dma_start3A_879] : memref<2944x128xi32, #tpu.memory_space<hbm>> -> memref<4x128xi32, #tpu.memory_space<hbm>>
        %dma_start3A_881 = arith.constant 0 : i32
        %dma_start3A_882 = tpu.memref_slice %arg5[%add3A_200, %dma_start3A_881] : memref<2944x128xi32, #tpu.memory_space<hbm>> -> memref<4x128xi32, #tpu.memory_space<hbm>>
        tpu.enqueue_dma source(%dma_start3A_882 : memref<4x128xi32, #tpu.memory_space<hbm>>) target(%arg16 : memref<4x128xi32, #tpu.memory_space<vmem>>) target_semaphore(%run_scoped3A : memref<!tpu.dma_semaphore, #tpu.memory_space<semaphore_mem>>)
        %dma_wait3A_883 = arith.constant 0 : i32
        %dma_wait3A_884 = tpu.memref_slice %arg5[%add3A_200, %dma_wait3A_883] : memref<2944x128xi32, #tpu.memory_space<hbm>> -> memref<4x128xi32, #tpu.memory_space<hbm>>
        %dma_wait3A_885 = arith.constant 0 : i32
        %dma_wait3A_886 = tpu.memref_slice %arg5[%add3A_200, %dma_wait3A_885] : memref<2944x128xi32, #tpu.memory_space<hbm>> -> memref<4x128xi32, #tpu.memory_space<hbm>>
        tpu.wait_dma2 semaphore(%run_scoped3A : memref<!tpu.dma_semaphore, #tpu.memory_space<semaphore_mem>>) src(%dma_wait3A_886 : memref<4x128xi32, #tpu.memory_space<hbm>>) dst(%arg16 : memref<4x128xi32, #tpu.memory_space<vmem>>)
        tpu.yield
      }) : () -> ()
      %dma_start3A_201 = arith.constant 0 : i32
      %dma_start3A_202 = arith.constant 0 : i32
      %dma_start3A_203 = arith.constant 0 : i32
      %dma_start3A_204 = arith.constant 0 : i32
      %dma_start3A_205 = tpu.memref_slice %arg17[%dma_start3A_202, %dma_start3A_203, %dma_start3A_204] : memref<512x2x16xf32, #tpu.memory_space<vmem>> -> memref<128x2x16xf32, #tpu.memory_space<vmem>>
      %dma_start3A_206 = arith.constant 0 : i32
      %dma_start3A_207 = tpu.memref_slice %arg15[%dma_start3A_201, %dma_start3A_206] : memref<4x128xi32, #tpu.memory_space<vmem>> -> memref<1x128xi32, #tpu.memory_space<vmem>>
      %dma_start3A_208 = tpu.memref_squeeze %dma_start3A_207 : memref<1x128xi32, #tpu.memory_space<vmem>> -> memref<128xi32, #tpu.memory_space<vmem>>
      %dma_start3A_209 = arith.constant 0 : i32
      %dma_start3A_210 = arith.constant 0 : i32
      %dma_start3A_211 = arith.constant 0 : i32
      %dma_start3A_212 = tpu.memref_slice %arg2[%dma_start3A_209, %dma_start3A_210, %dma_start3A_211] : memref<10016x2x16xf32, #tpu.memory_space<hbm>> -> memref<10016x2x16xf32, #tpu.memory_space<hbm>>
      tpu.enqueue_indirect_dma source(%dma_start3A_212 : memref<10016x2x16xf32, #tpu.memory_space<hbm>>) target(%dma_start3A_205 : memref<128x2x16xf32, #tpu.memory_space<vmem>>) offsets(%dma_start3A_208 : memref<128xi32, #tpu.memory_space<vmem>>) semaphore(%arg24 : memref<!tpu.dma_semaphore, #tpu.memory_space<semaphore_mem>>)
      %dma_start3A_213 = arith.constant 0 : i32
      %dma_start3A_214 = arith.constant 0 : i32
      %dma_start3A_215 = arith.constant 0 : i32
      %dma_start3A_216 = tpu.memref_slice %arg18[%dma_start3A_214, %dma_start3A_215] : memref<512x16xf32, #tpu.memory_space<vmem>> -> memref<128x16xf32, #tpu.memory_space<vmem>>
      %dma_start3A_217 = arith.constant 0 : i32
      %dma_start3A_218 = tpu.memref_slice %arg16[%dma_start3A_213, %dma_start3A_217] : memref<4x128xi32, #tpu.memory_space<vmem>> -> memref<1x128xi32, #tpu.memory_space<vmem>>
      %dma_start3A_219 = tpu.memref_squeeze %dma_start3A_218 : memref<1x128xi32, #tpu.memory_space<vmem>> -> memref<128xi32, #tpu.memory_space<vmem>>
      %dma_start3A_220 = arith.constant 0 : i32
      %dma_start3A_221 = arith.constant 0 : i32
      %dma_start3A_222 = tpu.memref_slice %arg3[%dma_start3A_220, %dma_start3A_221] : memref<10016x16xf32, #tpu.memory_space<hbm>> -> memref<10016x16xf32, #tpu.memory_space<hbm>>
      tpu.enqueue_indirect_dma source(%dma_start3A_222 : memref<10016x16xf32, #tpu.memory_space<hbm>>) target(%dma_start3A_216 : memref<128x16xf32, #tpu.memory_space<vmem>>) offsets(%dma_start3A_219 : memref<128xi32, #tpu.memory_space<vmem>>) semaphore(%arg24 : memref<!tpu.dma_semaphore, #tpu.memory_space<semaphore_mem>>)
      %dma_start3A_223 = arith.constant 1 : i32
      %dma_start3A_224 = arith.constant 128 : i32
      %dma_start3A_225 = arith.constant 0 : i32
      %dma_start3A_226 = arith.constant 0 : i32
      %dma_start3A_227 = tpu.memref_slice %arg17[%dma_start3A_224, %dma_start3A_225, %dma_start3A_226] : memref<512x2x16xf32, #tpu.memory_space<vmem>> -> memref<128x2x16xf32, #tpu.memory_space<vmem>>
      %dma_start3A_228 = arith.constant 0 : i32
      %dma_start3A_229 = tpu.memref_slice %arg15[%dma_start3A_223, %dma_start3A_228] : memref<4x128xi32, #tpu.memory_space<vmem>> -> memref<1x128xi32, #tpu.memory_space<vmem>>
      %dma_start3A_230 = tpu.memref_squeeze %dma_start3A_229 : memref<1x128xi32, #tpu.memory_space<vmem>> -> memref<128xi32, #tpu.memory_space<vmem>>
      %dma_start3A_231 = arith.constant 0 : i32
      %dma_start3A_232 = arith.constant 0 : i32
      %dma_start3A_233 = arith.constant 0 : i32
      %dma_start3A_234 = tpu.memref_slice %arg2[%dma_start3A_231, %dma_start3A_232, %dma_start3A_233] : memref<10016x2x16xf32, #tpu.memory_space<hbm>> -> memref<10016x2x16xf32, #tpu.memory_space<hbm>>
      tpu.enqueue_indirect_dma source(%dma_start3A_234 : memref<10016x2x16xf32, #tpu.memory_space<hbm>>) target(%dma_start3A_227 : memref<128x2x16xf32, #tpu.memory_space<vmem>>) offsets(%dma_start3A_230 : memref<128xi32, #tpu.memory_space<vmem>>) semaphore(%arg24 : memref<!tpu.dma_semaphore, #tpu.memory_space<semaphore_mem>>)
      %dma_start3A_235 = arith.constant 1 : i32
      %dma_start3A_236 = arith.constant 128 : i32
      %dma_start3A_237 = arith.constant 0 : i32
      %dma_start3A_238 = tpu.memref_slice %arg18[%dma_start3A_236, %dma_start3A_237] : memref<512x16xf32, #tpu.memory_space<vmem>> -> memref<128x16xf32, #tpu.memory_space<vmem>>
      %dma_start3A_239 = arith.constant 0 : i32
      %dma_start3A_240 = tpu.memref_slice %arg16[%dma_start3A_235, %dma_start3A_239] : memref<4x128xi32, #tpu.memory_space<vmem>> -> memref<1x128xi32, #tpu.memory_space<vmem>>
      %dma_start3A_241 = tpu.memref_squeeze %dma_start3A_240 : memref<1x128xi32, #tpu.memory_space<vmem>> -> memref<128xi32, #tpu.memory_space<vmem>>
      %dma_start3A_242 = arith.constant 0 : i32
      %dma_start3A_243 = arith.constant 0 : i32
      %dma_start3A_244 = tpu.memref_slice %arg3[%dma_start3A_242, %dma_start3A_243] : memref<10016x16xf32, #tpu.memory_space<hbm>> -> memref<10016x16xf32, #tpu.memory_space<hbm>>
      tpu.enqueue_indirect_dma source(%dma_start3A_244 : memref<10016x16xf32, #tpu.memory_space<hbm>>) target(%dma_start3A_238 : memref<128x16xf32, #tpu.memory_space<vmem>>) offsets(%dma_start3A_241 : memref<128xi32, #tpu.memory_space<vmem>>) semaphore(%arg24 : memref<!tpu.dma_semaphore, #tpu.memory_space<semaphore_mem>>)
      %dma_start3A_245 = arith.constant 2 : i32
      %dma_start3A_246 = arith.constant 256 : i32
      %dma_start3A_247 = arith.constant 0 : i32
      %dma_start3A_248 = arith.constant 0 : i32
      %dma_start3A_249 = tpu.memref_slice %arg17[%dma_start3A_246, %dma_start3A_247, %dma_start3A_248] : memref<512x2x16xf32, #tpu.memory_space<vmem>> -> memref<128x2x16xf32, #tpu.memory_space<vmem>>
      %dma_start3A_250 = arith.constant 0 : i32
      %dma_start3A_251 = tpu.memref_slice %arg15[%dma_start3A_245, %dma_start3A_250] : memref<4x128xi32, #tpu.memory_space<vmem>> -> memref<1x128xi32, #tpu.memory_space<vmem>>
      %dma_start3A_252 = tpu.memref_squeeze %dma_start3A_251 : memref<1x128xi32, #tpu.memory_space<vmem>> -> memref<128xi32, #tpu.memory_space<vmem>>
      %dma_start3A_253 = arith.constant 0 : i32
      %dma_start3A_254 = arith.constant 0 : i32
      %dma_start3A_255 = arith.constant 0 : i32
      %dma_start3A_256 = tpu.memref_slice %arg2[%dma_start3A_253, %dma_start3A_254, %dma_start3A_255] : memref<10016x2x16xf32, #tpu.memory_space<hbm>> -> memref<10016x2x16xf32, #tpu.memory_space<hbm>>
      tpu.enqueue_indirect_dma source(%dma_start3A_256 : memref<10016x2x16xf32, #tpu.memory_space<hbm>>) target(%dma_start3A_249 : memref<128x2x16xf32, #tpu.memory_space<vmem>>) offsets(%dma_start3A_252 : memref<128xi32, #tpu.memory_space<vmem>>) semaphore(%arg24 : memref<!tpu.dma_semaphore, #tpu.memory_space<semaphore_mem>>)
      %dma_start3A_257 = arith.constant 2 : i32
      %dma_start3A_258 = arith.constant 256 : i32
      %dma_start3A_259 = arith.constant 0 : i32
      %dma_start3A_260 = tpu.memref_slice %arg18[%dma_start3A_258, %dma_start3A_259] : memref<512x16xf32, #tpu.memory_space<vmem>> -> memref<128x16xf32, #tpu.memory_space<vmem>>
      %dma_start3A_261 = arith.constant 0 : i32
      %dma_start3A_262 = tpu.memref_slice %arg16[%dma_start3A_257, %dma_start3A_261] : memref<4x128xi32, #tpu.memory_space<vmem>> -> memref<1x128xi32, #tpu.memory_space<vmem>>
      %dma_start3A_263 = tpu.memref_squeeze %dma_start3A_262 : memref<1x128xi32, #tpu.memory_space<vmem>> -> memref<128xi32, #tpu.memory_space<vmem>>
      %dma_start3A_264 = arith.constant 0 : i32
      %dma_start3A_265 = arith.constant 0 : i32
      %dma_start3A_266 = tpu.memref_slice %arg3[%dma_start3A_264, %dma_start3A_265] : memref<10016x16xf32, #tpu.memory_space<hbm>> -> memref<10016x16xf32, #tpu.memory_space<hbm>>
      tpu.enqueue_indirect_dma source(%dma_start3A_266 : memref<10016x16xf32, #tpu.memory_space<hbm>>) target(%dma_start3A_260 : memref<128x16xf32, #tpu.memory_space<vmem>>) offsets(%dma_start3A_263 : memref<128xi32, #tpu.memory_space<vmem>>) semaphore(%arg24 : memref<!tpu.dma_semaphore, #tpu.memory_space<semaphore_mem>>)
      %dma_start3A_267 = arith.constant 3 : i32
      %dma_start3A_268 = arith.constant 384 : i32
      %dma_start3A_269 = arith.constant 0 : i32
      %dma_start3A_270 = arith.constant 0 : i32
      %dma_start3A_271 = tpu.memref_slice %arg17[%dma_start3A_268, %dma_start3A_269, %dma_start3A_270] : memref<512x2x16xf32, #tpu.memory_space<vmem>> -> memref<128x2x16xf32, #tpu.memory_space<vmem>>
      %dma_start3A_272 = arith.constant 0 : i32
      %dma_start3A_273 = tpu.memref_slice %arg15[%dma_start3A_267, %dma_start3A_272] : memref<4x128xi32, #tpu.memory_space<vmem>> -> memref<1x128xi32, #tpu.memory_space<vmem>>
      %dma_start3A_274 = tpu.memref_squeeze %dma_start3A_273 : memref<1x128xi32, #tpu.memory_space<vmem>> -> memref<128xi32, #tpu.memory_space<vmem>>
      %dma_start3A_275 = arith.constant 0 : i32
      %dma_start3A_276 = arith.constant 0 : i32
      %dma_start3A_277 = arith.constant 0 : i32
      %dma_start3A_278 = tpu.memref_slice %arg2[%dma_start3A_275, %dma_start3A_276, %dma_start3A_277] : memref<10016x2x16xf32, #tpu.memory_space<hbm>> -> memref<10016x2x16xf32, #tpu.memory_space<hbm>>
      tpu.enqueue_indirect_dma source(%dma_start3A_278 : memref<10016x2x16xf32, #tpu.memory_space<hbm>>) target(%dma_start3A_271 : memref<128x2x16xf32, #tpu.memory_space<vmem>>) offsets(%dma_start3A_274 : memref<128xi32, #tpu.memory_space<vmem>>) semaphore(%arg24 : memref<!tpu.dma_semaphore, #tpu.memory_space<semaphore_mem>>)
      %dma_start3A_279 = arith.constant 3 : i32
      %dma_start3A_280 = arith.constant 384 : i32
      %dma_start3A_281 = arith.constant 0 : i32
      %dma_start3A_282 = tpu.memref_slice %arg18[%dma_start3A_280, %dma_start3A_281] : memref<512x16xf32, #tpu.memory_space<vmem>> -> memref<128x16xf32, #tpu.memory_space<vmem>>
      %dma_start3A_283 = arith.constant 0 : i32
      %dma_start3A_284 = tpu.memref_slice %arg16[%dma_start3A_279, %dma_start3A_283] : memref<4x128xi32, #tpu.memory_space<vmem>> -> memref<1x128xi32, #tpu.memory_space<vmem>>
      %dma_start3A_285 = tpu.memref_squeeze %dma_start3A_284 : memref<1x128xi32, #tpu.memory_space<vmem>> -> memref<128xi32, #tpu.memory_space<vmem>>
      %dma_start3A_286 = arith.constant 0 : i32
      %dma_start3A_287 = arith.constant 0 : i32
      %dma_start3A_288 = tpu.memref_slice %arg3[%dma_start3A_286, %dma_start3A_287] : memref<10016x16xf32, #tpu.memory_space<hbm>> -> memref<10016x16xf32, #tpu.memory_space<hbm>>
      tpu.enqueue_indirect_dma source(%dma_start3A_288 : memref<10016x16xf32, #tpu.memory_space<hbm>>) target(%dma_start3A_282 : memref<128x16xf32, #tpu.memory_space<vmem>>) offsets(%dma_start3A_285 : memref<128xi32, #tpu.memory_space<vmem>>) semaphore(%arg24 : memref<!tpu.dma_semaphore, #tpu.memory_space<semaphore_mem>>)
      %dma_wait3A_289 = arith.constant 0 : i32
      %dma_wait3A_290 = arith.constant 0 : i32
      %dma_wait3A_291 = arith.constant 0 : i32
      %dma_wait3A_292 = tpu.memref_slice %arg11[%dma_wait3A_289, %dma_wait3A_290, %dma_wait3A_291] : memref<512x2x16xf32, #tpu.memory_space<vmem>> -> memref<128x2x16xf32, #tpu.memory_space<vmem>>
      %dma_wait3A_293 = arith.constant 0 : i32
      %dma_wait3A_294 = tpu.memref_slice %arg9[%scan3A_92, %dma_wait3A_293] : memref<4x128xi32, #tpu.memory_space<vmem>> -> memref<1x128xi32, #tpu.memory_space<vmem>>
      %dma_wait3A_295 = tpu.memref_squeeze %dma_wait3A_294 : memref<1x128xi32, #tpu.memory_space<vmem>> -> memref<128xi32, #tpu.memory_space<vmem>>
      %dma_wait3A_296 = arith.constant 0 : i32
      %dma_wait3A_297 = arith.constant 0 : i32
      %dma_wait3A_298 = arith.constant 0 : i32
      %dma_wait3A_299 = tpu.memref_slice %arg2[%dma_wait3A_296, %dma_wait3A_297, %dma_wait3A_298] : memref<10016x2x16xf32, #tpu.memory_space<hbm>> -> memref<10016x2x16xf32, #tpu.memory_space<hbm>>
      tpu.wait_indirect_dma semaphore(%arg23 : memref<!tpu.dma_semaphore, #tpu.memory_space<semaphore_mem>>) src(%dma_wait3A_299 : memref<10016x2x16xf32, #tpu.memory_space<hbm>>) dst(%dma_wait3A_292 : memref<128x2x16xf32, #tpu.memory_space<vmem>>)
      %dma_wait3A_300 = arith.constant 0 : i32
      %dma_wait3A_301 = arith.constant 0 : i32
      %dma_wait3A_302 = tpu.memref_slice %arg12[%dma_wait3A_300, %dma_wait3A_301] : memref<512x16xf32, #tpu.memory_space<vmem>> -> memref<128x16xf32, #tpu.memory_space<vmem>>
      %dma_wait3A_303 = arith.constant 0 : i32
      %dma_wait3A_304 = tpu.memref_slice %arg10[%scan3A_93, %dma_wait3A_303] : memref<4x128xi32, #tpu.memory_space<vmem>> -> memref<1x128xi32, #tpu.memory_space<vmem>>
      %dma_wait3A_305 = tpu.memref_squeeze %dma_wait3A_304 : memref<1x128xi32, #tpu.memory_space<vmem>> -> memref<128xi32, #tpu.memory_space<vmem>>
      %dma_wait3A_306 = arith.constant 0 : i32
      %dma_wait3A_307 = arith.constant 0 : i32
      %dma_wait3A_308 = tpu.memref_slice %arg3[%dma_wait3A_306, %dma_wait3A_307] : memref<10016x16xf32, #tpu.memory_space<hbm>> -> memref<10016x16xf32, #tpu.memory_space<hbm>>
      tpu.wait_indirect_dma semaphore(%arg23 : memref<!tpu.dma_semaphore, #tpu.memory_space<semaphore_mem>>) src(%dma_wait3A_308 : memref<10016x16xf32, #tpu.memory_space<hbm>>) dst(%dma_wait3A_302 : memref<128x16xf32, #tpu.memory_space<vmem>>)
      %dma_wait3A_309 = arith.constant 128 : i32
      %dma_wait3A_310 = arith.constant 0 : i32
      %dma_wait3A_311 = arith.constant 0 : i32
      %dma_wait3A_312 = tpu.memref_slice %arg11[%dma_wait3A_309, %dma_wait3A_310, %dma_wait3A_311] : memref<512x2x16xf32, #tpu.memory_space<vmem>> -> memref<128x2x16xf32, #tpu.memory_space<vmem>>
      %dma_wait3A_313 = arith.constant 0 : i32
      %dma_wait3A_314 = tpu.memref_slice %arg9[%scan3A_94, %dma_wait3A_313] : memref<4x128xi32, #tpu.memory_space<vmem>> -> memref<1x128xi32, #tpu.memory_space<vmem>>
      %dma_wait3A_315 = tpu.memref_squeeze %dma_wait3A_314 : memref<1x128xi32, #tpu.memory_space<vmem>> -> memref<128xi32, #tpu.memory_space<vmem>>
      %dma_wait3A_316 = arith.constant 0 : i32
      %dma_wait3A_317 = arith.constant 0 : i32
      %dma_wait3A_318 = arith.constant 0 : i32
      %dma_wait3A_319 = tpu.memref_slice %arg2[%dma_wait3A_316, %dma_wait3A_317, %dma_wait3A_318] : memref<10016x2x16xf32, #tpu.memory_space<hbm>> -> memref<10016x2x16xf32, #tpu.memory_space<hbm>>
      tpu.wait_indirect_dma semaphore(%arg23 : memref<!tpu.dma_semaphore, #tpu.memory_space<semaphore_mem>>) src(%dma_wait3A_319 : memref<10016x2x16xf32, #tpu.memory_space<hbm>>) dst(%dma_wait3A_312 : memref<128x2x16xf32, #tpu.memory_space<vmem>>)
      %dma_wait3A_320 = arith.constant 128 : i32
      %dma_wait3A_321 = arith.constant 0 : i32
      %dma_wait3A_322 = tpu.memref_slice %arg12[%dma_wait3A_320, %dma_wait3A_321] : memref<512x16xf32, #tpu.memory_space<vmem>> -> memref<128x16xf32, #tpu.memory_space<vmem>>
      %dma_wait3A_323 = arith.constant 0 : i32
      %dma_wait3A_324 = tpu.memref_slice %arg10[%scan3A_95, %dma_wait3A_323] : memref<4x128xi32, #tpu.memory_space<vmem>> -> memref<1x128xi32, #tpu.memory_space<vmem>>
      %dma_wait3A_325 = tpu.memref_squeeze %dma_wait3A_324 : memref<1x128xi32, #tpu.memory_space<vmem>> -> memref<128xi32, #tpu.memory_space<vmem>>
      %dma_wait3A_326 = arith.constant 0 : i32
      %dma_wait3A_327 = arith.constant 0 : i32
      %dma_wait3A_328 = tpu.memref_slice %arg3[%dma_wait3A_326, %dma_wait3A_327] : memref<10016x16xf32, #tpu.memory_space<hbm>> -> memref<10016x16xf32, #tpu.memory_space<hbm>>
      tpu.wait_indirect_dma semaphore(%arg23 : memref<!tpu.dma_semaphore, #tpu.memory_space<semaphore_mem>>) src(%dma_wait3A_328 : memref<10016x16xf32, #tpu.memory_space<hbm>>) dst(%dma_wait3A_322 : memref<128x16xf32, #tpu.memory_space<vmem>>)
      %dma_wait3A_329 = arith.constant 256 : i32
      %dma_wait3A_330 = arith.constant 0 : i32
      %dma_wait3A_331 = arith.constant 0 : i32
      %dma_wait3A_332 = tpu.memref_slice %arg11[%dma_wait3A_329, %dma_wait3A_330, %dma_wait3A_331] : memref<512x2x16xf32, #tpu.memory_space<vmem>> -> memref<128x2x16xf32, #tpu.memory_space<vmem>>
      %dma_wait3A_333 = arith.constant 0 : i32
      %dma_wait3A_334 = tpu.memref_slice %arg9[%scan3A_96, %dma_wait3A_333] : memref<4x128xi32, #tpu.memory_space<vmem>> -> memref<1x128xi32, #tpu.memory_space<vmem>>
      %dma_wait3A_335 = tpu.memref_squeeze %dma_wait3A_334 : memref<1x128xi32, #tpu.memory_space<vmem>> -> memref<128xi32, #tpu.memory_space<vmem>>
      %dma_wait3A_336 = arith.constant 0 : i32
      %dma_wait3A_337 = arith.constant 0 : i32
      %dma_wait3A_338 = arith.constant 0 : i32
      %dma_wait3A_339 = tpu.memref_slice %arg2[%dma_wait3A_336, %dma_wait3A_337, %dma_wait3A_338] : memref<10016x2x16xf32, #tpu.memory_space<hbm>> -> memref<10016x2x16xf32, #tpu.memory_space<hbm>>
      tpu.wait_indirect_dma semaphore(%arg23 : memref<!tpu.dma_semaphore, #tpu.memory_space<semaphore_mem>>) src(%dma_wait3A_339 : memref<10016x2x16xf32, #tpu.memory_space<hbm>>) dst(%dma_wait3A_332 : memref<128x2x16xf32, #tpu.memory_space<vmem>>)
      %dma_wait3A_340 = arith.constant 256 : i32
      %dma_wait3A_341 = arith.constant 0 : i32
      %dma_wait3A_342 = tpu.memref_slice %arg12[%dma_wait3A_340, %dma_wait3A_341] : memref<512x16xf32, #tpu.memory_space<vmem>> -> memref<128x16xf32, #tpu.memory_space<vmem>>
      %dma_wait3A_343 = arith.constant 0 : i32
      %dma_wait3A_344 = tpu.memref_slice %arg10[%scan3A_97, %dma_wait3A_343] : memref<4x128xi32, #tpu.memory_space<vmem>> -> memref<1x128xi32, #tpu.memory_space<vmem>>
      %dma_wait3A_345 = tpu.memref_squeeze %dma_wait3A_344 : memref<1x128xi32, #tpu.memory_space<vmem>> -> memref<128xi32, #tpu.memory_space<vmem>>
      %dma_wait3A_346 = arith.constant 0 : i32
      %dma_wait3A_347 = arith.constant 0 : i32
      %dma_wait3A_348 = tpu.memref_slice %arg3[%dma_wait3A_346, %dma_wait3A_347] : memref<10016x16xf32, #tpu.memory_space<hbm>> -> memref<10016x16xf32, #tpu.memory_space<hbm>>
      tpu.wait_indirect_dma semaphore(%arg23 : memref<!tpu.dma_semaphore, #tpu.memory_space<semaphore_mem>>) src(%dma_wait3A_348 : memref<10016x16xf32, #tpu.memory_space<hbm>>) dst(%dma_wait3A_342 : memref<128x16xf32, #tpu.memory_space<vmem>>)
      %dma_wait3A_349 = arith.constant 384 : i32
      %dma_wait3A_350 = arith.constant 0 : i32
      %dma_wait3A_351 = arith.constant 0 : i32
      %dma_wait3A_352 = tpu.memref_slice %arg11[%dma_wait3A_349, %dma_wait3A_350, %dma_wait3A_351] : memref<512x2x16xf32, #tpu.memory_space<vmem>> -> memref<128x2x16xf32, #tpu.memory_space<vmem>>
      %dma_wait3A_353 = arith.constant 0 : i32
      %dma_wait3A_354 = tpu.memref_slice %arg9[%scan3A_98, %dma_wait3A_353] : memref<4x128xi32, #tpu.memory_space<vmem>> -> memref<1x128xi32, #tpu.memory_space<vmem>>
      %dma_wait3A_355 = tpu.memref_squeeze %dma_wait3A_354 : memref<1x128xi32, #tpu.memory_space<vmem>> -> memref<128xi32, #tpu.memory_space<vmem>>
      %dma_wait3A_356 = arith.constant 0 : i32
      %dma_wait3A_357 = arith.constant 0 : i32
      %dma_wait3A_358 = arith.constant 0 : i32
      %dma_wait3A_359 = tpu.memref_slice %arg2[%dma_wait3A_356, %dma_wait3A_357, %dma_wait3A_358] : memref<10016x2x16xf32, #tpu.memory_space<hbm>> -> memref<10016x2x16xf32, #tpu.memory_space<hbm>>
      tpu.wait_indirect_dma semaphore(%arg23 : memref<!tpu.dma_semaphore, #tpu.memory_space<semaphore_mem>>) src(%dma_wait3A_359 : memref<10016x2x16xf32, #tpu.memory_space<hbm>>) dst(%dma_wait3A_352 : memref<128x2x16xf32, #tpu.memory_space<vmem>>)
      %dma_wait3A_360 = arith.constant 384 : i32
      %dma_wait3A_361 = arith.constant 0 : i32
      %dma_wait3A_362 = tpu.memref_slice %arg12[%dma_wait3A_360, %dma_wait3A_361] : memref<512x16xf32, #tpu.memory_space<vmem>> -> memref<128x16xf32, #tpu.memory_space<vmem>>
      %dma_wait3A_363 = arith.constant 0 : i32
      %dma_wait3A_364 = tpu.memref_slice %arg10[%scan3A_99, %dma_wait3A_363] : memref<4x128xi32, #tpu.memory_space<vmem>> -> memref<1x128xi32, #tpu.memory_space<vmem>>
      %dma_wait3A_365 = tpu.memref_squeeze %dma_wait3A_364 : memref<1x128xi32, #tpu.memory_space<vmem>> -> memref<128xi32, #tpu.memory_space<vmem>>
      %dma_wait3A_366 = arith.constant 0 : i32
      %dma_wait3A_367 = arith.constant 0 : i32
      %dma_wait3A_368 = tpu.memref_slice %arg3[%dma_wait3A_366, %dma_wait3A_367] : memref<10016x16xf32, #tpu.memory_space<hbm>> -> memref<10016x16xf32, #tpu.memory_space<hbm>>
      tpu.wait_indirect_dma semaphore(%arg23 : memref<!tpu.dma_semaphore, #tpu.memory_space<semaphore_mem>>) src(%dma_wait3A_368 : memref<10016x16xf32, #tpu.memory_space<hbm>>) dst(%dma_wait3A_362 : memref<128x16xf32, #tpu.memory_space<vmem>>)
      %scan3A_369 = arith.constant 0 : i32
      %scan3A_370 = arith.constant 0 : i32
      %scan3A_371 = arith.constant 512 : i32
      %scan3A_372 = arith.addi %scan3A_370, %scan3A_371 : i32
      %scan3A_373 = arith.constant 1 : i32
      scf.for %scan3A_879 = %scan3A_370 to %scan3A_372 step %scan3A_373  : i32 {
        %get3A = arith.constant 0 : i32
        %get3A_880 = arith.index_cast %scan3A_879 : i32 to index
        %get3A_881 = arith.index_cast %get3A : i32 to index
        %get3A_882 = arith.constant 0 : index
        %get3A_883 = tpu.vector_load %arg11[%get3A_880, %get3A_881, %get3A_882] {strides = array<i32>} : memref<512x2x16xf32, #tpu.memory_space<vmem>>, vector<1x1x16xf32>,
        %get3A_884 = vector.shape_cast %get3A_883 : vector<1x1x16xf32> to vector<16xf32>
        %get3A_885 = arith.constant 1 : i32
        %get3A_886 = arith.index_cast %scan3A_879 : i32 to index
        %get3A_887 = arith.index_cast %get3A_885 : i32 to index
        %get3A_888 = arith.constant 0 : index
        %get3A_889 = tpu.vector_load %arg11[%get3A_886, %get3A_887, %get3A_888] {strides = array<i32>} : memref<512x2x16xf32, #tpu.memory_space<vmem>>, vector<1x1x16xf32>,
        %get3A_890 = vector.shape_cast %get3A_889 : vector<1x1x16xf32> to vector<16xf32>
        %get3A_891 = arith.index_cast %scan3A_879 : i32 to index
        %get3A_892 = arith.constant 0 : index
        %get3A_893 = tpu.vector_load %arg12[%get3A_891, %get3A_892] {strides = array<i32>} : memref<512x16xf32, #tpu.memory_space<vmem>>, vector<1x16xf32>,
        %get3A_894 = vector.shape_cast %get3A_893 : vector<1x16xf32> to vector<16xf32>
        %mul3A_895 = arith.mulf %get3A_884, %get3A_894 : vector<16xf32>
        %iota3A = tpu.iota {dimensions = array<i32: 0>} : vector<16xi32>
        %xor3A = arith.constant 1 : i32
        %xor3A_896 = vector.broadcast %xor3A : i32 to vector<16xi32>
        %xor3A_897 = arith.xori %iota3A, %xor3A_896 : vector<16xi32>
        %lt3A = arith.constant 0 : i32
        %lt3A_898 = vector.broadcast %lt3A : i32 to vector<16xi32>
        %lt3A_899 = arith.cmpi slt, %xor3A_897, %lt3A_898 : vector<16xi32>
        %add3A_900 = arith.constant 16 : i32
        %add3A_901 = vector.broadcast %add3A_900 : i32 to vector<16xi32>
        %add3A_902 = arith.addi %xor3A_897, %add3A_901 : vector<16xi32>
        %select_n3A = arith.select %lt3A_899, %add3A_902, %xor3A_897 : vector<16xi1>, vector<16xi32>
        %broadcast_in_dim3A = vector.shape_cast %select_n3A : vector<16xi32> to vector<16x1xi32>
        %gather3A = vector.shape_cast %broadcast_in_dim3A : vector<16x1xi32> to vector<16xi32>
        %gather3A_903 = tpu.dynamic_gather %mul3A_895[%gather3A] in [0] : vector<16xf32>, vector<16xi32> -> vector<16xf32>
        %add3A_904 = arith.addf %mul3A_895, %gather3A_903 : vector<16xf32>
        %xor3A_905 = arith.constant 2 : i32
        %xor3A_906 = vector.broadcast %xor3A_905 : i32 to vector<16xi32>
        %xor3A_907 = arith.xori %iota3A, %xor3A_906 : vector<16xi32>
        %lt3A_908 = arith.constant 0 : i32
        %lt3A_909 = vector.broadcast %lt3A_908 : i32 to vector<16xi32>
        %lt3A_910 = arith.cmpi slt, %xor3A_907, %lt3A_909 : vector<16xi32>
        %add3A_911 = arith.constant 16 : i32
        %add3A_912 = vector.broadcast %add3A_911 : i32 to vector<16xi32>
        %add3A_913 = arith.addi %xor3A_907, %add3A_912 : vector<16xi32>
        %select_n3A_914 = arith.select %lt3A_910, %add3A_913, %xor3A_907 : vector<16xi1>, vector<16xi32>
        %broadcast_in_dim3A_915 = vector.shape_cast %select_n3A_914 : vector<16xi32> to vector<16x1xi32>
        %gather3A_916 = vector.shape_cast %broadcast_in_dim3A_915 : vector<16x1xi32> to vector<16xi32>
        %gather3A_917 = tpu.dynamic_gather %add3A_904[%gather3A_916] in [0] : vector<16xf32>, vector<16xi32> -> vector<16xf32>
        %add3A_918 = arith.addf %add3A_904, %gather3A_917 : vector<16xf32>
        %xor3A_919 = arith.constant 4 : i32
        %xor3A_920 = vector.broadcast %xor3A_919 : i32 to vector<16xi32>
        %xor3A_921 = arith.xori %iota3A, %xor3A_920 : vector<16xi32>
        %lt3A_922 = arith.constant 0 : i32
        %lt3A_923 = vector.broadcast %lt3A_922 : i32 to vector<16xi32>
        %lt3A_924 = arith.cmpi slt, %xor3A_921, %lt3A_923 : vector<16xi32>
        %add3A_925 = arith.constant 16 : i32
        %add3A_926 = vector.broadcast %add3A_925 : i32 to vector<16xi32>
        %add3A_927 = arith.addi %xor3A_921, %add3A_926 : vector<16xi32>
        %select_n3A_928 = arith.select %lt3A_924, %add3A_927, %xor3A_921 : vector<16xi1>, vector<16xi32>
        %broadcast_in_dim3A_929 = vector.shape_cast %select_n3A_928 : vector<16xi32> to vector<16x1xi32>
        %gather3A_930 = vector.shape_cast %broadcast_in_dim3A_929 : vector<16x1xi32> to vector<16xi32>
        %gather3A_931 = tpu.dynamic_gather %add3A_918[%gather3A_930] in [0] : vector<16xf32>, vector<16xi32> -> vector<16xf32>
        %add3A_932 = arith.addf %add3A_918, %gather3A_931 : vector<16xf32>
        %xor3A_933 = arith.constant 8 : i32
        %xor3A_934 = vector.broadcast %xor3A_933 : i32 to vector<16xi32>
        %xor3A_935 = arith.xori %iota3A, %xor3A_934 : vector<16xi32>
        %lt3A_936 = arith.constant 0 : i32
        %lt3A_937 = vector.broadcast %lt3A_936 : i32 to vector<16xi32>
        %lt3A_938 = arith.cmpi slt, %xor3A_935, %lt3A_937 : vector<16xi32>
        %add3A_939 = arith.constant 16 : i32
        %add3A_940 = vector.broadcast %add3A_939 : i32 to vector<16xi32>
        %add3A_941 = arith.addi %xor3A_935, %add3A_940 : vector<16xi32>
        %select_n3A_942 = arith.select %lt3A_938, %add3A_941, %xor3A_935 : vector<16xi1>, vector<16xi32>
        %broadcast_in_dim3A_943 = vector.shape_cast %select_n3A_942 : vector<16xi32> to vector<16x1xi32>
        %gather3A_944 = vector.shape_cast %broadcast_in_dim3A_943 : vector<16x1xi32> to vector<16xi32>
        %gather3A_945 = tpu.dynamic_gather %add3A_932[%gather3A_944] in [0] : vector<16xf32>, vector<16xi32> -> vector<16xf32>
        %add3A_946 = arith.addf %add3A_932, %gather3A_945 : vector<16xf32>
        %exp3A = math.exp %add3A_946 : vector<16xf32>
        %mul3A_947 = arith.mulf %exp3A, %get3A_890 : vector<16xf32>
        %swap3A = arith.index_cast %scan3A_879 : i32 to index
        %swap3A_948 = arith.constant 0 : index
        %swap3A_949 = tpu.vector_load %arg13[%swap3A, %swap3A_948] {strides = array<i32>} : memref<512x16xf32, #tpu.memory_space<vmem>>, vector<1x16xf32>,
        %swap3A_950 = vector.shape_cast %swap3A_949 : vector<1x16xf32> to vector<16xf32>
        %swap3A_951 = vector.shape_cast %mul3A_947 : vector<16xf32> to vector<1x16xf32>
        tpu.vector_store %arg13[%swap3A, %swap3A_948], %swap3A_951 {strides = array<i32>} : memref<512x16xf32, #tpu.memory_space<vmem>>, vector<1x16xf32>,
        %swap3A_952 = arith.index_cast %scan3A_879 : i32 to index
        %swap3A_953 = arith.constant 0 : index
        %swap3A_954 = tpu.vector_load %arg14[%swap3A_952, %swap3A_953] {strides = array<i32>} : memref<512x16xf32, #tpu.memory_space<vmem>>, vector<1x16xf32>,
        %swap3A_955 = vector.shape_cast %swap3A_954 : vector<1x16xf32> to vector<16xf32>
        %swap3A_956 = vector.shape_cast %exp3A : vector<16xf32> to vector<1x16xf32>
        tpu.vector_store %arg14[%swap3A_952, %swap3A_953], %swap3A_956 {strides = array<i32>} : memref<512x16xf32, #tpu.memory_space<vmem>>, vector<1x16xf32>,
      }
      %scan3A_374 = arith.constant 512 : i32
      %dma_start3A_375 = arith.constant 0 : i32
      %dma_start3A_376 = arith.constant 0 : i32
      %dma_start3A_377 = arith.constant 0 : i32
      %dma_start3A_378 = tpu.memref_slice %arg13[%dma_start3A_376, %dma_start3A_377] : memref<512x16xf32, #tpu.memory_space<vmem>> -> memref<128x16xf32, #tpu.memory_space<vmem>>
      %dma_start3A_379 = arith.constant 0 : i32
      %dma_start3A_380 = tpu.memref_slice %arg10[%dma_start3A_375, %dma_start3A_379] : memref<4x128xi32, #tpu.memory_space<vmem>> -> memref<1x128xi32, #tpu.memory_space<vmem>>
      %dma_start3A_381 = tpu.memref_squeeze %dma_start3A_380 : memref<1x128xi32, #tpu.memory_space<vmem>> -> memref<128xi32, #tpu.memory_space<vmem>>
      %dma_start3A_382 = arith.constant 0 : i32
      %dma_start3A_383 = arith.constant 0 : i32
      %dma_start3A_384 = tpu.memref_slice %arg21[%dma_start3A_382, %dma_start3A_383] : memref<10016x16xf32, #tpu.memory_space<vmem_shared>> -> memref<10016x16xf32, #tpu.memory_space<vmem_shared>>
      tpu.enqueue_indirect_dma source(%dma_start3A_378 : memref<128x16xf32, #tpu.memory_space<vmem>>) target(%dma_start3A_384 : memref<10016x16xf32, #tpu.memory_space<vmem_shared>>) offsets(%dma_start3A_381 : memref<128xi32, #tpu.memory_space<vmem>>) semaphore(%arg25 : memref<!tpu.dma_semaphore, #tpu.memory_space<semaphore_mem>>) {add = true}
      %dma_start3A_385 = arith.constant 0 : i32
      %dma_start3A_386 = arith.constant 0 : i32
      %dma_start3A_387 = arith.constant 0 : i32
      %dma_start3A_388 = tpu.memref_slice %arg14[%dma_start3A_386, %dma_start3A_387] : memref<512x16xf32, #tpu.memory_space<vmem>> -> memref<128x16xf32, #tpu.memory_space<vmem>>
      %dma_start3A_389 = arith.constant 0 : i32
      %dma_start3A_390 = tpu.memref_slice %arg10[%dma_start3A_385, %dma_start3A_389] : memref<4x128xi32, #tpu.memory_space<vmem>> -> memref<1x128xi32, #tpu.memory_space<vmem>>
      %dma_start3A_391 = tpu.memref_squeeze %dma_start3A_390 : memref<1x128xi32, #tpu.memory_space<vmem>> -> memref<128xi32, #tpu.memory_space<vmem>>
      %dma_start3A_392 = arith.constant 0 : i32
      %dma_start3A_393 = arith.constant 0 : i32
      %dma_start3A_394 = tpu.memref_slice %arg22[%dma_start3A_392, %dma_start3A_393] : memref<10016x16xf32, #tpu.memory_space<vmem_shared>> -> memref<10016x16xf32, #tpu.memory_space<vmem_shared>>
      tpu.enqueue_indirect_dma source(%dma_start3A_388 : memref<128x16xf32, #tpu.memory_space<vmem>>) target(%dma_start3A_394 : memref<10016x16xf32, #tpu.memory_space<vmem_shared>>) offsets(%dma_start3A_391 : memref<128xi32, #tpu.memory_space<vmem>>) semaphore(%arg25 : memref<!tpu.dma_semaphore, #tpu.memory_space<semaphore_mem>>) {add = true}
      %dma_start3A_395 = arith.constant 1 : i32
      %dma_start3A_396 = arith.constant 128 : i32
      %dma_start3A_397 = arith.constant 0 : i32
      %dma_start3A_398 = tpu.memref_slice %arg13[%dma_start3A_396, %dma_start3A_397] : memref<512x16xf32, #tpu.memory_space<vmem>> -> memref<128x16xf32, #tpu.memory_space<vmem>>
      %dma_start3A_399 = arith.constant 0 : i32
      %dma_start3A_400 = tpu.memref_slice %arg10[%dma_start3A_395, %dma_start3A_399] : memref<4x128xi32, #tpu.memory_space<vmem>> -> memref<1x128xi32, #tpu.memory_space<vmem>>
      %dma_start3A_401 = tpu.memref_squeeze %dma_start3A_400 : memref<1x128xi32, #tpu.memory_space<vmem>> -> memref<128xi32, #tpu.memory_space<vmem>>
      %dma_start3A_402 = arith.constant 0 : i32
      %dma_start3A_403 = arith.constant 0 : i32
      %dma_start3A_404 = tpu.memref_slice %arg21[%dma_start3A_402, %dma_start3A_403] : memref<10016x16xf32, #tpu.memory_space<vmem_shared>> -> memref<10016x16xf32, #tpu.memory_space<vmem_shared>>
      tpu.enqueue_indirect_dma source(%dma_start3A_398 : memref<128x16xf32, #tpu.memory_space<vmem>>) target(%dma_start3A_404 : memref<10016x16xf32, #tpu.memory_space<vmem_shared>>) offsets(%dma_start3A_401 : memref<128xi32, #tpu.memory_space<vmem>>) semaphore(%arg25 : memref<!tpu.dma_semaphore, #tpu.memory_space<semaphore_mem>>) {add = true}
      %dma_start3A_405 = arith.constant 1 : i32
      %dma_start3A_406 = arith.constant 128 : i32
      %dma_start3A_407 = arith.constant 0 : i32
      %dma_start3A_408 = tpu.memref_slice %arg14[%dma_start3A_406, %dma_start3A_407] : memref<512x16xf32, #tpu.memory_space<vmem>> -> memref<128x16xf32, #tpu.memory_space<vmem>>
      %dma_start3A_409 = arith.constant 0 : i32
      %dma_start3A_410 = tpu.memref_slice %arg10[%dma_start3A_405, %dma_start3A_409] : memref<4x128xi32, #tpu.memory_space<vmem>> -> memref<1x128xi32, #tpu.memory_space<vmem>>
      %dma_start3A_411 = tpu.memref_squeeze %dma_start3A_410 : memref<1x128xi32, #tpu.memory_space<vmem>> -> memref<128xi32, #tpu.memory_space<vmem>>
      %dma_start3A_412 = arith.constant 0 : i32
      %dma_start3A_413 = arith.constant 0 : i32
      %dma_start3A_414 = tpu.memref_slice %arg22[%dma_start3A_412, %dma_start3A_413] : memref<10016x16xf32, #tpu.memory_space<vmem_shared>> -> memref<10016x16xf32, #tpu.memory_space<vmem_shared>>
      tpu.enqueue_indirect_dma source(%dma_start3A_408 : memref<128x16xf32, #tpu.memory_space<vmem>>) target(%dma_start3A_414 : memref<10016x16xf32, #tpu.memory_space<vmem_shared>>) offsets(%dma_start3A_411 : memref<128xi32, #tpu.memory_space<vmem>>) semaphore(%arg25 : memref<!tpu.dma_semaphore, #tpu.memory_space<semaphore_mem>>) {add = true}
      %dma_start3A_415 = arith.constant 2 : i32
      %dma_start3A_416 = arith.constant 256 : i32
      %dma_start3A_417 = arith.constant 0 : i32
      %dma_start3A_418 = tpu.memref_slice %arg13[%dma_start3A_416, %dma_start3A_417] : memref<512x16xf32, #tpu.memory_space<vmem>> -> memref<128x16xf32, #tpu.memory_space<vmem>>
      %dma_start3A_419 = arith.constant 0 : i32
      %dma_start3A_420 = tpu.memref_slice %arg10[%dma_start3A_415, %dma_start3A_419] : memref<4x128xi32, #tpu.memory_space<vmem>> -> memref<1x128xi32, #tpu.memory_space<vmem>>
      %dma_start3A_421 = tpu.memref_squeeze %dma_start3A_420 : memref<1x128xi32, #tpu.memory_space<vmem>> -> memref<128xi32, #tpu.memory_space<vmem>>
      %dma_start3A_422 = arith.constant 0 : i32
      %dma_start3A_423 = arith.constant 0 : i32
      %dma_start3A_424 = tpu.memref_slice %arg21[%dma_start3A_422, %dma_start3A_423] : memref<10016x16xf32, #tpu.memory_space<vmem_shared>> -> memref<10016x16xf32, #tpu.memory_space<vmem_shared>>
      tpu.enqueue_indirect_dma source(%dma_start3A_418 : memref<128x16xf32, #tpu.memory_space<vmem>>) target(%dma_start3A_424 : memref<10016x16xf32, #tpu.memory_space<vmem_shared>>) offsets(%dma_start3A_421 : memref<128xi32, #tpu.memory_space<vmem>>) semaphore(%arg25 : memref<!tpu.dma_semaphore, #tpu.memory_space<semaphore_mem>>) {add = true}
      %dma_start3A_425 = arith.constant 2 : i32
      %dma_start3A_426 = arith.constant 256 : i32
      %dma_start3A_427 = arith.constant 0 : i32
      %dma_start3A_428 = tpu.memref_slice %arg14[%dma_start3A_426, %dma_start3A_427] : memref<512x16xf32, #tpu.memory_space<vmem>> -> memref<128x16xf32, #tpu.memory_space<vmem>>
      %dma_start3A_429 = arith.constant 0 : i32
      %dma_start3A_430 = tpu.memref_slice %arg10[%dma_start3A_425, %dma_start3A_429] : memref<4x128xi32, #tpu.memory_space<vmem>> -> memref<1x128xi32, #tpu.memory_space<vmem>>
      %dma_start3A_431 = tpu.memref_squeeze %dma_start3A_430 : memref<1x128xi32, #tpu.memory_space<vmem>> -> memref<128xi32, #tpu.memory_space<vmem>>
      %dma_start3A_432 = arith.constant 0 : i32
      %dma_start3A_433 = arith.constant 0 : i32
      %dma_start3A_434 = tpu.memref_slice %arg22[%dma_start3A_432, %dma_start3A_433] : memref<10016x16xf32, #tpu.memory_space<vmem_shared>> -> memref<10016x16xf32, #tpu.memory_space<vmem_shared>>
      tpu.enqueue_indirect_dma source(%dma_start3A_428 : memref<128x16xf32, #tpu.memory_space<vmem>>) target(%dma_start3A_434 : memref<10016x16xf32, #tpu.memory_space<vmem_shared>>) offsets(%dma_start3A_431 : memref<128xi32, #tpu.memory_space<vmem>>) semaphore(%arg25 : memref<!tpu.dma_semaphore, #tpu.memory_space<semaphore_mem>>) {add = true}
      %dma_start3A_435 = arith.constant 3 : i32
      %dma_start3A_436 = arith.constant 384 : i32
      %dma_start3A_437 = arith.constant 0 : i32
      %dma_start3A_438 = tpu.memref_slice %arg13[%dma_start3A_436, %dma_start3A_437] : memref<512x16xf32, #tpu.memory_space<vmem>> -> memref<128x16xf32, #tpu.memory_space<vmem>>
      %dma_start3A_439 = arith.constant 0 : i32
      %dma_start3A_440 = tpu.memref_slice %arg10[%dma_start3A_435, %dma_start3A_439] : memref<4x128xi32, #tpu.memory_space<vmem>> -> memref<1x128xi32, #tpu.memory_space<vmem>>
      %dma_start3A_441 = tpu.memref_squeeze %dma_start3A_440 : memref<1x128xi32, #tpu.memory_space<vmem>> -> memref<128xi32, #tpu.memory_space<vmem>>
      %dma_start3A_442 = arith.constant 0 : i32
      %dma_start3A_443 = arith.constant 0 : i32
      %dma_start3A_444 = tpu.memref_slice %arg21[%dma_start3A_442, %dma_start3A_443] : memref<10016x16xf32, #tpu.memory_space<vmem_shared>> -> memref<10016x16xf32, #tpu.memory_space<vmem_shared>>
      tpu.enqueue_indirect_dma source(%dma_start3A_438 : memref<128x16xf32, #tpu.memory_space<vmem>>) target(%dma_start3A_444 : memref<10016x16xf32, #tpu.memory_space<vmem_shared>>) offsets(%dma_start3A_441 : memref<128xi32, #tpu.memory_space<vmem>>) semaphore(%arg25 : memref<!tpu.dma_semaphore, #tpu.memory_space<semaphore_mem>>) {add = true}
      %dma_start3A_445 = arith.constant 3 : i32
      %dma_start3A_446 = arith.constant 384 : i32
      %dma_start3A_447 = arith.constant 0 : i32
      %dma_start3A_448 = tpu.memref_slice %arg14[%dma_start3A_446, %dma_start3A_447] : memref<512x16xf32, #tpu.memory_space<vmem>> -> memref<128x16xf32, #tpu.memory_space<vmem>>
      %dma_start3A_449 = arith.constant 0 : i32
      %dma_start3A_450 = tpu.memref_slice %arg10[%dma_start3A_445, %dma_start3A_449] : memref<4x128xi32, #tpu.memory_space<vmem>> -> memref<1x128xi32, #tpu.memory_space<vmem>>
      %dma_start3A_451 = tpu.memref_squeeze %dma_start3A_450 : memref<1x128xi32, #tpu.memory_space<vmem>> -> memref<128xi32, #tpu.memory_space<vmem>>
      %dma_start3A_452 = arith.constant 0 : i32
      %dma_start3A_453 = arith.constant 0 : i32
      %dma_start3A_454 = tpu.memref_slice %arg22[%dma_start3A_452, %dma_start3A_453] : memref<10016x16xf32, #tpu.memory_space<vmem_shared>> -> memref<10016x16xf32, #tpu.memory_space<vmem_shared>>
      tpu.enqueue_indirect_dma source(%dma_start3A_448 : memref<128x16xf32, #tpu.memory_space<vmem>>) target(%dma_start3A_454 : memref<10016x16xf32, #tpu.memory_space<vmem_shared>>) offsets(%dma_start3A_451 : memref<128xi32, #tpu.memory_space<vmem>>) semaphore(%arg25 : memref<!tpu.dma_semaphore, #tpu.memory_space<semaphore_mem>>) {add = true}
      %dma_wait3A_455 = arith.constant 0 : i32
      %dma_wait3A_456 = arith.constant 0 : i32
      %dma_wait3A_457 = arith.constant 0 : i32
      %dma_wait3A_458 = arith.constant 0 : i32
      %dma_wait3A_459 = tpu.memref_slice %arg17[%dma_wait3A_456, %dma_wait3A_457, %dma_wait3A_458] : memref<512x2x16xf32, #tpu.memory_space<vmem>> -> memref<128x2x16xf32, #tpu.memory_space<vmem>>
      %dma_wait3A_460 = arith.constant 0 : i32
      %dma_wait3A_461 = tpu.memref_slice %arg15[%dma_wait3A_455, %dma_wait3A_460] : memref<4x128xi32, #tpu.memory_space<vmem>> -> memref<1x128xi32, #tpu.memory_space<vmem>>
      %dma_wait3A_462 = tpu.memref_squeeze %dma_wait3A_461 : memref<1x128xi32, #tpu.memory_space<vmem>> -> memref<128xi32, #tpu.memory_space<vmem>>
      %dma_wait3A_463 = arith.constant 0 : i32
      %dma_wait3A_464 = arith.constant 0 : i32
      %dma_wait3A_465 = arith.constant 0 : i32
      %dma_wait3A_466 = tpu.memref_slice %arg2[%dma_wait3A_463, %dma_wait3A_464, %dma_wait3A_465] : memref<10016x2x16xf32, #tpu.memory_space<hbm>> -> memref<10016x2x16xf32, #tpu.memory_space<hbm>>
      tpu.wait_indirect_dma semaphore(%arg24 : memref<!tpu.dma_semaphore, #tpu.memory_space<semaphore_mem>>) src(%dma_wait3A_466 : memref<10016x2x16xf32, #tpu.memory_space<hbm>>) dst(%dma_wait3A_459 : memref<128x2x16xf32, #tpu.memory_space<vmem>>)
      %dma_wait3A_467 = arith.constant 0 : i32
      %dma_wait3A_468 = arith.constant 0 : i32
      %dma_wait3A_469 = arith.constant 0 : i32
      %dma_wait3A_470 = tpu.memref_slice %arg18[%dma_wait3A_468, %dma_wait3A_469] : memref<512x16xf32, #tpu.memory_space<vmem>> -> memref<128x16xf32, #tpu.memory_space<vmem>>
      %dma_wait3A_471 = arith.constant 0 : i32
      %dma_wait3A_472 = tpu.memref_slice %arg16[%dma_wait3A_467, %dma_wait3A_471] : memref<4x128xi32, #tpu.memory_space<vmem>> -> memref<1x128xi32, #tpu.memory_space<vmem>>
      %dma_wait3A_473 = tpu.memref_squeeze %dma_wait3A_472 : memref<1x128xi32, #tpu.memory_space<vmem>> -> memref<128xi32, #tpu.memory_space<vmem>>
      %dma_wait3A_474 = arith.constant 0 : i32
      %dma_wait3A_475 = arith.constant 0 : i32
      %dma_wait3A_476 = tpu.memref_slice %arg3[%dma_wait3A_474, %dma_wait3A_475] : memref<10016x16xf32, #tpu.memory_space<hbm>> -> memref<10016x16xf32, #tpu.memory_space<hbm>>
      tpu.wait_indirect_dma semaphore(%arg24 : memref<!tpu.dma_semaphore, #tpu.memory_space<semaphore_mem>>) src(%dma_wait3A_476 : memref<10016x16xf32, #tpu.memory_space<hbm>>) dst(%dma_wait3A_470 : memref<128x16xf32, #tpu.memory_space<vmem>>)
      %dma_wait3A_477 = arith.constant 1 : i32
      %dma_wait3A_478 = arith.constant 128 : i32
      %dma_wait3A_479 = arith.constant 0 : i32
      %dma_wait3A_480 = arith.constant 0 : i32
      %dma_wait3A_481 = tpu.memref_slice %arg17[%dma_wait3A_478, %dma_wait3A_479, %dma_wait3A_480] : memref<512x2x16xf32, #tpu.memory_space<vmem>> -> memref<128x2x16xf32, #tpu.memory_space<vmem>>
      %dma_wait3A_482 = arith.constant 0 : i32
      %dma_wait3A_483 = tpu.memref_slice %arg15[%dma_wait3A_477, %dma_wait3A_482] : memref<4x128xi32, #tpu.memory_space<vmem>> -> memref<1x128xi32, #tpu.memory_space<vmem>>
      %dma_wait3A_484 = tpu.memref_squeeze %dma_wait3A_483 : memref<1x128xi32, #tpu.memory_space<vmem>> -> memref<128xi32, #tpu.memory_space<vmem>>
      %dma_wait3A_485 = arith.constant 0 : i32
      %dma_wait3A_486 = arith.constant 0 : i32
      %dma_wait3A_487 = arith.constant 0 : i32
      %dma_wait3A_488 = tpu.memref_slice %arg2[%dma_wait3A_485, %dma_wait3A_486, %dma_wait3A_487] : memref<10016x2x16xf32, #tpu.memory_space<hbm>> -> memref<10016x2x16xf32, #tpu.memory_space<hbm>>
      tpu.wait_indirect_dma semaphore(%arg24 : memref<!tpu.dma_semaphore, #tpu.memory_space<semaphore_mem>>) src(%dma_wait3A_488 : memref<10016x2x16xf32, #tpu.memory_space<hbm>>) dst(%dma_wait3A_481 : memref<128x2x16xf32, #tpu.memory_space<vmem>>)
      %dma_wait3A_489 = arith.constant 1 : i32
      %dma_wait3A_490 = arith.constant 128 : i32
      %dma_wait3A_491 = arith.constant 0 : i32
      %dma_wait3A_492 = tpu.memref_slice %arg18[%dma_wait3A_490, %dma_wait3A_491] : memref<512x16xf32, #tpu.memory_space<vmem>> -> memref<128x16xf32, #tpu.memory_space<vmem>>
      %dma_wait3A_493 = arith.constant 0 : i32
      %dma_wait3A_494 = tpu.memref_slice %arg16[%dma_wait3A_489, %dma_wait3A_493] : memref<4x128xi32, #tpu.memory_space<vmem>> -> memref<1x128xi32, #tpu.memory_space<vmem>>
      %dma_wait3A_495 = tpu.memref_squeeze %dma_wait3A_494 : memref<1x128xi32, #tpu.memory_space<vmem>> -> memref<128xi32, #tpu.memory_space<vmem>>
      %dma_wait3A_496 = arith.constant 0 : i32
      %dma_wait3A_497 = arith.constant 0 : i32
      %dma_wait3A_498 = tpu.memref_slice %arg3[%dma_wait3A_496, %dma_wait3A_497] : memref<10016x16xf32, #tpu.memory_space<hbm>> -> memref<10016x16xf32, #tpu.memory_space<hbm>>
      tpu.wait_indirect_dma semaphore(%arg24 : memref<!tpu.dma_semaphore, #tpu.memory_space<semaphore_mem>>) src(%dma_wait3A_498 : memref<10016x16xf32, #tpu.memory_space<hbm>>) dst(%dma_wait3A_492 : memref<128x16xf32, #tpu.memory_space<vmem>>)
      %dma_wait3A_499 = arith.constant 2 : i32
      %dma_wait3A_500 = arith.constant 256 : i32
      %dma_wait3A_501 = arith.constant 0 : i32
      %dma_wait3A_502 = arith.constant 0 : i32
      %dma_wait3A_503 = tpu.memref_slice %arg17[%dma_wait3A_500, %dma_wait3A_501, %dma_wait3A_502] : memref<512x2x16xf32, #tpu.memory_space<vmem>> -> memref<128x2x16xf32, #tpu.memory_space<vmem>>
      %dma_wait3A_504 = arith.constant 0 : i32
      %dma_wait3A_505 = tpu.memref_slice %arg15[%dma_wait3A_499, %dma_wait3A_504] : memref<4x128xi32, #tpu.memory_space<vmem>> -> memref<1x128xi32, #tpu.memory_space<vmem>>
      %dma_wait3A_506 = tpu.memref_squeeze %dma_wait3A_505 : memref<1x128xi32, #tpu.memory_space<vmem>> -> memref<128xi32, #tpu.memory_space<vmem>>
      %dma_wait3A_507 = arith.constant 0 : i32
      %dma_wait3A_508 = arith.constant 0 : i32
      %dma_wait3A_509 = arith.constant 0 : i32
      %dma_wait3A_510 = tpu.memref_slice %arg2[%dma_wait3A_507, %dma_wait3A_508, %dma_wait3A_509] : memref<10016x2x16xf32, #tpu.memory_space<hbm>> -> memref<10016x2x16xf32, #tpu.memory_space<hbm>>
      tpu.wait_indirect_dma semaphore(%arg24 : memref<!tpu.dma_semaphore, #tpu.memory_space<semaphore_mem>>) src(%dma_wait3A_510 : memref<10016x2x16xf32, #tpu.memory_space<hbm>>) dst(%dma_wait3A_503 : memref<128x2x16xf32, #tpu.memory_space<vmem>>)
      %dma_wait3A_511 = arith.constant 2 : i32
      %dma_wait3A_512 = arith.constant 256 : i32
      %dma_wait3A_513 = arith.constant 0 : i32
      %dma_wait3A_514 = tpu.memref_slice %arg18[%dma_wait3A_512, %dma_wait3A_513] : memref<512x16xf32, #tpu.memory_space<vmem>> -> memref<128x16xf32, #tpu.memory_space<vmem>>
      %dma_wait3A_515 = arith.constant 0 : i32
      %dma_wait3A_516 = tpu.memref_slice %arg16[%dma_wait3A_511, %dma_wait3A_515] : memref<4x128xi32, #tpu.memory_space<vmem>> -> memref<1x128xi32, #tpu.memory_space<vmem>>
      %dma_wait3A_517 = tpu.memref_squeeze %dma_wait3A_516 : memref<1x128xi32, #tpu.memory_space<vmem>> -> memref<128xi32, #tpu.memory_space<vmem>>
      %dma_wait3A_518 = arith.constant 0 : i32
      %dma_wait3A_519 = arith.constant 0 : i32
      %dma_wait3A_520 = tpu.memref_slice %arg3[%dma_wait3A_518, %dma_wait3A_519] : memref<10016x16xf32, #tpu.memory_space<hbm>> -> memref<10016x16xf32, #tpu.memory_space<hbm>>
      tpu.wait_indirect_dma semaphore(%arg24 : memref<!tpu.dma_semaphore, #tpu.memory_space<semaphore_mem>>) src(%dma_wait3A_520 : memref<10016x16xf32, #tpu.memory_space<hbm>>) dst(%dma_wait3A_514 : memref<128x16xf32, #tpu.memory_space<vmem>>)
      %dma_wait3A_521 = arith.constant 3 : i32
      %dma_wait3A_522 = arith.constant 384 : i32
      %dma_wait3A_523 = arith.constant 0 : i32
      %dma_wait3A_524 = arith.constant 0 : i32
      %dma_wait3A_525 = tpu.memref_slice %arg17[%dma_wait3A_522, %dma_wait3A_523, %dma_wait3A_524] : memref<512x2x16xf32, #tpu.memory_space<vmem>> -> memref<128x2x16xf32, #tpu.memory_space<vmem>>
      %dma_wait3A_526 = arith.constant 0 : i32
      %dma_wait3A_527 = tpu.memref_slice %arg15[%dma_wait3A_521, %dma_wait3A_526] : memref<4x128xi32, #tpu.memory_space<vmem>> -> memref<1x128xi32, #tpu.memory_space<vmem>>
      %dma_wait3A_528 = tpu.memref_squeeze %dma_wait3A_527 : memref<1x128xi32, #tpu.memory_space<vmem>> -> memref<128xi32, #tpu.memory_space<vmem>>
      %dma_wait3A_529 = arith.constant 0 : i32
      %dma_wait3A_530 = arith.constant 0 : i32
      %dma_wait3A_531 = arith.constant 0 : i32
      %dma_wait3A_532 = tpu.memref_slice %arg2[%dma_wait3A_529, %dma_wait3A_530, %dma_wait3A_531] : memref<10016x2x16xf32, #tpu.memory_space<hbm>> -> memref<10016x2x16xf32, #tpu.memory_space<hbm>>
      tpu.wait_indirect_dma semaphore(%arg24 : memref<!tpu.dma_semaphore, #tpu.memory_space<semaphore_mem>>) src(%dma_wait3A_532 : memref<10016x2x16xf32, #tpu.memory_space<hbm>>) dst(%dma_wait3A_525 : memref<128x2x16xf32, #tpu.memory_space<vmem>>)
      %dma_wait3A_533 = arith.constant 3 : i32
      %dma_wait3A_534 = arith.constant 384 : i32
      %dma_wait3A_535 = arith.constant 0 : i32
      %dma_wait3A_536 = tpu.memref_slice %arg18[%dma_wait3A_534, %dma_wait3A_535] : memref<512x16xf32, #tpu.memory_space<vmem>> -> memref<128x16xf32, #tpu.memory_space<vmem>>
      %dma_wait3A_537 = arith.constant 0 : i32
      %dma_wait3A_538 = tpu.memref_slice %arg16[%dma_wait3A_533, %dma_wait3A_537] : memref<4x128xi32, #tpu.memory_space<vmem>> -> memref<1x128xi32, #tpu.memory_space<vmem>>
      %dma_wait3A_539 = tpu.memref_squeeze %dma_wait3A_538 : memref<1x128xi32, #tpu.memory_space<vmem>> -> memref<128xi32, #tpu.memory_space<vmem>>
      %dma_wait3A_540 = arith.constant 0 : i32
      %dma_wait3A_541 = arith.constant 0 : i32
      %dma_wait3A_542 = tpu.memref_slice %arg3[%dma_wait3A_540, %dma_wait3A_541] : memref<10016x16xf32, #tpu.memory_space<hbm>> -> memref<10016x16xf32, #tpu.memory_space<hbm>>
      tpu.wait_indirect_dma semaphore(%arg24 : memref<!tpu.dma_semaphore, #tpu.memory_space<semaphore_mem>>) src(%dma_wait3A_542 : memref<10016x16xf32, #tpu.memory_space<hbm>>) dst(%dma_wait3A_536 : memref<128x16xf32, #tpu.memory_space<vmem>>)
      %dma_wait3A_543 = arith.constant 0 : i32
      %dma_wait3A_544 = arith.constant 0 : i32
      %dma_wait3A_545 = arith.constant 0 : i32
      %dma_wait3A_546 = tpu.memref_slice %arg13[%dma_wait3A_544, %dma_wait3A_545] : memref<512x16xf32, #tpu.memory_space<vmem>> -> memref<128x16xf32, #tpu.memory_space<vmem>>
      %dma_wait3A_547 = arith.constant 0 : i32
      %dma_wait3A_548 = tpu.memref_slice %arg10[%dma_wait3A_543, %dma_wait3A_547] : memref<4x128xi32, #tpu.memory_space<vmem>> -> memref<1x128xi32, #tpu.memory_space<vmem>>
      %dma_wait3A_549 = tpu.memref_squeeze %dma_wait3A_548 : memref<1x128xi32, #tpu.memory_space<vmem>> -> memref<128xi32, #tpu.memory_space<vmem>>
      %dma_wait3A_550 = arith.constant 0 : i32
      %dma_wait3A_551 = arith.constant 0 : i32
      %dma_wait3A_552 = tpu.memref_slice %arg21[%dma_wait3A_550, %dma_wait3A_551] : memref<10016x16xf32, #tpu.memory_space<vmem_shared>> -> memref<10016x16xf32, #tpu.memory_space<vmem_shared>>
      tpu.wait_indirect_dma semaphore(%arg25 : memref<!tpu.dma_semaphore, #tpu.memory_space<semaphore_mem>>) src(%dma_wait3A_546 : memref<128x16xf32, #tpu.memory_space<vmem>>) dst(%dma_wait3A_552 : memref<10016x16xf32, #tpu.memory_space<vmem_shared>>)
      %dma_wait3A_553 = arith.constant 0 : i32
      %dma_wait3A_554 = arith.constant 0 : i32
      %dma_wait3A_555 = arith.constant 0 : i32
      %dma_wait3A_556 = tpu.memref_slice %arg14[%dma_wait3A_554, %dma_wait3A_555] : memref<512x16xf32, #tpu.memory_space<vmem>> -> memref<128x16xf32, #tpu.memory_space<vmem>>
      %dma_wait3A_557 = arith.constant 0 : i32
      %dma_wait3A_558 = tpu.memref_slice %arg10[%dma_wait3A_553, %dma_wait3A_557] : memref<4x128xi32, #tpu.memory_space<vmem>> -> memref<1x128xi32, #tpu.memory_space<vmem>>
      %dma_wait3A_559 = tpu.memref_squeeze %dma_wait3A_558 : memref<1x128xi32, #tpu.memory_space<vmem>> -> memref<128xi32, #tpu.memory_space<vmem>>
      %dma_wait3A_560 = arith.constant 0 : i32
      %dma_wait3A_561 = arith.constant 0 : i32
      %dma_wait3A_562 = tpu.memref_slice %arg22[%dma_wait3A_560, %dma_wait3A_561] : memref<10016x16xf32, #tpu.memory_space<vmem_shared>> -> memref<10016x16xf32, #tpu.memory_space<vmem_shared>>
      tpu.wait_indirect_dma semaphore(%arg25 : memref<!tpu.dma_semaphore, #tpu.memory_space<semaphore_mem>>) src(%dma_wait3A_556 : memref<128x16xf32, #tpu.memory_space<vmem>>) dst(%dma_wait3A_562 : memref<10016x16xf32, #tpu.memory_space<vmem_shared>>)
      %dma_wait3A_563 = arith.constant 1 : i32
      %dma_wait3A_564 = arith.constant 128 : i32
      %dma_wait3A_565 = arith.constant 0 : i32
      %dma_wait3A_566 = tpu.memref_slice %arg13[%dma_wait3A_564, %dma_wait3A_565] : memref<512x16xf32, #tpu.memory_space<vmem>> -> memref<128x16xf32, #tpu.memory_space<vmem>>
      %dma_wait3A_567 = arith.constant 0 : i32
      %dma_wait3A_568 = tpu.memref_slice %arg10[%dma_wait3A_563, %dma_wait3A_567] : memref<4x128xi32, #tpu.memory_space<vmem>> -> memref<1x128xi32, #tpu.memory_space<vmem>>
      %dma_wait3A_569 = tpu.memref_squeeze %dma_wait3A_568 : memref<1x128xi32, #tpu.memory_space<vmem>> -> memref<128xi32, #tpu.memory_space<vmem>>
      %dma_wait3A_570 = arith.constant 0 : i32
      %dma_wait3A_571 = arith.constant 0 : i32
      %dma_wait3A_572 = tpu.memref_slice %arg21[%dma_wait3A_570, %dma_wait3A_571] : memref<10016x16xf32, #tpu.memory_space<vmem_shared>> -> memref<10016x16xf32, #tpu.memory_space<vmem_shared>>
      tpu.wait_indirect_dma semaphore(%arg25 : memref<!tpu.dma_semaphore, #tpu.memory_space<semaphore_mem>>) src(%dma_wait3A_566 : memref<128x16xf32, #tpu.memory_space<vmem>>) dst(%dma_wait3A_572 : memref<10016x16xf32, #tpu.memory_space<vmem_shared>>)
      %dma_wait3A_573 = arith.constant 1 : i32
      %dma_wait3A_574 = arith.constant 128 : i32
      %dma_wait3A_575 = arith.constant 0 : i32
      %dma_wait3A_576 = tpu.memref_slice %arg14[%dma_wait3A_574, %dma_wait3A_575] : memref<512x16xf32, #tpu.memory_space<vmem>> -> memref<128x16xf32, #tpu.memory_space<vmem>>
      %dma_wait3A_577 = arith.constant 0 : i32
      %dma_wait3A_578 = tpu.memref_slice %arg10[%dma_wait3A_573, %dma_wait3A_577] : memref<4x128xi32, #tpu.memory_space<vmem>> -> memref<1x128xi32, #tpu.memory_space<vmem>>
      %dma_wait3A_579 = tpu.memref_squeeze %dma_wait3A_578 : memref<1x128xi32, #tpu.memory_space<vmem>> -> memref<128xi32, #tpu.memory_space<vmem>>
      %dma_wait3A_580 = arith.constant 0 : i32
      %dma_wait3A_581 = arith.constant 0 : i32
      %dma_wait3A_582 = tpu.memref_slice %arg22[%dma_wait3A_580, %dma_wait3A_581] : memref<10016x16xf32, #tpu.memory_space<vmem_shared>> -> memref<10016x16xf32, #tpu.memory_space<vmem_shared>>
      tpu.wait_indirect_dma semaphore(%arg25 : memref<!tpu.dma_semaphore, #tpu.memory_space<semaphore_mem>>) src(%dma_wait3A_576 : memref<128x16xf32, #tpu.memory_space<vmem>>) dst(%dma_wait3A_582 : memref<10016x16xf32, #tpu.memory_space<vmem_shared>>)
      %dma_wait3A_583 = arith.constant 2 : i32
      %dma_wait3A_584 = arith.constant 256 : i32
      %dma_wait3A_585 = arith.constant 0 : i32
      %dma_wait3A_586 = tpu.memref_slice %arg13[%dma_wait3A_584, %dma_wait3A_585] : memref<512x16xf32, #tpu.memory_space<vmem>> -> memref<128x16xf32, #tpu.memory_space<vmem>>
      %dma_wait3A_587 = arith.constant 0 : i32
      %dma_wait3A_588 = tpu.memref_slice %arg10[%dma_wait3A_583, %dma_wait3A_587] : memref<4x128xi32, #tpu.memory_space<vmem>> -> memref<1x128xi32, #tpu.memory_space<vmem>>
      %dma_wait3A_589 = tpu.memref_squeeze %dma_wait3A_588 : memref<1x128xi32, #tpu.memory_space<vmem>> -> memref<128xi32, #tpu.memory_space<vmem>>
      %dma_wait3A_590 = arith.constant 0 : i32
      %dma_wait3A_591 = arith.constant 0 : i32
      %dma_wait3A_592 = tpu.memref_slice %arg21[%dma_wait3A_590, %dma_wait3A_591] : memref<10016x16xf32, #tpu.memory_space<vmem_shared>> -> memref<10016x16xf32, #tpu.memory_space<vmem_shared>>
      tpu.wait_indirect_dma semaphore(%arg25 : memref<!tpu.dma_semaphore, #tpu.memory_space<semaphore_mem>>) src(%dma_wait3A_586 : memref<128x16xf32, #tpu.memory_space<vmem>>) dst(%dma_wait3A_592 : memref<10016x16xf32, #tpu.memory_space<vmem_shared>>)
      %dma_wait3A_593 = arith.constant 2 : i32
      %dma_wait3A_594 = arith.constant 256 : i32
      %dma_wait3A_595 = arith.constant 0 : i32
      %dma_wait3A_596 = tpu.memref_slice %arg14[%dma_wait3A_594, %dma_wait3A_595] : memref<512x16xf32, #tpu.memory_space<vmem>> -> memref<128x16xf32, #tpu.memory_space<vmem>>
      %dma_wait3A_597 = arith.constant 0 : i32
      %dma_wait3A_598 = tpu.memref_slice %arg10[%dma_wait3A_593, %dma_wait3A_597] : memref<4x128xi32, #tpu.memory_space<vmem>> -> memref<1x128xi32, #tpu.memory_space<vmem>>
      %dma_wait3A_599 = tpu.memref_squeeze %dma_wait3A_598 : memref<1x128xi32, #tpu.memory_space<vmem>> -> memref<128xi32, #tpu.memory_space<vmem>>
      %dma_wait3A_600 = arith.constant 0 : i32
      %dma_wait3A_601 = arith.constant 0 : i32
      %dma_wait3A_602 = tpu.memref_slice %arg22[%dma_wait3A_600, %dma_wait3A_601] : memref<10016x16xf32, #tpu.memory_space<vmem_shared>> -> memref<10016x16xf32, #tpu.memory_space<vmem_shared>>
      tpu.wait_indirect_dma semaphore(%arg25 : memref<!tpu.dma_semaphore, #tpu.memory_space<semaphore_mem>>) src(%dma_wait3A_596 : memref<128x16xf32, #tpu.memory_space<vmem>>) dst(%dma_wait3A_602 : memref<10016x16xf32, #tpu.memory_space<vmem_shared>>)
      %dma_wait3A_603 = arith.constant 3 : i32
      %dma_wait3A_604 = arith.constant 384 : i32
      %dma_wait3A_605 = arith.constant 0 : i32
      %dma_wait3A_606 = tpu.memref_slice %arg13[%dma_wait3A_604, %dma_wait3A_605] : memref<512x16xf32, #tpu.memory_space<vmem>> -> memref<128x16xf32, #tpu.memory_space<vmem>>
      %dma_wait3A_607 = arith.constant 0 : i32
      %dma_wait3A_608 = tpu.memref_slice %arg10[%dma_wait3A_603, %dma_wait3A_607] : memref<4x128xi32, #tpu.memory_space<vmem>> -> memref<1x128xi32, #tpu.memory_space<vmem>>
      %dma_wait3A_609 = tpu.memref_squeeze %dma_wait3A_608 : memref<1x128xi32, #tpu.memory_space<vmem>> -> memref<128xi32, #tpu.memory_space<vmem>>
      %dma_wait3A_610 = arith.constant 0 : i32
      %dma_wait3A_611 = arith.constant 0 : i32
      %dma_wait3A_612 = tpu.memref_slice %arg21[%dma_wait3A_610, %dma_wait3A_611] : memref<10016x16xf32, #tpu.memory_space<vmem_shared>> -> memref<10016x16xf32, #tpu.memory_space<vmem_shared>>
      tpu.wait_indirect_dma semaphore(%arg25 : memref<!tpu.dma_semaphore, #tpu.memory_space<semaphore_mem>>) src(%dma_wait3A_606 : memref<128x16xf32, #tpu.memory_space<vmem>>) dst(%dma_wait3A_612 : memref<10016x16xf32, #tpu.memory_space<vmem_shared>>)
      %dma_wait3A_613 = arith.constant 3 : i32
      %dma_wait3A_614 = arith.constant 384 : i32
      %dma_wait3A_615 = arith.constant 0 : i32
      %dma_wait3A_616 = tpu.memref_slice %arg14[%dma_wait3A_614, %dma_wait3A_615] : memref<512x16xf32, #tpu.memory_space<vmem>> -> memref<128x16xf32, #tpu.memory_space<vmem>>
      %dma_wait3A_617 = arith.constant 0 : i32
      %dma_wait3A_618 = tpu.memref_slice %arg10[%dma_wait3A_613, %dma_wait3A_617] : memref<4x128xi32, #tpu.memory_space<vmem>> -> memref<1x128xi32, #tpu.memory_space<vmem>>
      %dma_wait3A_619 = tpu.memref_squeeze %dma_wait3A_618 : memref<1x128xi32, #tpu.memory_space<vmem>> -> memref<128xi32, #tpu.memory_space<vmem>>
      %dma_wait3A_620 = arith.constant 0 : i32
      %dma_wait3A_621 = arith.constant 0 : i32
      %dma_wait3A_622 = tpu.memref_slice %arg22[%dma_wait3A_620, %dma_wait3A_621] : memref<10016x16xf32, #tpu.memory_space<vmem_shared>> -> memref<10016x16xf32, #tpu.memory_space<vmem_shared>>
      tpu.wait_indirect_dma semaphore(%arg25 : memref<!tpu.dma_semaphore, #tpu.memory_space<semaphore_mem>>) src(%dma_wait3A_616 : memref<128x16xf32, #tpu.memory_space<vmem>>) dst(%dma_wait3A_622 : memref<10016x16xf32, #tpu.memory_space<vmem_shared>>)
      %add3A_623 = arith.constant 8 : i32
      %add3A_624 = arith.addi %add3A_198, %add3A_623 : i32
      "tpu.region"() ({
        %run_scoped3A = tpu.sem_alloc : memref<!tpu.dma_semaphore, #tpu.memory_space<semaphore_mem>>
        %dma_start3A_879 = arith.constant 0 : i32
        %dma_start3A_880 = tpu.memref_slice %arg4[%add3A_624, %dma_start3A_879] : memref<2944x128xi32, #tpu.memory_space<hbm>> -> memref<4x128xi32, #tpu.memory_space<hbm>>
        %dma_start3A_881 = arith.constant 0 : i32
        %dma_start3A_882 = tpu.memref_slice %arg4[%add3A_624, %dma_start3A_881] : memref<2944x128xi32, #tpu.memory_space<hbm>> -> memref<4x128xi32, #tpu.memory_space<hbm>>
        tpu.enqueue_dma source(%dma_start3A_882 : memref<4x128xi32, #tpu.memory_space<hbm>>) target(%arg9 : memref<4x128xi32, #tpu.memory_space<vmem>>) target_semaphore(%run_scoped3A : memref<!tpu.dma_semaphore, #tpu.memory_space<semaphore_mem>>)
        %dma_wait3A_883 = arith.constant 0 : i32
        %dma_wait3A_884 = tpu.memref_slice %arg4[%add3A_624, %dma_wait3A_883] : memref<2944x128xi32, #tpu.memory_space<hbm>> -> memref<4x128xi32, #tpu.memory_space<hbm>>
        %dma_wait3A_885 = arith.constant 0 : i32
        %dma_wait3A_886 = tpu.memref_slice %arg4[%add3A_624, %dma_wait3A_885] : memref<2944x128xi32, #tpu.memory_space<hbm>> -> memref<4x128xi32, #tpu.memory_space<hbm>>
        tpu.wait_dma2 semaphore(%run_scoped3A : memref<!tpu.dma_semaphore, #tpu.memory_space<semaphore_mem>>) src(%dma_wait3A_886 : memref<4x128xi32, #tpu.memory_space<hbm>>) dst(%arg9 : memref<4x128xi32, #tpu.memory_space<vmem>>)
        tpu.yield
      }) : () -> ()
      "tpu.region"() ({
        %run_scoped3A = tpu.sem_alloc : memref<!tpu.dma_semaphore, #tpu.memory_space<semaphore_mem>>
        %dma_start3A_879 = arith.constant 0 : i32
        %dma_start3A_880 = tpu.memref_slice %arg5[%add3A_624, %dma_start3A_879] : memref<2944x128xi32, #tpu.memory_space<hbm>> -> memref<4x128xi32, #tpu.memory_space<hbm>>
        %dma_start3A_881 = arith.constant 0 : i32
        %dma_start3A_882 = tpu.memref_slice %arg5[%add3A_624, %dma_start3A_881] : memref<2944x128xi32, #tpu.memory_space<hbm>> -> memref<4x128xi32, #tpu.memory_space<hbm>>
        tpu.enqueue_dma source(%dma_start3A_882 : memref<4x128xi32, #tpu.memory_space<hbm>>) target(%arg10 : memref<4x128xi32, #tpu.memory_space<vmem>>) target_semaphore(%run_scoped3A : memref<!tpu.dma_semaphore, #tpu.memory_space<semaphore_mem>>)
        %dma_wait3A_883 = arith.constant 0 : i32
        %dma_wait3A_884 = tpu.memref_slice %arg5[%add3A_624, %dma_wait3A_883] : memref<2944x128xi32, #tpu.memory_space<hbm>> -> memref<4x128xi32, #tpu.memory_space<hbm>>
        %dma_wait3A_885 = arith.constant 0 : i32
        %dma_wait3A_886 = tpu.memref_slice %arg5[%add3A_624, %dma_wait3A_885] : memref<2944x128xi32, #tpu.memory_space<hbm>> -> memref<4x128xi32, #tpu.memory_space<hbm>>
        tpu.wait_dma2 semaphore(%run_scoped3A : memref<!tpu.dma_semaphore, #tpu.memory_space<semaphore_mem>>) src(%dma_wait3A_886 : memref<4x128xi32, #tpu.memory_space<hbm>>) dst(%arg10 : memref<4x128xi32, #tpu.memory_space<vmem>>)
        tpu.yield
      }) : () -> ()
      %dma_start3A_625 = arith.constant 0 : i32
      %dma_start3A_626 = arith.constant 0 : i32
      %dma_start3A_627 = arith.constant 0 : i32
      %dma_start3A_628 = arith.constant 0 : i32
      %dma_start3A_629 = tpu.memref_slice %arg11[%dma_start3A_626, %dma_start3A_627, %dma_start3A_628] : memref<512x2x16xf32, #tpu.memory_space<vmem>> -> memref<128x2x16xf32, #tpu.memory_space<vmem>>
      %dma_start3A_630 = arith.constant 0 : i32
      %dma_start3A_631 = tpu.memref_slice %arg9[%dma_start3A_625, %dma_start3A_630] : memref<4x128xi32, #tpu.memory_space<vmem>> -> memref<1x128xi32, #tpu.memory_space<vmem>>
      %dma_start3A_632 = tpu.memref_squeeze %dma_start3A_631 : memref<1x128xi32, #tpu.memory_space<vmem>> -> memref<128xi32, #tpu.memory_space<vmem>>
      %dma_start3A_633 = arith.constant 0 : i32
      %dma_start3A_634 = arith.constant 0 : i32
      %dma_start3A_635 = arith.constant 0 : i32
      %dma_start3A_636 = tpu.memref_slice %arg2[%dma_start3A_633, %dma_start3A_634, %dma_start3A_635] : memref<10016x2x16xf32, #tpu.memory_space<hbm>> -> memref<10016x2x16xf32, #tpu.memory_space<hbm>>
      tpu.enqueue_indirect_dma source(%dma_start3A_636 : memref<10016x2x16xf32, #tpu.memory_space<hbm>>) target(%dma_start3A_629 : memref<128x2x16xf32, #tpu.memory_space<vmem>>) offsets(%dma_start3A_632 : memref<128xi32, #tpu.memory_space<vmem>>) semaphore(%arg23 : memref<!tpu.dma_semaphore, #tpu.memory_space<semaphore_mem>>)
      %dma_start3A_637 = arith.constant 0 : i32
      %dma_start3A_638 = arith.constant 0 : i32
      %dma_start3A_639 = arith.constant 0 : i32
      %dma_start3A_640 = tpu.memref_slice %arg12[%dma_start3A_638, %dma_start3A_639] : memref<512x16xf32, #tpu.memory_space<vmem>> -> memref<128x16xf32, #tpu.memory_space<vmem>>
      %dma_start3A_641 = arith.constant 0 : i32
      %dma_start3A_642 = tpu.memref_slice %arg10[%dma_start3A_637, %dma_start3A_641] : memref<4x128xi32, #tpu.memory_space<vmem>> -> memref<1x128xi32, #tpu.memory_space<vmem>>
      %dma_start3A_643 = tpu.memref_squeeze %dma_start3A_642 : memref<1x128xi32, #tpu.memory_space<vmem>> -> memref<128xi32, #tpu.memory_space<vmem>>
      %dma_start3A_644 = arith.constant 0 : i32
      %dma_start3A_645 = arith.constant 0 : i32
      %dma_start3A_646 = tpu.memref_slice %arg3[%dma_start3A_644, %dma_start3A_645] : memref<10016x16xf32, #tpu.memory_space<hbm>> -> memref<10016x16xf32, #tpu.memory_space<hbm>>
      tpu.enqueue_indirect_dma source(%dma_start3A_646 : memref<10016x16xf32, #tpu.memory_space<hbm>>) target(%dma_start3A_640 : memref<128x16xf32, #tpu.memory_space<vmem>>) offsets(%dma_start3A_643 : memref<128xi32, #tpu.memory_space<vmem>>) semaphore(%arg23 : memref<!tpu.dma_semaphore, #tpu.memory_space<semaphore_mem>>)
      %dma_start3A_647 = arith.constant 1 : i32
      %dma_start3A_648 = arith.constant 128 : i32
      %dma_start3A_649 = arith.constant 0 : i32
      %dma_start3A_650 = arith.constant 0 : i32
      %dma_start3A_651 = tpu.memref_slice %arg11[%dma_start3A_648, %dma_start3A_649, %dma_start3A_650] : memref<512x2x16xf32, #tpu.memory_space<vmem>> -> memref<128x2x16xf32, #tpu.memory_space<vmem>>
      %dma_start3A_652 = arith.constant 0 : i32
      %dma_start3A_653 = tpu.memref_slice %arg9[%dma_start3A_647, %dma_start3A_652] : memref<4x128xi32, #tpu.memory_space<vmem>> -> memref<1x128xi32, #tpu.memory_space<vmem>>
      %dma_start3A_654 = tpu.memref_squeeze %dma_start3A_653 : memref<1x128xi32, #tpu.memory_space<vmem>> -> memref<128xi32, #tpu.memory_space<vmem>>
      %dma_start3A_655 = arith.constant 0 : i32
      %dma_start3A_656 = arith.constant 0 : i32
      %dma_start3A_657 = arith.constant 0 : i32
      %dma_start3A_658 = tpu.memref_slice %arg2[%dma_start3A_655, %dma_start3A_656, %dma_start3A_657] : memref<10016x2x16xf32, #tpu.memory_space<hbm>> -> memref<10016x2x16xf32, #tpu.memory_space<hbm>>
      tpu.enqueue_indirect_dma source(%dma_start3A_658 : memref<10016x2x16xf32, #tpu.memory_space<hbm>>) target(%dma_start3A_651 : memref<128x2x16xf32, #tpu.memory_space<vmem>>) offsets(%dma_start3A_654 : memref<128xi32, #tpu.memory_space<vmem>>) semaphore(%arg23 : memref<!tpu.dma_semaphore, #tpu.memory_space<semaphore_mem>>)
      %dma_start3A_659 = arith.constant 1 : i32
      %dma_start3A_660 = arith.constant 128 : i32
      %dma_start3A_661 = arith.constant 0 : i32
      %dma_start3A_662 = tpu.memref_slice %arg12[%dma_start3A_660, %dma_start3A_661] : memref<512x16xf32, #tpu.memory_space<vmem>> -> memref<128x16xf32, #tpu.memory_space<vmem>>
      %dma_start3A_663 = arith.constant 0 : i32
      %dma_start3A_664 = tpu.memref_slice %arg10[%dma_start3A_659, %dma_start3A_663] : memref<4x128xi32, #tpu.memory_space<vmem>> -> memref<1x128xi32, #tpu.memory_space<vmem>>
      %dma_start3A_665 = tpu.memref_squeeze %dma_start3A_664 : memref<1x128xi32, #tpu.memory_space<vmem>> -> memref<128xi32, #tpu.memory_space<vmem>>
      %dma_start3A_666 = arith.constant 0 : i32
      %dma_start3A_667 = arith.constant 0 : i32
      %dma_start3A_668 = tpu.memref_slice %arg3[%dma_start3A_666, %dma_start3A_667] : memref<10016x16xf32, #tpu.memory_space<hbm>> -> memref<10016x16xf32, #tpu.memory_space<hbm>>
      tpu.enqueue_indirect_dma source(%dma_start3A_668 : memref<10016x16xf32, #tpu.memory_space<hbm>>) target(%dma_start3A_662 : memref<128x16xf32, #tpu.memory_space<vmem>>) offsets(%dma_start3A_665 : memref<128xi32, #tpu.memory_space<vmem>>) semaphore(%arg23 : memref<!tpu.dma_semaphore, #tpu.memory_space<semaphore_mem>>)
      %dma_start3A_669 = arith.constant 2 : i32
      %dma_start3A_670 = arith.constant 256 : i32
      %dma_start3A_671 = arith.constant 0 : i32
      %dma_start3A_672 = arith.constant 0 : i32
      %dma_start3A_673 = tpu.memref_slice %arg11[%dma_start3A_670, %dma_start3A_671, %dma_start3A_672] : memref<512x2x16xf32, #tpu.memory_space<vmem>> -> memref<128x2x16xf32, #tpu.memory_space<vmem>>
      %dma_start3A_674 = arith.constant 0 : i32
      %dma_start3A_675 = tpu.memref_slice %arg9[%dma_start3A_669, %dma_start3A_674] : memref<4x128xi32, #tpu.memory_space<vmem>> -> memref<1x128xi32, #tpu.memory_space<vmem>>
      %dma_start3A_676 = tpu.memref_squeeze %dma_start3A_675 : memref<1x128xi32, #tpu.memory_space<vmem>> -> memref<128xi32, #tpu.memory_space<vmem>>
      %dma_start3A_677 = arith.constant 0 : i32
      %dma_start3A_678 = arith.constant 0 : i32
      %dma_start3A_679 = arith.constant 0 : i32
      %dma_start3A_680 = tpu.memref_slice %arg2[%dma_start3A_677, %dma_start3A_678, %dma_start3A_679] : memref<10016x2x16xf32, #tpu.memory_space<hbm>> -> memref<10016x2x16xf32, #tpu.memory_space<hbm>>
      tpu.enqueue_indirect_dma source(%dma_start3A_680 : memref<10016x2x16xf32, #tpu.memory_space<hbm>>) target(%dma_start3A_673 : memref<128x2x16xf32, #tpu.memory_space<vmem>>) offsets(%dma_start3A_676 : memref<128xi32, #tpu.memory_space<vmem>>) semaphore(%arg23 : memref<!tpu.dma_semaphore, #tpu.memory_space<semaphore_mem>>)
      %dma_start3A_681 = arith.constant 2 : i32
      %dma_start3A_682 = arith.constant 256 : i32
      %dma_start3A_683 = arith.constant 0 : i32
      %dma_start3A_684 = tpu.memref_slice %arg12[%dma_start3A_682, %dma_start3A_683] : memref<512x16xf32, #tpu.memory_space<vmem>> -> memref<128x16xf32, #tpu.memory_space<vmem>>
      %dma_start3A_685 = arith.constant 0 : i32
      %dma_start3A_686 = tpu.memref_slice %arg10[%dma_start3A_681, %dma_start3A_685] : memref<4x128xi32, #tpu.memory_space<vmem>> -> memref<1x128xi32, #tpu.memory_space<vmem>>
      %dma_start3A_687 = tpu.memref_squeeze %dma_start3A_686 : memref<1x128xi32, #tpu.memory_space<vmem>> -> memref<128xi32, #tpu.memory_space<vmem>>
      %dma_start3A_688 = arith.constant 0 : i32
      %dma_start3A_689 = arith.constant 0 : i32
      %dma_start3A_690 = tpu.memref_slice %arg3[%dma_start3A_688, %dma_start3A_689] : memref<10016x16xf32, #tpu.memory_space<hbm>> -> memref<10016x16xf32, #tpu.memory_space<hbm>>
      tpu.enqueue_indirect_dma source(%dma_start3A_690 : memref<10016x16xf32, #tpu.memory_space<hbm>>) target(%dma_start3A_684 : memref<128x16xf32, #tpu.memory_space<vmem>>) offsets(%dma_start3A_687 : memref<128xi32, #tpu.memory_space<vmem>>) semaphore(%arg23 : memref<!tpu.dma_semaphore, #tpu.memory_space<semaphore_mem>>)
      %dma_start3A_691 = arith.constant 3 : i32
      %dma_start3A_692 = arith.constant 384 : i32
      %dma_start3A_693 = arith.constant 0 : i32
      %dma_start3A_694 = arith.constant 0 : i32
      %dma_start3A_695 = tpu.memref_slice %arg11[%dma_start3A_692, %dma_start3A_693, %dma_start3A_694] : memref<512x2x16xf32, #tpu.memory_space<vmem>> -> memref<128x2x16xf32, #tpu.memory_space<vmem>>
      %dma_start3A_696 = arith.constant 0 : i32
      %dma_start3A_697 = tpu.memref_slice %arg9[%dma_start3A_691, %dma_start3A_696] : memref<4x128xi32, #tpu.memory_space<vmem>> -> memref<1x128xi32, #tpu.memory_space<vmem>>
      %dma_start3A_698 = tpu.memref_squeeze %dma_start3A_697 : memref<1x128xi32, #tpu.memory_space<vmem>> -> memref<128xi32, #tpu.memory_space<vmem>>
      %dma_start3A_699 = arith.constant 0 : i32
      %dma_start3A_700 = arith.constant 0 : i32
      %dma_start3A_701 = arith.constant 0 : i32
      %dma_start3A_702 = tpu.memref_slice %arg2[%dma_start3A_699, %dma_start3A_700, %dma_start3A_701] : memref<10016x2x16xf32, #tpu.memory_space<hbm>> -> memref<10016x2x16xf32, #tpu.memory_space<hbm>>
      tpu.enqueue_indirect_dma source(%dma_start3A_702 : memref<10016x2x16xf32, #tpu.memory_space<hbm>>) target(%dma_start3A_695 : memref<128x2x16xf32, #tpu.memory_space<vmem>>) offsets(%dma_start3A_698 : memref<128xi32, #tpu.memory_space<vmem>>) semaphore(%arg23 : memref<!tpu.dma_semaphore, #tpu.memory_space<semaphore_mem>>)
      %dma_start3A_703 = arith.constant 3 : i32
      %dma_start3A_704 = arith.constant 384 : i32
      %dma_start3A_705 = arith.constant 0 : i32
      %dma_start3A_706 = tpu.memref_slice %arg12[%dma_start3A_704, %dma_start3A_705] : memref<512x16xf32, #tpu.memory_space<vmem>> -> memref<128x16xf32, #tpu.memory_space<vmem>>
      %dma_start3A_707 = arith.constant 0 : i32
      %dma_start3A_708 = tpu.memref_slice %arg10[%dma_start3A_703, %dma_start3A_707] : memref<4x128xi32, #tpu.memory_space<vmem>> -> memref<1x128xi32, #tpu.memory_space<vmem>>
      %dma_start3A_709 = tpu.memref_squeeze %dma_start3A_708 : memref<1x128xi32, #tpu.memory_space<vmem>> -> memref<128xi32, #tpu.memory_space<vmem>>
      %dma_start3A_710 = arith.constant 0 : i32
      %dma_start3A_711 = arith.constant 0 : i32
      %dma_start3A_712 = tpu.memref_slice %arg3[%dma_start3A_710, %dma_start3A_711] : memref<10016x16xf32, #tpu.memory_space<hbm>> -> memref<10016x16xf32, #tpu.memory_space<hbm>>
      tpu.enqueue_indirect_dma source(%dma_start3A_712 : memref<10016x16xf32, #tpu.memory_space<hbm>>) target(%dma_start3A_706 : memref<128x16xf32, #tpu.memory_space<vmem>>) offsets(%dma_start3A_709 : memref<128xi32, #tpu.memory_space<vmem>>) semaphore(%arg23 : memref<!tpu.dma_semaphore, #tpu.memory_space<semaphore_mem>>)
      %scan3A_713 = arith.constant 0 : i32
      %scan3A_714 = arith.constant 0 : i32
      %scan3A_715 = arith.constant 512 : i32
      %scan3A_716 = arith.addi %scan3A_714, %scan3A_715 : i32
      %scan3A_717 = arith.constant 1 : i32
      scf.for %scan3A_879 = %scan3A_714 to %scan3A_716 step %scan3A_717  : i32 {
        %get3A = arith.constant 0 : i32
        %get3A_880 = arith.index_cast %scan3A_879 : i32 to index
        %get3A_881 = arith.index_cast %get3A : i32 to index
        %get3A_882 = arith.constant 0 : index
        %get3A_883 = tpu.vector_load %arg17[%get3A_880, %get3A_881, %get3A_882] {strides = array<i32>} : memref<512x2x16xf32, #tpu.memory_space<vmem>>, vector<1x1x16xf32>,
        %get3A_884 = vector.shape_cast %get3A_883 : vector<1x1x16xf32> to vector<16xf32>
        %get3A_885 = arith.constant 1 : i32
        %get3A_886 = arith.index_cast %scan3A_879 : i32 to index
        %get3A_887 = arith.index_cast %get3A_885 : i32 to index
        %get3A_888 = arith.constant 0 : index
        %get3A_889 = tpu.vector_load %arg17[%get3A_886, %get3A_887, %get3A_888] {strides = array<i32>} : memref<512x2x16xf32, #tpu.memory_space<vmem>>, vector<1x1x16xf32>,
        %get3A_890 = vector.shape_cast %get3A_889 : vector<1x1x16xf32> to vector<16xf32>
        %get3A_891 = arith.index_cast %scan3A_879 : i32 to index
        %get3A_892 = arith.constant 0 : index
        %get3A_893 = tpu.vector_load %arg18[%get3A_891, %get3A_892] {strides = array<i32>} : memref<512x16xf32, #tpu.memory_space<vmem>>, vector<1x16xf32>,
        %get3A_894 = vector.shape_cast %get3A_893 : vector<1x16xf32> to vector<16xf32>
        %mul3A_895 = arith.mulf %get3A_884, %get3A_894 : vector<16xf32>
        %iota3A = tpu.iota {dimensions = array<i32: 0>} : vector<16xi32>
        %xor3A = arith.constant 1 : i32
        %xor3A_896 = vector.broadcast %xor3A : i32 to vector<16xi32>
        %xor3A_897 = arith.xori %iota3A, %xor3A_896 : vector<16xi32>
        %lt3A = arith.constant 0 : i32
        %lt3A_898 = vector.broadcast %lt3A : i32 to vector<16xi32>
        %lt3A_899 = arith.cmpi slt, %xor3A_897, %lt3A_898 : vector<16xi32>
        %add3A_900 = arith.constant 16 : i32
        %add3A_901 = vector.broadcast %add3A_900 : i32 to vector<16xi32>
        %add3A_902 = arith.addi %xor3A_897, %add3A_901 : vector<16xi32>
        %select_n3A = arith.select %lt3A_899, %add3A_902, %xor3A_897 : vector<16xi1>, vector<16xi32>
        %broadcast_in_dim3A = vector.shape_cast %select_n3A : vector<16xi32> to vector<16x1xi32>
        %gather3A = vector.shape_cast %broadcast_in_dim3A : vector<16x1xi32> to vector<16xi32>
        %gather3A_903 = tpu.dynamic_gather %mul3A_895[%gather3A] in [0] : vector<16xf32>, vector<16xi32> -> vector<16xf32>
        %add3A_904 = arith.addf %mul3A_895, %gather3A_903 : vector<16xf32>
        %xor3A_905 = arith.constant 2 : i32
        %xor3A_906 = vector.broadcast %xor3A_905 : i32 to vector<16xi32>
        %xor3A_907 = arith.xori %iota3A, %xor3A_906 : vector<16xi32>
        %lt3A_908 = arith.constant 0 : i32
        %lt3A_909 = vector.broadcast %lt3A_908 : i32 to vector<16xi32>
        %lt3A_910 = arith.cmpi slt, %xor3A_907, %lt3A_909 : vector<16xi32>
        %add3A_911 = arith.constant 16 : i32
        %add3A_912 = vector.broadcast %add3A_911 : i32 to vector<16xi32>
        %add3A_913 = arith.addi %xor3A_907, %add3A_912 : vector<16xi32>
        %select_n3A_914 = arith.select %lt3A_910, %add3A_913, %xor3A_907 : vector<16xi1>, vector<16xi32>
        %broadcast_in_dim3A_915 = vector.shape_cast %select_n3A_914 : vector<16xi32> to vector<16x1xi32>
        %gather3A_916 = vector.shape_cast %broadcast_in_dim3A_915 : vector<16x1xi32> to vector<16xi32>
        %gather3A_917 = tpu.dynamic_gather %add3A_904[%gather3A_916] in [0] : vector<16xf32>, vector<16xi32> -> vector<16xf32>
        %add3A_918 = arith.addf %add3A_904, %gather3A_917 : vector<16xf32>
        %xor3A_919 = arith.constant 4 : i32
        %xor3A_920 = vector.broadcast %xor3A_919 : i32 to vector<16xi32>
        %xor3A_921 = arith.xori %iota3A, %xor3A_920 : vector<16xi32>
        %lt3A_922 = arith.constant 0 : i32
        %lt3A_923 = vector.broadcast %lt3A_922 : i32 to vector<16xi32>
        %lt3A_924 = arith.cmpi slt, %xor3A_921, %lt3A_923 : vector<16xi32>
        %add3A_925 = arith.constant 16 : i32
        %add3A_926 = vector.broadcast %add3A_925 : i32 to vector<16xi32>
        %add3A_927 = arith.addi %xor3A_921, %add3A_926 : vector<16xi32>
        %select_n3A_928 = arith.select %lt3A_924, %add3A_927, %xor3A_921 : vector<16xi1>, vector<16xi32>
        %broadcast_in_dim3A_929 = vector.shape_cast %select_n3A_928 : vector<16xi32> to vector<16x1xi32>
        %gather3A_930 = vector.shape_cast %broadcast_in_dim3A_929 : vector<16x1xi32> to vector<16xi32>
        %gather3A_931 = tpu.dynamic_gather %add3A_918[%gather3A_930] in [0] : vector<16xf32>, vector<16xi32> -> vector<16xf32>
        %add3A_932 = arith.addf %add3A_918, %gather3A_931 : vector<16xf32>
        %xor3A_933 = arith.constant 8 : i32
        %xor3A_934 = vector.broadcast %xor3A_933 : i32 to vector<16xi32>
        %xor3A_935 = arith.xori %iota3A, %xor3A_934 : vector<16xi32>
        %lt3A_936 = arith.constant 0 : i32
        %lt3A_937 = vector.broadcast %lt3A_936 : i32 to vector<16xi32>
        %lt3A_938 = arith.cmpi slt, %xor3A_935, %lt3A_937 : vector<16xi32>
        %add3A_939 = arith.constant 16 : i32
        %add3A_940 = vector.broadcast %add3A_939 : i32 to vector<16xi32>
        %add3A_941 = arith.addi %xor3A_935, %add3A_940 : vector<16xi32>
        %select_n3A_942 = arith.select %lt3A_938, %add3A_941, %xor3A_935 : vector<16xi1>, vector<16xi32>
        %broadcast_in_dim3A_943 = vector.shape_cast %select_n3A_942 : vector<16xi32> to vector<16x1xi32>
        %gather3A_944 = vector.shape_cast %broadcast_in_dim3A_943 : vector<16x1xi32> to vector<16xi32>
        %gather3A_945 = tpu.dynamic_gather %add3A_932[%gather3A_944] in [0] : vector<16xf32>, vector<16xi32> -> vector<16xf32>
        %add3A_946 = arith.addf %add3A_932, %gather3A_945 : vector<16xf32>
        %exp3A = math.exp %add3A_946 : vector<16xf32>
        %mul3A_947 = arith.mulf %exp3A, %get3A_890 : vector<16xf32>
        %swap3A = arith.index_cast %scan3A_879 : i32 to index
        %swap3A_948 = arith.constant 0 : index
        %swap3A_949 = tpu.vector_load %arg19[%swap3A, %swap3A_948] {strides = array<i32>} : memref<512x16xf32, #tpu.memory_space<vmem>>, vector<1x16xf32>,
        %swap3A_950 = vector.shape_cast %swap3A_949 : vector<1x16xf32> to vector<16xf32>
        %swap3A_951 = vector.shape_cast %mul3A_947 : vector<16xf32> to vector<1x16xf32>
        tpu.vector_store %arg19[%swap3A, %swap3A_948], %swap3A_951 {strides = array<i32>} : memref<512x16xf32, #tpu.memory_space<vmem>>, vector<1x16xf32>,
        %swap3A_952 = arith.index_cast %scan3A_879 : i32 to index
        %swap3A_953 = arith.constant 0 : index
        %swap3A_954 = tpu.vector_load %arg20[%swap3A_952, %swap3A_953] {strides = array<i32>} : memref<512x16xf32, #tpu.memory_space<vmem>>, vector<1x16xf32>,
        %swap3A_955 = vector.shape_cast %swap3A_954 : vector<1x16xf32> to vector<16xf32>
        %swap3A_956 = vector.shape_cast %exp3A : vector<16xf32> to vector<1x16xf32>
        tpu.vector_store %arg20[%swap3A_952, %swap3A_953], %swap3A_956 {strides = array<i32>} : memref<512x16xf32, #tpu.memory_space<vmem>>, vector<1x16xf32>,
      }
      %scan3A_718 = arith.constant 512 : i32
      %dma_start3A_719 = arith.constant 0 : i32
      %dma_start3A_720 = arith.constant 0 : i32
      %dma_start3A_721 = arith.constant 0 : i32
      %dma_start3A_722 = tpu.memref_slice %arg19[%dma_start3A_720, %dma_start3A_721] : memref<512x16xf32, #tpu.memory_space<vmem>> -> memref<128x16xf32, #tpu.memory_space<vmem>>
      %dma_start3A_723 = arith.constant 0 : i32
      %dma_start3A_724 = tpu.memref_slice %arg16[%dma_start3A_719, %dma_start3A_723] : memref<4x128xi32, #tpu.memory_space<vmem>> -> memref<1x128xi32, #tpu.memory_space<vmem>>
      %dma_start3A_725 = tpu.memref_squeeze %dma_start3A_724 : memref<1x128xi32, #tpu.memory_space<vmem>> -> memref<128xi32, #tpu.memory_space<vmem>>
      %dma_start3A_726 = arith.constant 0 : i32
      %dma_start3A_727 = arith.constant 0 : i32
      %dma_start3A_728 = tpu.memref_slice %arg21[%dma_start3A_726, %dma_start3A_727] : memref<10016x16xf32, #tpu.memory_space<vmem_shared>> -> memref<10016x16xf32, #tpu.memory_space<vmem_shared>>
      tpu.enqueue_indirect_dma source(%dma_start3A_722 : memref<128x16xf32, #tpu.memory_space<vmem>>) target(%dma_start3A_728 : memref<10016x16xf32, #tpu.memory_space<vmem_shared>>) offsets(%dma_start3A_725 : memref<128xi32, #tpu.memory_space<vmem>>) semaphore(%arg26 : memref<!tpu.dma_semaphore, #tpu.memory_space<semaphore_mem>>) {add = true}
      %dma_start3A_729 = arith.constant 0 : i32
      %dma_start3A_730 = arith.constant 0 : i32
      %dma_start3A_731 = arith.constant 0 : i32
      %dma_start3A_732 = tpu.memref_slice %arg20[%dma_start3A_730, %dma_start3A_731] : memref<512x16xf32, #tpu.memory_space<vmem>> -> memref<128x16xf32, #tpu.memory_space<vmem>>
      %dma_start3A_733 = arith.constant 0 : i32
      %dma_start3A_734 = tpu.memref_slice %arg16[%dma_start3A_729, %dma_start3A_733] : memref<4x128xi32, #tpu.memory_space<vmem>> -> memref<1x128xi32, #tpu.memory_space<vmem>>
      %dma_start3A_735 = tpu.memref_squeeze %dma_start3A_734 : memref<1x128xi32, #tpu.memory_space<vmem>> -> memref<128xi32, #tpu.memory_space<vmem>>
      %dma_start3A_736 = arith.constant 0 : i32
      %dma_start3A_737 = arith.constant 0 : i32
      %dma_start3A_738 = tpu.memref_slice %arg22[%dma_start3A_736, %dma_start3A_737] : memref<10016x16xf32, #tpu.memory_space<vmem_shared>> -> memref<10016x16xf32, #tpu.memory_space<vmem_shared>>
      tpu.enqueue_indirect_dma source(%dma_start3A_732 : memref<128x16xf32, #tpu.memory_space<vmem>>) target(%dma_start3A_738 : memref<10016x16xf32, #tpu.memory_space<vmem_shared>>) offsets(%dma_start3A_735 : memref<128xi32, #tpu.memory_space<vmem>>) semaphore(%arg26 : memref<!tpu.dma_semaphore, #tpu.memory_space<semaphore_mem>>) {add = true}
      %dma_start3A_739 = arith.constant 1 : i32
      %dma_start3A_740 = arith.constant 128 : i32
      %dma_start3A_741 = arith.constant 0 : i32
      %dma_start3A_742 = tpu.memref_slice %arg19[%dma_start3A_740, %dma_start3A_741] : memref<512x16xf32, #tpu.memory_space<vmem>> -> memref<128x16xf32, #tpu.memory_space<vmem>>
      %dma_start3A_743 = arith.constant 0 : i32
      %dma_start3A_744 = tpu.memref_slice %arg16[%dma_start3A_739, %dma_start3A_743] : memref<4x128xi32, #tpu.memory_space<vmem>> -> memref<1x128xi32, #tpu.memory_space<vmem>>
      %dma_start3A_745 = tpu.memref_squeeze %dma_start3A_744 : memref<1x128xi32, #tpu.memory_space<vmem>> -> memref<128xi32, #tpu.memory_space<vmem>>
      %dma_start3A_746 = arith.constant 0 : i32
      %dma_start3A_747 = arith.constant 0 : i32
      %dma_start3A_748 = tpu.memref_slice %arg21[%dma_start3A_746, %dma_start3A_747] : memref<10016x16xf32, #tpu.memory_space<vmem_shared>> -> memref<10016x16xf32, #tpu.memory_space<vmem_shared>>
      tpu.enqueue_indirect_dma source(%dma_start3A_742 : memref<128x16xf32, #tpu.memory_space<vmem>>) target(%dma_start3A_748 : memref<10016x16xf32, #tpu.memory_space<vmem_shared>>) offsets(%dma_start3A_745 : memref<128xi32, #tpu.memory_space<vmem>>) semaphore(%arg26 : memref<!tpu.dma_semaphore, #tpu.memory_space<semaphore_mem>>) {add = true}
      %dma_start3A_749 = arith.constant 1 : i32
      %dma_start3A_750 = arith.constant 128 : i32
      %dma_start3A_751 = arith.constant 0 : i32
      %dma_start3A_752 = tpu.memref_slice %arg20[%dma_start3A_750, %dma_start3A_751] : memref<512x16xf32, #tpu.memory_space<vmem>> -> memref<128x16xf32, #tpu.memory_space<vmem>>
      %dma_start3A_753 = arith.constant 0 : i32
      %dma_start3A_754 = tpu.memref_slice %arg16[%dma_start3A_749, %dma_start3A_753] : memref<4x128xi32, #tpu.memory_space<vmem>> -> memref<1x128xi32, #tpu.memory_space<vmem>>
      %dma_start3A_755 = tpu.memref_squeeze %dma_start3A_754 : memref<1x128xi32, #tpu.memory_space<vmem>> -> memref<128xi32, #tpu.memory_space<vmem>>
      %dma_start3A_756 = arith.constant 0 : i32
      %dma_start3A_757 = arith.constant 0 : i32
      %dma_start3A_758 = tpu.memref_slice %arg22[%dma_start3A_756, %dma_start3A_757] : memref<10016x16xf32, #tpu.memory_space<vmem_shared>> -> memref<10016x16xf32, #tpu.memory_space<vmem_shared>>
      tpu.enqueue_indirect_dma source(%dma_start3A_752 : memref<128x16xf32, #tpu.memory_space<vmem>>) target(%dma_start3A_758 : memref<10016x16xf32, #tpu.memory_space<vmem_shared>>) offsets(%dma_start3A_755 : memref<128xi32, #tpu.memory_space<vmem>>) semaphore(%arg26 : memref<!tpu.dma_semaphore, #tpu.memory_space<semaphore_mem>>) {add = true}
      %dma_start3A_759 = arith.constant 2 : i32
      %dma_start3A_760 = arith.constant 256 : i32
      %dma_start3A_761 = arith.constant 0 : i32
      %dma_start3A_762 = tpu.memref_slice %arg19[%dma_start3A_760, %dma_start3A_761] : memref<512x16xf32, #tpu.memory_space<vmem>> -> memref<128x16xf32, #tpu.memory_space<vmem>>
      %dma_start3A_763 = arith.constant 0 : i32
      %dma_start3A_764 = tpu.memref_slice %arg16[%dma_start3A_759, %dma_start3A_763] : memref<4x128xi32, #tpu.memory_space<vmem>> -> memref<1x128xi32, #tpu.memory_space<vmem>>
      %dma_start3A_765 = tpu.memref_squeeze %dma_start3A_764 : memref<1x128xi32, #tpu.memory_space<vmem>> -> memref<128xi32, #tpu.memory_space<vmem>>
      %dma_start3A_766 = arith.constant 0 : i32
      %dma_start3A_767 = arith.constant 0 : i32
      %dma_start3A_768 = tpu.memref_slice %arg21[%dma_start3A_766, %dma_start3A_767] : memref<10016x16xf32, #tpu.memory_space<vmem_shared>> -> memref<10016x16xf32, #tpu.memory_space<vmem_shared>>
      tpu.enqueue_indirect_dma source(%dma_start3A_762 : memref<128x16xf32, #tpu.memory_space<vmem>>) target(%dma_start3A_768 : memref<10016x16xf32, #tpu.memory_space<vmem_shared>>) offsets(%dma_start3A_765 : memref<128xi32, #tpu.memory_space<vmem>>) semaphore(%arg26 : memref<!tpu.dma_semaphore, #tpu.memory_space<semaphore_mem>>) {add = true}
      %dma_start3A_769 = arith.constant 2 : i32
      %dma_start3A_770 = arith.constant 256 : i32
      %dma_start3A_771 = arith.constant 0 : i32
      %dma_start3A_772 = tpu.memref_slice %arg20[%dma_start3A_770, %dma_start3A_771] : memref<512x16xf32, #tpu.memory_space<vmem>> -> memref<128x16xf32, #tpu.memory_space<vmem>>
      %dma_start3A_773 = arith.constant 0 : i32
      %dma_start3A_774 = tpu.memref_slice %arg16[%dma_start3A_769, %dma_start3A_773] : memref<4x128xi32, #tpu.memory_space<vmem>> -> memref<1x128xi32, #tpu.memory_space<vmem>>
      %dma_start3A_775 = tpu.memref_squeeze %dma_start3A_774 : memref<1x128xi32, #tpu.memory_space<vmem>> -> memref<128xi32, #tpu.memory_space<vmem>>
      %dma_start3A_776 = arith.constant 0 : i32
      %dma_start3A_777 = arith.constant 0 : i32
      %dma_start3A_778 = tpu.memref_slice %arg22[%dma_start3A_776, %dma_start3A_777] : memref<10016x16xf32, #tpu.memory_space<vmem_shared>> -> memref<10016x16xf32, #tpu.memory_space<vmem_shared>>
      tpu.enqueue_indirect_dma source(%dma_start3A_772 : memref<128x16xf32, #tpu.memory_space<vmem>>) target(%dma_start3A_778 : memref<10016x16xf32, #tpu.memory_space<vmem_shared>>) offsets(%dma_start3A_775 : memref<128xi32, #tpu.memory_space<vmem>>) semaphore(%arg26 : memref<!tpu.dma_semaphore, #tpu.memory_space<semaphore_mem>>) {add = true}
      %dma_start3A_779 = arith.constant 3 : i32
      %dma_start3A_780 = arith.constant 384 : i32
      %dma_start3A_781 = arith.constant 0 : i32
      %dma_start3A_782 = tpu.memref_slice %arg19[%dma_start3A_780, %dma_start3A_781] : memref<512x16xf32, #tpu.memory_space<vmem>> -> memref<128x16xf32, #tpu.memory_space<vmem>>
      %dma_start3A_783 = arith.constant 0 : i32
      %dma_start3A_784 = tpu.memref_slice %arg16[%dma_start3A_779, %dma_start3A_783] : memref<4x128xi32, #tpu.memory_space<vmem>> -> memref<1x128xi32, #tpu.memory_space<vmem>>
      %dma_start3A_785 = tpu.memref_squeeze %dma_start3A_784 : memref<1x128xi32, #tpu.memory_space<vmem>> -> memref<128xi32, #tpu.memory_space<vmem>>
      %dma_start3A_786 = arith.constant 0 : i32
      %dma_start3A_787 = arith.constant 0 : i32
      %dma_start3A_788 = tpu.memref_slice %arg21[%dma_start3A_786, %dma_start3A_787] : memref<10016x16xf32, #tpu.memory_space<vmem_shared>> -> memref<10016x16xf32, #tpu.memory_space<vmem_shared>>
      tpu.enqueue_indirect_dma source(%dma_start3A_782 : memref<128x16xf32, #tpu.memory_space<vmem>>) target(%dma_start3A_788 : memref<10016x16xf32, #tpu.memory_space<vmem_shared>>) offsets(%dma_start3A_785 : memref<128xi32, #tpu.memory_space<vmem>>) semaphore(%arg26 : memref<!tpu.dma_semaphore, #tpu.memory_space<semaphore_mem>>) {add = true}
      %dma_start3A_789 = arith.constant 3 : i32
      %dma_start3A_790 = arith.constant 384 : i32
      %dma_start3A_791 = arith.constant 0 : i32
      %dma_start3A_792 = tpu.memref_slice %arg20[%dma_start3A_790, %dma_start3A_791] : memref<512x16xf32, #tpu.memory_space<vmem>> -> memref<128x16xf32, #tpu.memory_space<vmem>>
      %dma_start3A_793 = arith.constant 0 : i32
      %dma_start3A_794 = tpu.memref_slice %arg16[%dma_start3A_789, %dma_start3A_793] : memref<4x128xi32, #tpu.memory_space<vmem>> -> memref<1x128xi32, #tpu.memory_space<vmem>>
      %dma_start3A_795 = tpu.memref_squeeze %dma_start3A_794 : memref<1x128xi32, #tpu.memory_space<vmem>> -> memref<128xi32, #tpu.memory_space<vmem>>
      %dma_start3A_796 = arith.constant 0 : i32
      %dma_start3A_797 = arith.constant 0 : i32
      %dma_start3A_798 = tpu.memref_slice %arg22[%dma_start3A_796, %dma_start3A_797] : memref<10016x16xf32, #tpu.memory_space<vmem_shared>> -> memref<10016x16xf32, #tpu.memory_space<vmem_shared>>
      tpu.enqueue_indirect_dma source(%dma_start3A_792 : memref<128x16xf32, #tpu.memory_space<vmem>>) target(%dma_start3A_798 : memref<10016x16xf32, #tpu.memory_space<vmem_shared>>) offsets(%dma_start3A_795 : memref<128xi32, #tpu.memory_space<vmem>>) semaphore(%arg26 : memref<!tpu.dma_semaphore, #tpu.memory_space<semaphore_mem>>) {add = true}
      %dma_wait3A_799 = arith.constant 0 : i32
      %dma_wait3A_800 = arith.constant 0 : i32
      %dma_wait3A_801 = arith.constant 0 : i32
      %dma_wait3A_802 = tpu.memref_slice %arg19[%dma_wait3A_800, %dma_wait3A_801] : memref<512x16xf32, #tpu.memory_space<vmem>> -> memref<128x16xf32, #tpu.memory_space<vmem>>
      %dma_wait3A_803 = arith.constant 0 : i32
      %dma_wait3A_804 = tpu.memref_slice %arg16[%dma_wait3A_799, %dma_wait3A_803] : memref<4x128xi32, #tpu.memory_space<vmem>> -> memref<1x128xi32, #tpu.memory_space<vmem>>
      %dma_wait3A_805 = tpu.memref_squeeze %dma_wait3A_804 : memref<1x128xi32, #tpu.memory_space<vmem>> -> memref<128xi32, #tpu.memory_space<vmem>>
      %dma_wait3A_806 = arith.constant 0 : i32
      %dma_wait3A_807 = arith.constant 0 : i32
      %dma_wait3A_808 = tpu.memref_slice %arg21[%dma_wait3A_806, %dma_wait3A_807] : memref<10016x16xf32, #tpu.memory_space<vmem_shared>> -> memref<10016x16xf32, #tpu.memory_space<vmem_shared>>
      tpu.wait_indirect_dma semaphore(%arg26 : memref<!tpu.dma_semaphore, #tpu.memory_space<semaphore_mem>>) src(%dma_wait3A_802 : memref<128x16xf32, #tpu.memory_space<vmem>>) dst(%dma_wait3A_808 : memref<10016x16xf32, #tpu.memory_space<vmem_shared>>)
      %dma_wait3A_809 = arith.constant 0 : i32
      %dma_wait3A_810 = arith.constant 0 : i32
      %dma_wait3A_811 = arith.constant 0 : i32
      %dma_wait3A_812 = tpu.memref_slice %arg20[%dma_wait3A_810, %dma_wait3A_811] : memref<512x16xf32, #tpu.memory_space<vmem>> -> memref<128x16xf32, #tpu.memory_space<vmem>>
      %dma_wait3A_813 = arith.constant 0 : i32
      %dma_wait3A_814 = tpu.memref_slice %arg16[%dma_wait3A_809, %dma_wait3A_813] : memref<4x128xi32, #tpu.memory_space<vmem>> -> memref<1x128xi32, #tpu.memory_space<vmem>>
      %dma_wait3A_815 = tpu.memref_squeeze %dma_wait3A_814 : memref<1x128xi32, #tpu.memory_space<vmem>> -> memref<128xi32, #tpu.memory_space<vmem>>
      %dma_wait3A_816 = arith.constant 0 : i32
      %dma_wait3A_817 = arith.constant 0 : i32
      %dma_wait3A_818 = tpu.memref_slice %arg22[%dma_wait3A_816, %dma_wait3A_817] : memref<10016x16xf32, #tpu.memory_space<vmem_shared>> -> memref<10016x16xf32, #tpu.memory_space<vmem_shared>>
      tpu.wait_indirect_dma semaphore(%arg26 : memref<!tpu.dma_semaphore, #tpu.memory_space<semaphore_mem>>) src(%dma_wait3A_812 : memref<128x16xf32, #tpu.memory_space<vmem>>) dst(%dma_wait3A_818 : memref<10016x16xf32, #tpu.memory_space<vmem_shared>>)
      %dma_wait3A_819 = arith.constant 1 : i32
      %dma_wait3A_820 = arith.constant 128 : i32
      %dma_wait3A_821 = arith.constant 0 : i32
      %dma_wait3A_822 = tpu.memref_slice %arg19[%dma_wait3A_820, %dma_wait3A_821] : memref<512x16xf32, #tpu.memory_space<vmem>> -> memref<128x16xf32, #tpu.memory_space<vmem>>
      %dma_wait3A_823 = arith.constant 0 : i32
      %dma_wait3A_824 = tpu.memref_slice %arg16[%dma_wait3A_819, %dma_wait3A_823] : memref<4x128xi32, #tpu.memory_space<vmem>> -> memref<1x128xi32, #tpu.memory_space<vmem>>
      %dma_wait3A_825 = tpu.memref_squeeze %dma_wait3A_824 : memref<1x128xi32, #tpu.memory_space<vmem>> -> memref<128xi32, #tpu.memory_space<vmem>>
      %dma_wait3A_826 = arith.constant 0 : i32
      %dma_wait3A_827 = arith.constant 0 : i32
      %dma_wait3A_828 = tpu.memref_slice %arg21[%dma_wait3A_826, %dma_wait3A_827] : memref<10016x16xf32, #tpu.memory_space<vmem_shared>> -> memref<10016x16xf32, #tpu.memory_space<vmem_shared>>
      tpu.wait_indirect_dma semaphore(%arg26 : memref<!tpu.dma_semaphore, #tpu.memory_space<semaphore_mem>>) src(%dma_wait3A_822 : memref<128x16xf32, #tpu.memory_space<vmem>>) dst(%dma_wait3A_828 : memref<10016x16xf32, #tpu.memory_space<vmem_shared>>)
      %dma_wait3A_829 = arith.constant 1 : i32
      %dma_wait3A_830 = arith.constant 128 : i32
      %dma_wait3A_831 = arith.constant 0 : i32
      %dma_wait3A_832 = tpu.memref_slice %arg20[%dma_wait3A_830, %dma_wait3A_831] : memref<512x16xf32, #tpu.memory_space<vmem>> -> memref<128x16xf32, #tpu.memory_space<vmem>>
      %dma_wait3A_833 = arith.constant 0 : i32
      %dma_wait3A_834 = tpu.memref_slice %arg16[%dma_wait3A_829, %dma_wait3A_833] : memref<4x128xi32, #tpu.memory_space<vmem>> -> memref<1x128xi32, #tpu.memory_space<vmem>>
      %dma_wait3A_835 = tpu.memref_squeeze %dma_wait3A_834 : memref<1x128xi32, #tpu.memory_space<vmem>> -> memref<128xi32, #tpu.memory_space<vmem>>
      %dma_wait3A_836 = arith.constant 0 : i32
      %dma_wait3A_837 = arith.constant 0 : i32
      %dma_wait3A_838 = tpu.memref_slice %arg22[%dma_wait3A_836, %dma_wait3A_837] : memref<10016x16xf32, #tpu.memory_space<vmem_shared>> -> memref<10016x16xf32, #tpu.memory_space<vmem_shared>>
      tpu.wait_indirect_dma semaphore(%arg26 : memref<!tpu.dma_semaphore, #tpu.memory_space<semaphore_mem>>) src(%dma_wait3A_832 : memref<128x16xf32, #tpu.memory_space<vmem>>) dst(%dma_wait3A_838 : memref<10016x16xf32, #tpu.memory_space<vmem_shared>>)
      %dma_wait3A_839 = arith.constant 2 : i32
      %dma_wait3A_840 = arith.constant 256 : i32
      %dma_wait3A_841 = arith.constant 0 : i32
      %dma_wait3A_842 = tpu.memref_slice %arg19[%dma_wait3A_840, %dma_wait3A_841] : memref<512x16xf32, #tpu.memory_space<vmem>> -> memref<128x16xf32, #tpu.memory_space<vmem>>
      %dma_wait3A_843 = arith.constant 0 : i32
      %dma_wait3A_844 = tpu.memref_slice %arg16[%dma_wait3A_839, %dma_wait3A_843] : memref<4x128xi32, #tpu.memory_space<vmem>> -> memref<1x128xi32, #tpu.memory_space<vmem>>
      %dma_wait3A_845 = tpu.memref_squeeze %dma_wait3A_844 : memref<1x128xi32, #tpu.memory_space<vmem>> -> memref<128xi32, #tpu.memory_space<vmem>>
      %dma_wait3A_846 = arith.constant 0 : i32
      %dma_wait3A_847 = arith.constant 0 : i32
      %dma_wait3A_848 = tpu.memref_slice %arg21[%dma_wait3A_846, %dma_wait3A_847] : memref<10016x16xf32, #tpu.memory_space<vmem_shared>> -> memref<10016x16xf32, #tpu.memory_space<vmem_shared>>
      tpu.wait_indirect_dma semaphore(%arg26 : memref<!tpu.dma_semaphore, #tpu.memory_space<semaphore_mem>>) src(%dma_wait3A_842 : memref<128x16xf32, #tpu.memory_space<vmem>>) dst(%dma_wait3A_848 : memref<10016x16xf32, #tpu.memory_space<vmem_shared>>)
      %dma_wait3A_849 = arith.constant 2 : i32
      %dma_wait3A_850 = arith.constant 256 : i32
      %dma_wait3A_851 = arith.constant 0 : i32
      %dma_wait3A_852 = tpu.memref_slice %arg20[%dma_wait3A_850, %dma_wait3A_851] : memref<512x16xf32, #tpu.memory_space<vmem>> -> memref<128x16xf32, #tpu.memory_space<vmem>>
      %dma_wait3A_853 = arith.constant 0 : i32
      %dma_wait3A_854 = tpu.memref_slice %arg16[%dma_wait3A_849, %dma_wait3A_853] : memref<4x128xi32, #tpu.memory_space<vmem>> -> memref<1x128xi32, #tpu.memory_space<vmem>>
      %dma_wait3A_855 = tpu.memref_squeeze %dma_wait3A_854 : memref<1x128xi32, #tpu.memory_space<vmem>> -> memref<128xi32, #tpu.memory_space<vmem>>
      %dma_wait3A_856 = arith.constant 0 : i32
      %dma_wait3A_857 = arith.constant 0 : i32
      %dma_wait3A_858 = tpu.memref_slice %arg22[%dma_wait3A_856, %dma_wait3A_857] : memref<10016x16xf32, #tpu.memory_space<vmem_shared>> -> memref<10016x16xf32, #tpu.memory_space<vmem_shared>>
      tpu.wait_indirect_dma semaphore(%arg26 : memref<!tpu.dma_semaphore, #tpu.memory_space<semaphore_mem>>) src(%dma_wait3A_852 : memref<128x16xf32, #tpu.memory_space<vmem>>) dst(%dma_wait3A_858 : memref<10016x16xf32, #tpu.memory_space<vmem_shared>>)
      %dma_wait3A_859 = arith.constant 3 : i32
      %dma_wait3A_860 = arith.constant 384 : i32
      %dma_wait3A_861 = arith.constant 0 : i32
      %dma_wait3A_862 = tpu.memref_slice %arg19[%dma_wait3A_860, %dma_wait3A_861] : memref<512x16xf32, #tpu.memory_space<vmem>> -> memref<128x16xf32, #tpu.memory_space<vmem>>
      %dma_wait3A_863 = arith.constant 0 : i32
      %dma_wait3A_864 = tpu.memref_slice %arg16[%dma_wait3A_859, %dma_wait3A_863] : memref<4x128xi32, #tpu.memory_space<vmem>> -> memref<1x128xi32, #tpu.memory_space<vmem>>
      %dma_wait3A_865 = tpu.memref_squeeze %dma_wait3A_864 : memref<1x128xi32, #tpu.memory_space<vmem>> -> memref<128xi32, #tpu.memory_space<vmem>>
      %dma_wait3A_866 = arith.constant 0 : i32
      %dma_wait3A_867 = arith.constant 0 : i32
      %dma_wait3A_868 = tpu.memref_slice %arg21[%dma_wait3A_866, %dma_wait3A_867] : memref<10016x16xf32, #tpu.memory_space<vmem_shared>> -> memref<10016x16xf32, #tpu.memory_space<vmem_shared>>
      tpu.wait_indirect_dma semaphore(%arg26 : memref<!tpu.dma_semaphore, #tpu.memory_space<semaphore_mem>>) src(%dma_wait3A_862 : memref<128x16xf32, #tpu.memory_space<vmem>>) dst(%dma_wait3A_868 : memref<10016x16xf32, #tpu.memory_space<vmem_shared>>)
      %dma_wait3A_869 = arith.constant 3 : i32
      %dma_wait3A_870 = arith.constant 384 : i32
      %dma_wait3A_871 = arith.constant 0 : i32
      %dma_wait3A_872 = tpu.memref_slice %arg20[%dma_wait3A_870, %dma_wait3A_871] : memref<512x16xf32, #tpu.memory_space<vmem>> -> memref<128x16xf32, #tpu.memory_space<vmem>>
      %dma_wait3A_873 = arith.constant 0 : i32
      %dma_wait3A_874 = tpu.memref_slice %arg16[%dma_wait3A_869, %dma_wait3A_873] : memref<4x128xi32, #tpu.memory_space<vmem>> -> memref<1x128xi32, #tpu.memory_space<vmem>>
      %dma_wait3A_875 = tpu.memref_squeeze %dma_wait3A_874 : memref<1x128xi32, #tpu.memory_space<vmem>> -> memref<128xi32, #tpu.memory_space<vmem>>
      %dma_wait3A_876 = arith.constant 0 : i32
      %dma_wait3A_877 = arith.constant 0 : i32
      %dma_wait3A_878 = tpu.memref_slice %arg22[%dma_wait3A_876, %dma_wait3A_877] : memref<10016x16xf32, #tpu.memory_space<vmem_shared>> -> memref<10016x16xf32, #tpu.memory_space<vmem_shared>>
      tpu.wait_indirect_dma semaphore(%arg26 : memref<!tpu.dma_semaphore, #tpu.memory_space<semaphore_mem>>) src(%dma_wait3A_872 : memref<128x16xf32, #tpu.memory_space<vmem>>) dst(%dma_wait3A_878 : memref<10016x16xf32, #tpu.memory_space<vmem_shared>>)
    }
    %scan3A_104 = arith.constant 11 : i32
    %dma_wait3A = arith.constant 0 : i32
    %dma_wait3A_105 = arith.constant 0 : i32
    %dma_wait3A_106 = arith.constant 0 : i32
    %dma_wait3A_107 = arith.constant 0 : i32
    %dma_wait3A_108 = tpu.memref_slice %arg11[%dma_wait3A_105, %dma_wait3A_106, %dma_wait3A_107] : memref<512x2x16xf32, #tpu.memory_space<vmem>> -> memref<128x2x16xf32, #tpu.memory_space<vmem>>
    %dma_wait3A_109 = arith.constant 0 : i32
    %dma_wait3A_110 = tpu.memref_slice %arg9[%dma_wait3A, %dma_wait3A_109] : memref<4x128xi32, #tpu.memory_space<vmem>> -> memref<1x128xi32, #tpu.memory_space<vmem>>
    %dma_wait3A_111 = tpu.memref_squeeze %dma_wait3A_110 : memref<1x128xi32, #tpu.memory_space<vmem>> -> memref<128xi32, #tpu.memory_space<vmem>>
    %dma_wait3A_112 = arith.constant 0 : i32
    %dma_wait3A_113 = arith.constant 0 : i32
    %dma_wait3A_114 = arith.constant 0 : i32
    %dma_wait3A_115 = tpu.memref_slice %arg2[%dma_wait3A_112, %dma_wait3A_113, %dma_wait3A_114] : memref<10016x2x16xf32, #tpu.memory_space<hbm>> -> memref<10016x2x16xf32, #tpu.memory_space<hbm>>
    tpu.wait_indirect_dma semaphore(%arg23 : memref<!tpu.dma_semaphore, #tpu.memory_space<semaphore_mem>>) src(%dma_wait3A_115 : memref<10016x2x16xf32, #tpu.memory_space<hbm>>) dst(%dma_wait3A_108 : memref<128x2x16xf32, #tpu.memory_space<vmem>>)
    %dma_wait3A_116 = arith.constant 0 : i32
    %dma_wait3A_117 = arith.constant 0 : i32
    %dma_wait3A_118 = arith.constant 0 : i32
    %dma_wait3A_119 = tpu.memref_slice %arg12[%dma_wait3A_117, %dma_wait3A_118] : memref<512x16xf32, #tpu.memory_space<vmem>> -> memref<128x16xf32, #tpu.memory_space<vmem>>
    %dma_wait3A_120 = arith.constant 0 : i32
    %dma_wait3A_121 = tpu.memref_slice %arg10[%dma_wait3A_116, %dma_wait3A_120] : memref<4x128xi32, #tpu.memory_space<vmem>> -> memref<1x128xi32, #tpu.memory_space<vmem>>
    %dma_wait3A_122 = tpu.memref_squeeze %dma_wait3A_121 : memref<1x128xi32, #tpu.memory_space<vmem>> -> memref<128xi32, #tpu.memory_space<vmem>>
    %dma_wait3A_123 = arith.constant 0 : i32
    %dma_wait3A_124 = arith.constant 0 : i32
    %dma_wait3A_125 = tpu.memref_slice %arg3[%dma_wait3A_123, %dma_wait3A_124] : memref<10016x16xf32, #tpu.memory_space<hbm>> -> memref<10016x16xf32, #tpu.memory_space<hbm>>
    tpu.wait_indirect_dma semaphore(%arg23 : memref<!tpu.dma_semaphore, #tpu.memory_space<semaphore_mem>>) src(%dma_wait3A_125 : memref<10016x16xf32, #tpu.memory_space<hbm>>) dst(%dma_wait3A_119 : memref<128x16xf32, #tpu.memory_space<vmem>>)
    %dma_wait3A_126 = arith.constant 1 : i32
    %dma_wait3A_127 = arith.constant 128 : i32
    %dma_wait3A_128 = arith.constant 0 : i32
    %dma_wait3A_129 = arith.constant 0 : i32
    %dma_wait3A_130 = tpu.memref_slice %arg11[%dma_wait3A_127, %dma_wait3A_128, %dma_wait3A_129] : memref<512x2x16xf32, #tpu.memory_space<vmem>> -> memref<128x2x16xf32, #tpu.memory_space<vmem>>
    %dma_wait3A_131 = arith.constant 0 : i32
    %dma_wait3A_132 = tpu.memref_slice %arg9[%dma_wait3A_126, %dma_wait3A_131] : memref<4x128xi32, #tpu.memory_space<vmem>> -> memref<1x128xi32, #tpu.memory_space<vmem>>
    %dma_wait3A_133 = tpu.memref_squeeze %dma_wait3A_132 : memref<1x128xi32, #tpu.memory_space<vmem>> -> memref<128xi32, #tpu.memory_space<vmem>>
    %dma_wait3A_134 = arith.constant 0 : i32
    %dma_wait3A_135 = arith.constant 0 : i32
    %dma_wait3A_136 = arith.constant 0 : i32
    %dma_wait3A_137 = tpu.memref_slice %arg2[%dma_wait3A_134, %dma_wait3A_135, %dma_wait3A_136] : memref<10016x2x16xf32, #tpu.memory_space<hbm>> -> memref<10016x2x16xf32, #tpu.memory_space<hbm>>
    tpu.wait_indirect_dma semaphore(%arg23 : memref<!tpu.dma_semaphore, #tpu.memory_space<semaphore_mem>>) src(%dma_wait3A_137 : memref<10016x2x16xf32, #tpu.memory_space<hbm>>) dst(%dma_wait3A_130 : memref<128x2x16xf32, #tpu.memory_space<vmem>>)
    %dma_wait3A_138 = arith.constant 1 : i32
    %dma_wait3A_139 = arith.constant 128 : i32
    %dma_wait3A_140 = arith.constant 0 : i32
    %dma_wait3A_141 = tpu.memref_slice %arg12[%dma_wait3A_139, %dma_wait3A_140] : memref<512x16xf32, #tpu.memory_space<vmem>> -> memref<128x16xf32, #tpu.memory_space<vmem>>
    %dma_wait3A_142 = arith.constant 0 : i32
    %dma_wait3A_143 = tpu.memref_slice %arg10[%dma_wait3A_138, %dma_wait3A_142] : memref<4x128xi32, #tpu.memory_space<vmem>> -> memref<1x128xi32, #tpu.memory_space<vmem>>
    %dma_wait3A_144 = tpu.memref_squeeze %dma_wait3A_143 : memref<1x128xi32, #tpu.memory_space<vmem>> -> memref<128xi32, #tpu.memory_space<vmem>>
    %dma_wait3A_145 = arith.constant 0 : i32
    %dma_wait3A_146 = arith.constant 0 : i32
    %dma_wait3A_147 = tpu.memref_slice %arg3[%dma_wait3A_145, %dma_wait3A_146] : memref<10016x16xf32, #tpu.memory_space<hbm>> -> memref<10016x16xf32, #tpu.memory_space<hbm>>
    tpu.wait_indirect_dma semaphore(%arg23 : memref<!tpu.dma_semaphore, #tpu.memory_space<semaphore_mem>>) src(%dma_wait3A_147 : memref<10016x16xf32, #tpu.memory_space<hbm>>) dst(%dma_wait3A_141 : memref<128x16xf32, #tpu.memory_space<vmem>>)
    %dma_wait3A_148 = arith.constant 2 : i32
    %dma_wait3A_149 = arith.constant 256 : i32
    %dma_wait3A_150 = arith.constant 0 : i32
    %dma_wait3A_151 = arith.constant 0 : i32
    %dma_wait3A_152 = tpu.memref_slice %arg11[%dma_wait3A_149, %dma_wait3A_150, %dma_wait3A_151] : memref<512x2x16xf32, #tpu.memory_space<vmem>> -> memref<128x2x16xf32, #tpu.memory_space<vmem>>
    %dma_wait3A_153 = arith.constant 0 : i32
    %dma_wait3A_154 = tpu.memref_slice %arg9[%dma_wait3A_148, %dma_wait3A_153] : memref<4x128xi32, #tpu.memory_space<vmem>> -> memref<1x128xi32, #tpu.memory_space<vmem>>
    %dma_wait3A_155 = tpu.memref_squeeze %dma_wait3A_154 : memref<1x128xi32, #tpu.memory_space<vmem>> -> memref<128xi32, #tpu.memory_space<vmem>>
    %dma_wait3A_156 = arith.constant 0 : i32
    %dma_wait3A_157 = arith.constant 0 : i32
    %dma_wait3A_158 = arith.constant 0 : i32
    %dma_wait3A_159 = tpu.memref_slice %arg2[%dma_wait3A_156, %dma_wait3A_157, %dma_wait3A_158] : memref<10016x2x16xf32, #tpu.memory_space<hbm>> -> memref<10016x2x16xf32, #tpu.memory_space<hbm>>
    tpu.wait_indirect_dma semaphore(%arg23 : memref<!tpu.dma_semaphore, #tpu.memory_space<semaphore_mem>>) src(%dma_wait3A_159 : memref<10016x2x16xf32, #tpu.memory_space<hbm>>) dst(%dma_wait3A_152 : memref<128x2x16xf32, #tpu.memory_space<vmem>>)
    %dma_wait3A_160 = arith.constant 2 : i32
    %dma_wait3A_161 = arith.constant 256 : i32
    %dma_wait3A_162 = arith.constant 0 : i32
    %dma_wait3A_163 = tpu.memref_slice %arg12[%dma_wait3A_161, %dma_wait3A_162] : memref<512x16xf32, #tpu.memory_space<vmem>> -> memref<128x16xf32, #tpu.memory_space<vmem>>
    %dma_wait3A_164 = arith.constant 0 : i32
    %dma_wait3A_165 = tpu.memref_slice %arg10[%dma_wait3A_160, %dma_wait3A_164] : memref<4x128xi32, #tpu.memory_space<vmem>> -> memref<1x128xi32, #tpu.memory_space<vmem>>
    %dma_wait3A_166 = tpu.memref_squeeze %dma_wait3A_165 : memref<1x128xi32, #tpu.memory_space<vmem>> -> memref<128xi32, #tpu.memory_space<vmem>>
    %dma_wait3A_167 = arith.constant 0 : i32
    %dma_wait3A_168 = arith.constant 0 : i32
    %dma_wait3A_169 = tpu.memref_slice %arg3[%dma_wait3A_167, %dma_wait3A_168] : memref<10016x16xf32, #tpu.memory_space<hbm>> -> memref<10016x16xf32, #tpu.memory_space<hbm>>
    tpu.wait_indirect_dma semaphore(%arg23 : memref<!tpu.dma_semaphore, #tpu.memory_space<semaphore_mem>>) src(%dma_wait3A_169 : memref<10016x16xf32, #tpu.memory_space<hbm>>) dst(%dma_wait3A_163 : memref<128x16xf32, #tpu.memory_space<vmem>>)
    %dma_wait3A_170 = arith.constant 3 : i32
    %dma_wait3A_171 = arith.constant 384 : i32
    %dma_wait3A_172 = arith.constant 0 : i32
    %dma_wait3A_173 = arith.constant 0 : i32
    %dma_wait3A_174 = tpu.memref_slice %arg11[%dma_wait3A_171, %dma_wait3A_172, %dma_wait3A_173] : memref<512x2x16xf32, #tpu.memory_space<vmem>> -> memref<128x2x16xf32, #tpu.memory_space<vmem>>
    %dma_wait3A_175 = arith.constant 0 : i32
    %dma_wait3A_176 = tpu.memref_slice %arg9[%dma_wait3A_170, %dma_wait3A_175] : memref<4x128xi32, #tpu.memory_space<vmem>> -> memref<1x128xi32, #tpu.memory_space<vmem>>
    %dma_wait3A_177 = tpu.memref_squeeze %dma_wait3A_176 : memref<1x128xi32, #tpu.memory_space<vmem>> -> memref<128xi32, #tpu.memory_space<vmem>>
    %dma_wait3A_178 = arith.constant 0 : i32
    %dma_wait3A_179 = arith.constant 0 : i32
    %dma_wait3A_180 = arith.constant 0 : i32
    %dma_wait3A_181 = tpu.memref_slice %arg2[%dma_wait3A_178, %dma_wait3A_179, %dma_wait3A_180] : memref<10016x2x16xf32, #tpu.memory_space<hbm>> -> memref<10016x2x16xf32, #tpu.memory_space<hbm>>
    tpu.wait_indirect_dma semaphore(%arg23 : memref<!tpu.dma_semaphore, #tpu.memory_space<semaphore_mem>>) src(%dma_wait3A_181 : memref<10016x2x16xf32, #tpu.memory_space<hbm>>) dst(%dma_wait3A_174 : memref<128x2x16xf32, #tpu.memory_space<vmem>>)
    %dma_wait3A_182 = arith.constant 3 : i32
    %dma_wait3A_183 = arith.constant 384 : i32
    %dma_wait3A_184 = arith.constant 0 : i32
    %dma_wait3A_185 = tpu.memref_slice %arg12[%dma_wait3A_183, %dma_wait3A_184] : memref<512x16xf32, #tpu.memory_space<vmem>> -> memref<128x16xf32, #tpu.memory_space<vmem>>
    %dma_wait3A_186 = arith.constant 0 : i32
    %dma_wait3A_187 = tpu.memref_slice %arg10[%dma_wait3A_182, %dma_wait3A_186] : memref<4x128xi32, #tpu.memory_space<vmem>> -> memref<1x128xi32, #tpu.memory_space<vmem>>
    %dma_wait3A_188 = tpu.memref_squeeze %dma_wait3A_187 : memref<1x128xi32, #tpu.memory_space<vmem>> -> memref<128xi32, #tpu.memory_space<vmem>>
    %dma_wait3A_189 = arith.constant 0 : i32
    %dma_wait3A_190 = arith.constant 0 : i32
    %dma_wait3A_191 = tpu.memref_slice %arg3[%dma_wait3A_189, %dma_wait3A_190] : memref<10016x16xf32, #tpu.memory_space<hbm>> -> memref<10016x16xf32, #tpu.memory_space<hbm>>
    tpu.wait_indirect_dma semaphore(%arg23 : memref<!tpu.dma_semaphore, #tpu.memory_space<semaphore_mem>>) src(%dma_wait3A_191 : memref<10016x16xf32, #tpu.memory_space<hbm>>) dst(%dma_wait3A_185 : memref<128x16xf32, #tpu.memory_space<vmem>>)
    %barrier3A_192 = arith.constant 0 : index
    tpu.barrier barrier_id(%barrier3A_192)
    "tpu.region"() ({
      %run_scoped3A = tpu.sem_alloc : memref<!tpu.dma_semaphore, #tpu.memory_space<semaphore_mem>>
      %dma_start3A_193 = arith.constant 0 : i32
      %dma_start3A_194 = tpu.memref_slice %arg7[%arg0, %mul3A_2, %dma_start3A_193] : memref<2x10016x16xf32, #tpu.memory_space<hbm>> -> memref<1x626x16xf32, #tpu.memory_space<hbm>>
      %dma_start3A_195 = tpu.memref_squeeze %dma_start3A_194 : memref<1x626x16xf32, #tpu.memory_space<hbm>> -> memref<626x16xf32, #tpu.memory_space<hbm>>
      %dma_start3A_196 = arith.constant 0 : i32
      %dma_start3A_197 = tpu.memref_slice %arg21[%mul3A_2, %dma_start3A_196] : memref<10016x16xf32, #tpu.memory_space<vmem_shared>> -> memref<626x16xf32, #tpu.memory_space<vmem_shared>>
      tpu.enqueue_dma source(%dma_start3A_197 : memref<626x16xf32, #tpu.memory_space<vmem_shared>>) target(%dma_start3A_195 : memref<626x16xf32, #tpu.memory_space<hbm>>) target_semaphore(%run_scoped3A : memref<!tpu.dma_semaphore, #tpu.memory_space<semaphore_mem>>)
      %dma_wait3A_198 = arith.constant 0 : i32
      %dma_wait3A_199 = tpu.memref_slice %arg7[%arg0, %mul3A_2, %dma_wait3A_198] : memref<2x10016x16xf32, #tpu.memory_space<hbm>> -> memref<1x626x16xf32, #tpu.memory_space<hbm>>
      %dma_wait3A_200 = tpu.memref_squeeze %dma_wait3A_199 : memref<1x626x16xf32, #tpu.memory_space<hbm>> -> memref<626x16xf32, #tpu.memory_space<hbm>>
      %dma_wait3A_201 = arith.constant 0 : i32
      %dma_wait3A_202 = tpu.memref_slice %arg21[%mul3A_2, %dma_wait3A_201] : memref<10016x16xf32, #tpu.memory_space<vmem_shared>> -> memref<626x16xf32, #tpu.memory_space<vmem_shared>>
      tpu.wait_dma2 semaphore(%run_scoped3A : memref<!tpu.dma_semaphore, #tpu.memory_space<semaphore_mem>>) src(%dma_wait3A_202 : memref<626x16xf32, #tpu.memory_space<vmem_shared>>) dst(%dma_wait3A_200 : memref<626x16xf32, #tpu.memory_space<hbm>>)
      tpu.yield
    }) : () -> ()
    "tpu.region"() ({
      %run_scoped3A = tpu.sem_alloc : memref<!tpu.dma_semaphore, #tpu.memory_space<semaphore_mem>>
      %dma_start3A_193 = arith.constant 0 : i32
      %dma_start3A_194 = tpu.memref_slice %arg8[%arg0, %mul3A_2, %dma_start3A_193] : memref<2x10016x16xf32, #tpu.memory_space<hbm>> -> memref<1x626x16xf32, #tpu.memory_space<hbm>>
      %dma_start3A_195 = tpu.memref_squeeze %dma_start3A_194 : memref<1x626x16xf32, #tpu.memory_space<hbm>> -> memref<626x16xf32, #tpu.memory_space<hbm>>
      %dma_start3A_196 = arith.constant 0 : i32
      %dma_start3A_197 = tpu.memref_slice %arg22[%mul3A_2, %dma_start3A_196] : memref<10016x16xf32, #tpu.memory_space<vmem_shared>> -> memref<626x16xf32, #tpu.memory_space<vmem_shared>>
      tpu.enqueue_dma source(%dma_start3A_197 : memref<626x16xf32, #tpu.memory_space<vmem_shared>>) target(%dma_start3A_195 : memref<626x16xf32, #tpu.memory_space<hbm>>) target_semaphore(%run_scoped3A : memref<!tpu.dma_semaphore, #tpu.memory_space<semaphore_mem>>)
      %dma_wait3A_198 = arith.constant 0 : i32
      %dma_wait3A_199 = tpu.memref_slice %arg8[%arg0, %mul3A_2, %dma_wait3A_198] : memref<2x10016x16xf32, #tpu.memory_space<hbm>> -> memref<1x626x16xf32, #tpu.memory_space<hbm>>
      %dma_wait3A_200 = tpu.memref_squeeze %dma_wait3A_199 : memref<1x626x16xf32, #tpu.memory_space<hbm>> -> memref<626x16xf32, #tpu.memory_space<hbm>>
      %dma_wait3A_201 = arith.constant 0 : i32
      %dma_wait3A_202 = tpu.memref_slice %arg22[%mul3A_2, %dma_wait3A_201] : memref<10016x16xf32, #tpu.memory_space<vmem_shared>> -> memref<626x16xf32, #tpu.memory_space<vmem_shared>>
      tpu.wait_dma2 semaphore(%run_scoped3A : memref<!tpu.dma_semaphore, #tpu.memory_space<semaphore_mem>>) src(%dma_wait3A_202 : memref<626x16xf32, #tpu.memory_space<vmem_shared>>) dst(%dma_wait3A_200 : memref<626x16xf32, #tpu.memory_space<hbm>>)
      tpu.yield
    }) : () -> ()
    return
  }
}

#map = affine_map<(d0, d1) -> (0, 0, 0)>
#map1 = affine_map<(d0, d1) -> (0, 0)>
module attributes {stable_mosaic.version = 14 : i64} {
  func.func @_prop(%arg0: i32, %arg1: i32, %arg2: memref<10016x2x16xf32, #tpu.memory_space<hbm>>, %arg3: memref<10016x16xf32, #tpu.memory_space<hbm>>, %arg4: memref<2944x128xi32, #tpu.memory_space<hbm>>, %arg5: memref<2944x128xi32, #tpu.memory_space<hbm>>, %arg6: memref<10016x16xf32, #tpu.memory_space<hbm>>, %arg7: memref<2x10016x16xf32, #tpu.memory_space<hbm>>, %arg8: memref<2x10016x16xf32, #tpu.memory_space<hbm>>, %arg9: memref<4x128xi32, #tpu.memory_space<vmem>>, %arg10: memref<4x128xi32, #tpu.memory_space<vmem>>, %arg11: memref<512x2x16xf32, #tpu.memory_space<vmem>>, %arg12: memref<512x16xf32, #tpu.memory_space<vmem>>, %arg13: memref<512x16xf32, #tpu.memory_space<vmem>>, %arg14: memref<512x16xf32, #tpu.memory_space<vmem>>, %arg15: memref<4x128xi32, #tpu.memory_space<vmem>>, %arg16: memref<4x128xi32, #tpu.memory_space<vmem>>, %arg17: memref<512x2x16xf32, #tpu.memory_space<vmem>>, %arg18: memref<512x16xf32, #tpu.memory_space<vmem>>, %arg19: memref<512x16xf32, #tpu.memory_space<vmem>>, %arg20: memref<512x16xf32, #tpu.memory_space<vmem>>, %arg21: memref<10016x16xf32, #tpu.memory_space<vmem_shared>>, %arg22: memref<10016x16xf32, #tpu.memory_space<vmem_shared>>, %arg23: memref<!tpu.dma_semaphore, #tpu.memory_space<semaphore_mem>>, %arg24: memref<!tpu.dma_semaphore, #tpu.memory_space<semaphore_mem>>, %arg25: memref<!tpu.dma_semaphore, #tpu.memory_space<semaphore_mem>>, %arg26: memref<!tpu.dma_semaphore, #tpu.memory_space<semaphore_mem>>) attributes {dimension_semantics = [#tpu.dimension_semantics<core_parallel>, #tpu.dimension_semantics<subcore_parallel>], iteration_bounds = array<i64: 2, 16>, scalar_prefetch = 0 : i64, scratch_operands = 18 : i64, tpu.core_type = #tpu.core_type<sc_vector_subcore>, window_params = [{transform_indices = #map}, {transform_indices = #map1}, {transform_indices = #map1}, {transform_indices = #map1}, {transform_indices = #map1}, {transform_indices = #map}, {transform_indices = #map}]} {
    %mul3A = arith.constant 16 : i32
    %mul3A_0 = arith.muli %arg0, %mul3A : i32
    %add3A = arith.addi %mul3A_0, %arg1 : i32
    %mul3A_1 = arith.constant 626 : i32
    %mul3A_2 = arith.muli %arg1, %mul3A_1 : i32
    "tpu.region"() ({
      %run_scoped3A = tpu.sem_alloc : memref<!tpu.dma_semaphore, #tpu.memory_space<semaphore_mem>>
      %dma_start3A_193 = arith.constant 0 : i32
      %dma_start3A_194 = tpu.memref_slice %arg21[%mul3A_2, %dma_start3A_193] : memref<10016x16xf32, #tpu.memory_space<vmem_shared>> -> memref<626x16xf32, #tpu.memory_space<vmem_shared>>
      %dma_start3A_195 = arith.constant 0 : i32
      %dma_start3A_196 = tpu.memref_slice %arg6[%mul3A_2, %dma_start3A_195] : memref<10016x16xf32, #tpu.memory_space<hbm>> -> memref<626x16xf32, #tpu.memory_space<hbm>>
      tpu.enqueue_dma source(%dma_start3A_196 : memref<626x16xf32, #tpu.memory_space<hbm>>) target(%dma_start3A_194 : memref<626x16xf32, #tpu.memory_space<vmem_shared>>) target_semaphore(%run_scoped3A : memref<!tpu.dma_semaphore, #tpu.memory_space<semaphore_mem>>)
      %dma_wait3A_197 = arith.constant 0 : i32
      %dma_wait3A_198 = tpu.memref_slice %arg21[%mul3A_2, %dma_wait3A_197] : memref<10016x16xf32, #tpu.memory_space<vmem_shared>> -> memref<626x16xf32, #tpu.memory_space<vmem_shared>>
      %dma_wait3A_199 = arith.constant 0 : i32
      %dma_wait3A_200 = tpu.memref_slice %arg6[%mul3A_2, %dma_wait3A_199] : memref<10016x16xf32, #tpu.memory_space<hbm>> -> memref<626x16xf32, #tpu.memory_space<hbm>>
      tpu.wait_dma2 semaphore(%run_scoped3A : memref<!tpu.dma_semaphore, #tpu.memory_space<semaphore_mem>>) src(%dma_wait3A_200 : memref<626x16xf32, #tpu.memory_space<hbm>>) dst(%dma_wait3A_198 : memref<626x16xf32, #tpu.memory_space<vmem_shared>>)
      tpu.yield
    }) : () -> ()
    "tpu.region"() ({
      %run_scoped3A = tpu.sem_alloc : memref<!tpu.dma_semaphore, #tpu.memory_space<semaphore_mem>>
      %dma_start3A_193 = arith.constant 0 : i32
      %dma_start3A_194 = tpu.memref_slice %arg22[%mul3A_2, %dma_start3A_193] : memref<10016x16xf32, #tpu.memory_space<vmem_shared>> -> memref<626x16xf32, #tpu.memory_space<vmem_shared>>
      %dma_start3A_195 = arith.constant 0 : i32
      %dma_start3A_196 = tpu.memref_slice %arg6[%mul3A_2, %dma_start3A_195] : memref<10016x16xf32, #tpu.memory_space<hbm>> -> memref<626x16xf32, #tpu.memory_space<hbm>>
      tpu.enqueue_dma source(%dma_start3A_196 : memref<626x16xf32, #tpu.memory_space<hbm>>) target(%dma_start3A_194 : memref<626x16xf32, #tpu.memory_space<vmem_shared>>) target_semaphore(%run_scoped3A : memref<!tpu.dma_semaphore, #tpu.memory_space<semaphore_mem>>)
      %dma_wait3A_197 = arith.constant 0 : i32
      %dma_wait3A_198 = tpu.memref_slice %arg22[%mul3A_2, %dma_wait3A_197] : memref<10016x16xf32, #tpu.memory_space<vmem_shared>> -> memref<626x16xf32, #tpu.memory_space<vmem_shared>>
      %dma_wait3A_199 = arith.constant 0 : i32
      %dma_wait3A_200 = tpu.memref_slice %arg6[%mul3A_2, %dma_wait3A_199] : memref<10016x16xf32, #tpu.memory_space<hbm>> -> memref<626x16xf32, #tpu.memory_space<hbm>>
      tpu.wait_dma2 semaphore(%run_scoped3A : memref<!tpu.dma_semaphore, #tpu.memory_space<semaphore_mem>>) src(%dma_wait3A_200 : memref<626x16xf32, #tpu.memory_space<hbm>>) dst(%dma_wait3A_198 : memref<626x16xf32, #tpu.memory_space<vmem_shared>>)
      tpu.yield
    }) : () -> ()
    %barrier3A = arith.constant 0 : index
    tpu.barrier barrier_id(%barrier3A)
    %mul3A_3 = arith.constant 88 : i32
    %mul3A_4 = arith.muli %add3A, %mul3A_3 : i32
    "tpu.region"() ({
      %run_scoped3A = tpu.sem_alloc : memref<!tpu.dma_semaphore, #tpu.memory_space<semaphore_mem>>
      %dma_start3A_193 = arith.constant 0 : i32
      %dma_start3A_194 = tpu.memref_slice %arg4[%mul3A_4, %dma_start3A_193] : memref<2944x128xi32, #tpu.memory_space<hbm>> -> memref<4x128xi32, #tpu.memory_space<hbm>>
      %dma_start3A_195 = arith.constant 0 : i32
      %dma_start3A_196 = tpu.memref_slice %arg4[%mul3A_4, %dma_start3A_195] : memref<2944x128xi32, #tpu.memory_space<hbm>> -> memref<4x128xi32, #tpu.memory_space<hbm>>
      tpu.enqueue_dma source(%dma_start3A_196 : memref<4x128xi32, #tpu.memory_space<hbm>>) target(%arg9 : memref<4x128xi32, #tpu.memory_space<vmem>>) target_semaphore(%run_scoped3A : memref<!tpu.dma_semaphore, #tpu.memory_space<semaphore_mem>>)
      %dma_wait3A_197 = arith.constant 0 : i32
      %dma_wait3A_198 = tpu.memref_slice %arg4[%mul3A_4, %dma_wait3A_197] : memref<2944x128xi32, #tpu.memory_space<hbm>> -> memref<4x128xi32, #tpu.memory_space<hbm>>
      %dma_wait3A_199 = arith.constant 0 : i32
      %dma_wait3A_200 = tpu.memref_slice %arg4[%mul3A_4, %dma_wait3A_199] : memref<2944x128xi32, #tpu.memory_space<hbm>> -> memref<4x128xi32, #tpu.memory_space<hbm>>
      tpu.wait_dma2 semaphore(%run_scoped3A : memref<!tpu.dma_semaphore, #tpu.memory_space<semaphore_mem>>) src(%dma_wait3A_200 : memref<4x128xi32, #tpu.memory_space<hbm>>) dst(%arg9 : memref<4x128xi32, #tpu.memory_space<vmem>>)
      tpu.yield
    }) : () -> ()
    "tpu.region"() ({
      %run_scoped3A = tpu.sem_alloc : memref<!tpu.dma_semaphore, #tpu.memory_space<semaphore_mem>>
      %dma_start3A_193 = arith.constant 0 : i32
      %dma_start3A_194 = tpu.memref_slice %arg5[%mul3A_4, %dma_start3A_193] : memref<2944x128xi32, #tpu.memory_space<hbm>> -> memref<4x128xi32, #tpu.memory_space<hbm>>
      %dma_start3A_195 = arith.constant 0 : i32
      %dma_start3A_196 = tpu.memref_slice %arg5[%mul3A_4, %dma_start3A_195] : memref<2944x128xi32, #tpu.memory_space<hbm>> -> memref<4x128xi32, #tpu.memory_space<hbm>>
      tpu.enqueue_dma source(%dma_start3A_196 : memref<4x128xi32, #tpu.memory_space<hbm>>) target(%arg10 : memref<4x128xi32, #tpu.memory_space<vmem>>) target_semaphore(%run_scoped3A : memref<!tpu.dma_semaphore, #tpu.memory_space<semaphore_mem>>)
      %dma_wait3A_197 = arith.constant 0 : i32
      %dma_wait3A_198 = tpu.memref_slice %arg5[%mul3A_4, %dma_wait3A_197] : memref<2944x128xi32, #tpu.memory_space<hbm>> -> memref<4x128xi32, #tpu.memory_space<hbm>>
      %dma_wait3A_199 = arith.constant 0 : i32
      %dma_wait3A_200 = tpu.memref_slice %arg5[%mul3A_4, %dma_wait3A_199] : memref<2944x128xi32, #tpu.memory_space<hbm>> -> memref<4x128xi32, #tpu.memory_space<hbm>>
      tpu.wait_dma2 semaphore(%run_scoped3A : memref<!tpu.dma_semaphore, #tpu.memory_space<semaphore_mem>>) src(%dma_wait3A_200 : memref<4x128xi32, #tpu.memory_space<hbm>>) dst(%arg10 : memref<4x128xi32, #tpu.memory_space<vmem>>)
      tpu.yield
    }) : () -> ()
    %dma_start3A = arith.constant 0 : i32
    %dma_start3A_5 = arith.constant 0 : i32
    %dma_start3A_6 = arith.constant 0 : i32
    %dma_start3A_7 = arith.constant 0 : i32
    %dma_start3A_8 = tpu.memref_slice %arg11[%dma_start3A_5, %dma_start3A_6, %dma_start3A_7] : memref<512x2x16xf32, #tpu.memory_space<vmem>> -> memref<128x2x16xf32, #tpu.memory_space<vmem>>
    %dma_start3A_9 = arith.constant 0 : i32
    %dma_start3A_10 = tpu.memref_slice %arg9[%dma_start3A, %dma_start3A_9] : memref<4x128xi32, #tpu.memory_space<vmem>> -> memref<1x128xi32, #tpu.memory_space<vmem>>
    %dma_start3A_11 = tpu.memref_squeeze %dma_start3A_10 : memref<1x128xi32, #tpu.memory_space<vmem>> -> memref<128xi32, #tpu.memory_space<vmem>>
    %dma_start3A_12 = arith.constant 0 : i32
    %dma_start3A_13 = arith.constant 0 : i32
    %dma_start3A_14 = arith.constant 0 : i32
    %dma_start3A_15 = tpu.memref_slice %arg2[%dma_start3A_12, %dma_start3A_13, %dma_start3A_14] : memref<10016x2x16xf32, #tpu.memory_space<hbm>> -> memref<10016x2x16xf32, #tpu.memory_space<hbm>>
    tpu.enqueue_indirect_dma source(%dma_start3A_15 : memref<10016x2x16xf32, #tpu.memory_space<hbm>>) target(%dma_start3A_8 : memref<128x2x16xf32, #tpu.memory_space<vmem>>) offsets(%dma_start3A_11 : memref<128xi32, #tpu.memory_space<vmem>>) semaphore(%arg23 : memref<!tpu.dma_semaphore, #tpu.memory_space<semaphore_mem>>)
    %dma_start3A_16 = arith.constant 0 : i32
    %dma_start3A_17 = arith.constant 0 : i32
    %dma_start3A_18 = arith.constant 0 : i32
    %dma_start3A_19 = tpu.memref_slice %arg12[%dma_start3A_17, %dma_start3A_18] : memref<512x16xf32, #tpu.memory_space<vmem>> -> memref<128x16xf32, #tpu.memory_space<vmem>>
    %dma_start3A_20 = arith.constant 0 : i32
    %dma_start3A_21 = tpu.memref_slice %arg10[%dma_start3A_16, %dma_start3A_20] : memref<4x128xi32, #tpu.memory_space<vmem>> -> memref<1x128xi32, #tpu.memory_space<vmem>>
    %dma_start3A_22 = tpu.memref_squeeze %dma_start3A_21 : memref<1x128xi32, #tpu.memory_space<vmem>> -> memref<128xi32, #tpu.memory_space<vmem>>
    %dma_start3A_23 = arith.constant 0 : i32
    %dma_start3A_24 = arith.constant 0 : i32
    %dma_start3A_25 = tpu.memref_slice %arg3[%dma_start3A_23, %dma_start3A_24] : memref<10016x16xf32, #tpu.memory_space<hbm>> -> memref<10016x16xf32, #tpu.memory_space<hbm>>
    tpu.enqueue_indirect_dma source(%dma_start3A_25 : memref<10016x16xf32, #tpu.memory_space<hbm>>) target(%dma_start3A_19 : memref<128x16xf32, #tpu.memory_space<vmem>>) offsets(%dma_start3A_22 : memref<128xi32, #tpu.memory_space<vmem>>) semaphore(%arg23 : memref<!tpu.dma_semaphore, #tpu.memory_space<semaphore_mem>>)
    %dma_start3A_26 = arith.constant 1 : i32
    %dma_start3A_27 = arith.constant 128 : i32
    %dma_start3A_28 = arith.constant 0 : i32
    %dma_start3A_29 = arith.constant 0 : i32
    %dma_start3A_30 = tpu.memref_slice %arg11[%dma_start3A_27, %dma_start3A_28, %dma_start3A_29] : memref<512x2x16xf32, #tpu.memory_space<vmem>> -> memref<128x2x16xf32, #tpu.memory_space<vmem>>
    %dma_start3A_31 = arith.constant 0 : i32
    %dma_start3A_32 = tpu.memref_slice %arg9[%dma_start3A_26, %dma_start3A_31] : memref<4x128xi32, #tpu.memory_space<vmem>> -> memref<1x128xi32, #tpu.memory_space<vmem>>
    %dma_start3A_33 = tpu.memref_squeeze %dma_start3A_32 : memref<1x128xi32, #tpu.memory_space<vmem>> -> memref<128xi32, #tpu.memory_space<vmem>>
    %dma_start3A_34 = arith.constant 0 : i32
    %dma_start3A_35 = arith.constant 0 : i32
    %dma_start3A_36 = arith.constant 0 : i32
    %dma_start3A_37 = tpu.memref_slice %arg2[%dma_start3A_34, %dma_start3A_35, %dma_start3A_36] : memref<10016x2x16xf32, #tpu.memory_space<hbm>> -> memref<10016x2x16xf32, #tpu.memory_space<hbm>>
    tpu.enqueue_indirect_dma source(%dma_start3A_37 : memref<10016x2x16xf32, #tpu.memory_space<hbm>>) target(%dma_start3A_30 : memref<128x2x16xf32, #tpu.memory_space<vmem>>) offsets(%dma_start3A_33 : memref<128xi32, #tpu.memory_space<vmem>>) semaphore(%arg23 : memref<!tpu.dma_semaphore, #tpu.memory_space<semaphore_mem>>)
    %dma_start3A_38 = arith.constant 1 : i32
    %dma_start3A_39 = arith.constant 128 : i32
    %dma_start3A_40 = arith.constant 0 : i32
    %dma_start3A_41 = tpu.memref_slice %arg12[%dma_start3A_39, %dma_start3A_40] : memref<512x16xf32, #tpu.memory_space<vmem>> -> memref<128x16xf32, #tpu.memory_space<vmem>>
    %dma_start3A_42 = arith.constant 0 : i32
    %dma_start3A_43 = tpu.memref_slice %arg10[%dma_start3A_38, %dma_start3A_42] : memref<4x128xi32, #tpu.memory_space<vmem>> -> memref<1x128xi32, #tpu.memory_space<vmem>>
    %dma_start3A_44 = tpu.memref_squeeze %dma_start3A_43 : memref<1x128xi32, #tpu.memory_space<vmem>> -> memref<128xi32, #tpu.memory_space<vmem>>
    %dma_start3A_45 = arith.constant 0 : i32
    %dma_start3A_46 = arith.constant 0 : i32
    %dma_start3A_47 = tpu.memref_slice %arg3[%dma_start3A_45, %dma_start3A_46] : memref<10016x16xf32, #tpu.memory_space<hbm>> -> memref<10016x16xf32, #tpu.memory_space<hbm>>
    tpu.enqueue_indirect_dma source(%dma_start3A_47 : memref<10016x16xf32, #tpu.memory_space<hbm>>) target(%dma_start3A_41 : memref<128x16xf32, #tpu.memory_space<vmem>>) offsets(%dma_start3A_44 : memref<128xi32, #tpu.memory_space<vmem>>) semaphore(%arg23 : memref<!tpu.dma_semaphore, #tpu.memory_space<semaphore_mem>>)
    %dma_start3A_48 = arith.constant 2 : i32
    %dma_start3A_49 = arith.constant 256 : i32
    %dma_start3A_50 = arith.constant 0 : i32
    %dma_start3A_51 = arith.constant 0 : i32
    %dma_start3A_52 = tpu.memref_slice %arg11[%dma_start3A_49, %dma_start3A_50, %dma_start3A_51] : memref<512x2x16xf32, #tpu.memory_space<vmem>> -> memref<128x2x16xf32, #tpu.memory_space<vmem>>
    %dma_start3A_53 = arith.constant 0 : i32
    %dma_start3A_54 = tpu.memref_slice %arg9[%dma_start3A_48, %dma_start3A_53] : memref<4x128xi32, #tpu.memory_space<vmem>> -> memref<1x128xi32, #tpu.memory_space<vmem>>
    %dma_start3A_55 = tpu.memref_squeeze %dma_start3A_54 : memref<1x128xi32, #tpu.memory_space<vmem>> -> memref<128xi32, #tpu.memory_space<vmem>>
    %dma_start3A_56 = arith.constant 0 : i32
    %dma_start3A_57 = arith.constant 0 : i32
    %dma_start3A_58 = arith.constant 0 : i32
    %dma_start3A_59 = tpu.memref_slice %arg2[%dma_start3A_56, %dma_start3A_57, %dma_start3A_58] : memref<10016x2x16xf32, #tpu.memory_space<hbm>> -> memref<10016x2x16xf32, #tpu.memory_space<hbm>>
    tpu.enqueue_indirect_dma source(%dma_start3A_59 : memref<10016x2x16xf32, #tpu.memory_space<hbm>>) target(%dma_start3A_52 : memref<128x2x16xf32, #tpu.memory_space<vmem>>) offsets(%dma_start3A_55 : memref<128xi32, #tpu.memory_space<vmem>>) semaphore(%arg23 : memref<!tpu.dma_semaphore, #tpu.memory_space<semaphore_mem>>)
    %dma_start3A_60 = arith.constant 2 : i32
    %dma_start3A_61 = arith.constant 256 : i32
    %dma_start3A_62 = arith.constant 0 : i32
    %dma_start3A_63 = tpu.memref_slice %arg12[%dma_start3A_61, %dma_start3A_62] : memref<512x16xf32, #tpu.memory_space<vmem>> -> memref<128x16xf32, #tpu.memory_space<vmem>>
    %dma_start3A_64 = arith.constant 0 : i32
    %dma_start3A_65 = tpu.memref_slice %arg10[%dma_start3A_60, %dma_start3A_64] : memref<4x128xi32, #tpu.memory_space<vmem>> -> memref<1x128xi32, #tpu.memory_space<vmem>>
    %dma_start3A_66 = tpu.memref_squeeze %dma_start3A_65 : memref<1x128xi32, #tpu.memory_space<vmem>> -> memref<128xi32, #tpu.memory_space<vmem>>
    %dma_start3A_67 = arith.constant 0 : i32
    %dma_start3A_68 = arith.constant 0 : i32
    %dma_start3A_69 = tpu.memref_slice %arg3[%dma_start3A_67, %dma_start3A_68] : memref<10016x16xf32, #tpu.memory_space<hbm>> -> memref<10016x16xf32, #tpu.memory_space<hbm>>
    tpu.enqueue_indirect_dma source(%dma_start3A_69 : memref<10016x16xf32, #tpu.memory_space<hbm>>) target(%dma_start3A_63 : memref<128x16xf32, #tpu.memory_space<vmem>>) offsets(%dma_start3A_66 : memref<128xi32, #tpu.memory_space<vmem>>) semaphore(%arg23 : memref<!tpu.dma_semaphore, #tpu.memory_space<semaphore_mem>>)
    %dma_start3A_70 = arith.constant 3 : i32
    %dma_start3A_71 = arith.constant 384 : i32
    %dma_start3A_72 = arith.constant 0 : i32
    %dma_start3A_73 = arith.constant 0 : i32
    %dma_start3A_74 = tpu.memref_slice %arg11[%dma_start3A_71, %dma_start3A_72, %dma_start3A_73] : memref<512x2x16xf32, #tpu.memory_space<vmem>> -> memref<128x2x16xf32, #tpu.memory_space<vmem>>
    %dma_start3A_75 = arith.constant 0 : i32
    %dma_start3A_76 = tpu.memref_slice %arg9[%dma_start3A_70, %dma_start3A_75] : memref<4x128xi32, #tpu.memory_space<vmem>> -> memref<1x128xi32, #tpu.memory_space<vmem>>
    %dma_start3A_77 = tpu.memref_squeeze %dma_start3A_76 : memref<1x128xi32, #tpu.memory_space<vmem>> -> memref<128xi32, #tpu.memory_space<vmem>>
    %dma_start3A_78 = arith.constant 0 : i32
    %dma_start3A_79 = arith.constant 0 : i32
    %dma_start3A_80 = arith.constant 0 : i32
    %dma_start3A_81 = tpu.memref_slice %arg2[%dma_start3A_78, %dma_start3A_79, %dma_start3A_80] : memref<10016x2x16xf32, #tpu.memory_space<hbm>> -> memref<10016x2x16xf32, #tpu.memory_space<hbm>>
    tpu.enqueue_indirect_dma source(%dma_start3A_81 : memref<10016x2x16xf32, #tpu.memory_space<hbm>>) target(%dma_start3A_74 : memref<128x2x16xf32, #tpu.memory_space<vmem>>) offsets(%dma_start3A_77 : memref<128xi32, #tpu.memory_space<vmem>>) semaphore(%arg23 : memref<!tpu.dma_semaphore, #tpu.memory_space<semaphore_mem>>)
    %dma_start3A_82 = arith.constant 3 : i32
    %dma_start3A_83 = arith.constant 384 : i32
    %dma_start3A_84 = arith.constant 0 : i32
    %dma_start3A_85 = tpu.memref_slice %arg12[%dma_start3A_83, %dma_start3A_84] : memref<512x16xf32, #tpu.memory_space<vmem>> -> memref<128x16xf32, #tpu.memory_space<vmem>>
    %dma_start3A_86 = arith.constant 0 : i32
    %dma_start3A_87 = tpu.memref_slice %arg10[%dma_start3A_82, %dma_start3A_86] : memref<4x128xi32, #tpu.memory_space<vmem>> -> memref<1x128xi32, #tpu.memory_space<vmem>>
    %dma_start3A_88 = tpu.memref_squeeze %dma_start3A_87 : memref<1x128xi32, #tpu.memory_space<vmem>> -> memref<128xi32, #tpu.memory_space<vmem>>
    %dma_start3A_89 = arith.constant 0 : i32
    %dma_start3A_90 = arith.constant 0 : i32
    %dma_start3A_91 = tpu.memref_slice %arg3[%dma_start3A_89, %dma_start3A_90] : memref<10016x16xf32, #tpu.memory_space<hbm>> -> memref<10016x16xf32, #tpu.memory_space<hbm>>
    tpu.enqueue_indirect_dma source(%dma_start3A_91 : memref<10016x16xf32, #tpu.memory_space<hbm>>) target(%dma_start3A_85 : memref<128x16xf32, #tpu.memory_space<vmem>>) offsets(%dma_start3A_88 : memref<128xi32, #tpu.memory_space<vmem>>) semaphore(%arg23 : memref<!tpu.dma_semaphore, #tpu.memory_space<semaphore_mem>>)
    %scan3A = arith.constant 0 : i32
    %scan3A_92 = arith.constant 0 : i32
    %scan3A_93 = arith.constant 0 : i32
    %scan3A_94 = arith.constant 1 : i32
    %scan3A_95 = arith.constant 1 : i32
    %scan3A_96 = arith.constant 2 : i32
    %scan3A_97 = arith.constant 2 : i32
    %scan3A_98 = arith.constant 3 : i32
    %scan3A_99 = arith.constant 3 : i32
    %scan3A_100 = arith.constant 0 : i32
    %scan3A_101 = arith.constant 11 : i32
    %scan3A_102 = arith.addi %scan3A_100, %scan3A_101 : i32
    %scan3A_103 = arith.constant 1 : i32
    scf.for %scan3A_193 = %scan3A_100 to %scan3A_102 step %scan3A_103  : i32 {
      %mul3A_194 = arith.constant 2 : i32
      %mul3A_195 = arith.muli %scan3A_193, %mul3A_194 : i32
      %mul3A_196 = arith.constant 4 : i32
      %mul3A_197 = arith.muli %mul3A_195, %mul3A_196 : i32
      %add3A_198 = arith.addi %mul3A_4, %mul3A_197 : i32
      %add3A_199 = arith.constant 4 : i32
      %add3A_200 = arith.addi %add3A_198, %add3A_199 : i32
      "tpu.region"() ({
        %run_scoped3A = tpu.sem_alloc : memref<!tpu.dma_semaphore, #tpu.memory_space<semaphore_mem>>
        %dma_start3A_879 = arith.constant 0 : i32
        %dma_start3A_880 = tpu.memref_slice %arg4[%add3A_200, %dma_start3A_879] : memref<2944x128xi32, #tpu.memory_space<hbm>> -> memref<4x128xi32, #tpu.memory_space<hbm>>
        %dma_start3A_881 = arith.constant 0 : i32
        %dma_start3A_882 = tpu.memref_slice %arg4[%add3A_200, %dma_start3A_881] : memref<2944x128xi32, #tpu.memory_space<hbm>> -> memref<4x128xi32, #tpu.memory_space<hbm>>
        tpu.enqueue_dma source(%dma_start3A_882 : memref<4x128xi32, #tpu.memory_space<hbm>>) target(%arg15 : memref<4x128xi32, #tpu.memory_space<vmem>>) target_semaphore(%run_scoped3A : memref<!tpu.dma_semaphore, #tpu.memory_space<semaphore_mem>>)
        %dma_wait3A_883 = arith.constant 0 : i32
        %dma_wait3A_884 = tpu.memref_slice %arg4[%add3A_200, %dma_wait3A_883] : memref<2944x128xi32, #tpu.memory_space<hbm>> -> memref<4x128xi32, #tpu.memory_space<hbm>>
        %dma_wait3A_885 = arith.constant 0 : i32
        %dma_wait3A_886 = tpu.memref_slice %arg4[%add3A_200, %dma_wait3A_885] : memref<2944x128xi32, #tpu.memory_space<hbm>> -> memref<4x128xi32, #tpu.memory_space<hbm>>
        tpu.wait_dma2 semaphore(%run_scoped3A : memref<!tpu.dma_semaphore, #tpu.memory_space<semaphore_mem>>) src(%dma_wait3A_886 : memref<4x128xi32, #tpu.memory_space<hbm>>) dst(%arg15 : memref<4x128xi32, #tpu.memory_space<vmem>>)
        tpu.yield
      }) : () -> ()
      "tpu.region"() ({
        %run_scoped3A = tpu.sem_alloc : memref<!tpu.dma_semaphore, #tpu.memory_space<semaphore_mem>>
        %dma_start3A_879 = arith.constant 0 : i32
        %dma_start3A_880 = tpu.memref_slice %arg5[%add3A_200, %dma_start3A_879] : memref<2944x128xi32, #tpu.memory_space<hbm>> -> memref<4x128xi32, #tpu.memory_space<hbm>>
        %dma_start3A_881 = arith.constant 0 : i32
        %dma_start3A_882 = tpu.memref_slice %arg5[%add3A_200, %dma_start3A_881] : memref<2944x128xi32, #tpu.memory_space<hbm>> -> memref<4x128xi32, #tpu.memory_space<hbm>>
        tpu.enqueue_dma source(%dma_start3A_882 : memref<4x128xi32, #tpu.memory_space<hbm>>) target(%arg16 : memref<4x128xi32, #tpu.memory_space<vmem>>) target_semaphore(%run_scoped3A : memref<!tpu.dma_semaphore, #tpu.memory_space<semaphore_mem>>)
        %dma_wait3A_883 = arith.constant 0 : i32
        %dma_wait3A_884 = tpu.memref_slice %arg5[%add3A_200, %dma_wait3A_883] : memref<2944x128xi32, #tpu.memory_space<hbm>> -> memref<4x128xi32, #tpu.memory_space<hbm>>
        %dma_wait3A_885 = arith.constant 0 : i32
        %dma_wait3A_886 = tpu.memref_slice %arg5[%add3A_200, %dma_wait3A_885] : memref<2944x128xi32, #tpu.memory_space<hbm>> -> memref<4x128xi32, #tpu.memory_space<hbm>>
        tpu.wait_dma2 semaphore(%run_scoped3A : memref<!tpu.dma_semaphore, #tpu.memory_space<semaphore_mem>>) src(%dma_wait3A_886 : memref<4x128xi32, #tpu.memory_space<hbm>>) dst(%arg16 : memref<4x128xi32, #tpu.memory_space<vmem>>)
        tpu.yield
      }) : () -> ()
      %dma_start3A_201 = arith.constant 0 : i32
      %dma_start3A_202 = arith.constant 0 : i32
      %dma_start3A_203 = arith.constant 0 : i32
      %dma_start3A_204 = arith.constant 0 : i32
      %dma_start3A_205 = tpu.memref_slice %arg17[%dma_start3A_202, %dma_start3A_203, %dma_start3A_204] : memref<512x2x16xf32, #tpu.memory_space<vmem>> -> memref<128x2x16xf32, #tpu.memory_space<vmem>>
      %dma_start3A_206 = arith.constant 0 : i32
      %dma_start3A_207 = tpu.memref_slice %arg15[%dma_start3A_201, %dma_start3A_206] : memref<4x128xi32, #tpu.memory_space<vmem>> -> memref<1x128xi32, #tpu.memory_space<vmem>>
      %dma_start3A_208 = tpu.memref_squeeze %dma_start3A_207 : memref<1x128xi32, #tpu.memory_space<vmem>> -> memref<128xi32, #tpu.memory_space<vmem>>
      %dma_start3A_209 = arith.constant 0 : i32
      %dma_start3A_210 = arith.constant 0 : i32
      %dma_start3A_211 = arith.constant 0 : i32
      %dma_start3A_212 = tpu.memref_slice %arg2[%dma_start3A_209, %dma_start3A_210, %dma_start3A_211] : memref<10016x2x16xf32, #tpu.memory_space<hbm>> -> memref<10016x2x16xf32, #tpu.memory_space<hbm>>
      tpu.enqueue_indirect_dma source(%dma_start3A_212 : memref<10016x2x16xf32, #tpu.memory_space<hbm>>) target(%dma_start3A_205 : memref<128x2x16xf32, #tpu.memory_space<vmem>>) offsets(%dma_start3A_208 : memref<128xi32, #tpu.memory_space<vmem>>) semaphore(%arg24 : memref<!tpu.dma_semaphore, #tpu.memory_space<semaphore_mem>>)
      %dma_start3A_213 = arith.constant 0 : i32
      %dma_start3A_214 = arith.constant 0 : i32
      %dma_start3A_215 = arith.constant 0 : i32
      %dma_start3A_216 = tpu.memref_slice %arg18[%dma_start3A_214, %dma_start3A_215] : memref<512x16xf32, #tpu.memory_space<vmem>> -> memref<128x16xf32, #tpu.memory_space<vmem>>
      %dma_start3A_217 = arith.constant 0 : i32
      %dma_start3A_218 = tpu.memref_slice %arg16[%dma_start3A_213, %dma_start3A_217] : memref<4x128xi32, #tpu.memory_space<vmem>> -> memref<1x128xi32, #tpu.memory_space<vmem>>
      %dma_start3A_219 = tpu.memref_squeeze %dma_start3A_218 : memref<1x128xi32, #tpu.memory_space<vmem>> -> memref<128xi32, #tpu.memory_space<vmem>>
      %dma_start3A_220 = arith.constant 0 : i32
      %dma_start3A_221 = arith.constant 0 : i32
      %dma_start3A_222 = tpu.memref_slice %arg3[%dma_start3A_220, %dma_start3A_221] : memref<10016x16xf32, #tpu.memory_space<hbm>> -> memref<10016x16xf32, #tpu.memory_space<hbm>>
      tpu.enqueue_indirect_dma source(%dma_start3A_222 : memref<10016x16xf32, #tpu.memory_space<hbm>>) target(%dma_start3A_216 : memref<128x16xf32, #tpu.memory_space<vmem>>) offsets(%dma_start3A_219 : memref<128xi32, #tpu.memory_space<vmem>>) semaphore(%arg24 : memref<!tpu.dma_semaphore, #tpu.memory_space<semaphore_mem>>)
      %dma_start3A_223 = arith.constant 1 : i32
      %dma_start3A_224 = arith.constant 128 : i32
      %dma_start3A_225 = arith.constant 0 : i32
      %dma_start3A_226 = arith.constant 0 : i32
      %dma_start3A_227 = tpu.memref_slice %arg17[%dma_start3A_224, %dma_start3A_225, %dma_start3A_226] : memref<512x2x16xf32, #tpu.memory_space<vmem>> -> memref<128x2x16xf32, #tpu.memory_space<vmem>>
      %dma_start3A_228 = arith.constant 0 : i32
      %dma_start3A_229 = tpu.memref_slice %arg15[%dma_start3A_223, %dma_start3A_228] : memref<4x128xi32, #tpu.memory_space<vmem>> -> memref<1x128xi32, #tpu.memory_space<vmem>>
      %dma_start3A_230 = tpu.memref_squeeze %dma_start3A_229 : memref<1x128xi32, #tpu.memory_space<vmem>> -> memref<128xi32, #tpu.memory_space<vmem>>
      %dma_start3A_231 = arith.constant 0 : i32
      %dma_start3A_232 = arith.constant 0 : i32
      %dma_start3A_233 = arith.constant 0 : i32
      %dma_start3A_234 = tpu.memref_slice %arg2[%dma_start3A_231, %dma_start3A_232, %dma_start3A_233] : memref<10016x2x16xf32, #tpu.memory_space<hbm>> -> memref<10016x2x16xf32, #tpu.memory_space<hbm>>
      tpu.enqueue_indirect_dma source(%dma_start3A_234 : memref<10016x2x16xf32, #tpu.memory_space<hbm>>) target(%dma_start3A_227 : memref<128x2x16xf32, #tpu.memory_space<vmem>>) offsets(%dma_start3A_230 : memref<128xi32, #tpu.memory_space<vmem>>) semaphore(%arg24 : memref<!tpu.dma_semaphore, #tpu.memory_space<semaphore_mem>>)
      %dma_start3A_235 = arith.constant 1 : i32
      %dma_start3A_236 = arith.constant 128 : i32
      %dma_start3A_237 = arith.constant 0 : i32
      %dma_start3A_238 = tpu.memref_slice %arg18[%dma_start3A_236, %dma_start3A_237] : memref<512x16xf32, #tpu.memory_space<vmem>> -> memref<128x16xf32, #tpu.memory_space<vmem>>
      %dma_start3A_239 = arith.constant 0 : i32
      %dma_start3A_240 = tpu.memref_slice %arg16[%dma_start3A_235, %dma_start3A_239] : memref<4x128xi32, #tpu.memory_space<vmem>> -> memref<1x128xi32, #tpu.memory_space<vmem>>
      %dma_start3A_241 = tpu.memref_squeeze %dma_start3A_240 : memref<1x128xi32, #tpu.memory_space<vmem>> -> memref<128xi32, #tpu.memory_space<vmem>>
      %dma_start3A_242 = arith.constant 0 : i32
      %dma_start3A_243 = arith.constant 0 : i32
      %dma_start3A_244 = tpu.memref_slice %arg3[%dma_start3A_242, %dma_start3A_243] : memref<10016x16xf32, #tpu.memory_space<hbm>> -> memref<10016x16xf32, #tpu.memory_space<hbm>>
      tpu.enqueue_indirect_dma source(%dma_start3A_244 : memref<10016x16xf32, #tpu.memory_space<hbm>>) target(%dma_start3A_238 : memref<128x16xf32, #tpu.memory_space<vmem>>) offsets(%dma_start3A_241 : memref<128xi32, #tpu.memory_space<vmem>>) semaphore(%arg24 : memref<!tpu.dma_semaphore, #tpu.memory_space<semaphore_mem>>)
      %dma_start3A_245 = arith.constant 2 : i32
      %dma_start3A_246 = arith.constant 256 : i32
      %dma_start3A_247 = arith.constant 0 : i32
      %dma_start3A_248 = arith.constant 0 : i32
      %dma_start3A_249 = tpu.memref_slice %arg17[%dma_start3A_246, %dma_start3A_247, %dma_start3A_248] : memref<512x2x16xf32, #tpu.memory_space<vmem>> -> memref<128x2x16xf32, #tpu.memory_space<vmem>>
      %dma_start3A_250 = arith.constant 0 : i32
      %dma_start3A_251 = tpu.memref_slice %arg15[%dma_start3A_245, %dma_start3A_250] : memref<4x128xi32, #tpu.memory_space<vmem>> -> memref<1x128xi32, #tpu.memory_space<vmem>>
      %dma_start3A_252 = tpu.memref_squeeze %dma_start3A_251 : memref<1x128xi32, #tpu.memory_space<vmem>> -> memref<128xi32, #tpu.memory_space<vmem>>
      %dma_start3A_253 = arith.constant 0 : i32
      %dma_start3A_254 = arith.constant 0 : i32
      %dma_start3A_255 = arith.constant 0 : i32
      %dma_start3A_256 = tpu.memref_slice %arg2[%dma_start3A_253, %dma_start3A_254, %dma_start3A_255] : memref<10016x2x16xf32, #tpu.memory_space<hbm>> -> memref<10016x2x16xf32, #tpu.memory_space<hbm>>
      tpu.enqueue_indirect_dma source(%dma_start3A_256 : memref<10016x2x16xf32, #tpu.memory_space<hbm>>) target(%dma_start3A_249 : memref<128x2x16xf32, #tpu.memory_space<vmem>>) offsets(%dma_start3A_252 : memref<128xi32, #tpu.memory_space<vmem>>) semaphore(%arg24 : memref<!tpu.dma_semaphore, #tpu.memory_space<semaphore_mem>>)
      %dma_start3A_257 = arith.constant 2 : i32
      %dma_start3A_258 = arith.constant 256 : i32
      %dma_start3A_259 = arith.constant 0 : i32
      %dma_start3A_260 = tpu.memref_slice %arg18[%dma_start3A_258, %dma_start3A_259] : memref<512x16xf32, #tpu.memory_space<vmem>> -> memref<128x16xf32, #tpu.memory_space<vmem>>
      %dma_start3A_261 = arith.constant 0 : i32
      %dma_start3A_262 = tpu.memref_slice %arg16[%dma_start3A_257, %dma_start3A_261] : memref<4x128xi32, #tpu.memory_space<vmem>> -> memref<1x128xi32, #tpu.memory_space<vmem>>
      %dma_start3A_263 = tpu.memref_squeeze %dma_start3A_262 : memref<1x128xi32, #tpu.memory_space<vmem>> -> memref<128xi32, #tpu.memory_space<vmem>>
      %dma_start3A_264 = arith.constant 0 : i32
      %dma_start3A_265 = arith.constant 0 : i32
      %dma_start3A_266 = tpu.memref_slice %arg3[%dma_start3A_264, %dma_start3A_265] : memref<10016x16xf32, #tpu.memory_space<hbm>> -> memref<10016x16xf32, #tpu.memory_space<hbm>>
      tpu.enqueue_indirect_dma source(%dma_start3A_266 : memref<10016x16xf32, #tpu.memory_space<hbm>>) target(%dma_start3A_260 : memref<128x16xf32, #tpu.memory_space<vmem>>) offsets(%dma_start3A_263 : memref<128xi32, #tpu.memory_space<vmem>>) semaphore(%arg24 : memref<!tpu.dma_semaphore, #tpu.memory_space<semaphore_mem>>)
      %dma_start3A_267 = arith.constant 3 : i32
      %dma_start3A_268 = arith.constant 384 : i32
      %dma_start3A_269 = arith.constant 0 : i32
      %dma_start3A_270 = arith.constant 0 : i32
      %dma_start3A_271 = tpu.memref_slice %arg17[%dma_start3A_268, %dma_start3A_269, %dma_start3A_270] : memref<512x2x16xf32, #tpu.memory_space<vmem>> -> memref<128x2x16xf32, #tpu.memory_space<vmem>>
      %dma_start3A_272 = arith.constant 0 : i32
      %dma_start3A_273 = tpu.memref_slice %arg15[%dma_start3A_267, %dma_start3A_272] : memref<4x128xi32, #tpu.memory_space<vmem>> -> memref<1x128xi32, #tpu.memory_space<vmem>>
      %dma_start3A_274 = tpu.memref_squeeze %dma_start3A_273 : memref<1x128xi32, #tpu.memory_space<vmem>> -> memref<128xi32, #tpu.memory_space<vmem>>
      %dma_start3A_275 = arith.constant 0 : i32
      %dma_start3A_276 = arith.constant 0 : i32
      %dma_start3A_277 = arith.constant 0 : i32
      %dma_start3A_278 = tpu.memref_slice %arg2[%dma_start3A_275, %dma_start3A_276, %dma_start3A_277] : memref<10016x2x16xf32, #tpu.memory_space<hbm>> -> memref<10016x2x16xf32, #tpu.memory_space<hbm>>
      tpu.enqueue_indirect_dma source(%dma_start3A_278 : memref<10016x2x16xf32, #tpu.memory_space<hbm>>) target(%dma_start3A_271 : memref<128x2x16xf32, #tpu.memory_space<vmem>>) offsets(%dma_start3A_274 : memref<128xi32, #tpu.memory_space<vmem>>) semaphore(%arg24 : memref<!tpu.dma_semaphore, #tpu.memory_space<semaphore_mem>>)
      %dma_start3A_279 = arith.constant 3 : i32
      %dma_start3A_280 = arith.constant 384 : i32
      %dma_start3A_281 = arith.constant 0 : i32
      %dma_start3A_282 = tpu.memref_slice %arg18[%dma_start3A_280, %dma_start3A_281] : memref<512x16xf32, #tpu.memory_space<vmem>> -> memref<128x16xf32, #tpu.memory_space<vmem>>
      %dma_start3A_283 = arith.constant 0 : i32
      %dma_start3A_284 = tpu.memref_slice %arg16[%dma_start3A_279, %dma_start3A_283] : memref<4x128xi32, #tpu.memory_space<vmem>> -> memref<1x128xi32, #tpu.memory_space<vmem>>
      %dma_start3A_285 = tpu.memref_squeeze %dma_start3A_284 : memref<1x128xi32, #tpu.memory_space<vmem>> -> memref<128xi32, #tpu.memory_space<vmem>>
      %dma_start3A_286 = arith.constant 0 : i32
      %dma_start3A_287 = arith.constant 0 : i32
      %dma_start3A_288 = tpu.memref_slice %arg3[%dma_start3A_286, %dma_start3A_287] : memref<10016x16xf32, #tpu.memory_space<hbm>> -> memref<10016x16xf32, #tpu.memory_space<hbm>>
      tpu.enqueue_indirect_dma source(%dma_start3A_288 : memref<10016x16xf32, #tpu.memory_space<hbm>>) target(%dma_start3A_282 : memref<128x16xf32, #tpu.memory_space<vmem>>) offsets(%dma_start3A_285 : memref<128xi32, #tpu.memory_space<vmem>>) semaphore(%arg24 : memref<!tpu.dma_semaphore, #tpu.memory_space<semaphore_mem>>)
      %dma_wait3A_289 = arith.constant 0 : i32
      %dma_wait3A_290 = arith.constant 0 : i32
      %dma_wait3A_291 = arith.constant 0 : i32
      %dma_wait3A_292 = tpu.memref_slice %arg11[%dma_wait3A_289, %dma_wait3A_290, %dma_wait3A_291] : memref<512x2x16xf32, #tpu.memory_space<vmem>> -> memref<128x2x16xf32, #tpu.memory_space<vmem>>
      %dma_wait3A_293 = arith.constant 0 : i32
      %dma_wait3A_294 = tpu.memref_slice %arg9[%scan3A_92, %dma_wait3A_293] : memref<4x128xi32, #tpu.memory_space<vmem>> -> memref<1x128xi32, #tpu.memory_space<vmem>>
      %dma_wait3A_295 = tpu.memref_squeeze %dma_wait3A_294 : memref<1x128xi32, #tpu.memory_space<vmem>> -> memref<128xi32, #tpu.memory_space<vmem>>
      %dma_wait3A_296 = arith.constant 0 : i32
      %dma_wait3A_297 = arith.constant 0 : i32
      %dma_wait3A_298 = arith.constant 0 : i32
      %dma_wait3A_299 = tpu.memref_slice %arg2[%dma_wait3A_296, %dma_wait3A_297, %dma_wait3A_298] : memref<10016x2x16xf32, #tpu.memory_space<hbm>> -> memref<10016x2x16xf32, #tpu.memory_space<hbm>>
      tpu.wait_indirect_dma semaphore(%arg23 : memref<!tpu.dma_semaphore, #tpu.memory_space<semaphore_mem>>) src(%dma_wait3A_299 : memref<10016x2x16xf32, #tpu.memory_space<hbm>>) dst(%dma_wait3A_292 : memref<128x2x16xf32, #tpu.memory_space<vmem>>)
      %dma_wait3A_300 = arith.constant 0 : i32
      %dma_wait3A_301 = arith.constant 0 : i32
      %dma_wait3A_302 = tpu.memref_slice %arg12[%dma_wait3A_300, %dma_wait3A_301] : memref<512x16xf32, #tpu.memory_space<vmem>> -> memref<128x16xf32, #tpu.memory_space<vmem>>
      %dma_wait3A_303 = arith.constant 0 : i32
      %dma_wait3A_304 = tpu.memref_slice %arg10[%scan3A_93, %dma_wait3A_303] : memref<4x128xi32, #tpu.memory_space<vmem>> -> memref<1x128xi32, #tpu.memory_space<vmem>>
      %dma_wait3A_305 = tpu.memref_squeeze %dma_wait3A_304 : memref<1x128xi32, #tpu.memory_space<vmem>> -> memref<128xi32, #tpu.memory_space<vmem>>
      %dma_wait3A_306 = arith.constant 0 : i32
      %dma_wait3A_307 = arith.constant 0 : i32
      %dma_wait3A_308 = tpu.memref_slice %arg3[%dma_wait3A_306, %dma_wait3A_307] : memref<10016x16xf32, #tpu.memory_space<hbm>> -> memref<10016x16xf32, #tpu.memory_space<hbm>>
      tpu.wait_indirect_dma semaphore(%arg23 : memref<!tpu.dma_semaphore, #tpu.memory_space<semaphore_mem>>) src(%dma_wait3A_308 : memref<10016x16xf32, #tpu.memory_space<hbm>>) dst(%dma_wait3A_302 : memref<128x16xf32, #tpu.memory_space<vmem>>)
      %dma_wait3A_309 = arith.constant 128 : i32
      %dma_wait3A_310 = arith.constant 0 : i32
      %dma_wait3A_311 = arith.constant 0 : i32
      %dma_wait3A_312 = tpu.memref_slice %arg11[%dma_wait3A_309, %dma_wait3A_310, %dma_wait3A_311] : memref<512x2x16xf32, #tpu.memory_space<vmem>> -> memref<128x2x16xf32, #tpu.memory_space<vmem>>
      %dma_wait3A_313 = arith.constant 0 : i32
      %dma_wait3A_314 = tpu.memref_slice %arg9[%scan3A_94, %dma_wait3A_313] : memref<4x128xi32, #tpu.memory_space<vmem>> -> memref<1x128xi32, #tpu.memory_space<vmem>>
      %dma_wait3A_315 = tpu.memref_squeeze %dma_wait3A_314 : memref<1x128xi32, #tpu.memory_space<vmem>> -> memref<128xi32, #tpu.memory_space<vmem>>
      %dma_wait3A_316 = arith.constant 0 : i32
      %dma_wait3A_317 = arith.constant 0 : i32
      %dma_wait3A_318 = arith.constant 0 : i32
      %dma_wait3A_319 = tpu.memref_slice %arg2[%dma_wait3A_316, %dma_wait3A_317, %dma_wait3A_318] : memref<10016x2x16xf32, #tpu.memory_space<hbm>> -> memref<10016x2x16xf32, #tpu.memory_space<hbm>>
      tpu.wait_indirect_dma semaphore(%arg23 : memref<!tpu.dma_semaphore, #tpu.memory_space<semaphore_mem>>) src(%dma_wait3A_319 : memref<10016x2x16xf32, #tpu.memory_space<hbm>>) dst(%dma_wait3A_312 : memref<128x2x16xf32, #tpu.memory_space<vmem>>)
      %dma_wait3A_320 = arith.constant 128 : i32
      %dma_wait3A_321 = arith.constant 0 : i32
      %dma_wait3A_322 = tpu.memref_slice %arg12[%dma_wait3A_320, %dma_wait3A_321] : memref<512x16xf32, #tpu.memory_space<vmem>> -> memref<128x16xf32, #tpu.memory_space<vmem>>
      %dma_wait3A_323 = arith.constant 0 : i32
      %dma_wait3A_324 = tpu.memref_slice %arg10[%scan3A_95, %dma_wait3A_323] : memref<4x128xi32, #tpu.memory_space<vmem>> -> memref<1x128xi32, #tpu.memory_space<vmem>>
      %dma_wait3A_325 = tpu.memref_squeeze %dma_wait3A_324 : memref<1x128xi32, #tpu.memory_space<vmem>> -> memref<128xi32, #tpu.memory_space<vmem>>
      %dma_wait3A_326 = arith.constant 0 : i32
      %dma_wait3A_327 = arith.constant 0 : i32
      %dma_wait3A_328 = tpu.memref_slice %arg3[%dma_wait3A_326, %dma_wait3A_327] : memref<10016x16xf32, #tpu.memory_space<hbm>> -> memref<10016x16xf32, #tpu.memory_space<hbm>>
      tpu.wait_indirect_dma semaphore(%arg23 : memref<!tpu.dma_semaphore, #tpu.memory_space<semaphore_mem>>) src(%dma_wait3A_328 : memref<10016x16xf32, #tpu.memory_space<hbm>>) dst(%dma_wait3A_322 : memref<128x16xf32, #tpu.memory_space<vmem>>)
      %dma_wait3A_329 = arith.constant 256 : i32
      %dma_wait3A_330 = arith.constant 0 : i32
      %dma_wait3A_331 = arith.constant 0 : i32
      %dma_wait3A_332 = tpu.memref_slice %arg11[%dma_wait3A_329, %dma_wait3A_330, %dma_wait3A_331] : memref<512x2x16xf32, #tpu.memory_space<vmem>> -> memref<128x2x16xf32, #tpu.memory_space<vmem>>
      %dma_wait3A_333 = arith.constant 0 : i32
      %dma_wait3A_334 = tpu.memref_slice %arg9[%scan3A_96, %dma_wait3A_333] : memref<4x128xi32, #tpu.memory_space<vmem>> -> memref<1x128xi32, #tpu.memory_space<vmem>>
      %dma_wait3A_335 = tpu.memref_squeeze %dma_wait3A_334 : memref<1x128xi32, #tpu.memory_space<vmem>> -> memref<128xi32, #tpu.memory_space<vmem>>
      %dma_wait3A_336 = arith.constant 0 : i32
      %dma_wait3A_337 = arith.constant 0 : i32
      %dma_wait3A_338 = arith.constant 0 : i32
      %dma_wait3A_339 = tpu.memref_slice %arg2[%dma_wait3A_336, %dma_wait3A_337, %dma_wait3A_338] : memref<10016x2x16xf32, #tpu.memory_space<hbm>> -> memref<10016x2x16xf32, #tpu.memory_space<hbm>>
      tpu.wait_indirect_dma semaphore(%arg23 : memref<!tpu.dma_semaphore, #tpu.memory_space<semaphore_mem>>) src(%dma_wait3A_339 : memref<10016x2x16xf32, #tpu.memory_space<hbm>>) dst(%dma_wait3A_332 : memref<128x2x16xf32, #tpu.memory_space<vmem>>)
      %dma_wait3A_340 = arith.constant 256 : i32
      %dma_wait3A_341 = arith.constant 0 : i32
      %dma_wait3A_342 = tpu.memref_slice %arg12[%dma_wait3A_340, %dma_wait3A_341] : memref<512x16xf32, #tpu.memory_space<vmem>> -> memref<128x16xf32, #tpu.memory_space<vmem>>
      %dma_wait3A_343 = arith.constant 0 : i32
      %dma_wait3A_344 = tpu.memref_slice %arg10[%scan3A_97, %dma_wait3A_343] : memref<4x128xi32, #tpu.memory_space<vmem>> -> memref<1x128xi32, #tpu.memory_space<vmem>>
      %dma_wait3A_345 = tpu.memref_squeeze %dma_wait3A_344 : memref<1x128xi32, #tpu.memory_space<vmem>> -> memref<128xi32, #tpu.memory_space<vmem>>
      %dma_wait3A_346 = arith.constant 0 : i32
      %dma_wait3A_347 = arith.constant 0 : i32
      %dma_wait3A_348 = tpu.memref_slice %arg3[%dma_wait3A_346, %dma_wait3A_347] : memref<10016x16xf32, #tpu.memory_space<hbm>> -> memref<10016x16xf32, #tpu.memory_space<hbm>>
      tpu.wait_indirect_dma semaphore(%arg23 : memref<!tpu.dma_semaphore, #tpu.memory_space<semaphore_mem>>) src(%dma_wait3A_348 : memref<10016x16xf32, #tpu.memory_space<hbm>>) dst(%dma_wait3A_342 : memref<128x16xf32, #tpu.memory_space<vmem>>)
      %dma_wait3A_349 = arith.constant 384 : i32
      %dma_wait3A_350 = arith.constant 0 : i32
      %dma_wait3A_351 = arith.constant 0 : i32
      %dma_wait3A_352 = tpu.memref_slice %arg11[%dma_wait3A_349, %dma_wait3A_350, %dma_wait3A_351] : memref<512x2x16xf32, #tpu.memory_space<vmem>> -> memref<128x2x16xf32, #tpu.memory_space<vmem>>
      %dma_wait3A_353 = arith.constant 0 : i32
      %dma_wait3A_354 = tpu.memref_slice %arg9[%scan3A_98, %dma_wait3A_353] : memref<4x128xi32, #tpu.memory_space<vmem>> -> memref<1x128xi32, #tpu.memory_space<vmem>>
      %dma_wait3A_355 = tpu.memref_squeeze %dma_wait3A_354 : memref<1x128xi32, #tpu.memory_space<vmem>> -> memref<128xi32, #tpu.memory_space<vmem>>
      %dma_wait3A_356 = arith.constant 0 : i32
      %dma_wait3A_357 = arith.constant 0 : i32
      %dma_wait3A_358 = arith.constant 0 : i32
      %dma_wait3A_359 = tpu.memref_slice %arg2[%dma_wait3A_356, %dma_wait3A_357, %dma_wait3A_358] : memref<10016x2x16xf32, #tpu.memory_space<hbm>> -> memref<10016x2x16xf32, #tpu.memory_space<hbm>>
      tpu.wait_indirect_dma semaphore(%arg23 : memref<!tpu.dma_semaphore, #tpu.memory_space<semaphore_mem>>) src(%dma_wait3A_359 : memref<10016x2x16xf32, #tpu.memory_space<hbm>>) dst(%dma_wait3A_352 : memref<128x2x16xf32, #tpu.memory_space<vmem>>)
      %dma_wait3A_360 = arith.constant 384 : i32
      %dma_wait3A_361 = arith.constant 0 : i32
      %dma_wait3A_362 = tpu.memref_slice %arg12[%dma_wait3A_360, %dma_wait3A_361] : memref<512x16xf32, #tpu.memory_space<vmem>> -> memref<128x16xf32, #tpu.memory_space<vmem>>
      %dma_wait3A_363 = arith.constant 0 : i32
      %dma_wait3A_364 = tpu.memref_slice %arg10[%scan3A_99, %dma_wait3A_363] : memref<4x128xi32, #tpu.memory_space<vmem>> -> memref<1x128xi32, #tpu.memory_space<vmem>>
      %dma_wait3A_365 = tpu.memref_squeeze %dma_wait3A_364 : memref<1x128xi32, #tpu.memory_space<vmem>> -> memref<128xi32, #tpu.memory_space<vmem>>
      %dma_wait3A_366 = arith.constant 0 : i32
      %dma_wait3A_367 = arith.constant 0 : i32
      %dma_wait3A_368 = tpu.memref_slice %arg3[%dma_wait3A_366, %dma_wait3A_367] : memref<10016x16xf32, #tpu.memory_space<hbm>> -> memref<10016x16xf32, #tpu.memory_space<hbm>>
      tpu.wait_indirect_dma semaphore(%arg23 : memref<!tpu.dma_semaphore, #tpu.memory_space<semaphore_mem>>) src(%dma_wait3A_368 : memref<10016x16xf32, #tpu.memory_space<hbm>>) dst(%dma_wait3A_362 : memref<128x16xf32, #tpu.memory_space<vmem>>)
      %scan3A_369 = arith.constant 0 : i32
      %scan3A_370 = arith.constant 0 : i32
      %scan3A_371 = arith.constant 512 : i32
      %scan3A_372 = arith.addi %scan3A_370, %scan3A_371 : i32
      %scan3A_373 = arith.constant 1 : i32
      scf.for %scan3A_879 = %scan3A_370 to %scan3A_372 step %scan3A_373  : i32 {
        %get3A = arith.constant 0 : i32
        %get3A_880 = arith.index_cast %scan3A_879 : i32 to index
        %get3A_881 = arith.index_cast %get3A : i32 to index
        %get3A_882 = arith.constant 0 : index
        %get3A_883 = tpu.vector_load %arg11[%get3A_880, %get3A_881, %get3A_882] {strides = array<i32>} : memref<512x2x16xf32, #tpu.memory_space<vmem>>, vector<1x1x16xf32>,
        %get3A_884 = vector.shape_cast %get3A_883 : vector<1x1x16xf32> to vector<16xf32>
        %get3A_885 = arith.constant 1 : i32
        %get3A_886 = arith.index_cast %scan3A_879 : i32 to index
        %get3A_887 = arith.index_cast %get3A_885 : i32 to index
        %get3A_888 = arith.constant 0 : index
        %get3A_889 = tpu.vector_load %arg11[%get3A_886, %get3A_887, %get3A_888] {strides = array<i32>} : memref<512x2x16xf32, #tpu.memory_space<vmem>>, vector<1x1x16xf32>,
        %get3A_890 = vector.shape_cast %get3A_889 : vector<1x1x16xf32> to vector<16xf32>
        %get3A_891 = arith.index_cast %scan3A_879 : i32 to index
        %get3A_892 = arith.constant 0 : index
        %get3A_893 = tpu.vector_load %arg12[%get3A_891, %get3A_892] {strides = array<i32>} : memref<512x16xf32, #tpu.memory_space<vmem>>, vector<1x16xf32>,
        %get3A_894 = vector.shape_cast %get3A_893 : vector<1x16xf32> to vector<16xf32>
        %mul3A_895 = arith.mulf %get3A_884, %get3A_894 : vector<16xf32>
        %iota3A = tpu.iota {dimensions = array<i32: 0>} : vector<16xi32>
        %xor3A = arith.constant 1 : i32
        %xor3A_896 = vector.broadcast %xor3A : i32 to vector<16xi32>
        %xor3A_897 = arith.xori %iota3A, %xor3A_896 : vector<16xi32>
        %lt3A = arith.constant 0 : i32
        %lt3A_898 = vector.broadcast %lt3A : i32 to vector<16xi32>
        %lt3A_899 = arith.cmpi slt, %xor3A_897, %lt3A_898 : vector<16xi32>
        %add3A_900 = arith.constant 16 : i32
        %add3A_901 = vector.broadcast %add3A_900 : i32 to vector<16xi32>
        %add3A_902 = arith.addi %xor3A_897, %add3A_901 : vector<16xi32>
        %select_n3A = arith.select %lt3A_899, %add3A_902, %xor3A_897 : vector<16xi1>, vector<16xi32>
        %broadcast_in_dim3A = vector.shape_cast %select_n3A : vector<16xi32> to vector<16x1xi32>
        %gather3A = vector.shape_cast %broadcast_in_dim3A : vector<16x1xi32> to vector<16xi32>
        %gather3A_903 = tpu.dynamic_gather %mul3A_895[%gather3A] in [0] : vector<16xf32>, vector<16xi32> -> vector<16xf32>
        %add3A_904 = arith.addf %mul3A_895, %gather3A_903 : vector<16xf32>
        %xor3A_905 = arith.constant 2 : i32
        %xor3A_906 = vector.broadcast %xor3A_905 : i32 to vector<16xi32>
        %xor3A_907 = arith.xori %iota3A, %xor3A_906 : vector<16xi32>
        %lt3A_908 = arith.constant 0 : i32
        %lt3A_909 = vector.broadcast %lt3A_908 : i32 to vector<16xi32>
        %lt3A_910 = arith.cmpi slt, %xor3A_907, %lt3A_909 : vector<16xi32>
        %add3A_911 = arith.constant 16 : i32
        %add3A_912 = vector.broadcast %add3A_911 : i32 to vector<16xi32>
        %add3A_913 = arith.addi %xor3A_907, %add3A_912 : vector<16xi32>
        %select_n3A_914 = arith.select %lt3A_910, %add3A_913, %xor3A_907 : vector<16xi1>, vector<16xi32>
        %broadcast_in_dim3A_915 = vector.shape_cast %select_n3A_914 : vector<16xi32> to vector<16x1xi32>
        %gather3A_916 = vector.shape_cast %broadcast_in_dim3A_915 : vector<16x1xi32> to vector<16xi32>
        %gather3A_917 = tpu.dynamic_gather %add3A_904[%gather3A_916] in [0] : vector<16xf32>, vector<16xi32> -> vector<16xf32>
        %add3A_918 = arith.addf %add3A_904, %gather3A_917 : vector<16xf32>
        %xor3A_919 = arith.constant 4 : i32
        %xor3A_920 = vector.broadcast %xor3A_919 : i32 to vector<16xi32>
        %xor3A_921 = arith.xori %iota3A, %xor3A_920 : vector<16xi32>
        %lt3A_922 = arith.constant 0 : i32
        %lt3A_923 = vector.broadcast %lt3A_922 : i32 to vector<16xi32>
        %lt3A_924 = arith.cmpi slt, %xor3A_921, %lt3A_923 : vector<16xi32>
        %add3A_925 = arith.constant 16 : i32
        %add3A_926 = vector.broadcast %add3A_925 : i32 to vector<16xi32>
        %add3A_927 = arith.addi %xor3A_921, %add3A_926 : vector<16xi32>
        %select_n3A_928 = arith.select %lt3A_924, %add3A_927, %xor3A_921 : vector<16xi1>, vector<16xi32>
        %broadcast_in_dim3A_929 = vector.shape_cast %select_n3A_928 : vector<16xi32> to vector<16x1xi32>
        %gather3A_930 = vector.shape_cast %broadcast_in_dim3A_929 : vector<16x1xi32> to vector<16xi32>
        %gather3A_931 = tpu.dynamic_gather %add3A_918[%gather3A_930] in [0] : vector<16xf32>, vector<16xi32> -> vector<16xf32>
        %add3A_932 = arith.addf %add3A_918, %gather3A_931 : vector<16xf32>
        %xor3A_933 = arith.constant 8 : i32
        %xor3A_934 = vector.broadcast %xor3A_933 : i32 to vector<16xi32>
        %xor3A_935 = arith.xori %iota3A, %xor3A_934 : vector<16xi32>
        %lt3A_936 = arith.constant 0 : i32
        %lt3A_937 = vector.broadcast %lt3A_936 : i32 to vector<16xi32>
        %lt3A_938 = arith.cmpi slt, %xor3A_935, %lt3A_937 : vector<16xi32>
        %add3A_939 = arith.constant 16 : i32
        %add3A_940 = vector.broadcast %add3A_939 : i32 to vector<16xi32>
        %add3A_941 = arith.addi %xor3A_935, %add3A_940 : vector<16xi32>
        %select_n3A_942 = arith.select %lt3A_938, %add3A_941, %xor3A_935 : vector<16xi1>, vector<16xi32>
        %broadcast_in_dim3A_943 = vector.shape_cast %select_n3A_942 : vector<16xi32> to vector<16x1xi32>
        %gather3A_944 = vector.shape_cast %broadcast_in_dim3A_943 : vector<16x1xi32> to vector<16xi32>
        %gather3A_945 = tpu.dynamic_gather %add3A_932[%gather3A_944] in [0] : vector<16xf32>, vector<16xi32> -> vector<16xf32>
        %add3A_946 = arith.addf %add3A_932, %gather3A_945 : vector<16xf32>
        %exp3A = math.exp %add3A_946 : vector<16xf32>
        %mul3A_947 = arith.mulf %exp3A, %get3A_890 : vector<16xf32>
        %swap3A = arith.index_cast %scan3A_879 : i32 to index
        %swap3A_948 = arith.constant 0 : index
        %swap3A_949 = tpu.vector_load %arg13[%swap3A, %swap3A_948] {strides = array<i32>} : memref<512x16xf32, #tpu.memory_space<vmem>>, vector<1x16xf32>,
        %swap3A_950 = vector.shape_cast %swap3A_949 : vector<1x16xf32> to vector<16xf32>
        %swap3A_951 = vector.shape_cast %mul3A_947 : vector<16xf32> to vector<1x16xf32>
        tpu.vector_store %arg13[%swap3A, %swap3A_948], %swap3A_951 {strides = array<i32>} : memref<512x16xf32, #tpu.memory_space<vmem>>, vector<1x16xf32>,
        %swap3A_952 = arith.index_cast %scan3A_879 : i32 to index
        %swap3A_953 = arith.constant 0 : index
        %swap3A_954 = tpu.vector_load %arg14[%swap3A_952, %swap3A_953] {strides = array<i32>} : memref<512x16xf32, #tpu.memory_space<vmem>>, vector<1x16xf32>,
        %swap3A_955 = vector.shape_cast %swap3A_954 : vector<1x16xf32> to vector<16xf32>
        %swap3A_956 = vector.shape_cast %exp3A : vector<16xf32> to vector<1x16xf32>
        tpu.vector_store %arg14[%swap3A_952, %swap3A_953], %swap3A_956 {strides = array<i32>} : memref<512x16xf32, #tpu.memory_space<vmem>>, vector<1x16xf32>,
      }
      %scan3A_374 = arith.constant 512 : i32
      %dma_start3A_375 = arith.constant 0 : i32
      %dma_start3A_376 = arith.constant 0 : i32
      %dma_start3A_377 = arith.constant 0 : i32
      %dma_start3A_378 = tpu.memref_slice %arg13[%dma_start3A_376, %dma_start3A_377] : memref<512x16xf32, #tpu.memory_space<vmem>> -> memref<128x16xf32, #tpu.memory_space<vmem>>
      %dma_start3A_379 = arith.constant 0 : i32
      %dma_start3A_380 = tpu.memref_slice %arg10[%dma_start3A_375, %dma_start3A_379] : memref<4x128xi32, #tpu.memory_space<vmem>> -> memref<1x128xi32, #tpu.memory_space<vmem>>
      %dma_start3A_381 = tpu.memref_squeeze %dma_start3A_380 : memref<1x128xi32, #tpu.memory_space<vmem>> -> memref<128xi32, #tpu.memory_space<vmem>>
      %dma_start3A_382 = arith.constant 0 : i32
      %dma_start3A_383 = arith.constant 0 : i32
      %dma_start3A_384 = tpu.memref_slice %arg21[%dma_start3A_382, %dma_start3A_383] : memref<10016x16xf32, #tpu.memory_space<vmem_shared>> -> memref<10016x16xf32, #tpu.memory_space<vmem_shared>>
      tpu.enqueue_indirect_dma source(%dma_start3A_378 : memref<128x16xf32, #tpu.memory_space<vmem>>) target(%dma_start3A_384 : memref<10016x16xf32, #tpu.memory_space<vmem_shared>>) offsets(%dma_start3A_381 : memref<128xi32, #tpu.memory_space<vmem>>) semaphore(%arg25 : memref<!tpu.dma_semaphore, #tpu.memory_space<semaphore_mem>>) {add = true}
      %dma_start3A_385 = arith.constant 0 : i32
      %dma_start3A_386 = arith.constant 0 : i32
      %dma_start3A_387 = arith.constant 0 : i32
      %dma_start3A_388 = tpu.memref_slice %arg14[%dma_start3A_386, %dma_start3A_387] : memref<512x16xf32, #tpu.memory_space<vmem>> -> memref<128x16xf32, #tpu.memory_space<vmem>>
      %dma_start3A_389 = arith.constant 0 : i32
      %dma_start3A_390 = tpu.memref_slice %arg10[%dma_start3A_385, %dma_start3A_389] : memref<4x128xi32, #tpu.memory_space<vmem>> -> memref<1x128xi32, #tpu.memory_space<vmem>>
      %dma_start3A_391 = tpu.memref_squeeze %dma_start3A_390 : memref<1x128xi32, #tpu.memory_space<vmem>> -> memref<128xi32, #tpu.memory_space<vmem>>
      %dma_start3A_392 = arith.constant 0 : i32
      %dma_start3A_393 = arith.constant 0 : i32
      %dma_start3A_394 = tpu.memref_slice %arg22[%dma_start3A_392, %dma_start3A_393] : memref<10016x16xf32, #tpu.memory_space<vmem_shared>> -> memref<10016x16xf32, #tpu.memory_space<vmem_shared>>
      tpu.enqueue_indirect_dma source(%dma_start3A_388 : memref<128x16xf32, #tpu.memory_space<vmem>>) target(%dma_start3A_394 : memref<10016x16xf32, #tpu.memory_space<vmem_shared>>) offsets(%dma_start3A_391 : memref<128xi32, #tpu.memory_space<vmem>>) semaphore(%arg25 : memref<!tpu.dma_semaphore, #tpu.memory_space<semaphore_mem>>) {add = true}
      %dma_start3A_395 = arith.constant 1 : i32
      %dma_start3A_396 = arith.constant 128 : i32
      %dma_start3A_397 = arith.constant 0 : i32
      %dma_start3A_398 = tpu.memref_slice %arg13[%dma_start3A_396, %dma_start3A_397] : memref<512x16xf32, #tpu.memory_space<vmem>> -> memref<128x16xf32, #tpu.memory_space<vmem>>
      %dma_start3A_399 = arith.constant 0 : i32
      %dma_start3A_400 = tpu.memref_slice %arg10[%dma_start3A_395, %dma_start3A_399] : memref<4x128xi32, #tpu.memory_space<vmem>> -> memref<1x128xi32, #tpu.memory_space<vmem>>
      %dma_start3A_401 = tpu.memref_squeeze %dma_start3A_400 : memref<1x128xi32, #tpu.memory_space<vmem>> -> memref<128xi32, #tpu.memory_space<vmem>>
      %dma_start3A_402 = arith.constant 0 : i32
      %dma_start3A_403 = arith.constant 0 : i32
      %dma_start3A_404 = tpu.memref_slice %arg21[%dma_start3A_402, %dma_start3A_403] : memref<10016x16xf32, #tpu.memory_space<vmem_shared>> -> memref<10016x16xf32, #tpu.memory_space<vmem_shared>>
      tpu.enqueue_indirect_dma source(%dma_start3A_398 : memref<128x16xf32, #tpu.memory_space<vmem>>) target(%dma_start3A_404 : memref<10016x16xf32, #tpu.memory_space<vmem_shared>>) offsets(%dma_start3A_401 : memref<128xi32, #tpu.memory_space<vmem>>) semaphore(%arg25 : memref<!tpu.dma_semaphore, #tpu.memory_space<semaphore_mem>>) {add = true}
      %dma_start3A_405 = arith.constant 1 : i32
      %dma_start3A_406 = arith.constant 128 : i32
      %dma_start3A_407 = arith.constant 0 : i32
      %dma_start3A_408 = tpu.memref_slice %arg14[%dma_start3A_406, %dma_start3A_407] : memref<512x16xf32, #tpu.memory_space<vmem>> -> memref<128x16xf32, #tpu.memory_space<vmem>>
      %dma_start3A_409 = arith.constant 0 : i32
      %dma_start3A_410 = tpu.memref_slice %arg10[%dma_start3A_405, %dma_start3A_409] : memref<4x128xi32, #tpu.memory_space<vmem>> -> memref<1x128xi32, #tpu.memory_space<vmem>>
      %dma_start3A_411 = tpu.memref_squeeze %dma_start3A_410 : memref<1x128xi32, #tpu.memory_space<vmem>> -> memref<128xi32, #tpu.memory_space<vmem>>
      %dma_start3A_412 = arith.constant 0 : i32
      %dma_start3A_413 = arith.constant 0 : i32
      %dma_start3A_414 = tpu.memref_slice %arg22[%dma_start3A_412, %dma_start3A_413] : memref<10016x16xf32, #tpu.memory_space<vmem_shared>> -> memref<10016x16xf32, #tpu.memory_space<vmem_shared>>
      tpu.enqueue_indirect_dma source(%dma_start3A_408 : memref<128x16xf32, #tpu.memory_space<vmem>>) target(%dma_start3A_414 : memref<10016x16xf32, #tpu.memory_space<vmem_shared>>) offsets(%dma_start3A_411 : memref<128xi32, #tpu.memory_space<vmem>>) semaphore(%arg25 : memref<!tpu.dma_semaphore, #tpu.memory_space<semaphore_mem>>) {add = true}
      %dma_start3A_415 = arith.constant 2 : i32
      %dma_start3A_416 = arith.constant 256 : i32
      %dma_start3A_417 = arith.constant 0 : i32
      %dma_start3A_418 = tpu.memref_slice %arg13[%dma_start3A_416, %dma_start3A_417] : memref<512x16xf32, #tpu.memory_space<vmem>> -> memref<128x16xf32, #tpu.memory_space<vmem>>
      %dma_start3A_419 = arith.constant 0 : i32
      %dma_start3A_420 = tpu.memref_slice %arg10[%dma_start3A_415, %dma_start3A_419] : memref<4x128xi32, #tpu.memory_space<vmem>> -> memref<1x128xi32, #tpu.memory_space<vmem>>
      %dma_start3A_421 = tpu.memref_squeeze %dma_start3A_420 : memref<1x128xi32, #tpu.memory_space<vmem>> -> memref<128xi32, #tpu.memory_space<vmem>>
      %dma_start3A_422 = arith.constant 0 : i32
      %dma_start3A_423 = arith.constant 0 : i32
      %dma_start3A_424 = tpu.memref_slice %arg21[%dma_start3A_422, %dma_start3A_423] : memref<10016x16xf32, #tpu.memory_space<vmem_shared>> -> memref<10016x16xf32, #tpu.memory_space<vmem_shared>>
      tpu.enqueue_indirect_dma source(%dma_start3A_418 : memref<128x16xf32, #tpu.memory_space<vmem>>) target(%dma_start3A_424 : memref<10016x16xf32, #tpu.memory_space<vmem_shared>>) offsets(%dma_start3A_421 : memref<128xi32, #tpu.memory_space<vmem>>) semaphore(%arg25 : memref<!tpu.dma_semaphore, #tpu.memory_space<semaphore_mem>>) {add = true}
      %dma_start3A_425 = arith.constant 2 : i32
      %dma_start3A_426 = arith.constant 256 : i32
      %dma_start3A_427 = arith.constant 0 : i32
      %dma_start3A_428 = tpu.memref_slice %arg14[%dma_start3A_426, %dma_start3A_427] : memref<512x16xf32, #tpu.memory_space<vmem>> -> memref<128x16xf32, #tpu.memory_space<vmem>>
      %dma_start3A_429 = arith.constant 0 : i32
      %dma_start3A_430 = tpu.memref_slice %arg10[%dma_start3A_425, %dma_start3A_429] : memref<4x128xi32, #tpu.memory_space<vmem>> -> memref<1x128xi32, #tpu.memory_space<vmem>>
      %dma_start3A_431 = tpu.memref_squeeze %dma_start3A_430 : memref<1x128xi32, #tpu.memory_space<vmem>> -> memref<128xi32, #tpu.memory_space<vmem>>
      %dma_start3A_432 = arith.constant 0 : i32
      %dma_start3A_433 = arith.constant 0 : i32
      %dma_start3A_434 = tpu.memref_slice %arg22[%dma_start3A_432, %dma_start3A_433] : memref<10016x16xf32, #tpu.memory_space<vmem_shared>> -> memref<10016x16xf32, #tpu.memory_space<vmem_shared>>
      tpu.enqueue_indirect_dma source(%dma_start3A_428 : memref<128x16xf32, #tpu.memory_space<vmem>>) target(%dma_start3A_434 : memref<10016x16xf32, #tpu.memory_space<vmem_shared>>) offsets(%dma_start3A_431 : memref<128xi32, #tpu.memory_space<vmem>>) semaphore(%arg25 : memref<!tpu.dma_semaphore, #tpu.memory_space<semaphore_mem>>) {add = true}
      %dma_start3A_435 = arith.constant 3 : i32
      %dma_start3A_436 = arith.constant 384 : i32
      %dma_start3A_437 = arith.constant 0 : i32
      %dma_start3A_438 = tpu.memref_slice %arg13[%dma_start3A_436, %dma_start3A_437] : memref<512x16xf32, #tpu.memory_space<vmem>> -> memref<128x16xf32, #tpu.memory_space<vmem>>
      %dma_start3A_439 = arith.constant 0 : i32
      %dma_start3A_440 = tpu.memref_slice %arg10[%dma_start3A_435, %dma_start3A_439] : memref<4x128xi32, #tpu.memory_space<vmem>> -> memref<1x128xi32, #tpu.memory_space<vmem>>
      %dma_start3A_441 = tpu.memref_squeeze %dma_start3A_440 : memref<1x128xi32, #tpu.memory_space<vmem>> -> memref<128xi32, #tpu.memory_space<vmem>>
      %dma_start3A_442 = arith.constant 0 : i32
      %dma_start3A_443 = arith.constant 0 : i32
      %dma_start3A_444 = tpu.memref_slice %arg21[%dma_start3A_442, %dma_start3A_443] : memref<10016x16xf32, #tpu.memory_space<vmem_shared>> -> memref<10016x16xf32, #tpu.memory_space<vmem_shared>>
      tpu.enqueue_indirect_dma source(%dma_start3A_438 : memref<128x16xf32, #tpu.memory_space<vmem>>) target(%dma_start3A_444 : memref<10016x16xf32, #tpu.memory_space<vmem_shared>>) offsets(%dma_start3A_441 : memref<128xi32, #tpu.memory_space<vmem>>) semaphore(%arg25 : memref<!tpu.dma_semaphore, #tpu.memory_space<semaphore_mem>>) {add = true}
      %dma_start3A_445 = arith.constant 3 : i32
      %dma_start3A_446 = arith.constant 384 : i32
      %dma_start3A_447 = arith.constant 0 : i32
      %dma_start3A_448 = tpu.memref_slice %arg14[%dma_start3A_446, %dma_start3A_447] : memref<512x16xf32, #tpu.memory_space<vmem>> -> memref<128x16xf32, #tpu.memory_space<vmem>>
      %dma_start3A_449 = arith.constant 0 : i32
      %dma_start3A_450 = tpu.memref_slice %arg10[%dma_start3A_445, %dma_start3A_449] : memref<4x128xi32, #tpu.memory_space<vmem>> -> memref<1x128xi32, #tpu.memory_space<vmem>>
      %dma_start3A_451 = tpu.memref_squeeze %dma_start3A_450 : memref<1x128xi32, #tpu.memory_space<vmem>> -> memref<128xi32, #tpu.memory_space<vmem>>
      %dma_start3A_452 = arith.constant 0 : i32
      %dma_start3A_453 = arith.constant 0 : i32
      %dma_start3A_454 = tpu.memref_slice %arg22[%dma_start3A_452, %dma_start3A_453] : memref<10016x16xf32, #tpu.memory_space<vmem_shared>> -> memref<10016x16xf32, #tpu.memory_space<vmem_shared>>
      tpu.enqueue_indirect_dma source(%dma_start3A_448 : memref<128x16xf32, #tpu.memory_space<vmem>>) target(%dma_start3A_454 : memref<10016x16xf32, #tpu.memory_space<vmem_shared>>) offsets(%dma_start3A_451 : memref<128xi32, #tpu.memory_space<vmem>>) semaphore(%arg25 : memref<!tpu.dma_semaphore, #tpu.memory_space<semaphore_mem>>) {add = true}
      %dma_wait3A_455 = arith.constant 0 : i32
      %dma_wait3A_456 = arith.constant 0 : i32
      %dma_wait3A_457 = arith.constant 0 : i32
      %dma_wait3A_458 = arith.constant 0 : i32
      %dma_wait3A_459 = tpu.memref_slice %arg17[%dma_wait3A_456, %dma_wait3A_457, %dma_wait3A_458] : memref<512x2x16xf32, #tpu.memory_space<vmem>> -> memref<128x2x16xf32, #tpu.memory_space<vmem>>
      %dma_wait3A_460 = arith.constant 0 : i32
      %dma_wait3A_461 = tpu.memref_slice %arg15[%dma_wait3A_455, %dma_wait3A_460] : memref<4x128xi32, #tpu.memory_space<vmem>> -> memref<1x128xi32, #tpu.memory_space<vmem>>
      %dma_wait3A_462 = tpu.memref_squeeze %dma_wait3A_461 : memref<1x128xi32, #tpu.memory_space<vmem>> -> memref<128xi32, #tpu.memory_space<vmem>>
      %dma_wait3A_463 = arith.constant 0 : i32
      %dma_wait3A_464 = arith.constant 0 : i32
      %dma_wait3A_465 = arith.constant 0 : i32
      %dma_wait3A_466 = tpu.memref_slice %arg2[%dma_wait3A_463, %dma_wait3A_464, %dma_wait3A_465] : memref<10016x2x16xf32, #tpu.memory_space<hbm>> -> memref<10016x2x16xf32, #tpu.memory_space<hbm>>
      tpu.wait_indirect_dma semaphore(%arg24 : memref<!tpu.dma_semaphore, #tpu.memory_space<semaphore_mem>>) src(%dma_wait3A_466 : memref<10016x2x16xf32, #tpu.memory_space<hbm>>) dst(%dma_wait3A_459 : memref<128x2x16xf32, #tpu.memory_space<vmem>>)
      %dma_wait3A_467 = arith.constant 0 : i32
      %dma_wait3A_468 = arith.constant 0 : i32
      %dma_wait3A_469 = arith.constant 0 : i32
      %dma_wait3A_470 = tpu.memref_slice %arg18[%dma_wait3A_468, %dma_wait3A_469] : memref<512x16xf32, #tpu.memory_space<vmem>> -> memref<128x16xf32, #tpu.memory_space<vmem>>
      %dma_wait3A_471 = arith.constant 0 : i32
      %dma_wait3A_472 = tpu.memref_slice %arg16[%dma_wait3A_467, %dma_wait3A_471] : memref<4x128xi32, #tpu.memory_space<vmem>> -> memref<1x128xi32, #tpu.memory_space<vmem>>
      %dma_wait3A_473 = tpu.memref_squeeze %dma_wait3A_472 : memref<1x128xi32, #tpu.memory_space<vmem>> -> memref<128xi32, #tpu.memory_space<vmem>>
      %dma_wait3A_474 = arith.constant 0 : i32
      %dma_wait3A_475 = arith.constant 0 : i32
      %dma_wait3A_476 = tpu.memref_slice %arg3[%dma_wait3A_474, %dma_wait3A_475] : memref<10016x16xf32, #tpu.memory_space<hbm>> -> memref<10016x16xf32, #tpu.memory_space<hbm>>
      tpu.wait_indirect_dma semaphore(%arg24 : memref<!tpu.dma_semaphore, #tpu.memory_space<semaphore_mem>>) src(%dma_wait3A_476 : memref<10016x16xf32, #tpu.memory_space<hbm>>) dst(%dma_wait3A_470 : memref<128x16xf32, #tpu.memory_space<vmem>>)
      %dma_wait3A_477 = arith.constant 1 : i32
      %dma_wait3A_478 = arith.constant 128 : i32
      %dma_wait3A_479 = arith.constant 0 : i32
      %dma_wait3A_480 = arith.constant 0 : i32
      %dma_wait3A_481 = tpu.memref_slice %arg17[%dma_wait3A_478, %dma_wait3A_479, %dma_wait3A_480] : memref<512x2x16xf32, #tpu.memory_space<vmem>> -> memref<128x2x16xf32, #tpu.memory_space<vmem>>
      %dma_wait3A_482 = arith.constant 0 : i32
      %dma_wait3A_483 = tpu.memref_slice %arg15[%dma_wait3A_477, %dma_wait3A_482] : memref<4x128xi32, #tpu.memory_space<vmem>> -> memref<1x128xi32, #tpu.memory_space<vmem>>
      %dma_wait3A_484 = tpu.memref_squeeze %dma_wait3A_483 : memref<1x128xi32, #tpu.memory_space<vmem>> -> memref<128xi32, #tpu.memory_space<vmem>>
      %dma_wait3A_485 = arith.constant 0 : i32
      %dma_wait3A_486 = arith.constant 0 : i32
      %dma_wait3A_487 = arith.constant 0 : i32
      %dma_wait3A_488 = tpu.memref_slice %arg2[%dma_wait3A_485, %dma_wait3A_486, %dma_wait3A_487] : memref<10016x2x16xf32, #tpu.memory_space<hbm>> -> memref<10016x2x16xf32, #tpu.memory_space<hbm>>
      tpu.wait_indirect_dma semaphore(%arg24 : memref<!tpu.dma_semaphore, #tpu.memory_space<semaphore_mem>>) src(%dma_wait3A_488 : memref<10016x2x16xf32, #tpu.memory_space<hbm>>) dst(%dma_wait3A_481 : memref<128x2x16xf32, #tpu.memory_space<vmem>>)
      %dma_wait3A_489 = arith.constant 1 : i32
      %dma_wait3A_490 = arith.constant 128 : i32
      %dma_wait3A_491 = arith.constant 0 : i32
      %dma_wait3A_492 = tpu.memref_slice %arg18[%dma_wait3A_490, %dma_wait3A_491] : memref<512x16xf32, #tpu.memory_space<vmem>> -> memref<128x16xf32, #tpu.memory_space<vmem>>
      %dma_wait3A_493 = arith.constant 0 : i32
      %dma_wait3A_494 = tpu.memref_slice %arg16[%dma_wait3A_489, %dma_wait3A_493] : memref<4x128xi32, #tpu.memory_space<vmem>> -> memref<1x128xi32, #tpu.memory_space<vmem>>
      %dma_wait3A_495 = tpu.memref_squeeze %dma_wait3A_494 : memref<1x128xi32, #tpu.memory_space<vmem>> -> memref<128xi32, #tpu.memory_space<vmem>>
      %dma_wait3A_496 = arith.constant 0 : i32
      %dma_wait3A_497 = arith.constant 0 : i32
      %dma_wait3A_498 = tpu.memref_slice %arg3[%dma_wait3A_496, %dma_wait3A_497] : memref<10016x16xf32, #tpu.memory_space<hbm>> -> memref<10016x16xf32, #tpu.memory_space<hbm>>
      tpu.wait_indirect_dma semaphore(%arg24 : memref<!tpu.dma_semaphore, #tpu.memory_space<semaphore_mem>>) src(%dma_wait3A_498 : memref<10016x16xf32, #tpu.memory_space<hbm>>) dst(%dma_wait3A_492 : memref<128x16xf32, #tpu.memory_space<vmem>>)
      %dma_wait3A_499 = arith.constant 2 : i32
      %dma_wait3A_500 = arith.constant 256 : i32
      %dma_wait3A_501 = arith.constant 0 : i32
      %dma_wait3A_502 = arith.constant 0 : i32
      %dma_wait3A_503 = tpu.memref_slice %arg17[%dma_wait3A_500, %dma_wait3A_501, %dma_wait3A_502] : memref<512x2x16xf32, #tpu.memory_space<vmem>> -> memref<128x2x16xf32, #tpu.memory_space<vmem>>
      %dma_wait3A_504 = arith.constant 0 : i32
      %dma_wait3A_505 = tpu.memref_slice %arg15[%dma_wait3A_499, %dma_wait3A_504] : memref<4x128xi32, #tpu.memory_space<vmem>> -> memref<1x128xi32, #tpu.memory_space<vmem>>
      %dma_wait3A_506 = tpu.memref_squeeze %dma_wait3A_505 : memref<1x128xi32, #tpu.memory_space<vmem>> -> memref<128xi32, #tpu.memory_space<vmem>>
      %dma_wait3A_507 = arith.constant 0 : i32
      %dma_wait3A_508 = arith.constant 0 : i32
      %dma_wait3A_509 = arith.constant 0 : i32
      %dma_wait3A_510 = tpu.memref_slice %arg2[%dma_wait3A_507, %dma_wait3A_508, %dma_wait3A_509] : memref<10016x2x16xf32, #tpu.memory_space<hbm>> -> memref<10016x2x16xf32, #tpu.memory_space<hbm>>
      tpu.wait_indirect_dma semaphore(%arg24 : memref<!tpu.dma_semaphore, #tpu.memory_space<semaphore_mem>>) src(%dma_wait3A_510 : memref<10016x2x16xf32, #tpu.memory_space<hbm>>) dst(%dma_wait3A_503 : memref<128x2x16xf32, #tpu.memory_space<vmem>>)
      %dma_wait3A_511 = arith.constant 2 : i32
      %dma_wait3A_512 = arith.constant 256 : i32
      %dma_wait3A_513 = arith.constant 0 : i32
      %dma_wait3A_514 = tpu.memref_slice %arg18[%dma_wait3A_512, %dma_wait3A_513] : memref<512x16xf32, #tpu.memory_space<vmem>> -> memref<128x16xf32, #tpu.memory_space<vmem>>
      %dma_wait3A_515 = arith.constant 0 : i32
      %dma_wait3A_516 = tpu.memref_slice %arg16[%dma_wait3A_511, %dma_wait3A_515] : memref<4x128xi32, #tpu.memory_space<vmem>> -> memref<1x128xi32, #tpu.memory_space<vmem>>
      %dma_wait3A_517 = tpu.memref_squeeze %dma_wait3A_516 : memref<1x128xi32, #tpu.memory_space<vmem>> -> memref<128xi32, #tpu.memory_space<vmem>>
      %dma_wait3A_518 = arith.constant 0 : i32
      %dma_wait3A_519 = arith.constant 0 : i32
      %dma_wait3A_520 = tpu.memref_slice %arg3[%dma_wait3A_518, %dma_wait3A_519] : memref<10016x16xf32, #tpu.memory_space<hbm>> -> memref<10016x16xf32, #tpu.memory_space<hbm>>
      tpu.wait_indirect_dma semaphore(%arg24 : memref<!tpu.dma_semaphore, #tpu.memory_space<semaphore_mem>>) src(%dma_wait3A_520 : memref<10016x16xf32, #tpu.memory_space<hbm>>) dst(%dma_wait3A_514 : memref<128x16xf32, #tpu.memory_space<vmem>>)
      %dma_wait3A_521 = arith.constant 3 : i32
      %dma_wait3A_522 = arith.constant 384 : i32
      %dma_wait3A_523 = arith.constant 0 : i32
      %dma_wait3A_524 = arith.constant 0 : i32
      %dma_wait3A_525 = tpu.memref_slice %arg17[%dma_wait3A_522, %dma_wait3A_523, %dma_wait3A_524] : memref<512x2x16xf32, #tpu.memory_space<vmem>> -> memref<128x2x16xf32, #tpu.memory_space<vmem>>
      %dma_wait3A_526 = arith.constant 0 : i32
      %dma_wait3A_527 = tpu.memref_slice %arg15[%dma_wait3A_521, %dma_wait3A_526] : memref<4x128xi32, #tpu.memory_space<vmem>> -> memref<1x128xi32, #tpu.memory_space<vmem>>
      %dma_wait3A_528 = tpu.memref_squeeze %dma_wait3A_527 : memref<1x128xi32, #tpu.memory_space<vmem>> -> memref<128xi32, #tpu.memory_space<vmem>>
      %dma_wait3A_529 = arith.constant 0 : i32
      %dma_wait3A_530 = arith.constant 0 : i32
      %dma_wait3A_531 = arith.constant 0 : i32
      %dma_wait3A_532 = tpu.memref_slice %arg2[%dma_wait3A_529, %dma_wait3A_530, %dma_wait3A_531] : memref<10016x2x16xf32, #tpu.memory_space<hbm>> -> memref<10016x2x16xf32, #tpu.memory_space<hbm>>
      tpu.wait_indirect_dma semaphore(%arg24 : memref<!tpu.dma_semaphore, #tpu.memory_space<semaphore_mem>>) src(%dma_wait3A_532 : memref<10016x2x16xf32, #tpu.memory_space<hbm>>) dst(%dma_wait3A_525 : memref<128x2x16xf32, #tpu.memory_space<vmem>>)
      %dma_wait3A_533 = arith.constant 3 : i32
      %dma_wait3A_534 = arith.constant 384 : i32
      %dma_wait3A_535 = arith.constant 0 : i32
      %dma_wait3A_536 = tpu.memref_slice %arg18[%dma_wait3A_534, %dma_wait3A_535] : memref<512x16xf32, #tpu.memory_space<vmem>> -> memref<128x16xf32, #tpu.memory_space<vmem>>
      %dma_wait3A_537 = arith.constant 0 : i32
      %dma_wait3A_538 = tpu.memref_slice %arg16[%dma_wait3A_533, %dma_wait3A_537] : memref<4x128xi32, #tpu.memory_space<vmem>> -> memref<1x128xi32, #tpu.memory_space<vmem>>
      %dma_wait3A_539 = tpu.memref_squeeze %dma_wait3A_538 : memref<1x128xi32, #tpu.memory_space<vmem>> -> memref<128xi32, #tpu.memory_space<vmem>>
      %dma_wait3A_540 = arith.constant 0 : i32
      %dma_wait3A_541 = arith.constant 0 : i32
      %dma_wait3A_542 = tpu.memref_slice %arg3[%dma_wait3A_540, %dma_wait3A_541] : memref<10016x16xf32, #tpu.memory_space<hbm>> -> memref<10016x16xf32, #tpu.memory_space<hbm>>
      tpu.wait_indirect_dma semaphore(%arg24 : memref<!tpu.dma_semaphore, #tpu.memory_space<semaphore_mem>>) src(%dma_wait3A_542 : memref<10016x16xf32, #tpu.memory_space<hbm>>) dst(%dma_wait3A_536 : memref<128x16xf32, #tpu.memory_space<vmem>>)
      %dma_wait3A_543 = arith.constant 0 : i32
      %dma_wait3A_544 = arith.constant 0 : i32
      %dma_wait3A_545 = arith.constant 0 : i32
      %dma_wait3A_546 = tpu.memref_slice %arg13[%dma_wait3A_544, %dma_wait3A_545] : memref<512x16xf32, #tpu.memory_space<vmem>> -> memref<128x16xf32, #tpu.memory_space<vmem>>
      %dma_wait3A_547 = arith.constant 0 : i32
      %dma_wait3A_548 = tpu.memref_slice %arg10[%dma_wait3A_543, %dma_wait3A_547] : memref<4x128xi32, #tpu.memory_space<vmem>> -> memref<1x128xi32, #tpu.memory_space<vmem>>
      %dma_wait3A_549 = tpu.memref_squeeze %dma_wait3A_548 : memref<1x128xi32, #tpu.memory_space<vmem>> -> memref<128xi32, #tpu.memory_space<vmem>>
      %dma_wait3A_550 = arith.constant 0 : i32
      %dma_wait3A_551 = arith.constant 0 : i32
      %dma_wait3A_552 = tpu.memref_slice %arg21[%dma_wait3A_550, %dma_wait3A_551] : memref<10016x16xf32, #tpu.memory_space<vmem_shared>> -> memref<10016x16xf32, #tpu.memory_space<vmem_shared>>
      tpu.wait_indirect_dma semaphore(%arg25 : memref<!tpu.dma_semaphore, #tpu.memory_space<semaphore_mem>>) src(%dma_wait3A_546 : memref<128x16xf32, #tpu.memory_space<vmem>>) dst(%dma_wait3A_552 : memref<10016x16xf32, #tpu.memory_space<vmem_shared>>)
      %dma_wait3A_553 = arith.constant 0 : i32
      %dma_wait3A_554 = arith.constant 0 : i32
      %dma_wait3A_555 = arith.constant 0 : i32
      %dma_wait3A_556 = tpu.memref_slice %arg14[%dma_wait3A_554, %dma_wait3A_555] : memref<512x16xf32, #tpu.memory_space<vmem>> -> memref<128x16xf32, #tpu.memory_space<vmem>>
      %dma_wait3A_557 = arith.constant 0 : i32
      %dma_wait3A_558 = tpu.memref_slice %arg10[%dma_wait3A_553, %dma_wait3A_557] : memref<4x128xi32, #tpu.memory_space<vmem>> -> memref<1x128xi32, #tpu.memory_space<vmem>>
      %dma_wait3A_559 = tpu.memref_squeeze %dma_wait3A_558 : memref<1x128xi32, #tpu.memory_space<vmem>> -> memref<128xi32, #tpu.memory_space<vmem>>
      %dma_wait3A_560 = arith.constant 0 : i32
      %dma_wait3A_561 = arith.constant 0 : i32
      %dma_wait3A_562 = tpu.memref_slice %arg22[%dma_wait3A_560, %dma_wait3A_561] : memref<10016x16xf32, #tpu.memory_space<vmem_shared>> -> memref<10016x16xf32, #tpu.memory_space<vmem_shared>>
      tpu.wait_indirect_dma semaphore(%arg25 : memref<!tpu.dma_semaphore, #tpu.memory_space<semaphore_mem>>) src(%dma_wait3A_556 : memref<128x16xf32, #tpu.memory_space<vmem>>) dst(%dma_wait3A_562 : memref<10016x16xf32, #tpu.memory_space<vmem_shared>>)
      %dma_wait3A_563 = arith.constant 1 : i32
      %dma_wait3A_564 = arith.constant 128 : i32
      %dma_wait3A_565 = arith.constant 0 : i32
      %dma_wait3A_566 = tpu.memref_slice %arg13[%dma_wait3A_564, %dma_wait3A_565] : memref<512x16xf32, #tpu.memory_space<vmem>> -> memref<128x16xf32, #tpu.memory_space<vmem>>
      %dma_wait3A_567 = arith.constant 0 : i32
      %dma_wait3A_568 = tpu.memref_slice %arg10[%dma_wait3A_563, %dma_wait3A_567] : memref<4x128xi32, #tpu.memory_space<vmem>> -> memref<1x128xi32, #tpu.memory_space<vmem>>
      %dma_wait3A_569 = tpu.memref_squeeze %dma_wait3A_568 : memref<1x128xi32, #tpu.memory_space<vmem>> -> memref<128xi32, #tpu.memory_space<vmem>>
      %dma_wait3A_570 = arith.constant 0 : i32
      %dma_wait3A_571 = arith.constant 0 : i32
      %dma_wait3A_572 = tpu.memref_slice %arg21[%dma_wait3A_570, %dma_wait3A_571] : memref<10016x16xf32, #tpu.memory_space<vmem_shared>> -> memref<10016x16xf32, #tpu.memory_space<vmem_shared>>
      tpu.wait_indirect_dma semaphore(%arg25 : memref<!tpu.dma_semaphore, #tpu.memory_space<semaphore_mem>>) src(%dma_wait3A_566 : memref<128x16xf32, #tpu.memory_space<vmem>>) dst(%dma_wait3A_572 : memref<10016x16xf32, #tpu.memory_space<vmem_shared>>)
      %dma_wait3A_573 = arith.constant 1 : i32
      %dma_wait3A_574 = arith.constant 128 : i32
      %dma_wait3A_575 = arith.constant 0 : i32
      %dma_wait3A_576 = tpu.memref_slice %arg14[%dma_wait3A_574, %dma_wait3A_575] : memref<512x16xf32, #tpu.memory_space<vmem>> -> memref<128x16xf32, #tpu.memory_space<vmem>>
      %dma_wait3A_577 = arith.constant 0 : i32
      %dma_wait3A_578 = tpu.memref_slice %arg10[%dma_wait3A_573, %dma_wait3A_577] : memref<4x128xi32, #tpu.memory_space<vmem>> -> memref<1x128xi32, #tpu.memory_space<vmem>>
      %dma_wait3A_579 = tpu.memref_squeeze %dma_wait3A_578 : memref<1x128xi32, #tpu.memory_space<vmem>> -> memref<128xi32, #tpu.memory_space<vmem>>
      %dma_wait3A_580 = arith.constant 0 : i32
      %dma_wait3A_581 = arith.constant 0 : i32
      %dma_wait3A_582 = tpu.memref_slice %arg22[%dma_wait3A_580, %dma_wait3A_581] : memref<10016x16xf32, #tpu.memory_space<vmem_shared>> -> memref<10016x16xf32, #tpu.memory_space<vmem_shared>>
      tpu.wait_indirect_dma semaphore(%arg25 : memref<!tpu.dma_semaphore, #tpu.memory_space<semaphore_mem>>) src(%dma_wait3A_576 : memref<128x16xf32, #tpu.memory_space<vmem>>) dst(%dma_wait3A_582 : memref<10016x16xf32, #tpu.memory_space<vmem_shared>>)
      %dma_wait3A_583 = arith.constant 2 : i32
      %dma_wait3A_584 = arith.constant 256 : i32
      %dma_wait3A_585 = arith.constant 0 : i32
      %dma_wait3A_586 = tpu.memref_slice %arg13[%dma_wait3A_584, %dma_wait3A_585] : memref<512x16xf32, #tpu.memory_space<vmem>> -> memref<128x16xf32, #tpu.memory_space<vmem>>
      %dma_wait3A_587 = arith.constant 0 : i32
      %dma_wait3A_588 = tpu.memref_slice %arg10[%dma_wait3A_583, %dma_wait3A_587] : memref<4x128xi32, #tpu.memory_space<vmem>> -> memref<1x128xi32, #tpu.memory_space<vmem>>
      %dma_wait3A_589 = tpu.memref_squeeze %dma_wait3A_588 : memref<1x128xi32, #tpu.memory_space<vmem>> -> memref<128xi32, #tpu.memory_space<vmem>>
      %dma_wait3A_590 = arith.constant 0 : i32
      %dma_wait3A_591 = arith.constant 0 : i32
      %dma_wait3A_592 = tpu.memref_slice %arg21[%dma_wait3A_590, %dma_wait3A_591] : memref<10016x16xf32, #tpu.memory_space<vmem_shared>> -> memref<10016x16xf32, #tpu.memory_space<vmem_shared>>
      tpu.wait_indirect_dma semaphore(%arg25 : memref<!tpu.dma_semaphore, #tpu.memory_space<semaphore_mem>>) src(%dma_wait3A_586 : memref<128x16xf32, #tpu.memory_space<vmem>>) dst(%dma_wait3A_592 : memref<10016x16xf32, #tpu.memory_space<vmem_shared>>)
      %dma_wait3A_593 = arith.constant 2 : i32
      %dma_wait3A_594 = arith.constant 256 : i32
      %dma_wait3A_595 = arith.constant 0 : i32
      %dma_wait3A_596 = tpu.memref_slice %arg14[%dma_wait3A_594, %dma_wait3A_595] : memref<512x16xf32, #tpu.memory_space<vmem>> -> memref<128x16xf32, #tpu.memory_space<vmem>>
      %dma_wait3A_597 = arith.constant 0 : i32
      %dma_wait3A_598 = tpu.memref_slice %arg10[%dma_wait3A_593, %dma_wait3A_597] : memref<4x128xi32, #tpu.memory_space<vmem>> -> memref<1x128xi32, #tpu.memory_space<vmem>>
      %dma_wait3A_599 = tpu.memref_squeeze %dma_wait3A_598 : memref<1x128xi32, #tpu.memory_space<vmem>> -> memref<128xi32, #tpu.memory_space<vmem>>
      %dma_wait3A_600 = arith.constant 0 : i32
      %dma_wait3A_601 = arith.constant 0 : i32
      %dma_wait3A_602 = tpu.memref_slice %arg22[%dma_wait3A_600, %dma_wait3A_601] : memref<10016x16xf32, #tpu.memory_space<vmem_shared>> -> memref<10016x16xf32, #tpu.memory_space<vmem_shared>>
      tpu.wait_indirect_dma semaphore(%arg25 : memref<!tpu.dma_semaphore, #tpu.memory_space<semaphore_mem>>) src(%dma_wait3A_596 : memref<128x16xf32, #tpu.memory_space<vmem>>) dst(%dma_wait3A_602 : memref<10016x16xf32, #tpu.memory_space<vmem_shared>>)
      %dma_wait3A_603 = arith.constant 3 : i32
      %dma_wait3A_604 = arith.constant 384 : i32
      %dma_wait3A_605 = arith.constant 0 : i32
      %dma_wait3A_606 = tpu.memref_slice %arg13[%dma_wait3A_604, %dma_wait3A_605] : memref<512x16xf32, #tpu.memory_space<vmem>> -> memref<128x16xf32, #tpu.memory_space<vmem>>
      %dma_wait3A_607 = arith.constant 0 : i32
      %dma_wait3A_608 = tpu.memref_slice %arg10[%dma_wait3A_603, %dma_wait3A_607] : memref<4x128xi32, #tpu.memory_space<vmem>> -> memref<1x128xi32, #tpu.memory_space<vmem>>
      %dma_wait3A_609 = tpu.memref_squeeze %dma_wait3A_608 : memref<1x128xi32, #tpu.memory_space<vmem>> -> memref<128xi32, #tpu.memory_space<vmem>>
      %dma_wait3A_610 = arith.constant 0 : i32
      %dma_wait3A_611 = arith.constant 0 : i32
      %dma_wait3A_612 = tpu.memref_slice %arg21[%dma_wait3A_610, %dma_wait3A_611] : memref<10016x16xf32, #tpu.memory_space<vmem_shared>> -> memref<10016x16xf32, #tpu.memory_space<vmem_shared>>
      tpu.wait_indirect_dma semaphore(%arg25 : memref<!tpu.dma_semaphore, #tpu.memory_space<semaphore_mem>>) src(%dma_wait3A_606 : memref<128x16xf32, #tpu.memory_space<vmem>>) dst(%dma_wait3A_612 : memref<10016x16xf32, #tpu.memory_space<vmem_shared>>)
      %dma_wait3A_613 = arith.constant 3 : i32
      %dma_wait3A_614 = arith.constant 384 : i32
      %dma_wait3A_615 = arith.constant 0 : i32
      %dma_wait3A_616 = tpu.memref_slice %arg14[%dma_wait3A_614, %dma_wait3A_615] : memref<512x16xf32, #tpu.memory_space<vmem>> -> memref<128x16xf32, #tpu.memory_space<vmem>>
      %dma_wait3A_617 = arith.constant 0 : i32
      %dma_wait3A_618 = tpu.memref_slice %arg10[%dma_wait3A_613, %dma_wait3A_617] : memref<4x128xi32, #tpu.memory_space<vmem>> -> memref<1x128xi32, #tpu.memory_space<vmem>>
      %dma_wait3A_619 = tpu.memref_squeeze %dma_wait3A_618 : memref<1x128xi32, #tpu.memory_space<vmem>> -> memref<128xi32, #tpu.memory_space<vmem>>
      %dma_wait3A_620 = arith.constant 0 : i32
      %dma_wait3A_621 = arith.constant 0 : i32
      %dma_wait3A_622 = tpu.memref_slice %arg22[%dma_wait3A_620, %dma_wait3A_621] : memref<10016x16xf32, #tpu.memory_space<vmem_shared>> -> memref<10016x16xf32, #tpu.memory_space<vmem_shared>>
      tpu.wait_indirect_dma semaphore(%arg25 : memref<!tpu.dma_semaphore, #tpu.memory_space<semaphore_mem>>) src(%dma_wait3A_616 : memref<128x16xf32, #tpu.memory_space<vmem>>) dst(%dma_wait3A_622 : memref<10016x16xf32, #tpu.memory_space<vmem_shared>>)
      %add3A_623 = arith.constant 8 : i32
      %add3A_624 = arith.addi %add3A_198, %add3A_623 : i32
      "tpu.region"() ({
        %run_scoped3A = tpu.sem_alloc : memref<!tpu.dma_semaphore, #tpu.memory_space<semaphore_mem>>
        %dma_start3A_879 = arith.constant 0 : i32
        %dma_start3A_880 = tpu.memref_slice %arg4[%add3A_624, %dma_start3A_879] : memref<2944x128xi32, #tpu.memory_space<hbm>> -> memref<4x128xi32, #tpu.memory_space<hbm>>
        %dma_start3A_881 = arith.constant 0 : i32
        %dma_start3A_882 = tpu.memref_slice %arg4[%add3A_624, %dma_start3A_881] : memref<2944x128xi32, #tpu.memory_space<hbm>> -> memref<4x128xi32, #tpu.memory_space<hbm>>
        tpu.enqueue_dma source(%dma_start3A_882 : memref<4x128xi32, #tpu.memory_space<hbm>>) target(%arg9 : memref<4x128xi32, #tpu.memory_space<vmem>>) target_semaphore(%run_scoped3A : memref<!tpu.dma_semaphore, #tpu.memory_space<semaphore_mem>>)
        %dma_wait3A_883 = arith.constant 0 : i32
        %dma_wait3A_884 = tpu.memref_slice %arg4[%add3A_624, %dma_wait3A_883] : memref<2944x128xi32, #tpu.memory_space<hbm>> -> memref<4x128xi32, #tpu.memory_space<hbm>>
        %dma_wait3A_885 = arith.constant 0 : i32
        %dma_wait3A_886 = tpu.memref_slice %arg4[%add3A_624, %dma_wait3A_885] : memref<2944x128xi32, #tpu.memory_space<hbm>> -> memref<4x128xi32, #tpu.memory_space<hbm>>
        tpu.wait_dma2 semaphore(%run_scoped3A : memref<!tpu.dma_semaphore, #tpu.memory_space<semaphore_mem>>) src(%dma_wait3A_886 : memref<4x128xi32, #tpu.memory_space<hbm>>) dst(%arg9 : memref<4x128xi32, #tpu.memory_space<vmem>>)
        tpu.yield
      }) : () -> ()
      "tpu.region"() ({
        %run_scoped3A = tpu.sem_alloc : memref<!tpu.dma_semaphore, #tpu.memory_space<semaphore_mem>>
        %dma_start3A_879 = arith.constant 0 : i32
        %dma_start3A_880 = tpu.memref_slice %arg5[%add3A_624, %dma_start3A_879] : memref<2944x128xi32, #tpu.memory_space<hbm>> -> memref<4x128xi32, #tpu.memory_space<hbm>>
        %dma_start3A_881 = arith.constant 0 : i32
        %dma_start3A_882 = tpu.memref_slice %arg5[%add3A_624, %dma_start3A_881] : memref<2944x128xi32, #tpu.memory_space<hbm>> -> memref<4x128xi32, #tpu.memory_space<hbm>>
        tpu.enqueue_dma source(%dma_start3A_882 : memref<4x128xi32, #tpu.memory_space<hbm>>) target(%arg10 : memref<4x128xi32, #tpu.memory_space<vmem>>) target_semaphore(%run_scoped3A : memref<!tpu.dma_semaphore, #tpu.memory_space<semaphore_mem>>)
        %dma_wait3A_883 = arith.constant 0 : i32
        %dma_wait3A_884 = tpu.memref_slice %arg5[%add3A_624, %dma_wait3A_883] : memref<2944x128xi32, #tpu.memory_space<hbm>> -> memref<4x128xi32, #tpu.memory_space<hbm>>
        %dma_wait3A_885 = arith.constant 0 : i32
        %dma_wait3A_886 = tpu.memref_slice %arg5[%add3A_624, %dma_wait3A_885] : memref<2944x128xi32, #tpu.memory_space<hbm>> -> memref<4x128xi32, #tpu.memory_space<hbm>>
        tpu.wait_dma2 semaphore(%run_scoped3A : memref<!tpu.dma_semaphore, #tpu.memory_space<semaphore_mem>>) src(%dma_wait3A_886 : memref<4x128xi32, #tpu.memory_space<hbm>>) dst(%arg10 : memref<4x128xi32, #tpu.memory_space<vmem>>)
        tpu.yield
      }) : () -> ()
      %dma_start3A_625 = arith.constant 0 : i32
      %dma_start3A_626 = arith.constant 0 : i32
      %dma_start3A_627 = arith.constant 0 : i32
      %dma_start3A_628 = arith.constant 0 : i32
      %dma_start3A_629 = tpu.memref_slice %arg11[%dma_start3A_626, %dma_start3A_627, %dma_start3A_628] : memref<512x2x16xf32, #tpu.memory_space<vmem>> -> memref<128x2x16xf32, #tpu.memory_space<vmem>>
      %dma_start3A_630 = arith.constant 0 : i32
      %dma_start3A_631 = tpu.memref_slice %arg9[%dma_start3A_625, %dma_start3A_630] : memref<4x128xi32, #tpu.memory_space<vmem>> -> memref<1x128xi32, #tpu.memory_space<vmem>>
      %dma_start3A_632 = tpu.memref_squeeze %dma_start3A_631 : memref<1x128xi32, #tpu.memory_space<vmem>> -> memref<128xi32, #tpu.memory_space<vmem>>
      %dma_start3A_633 = arith.constant 0 : i32
      %dma_start3A_634 = arith.constant 0 : i32
      %dma_start3A_635 = arith.constant 0 : i32
      %dma_start3A_636 = tpu.memref_slice %arg2[%dma_start3A_633, %dma_start3A_634, %dma_start3A_635] : memref<10016x2x16xf32, #tpu.memory_space<hbm>> -> memref<10016x2x16xf32, #tpu.memory_space<hbm>>
      tpu.enqueue_indirect_dma source(%dma_start3A_636 : memref<10016x2x16xf32, #tpu.memory_space<hbm>>) target(%dma_start3A_629 : memref<128x2x16xf32, #tpu.memory_space<vmem>>) offsets(%dma_start3A_632 : memref<128xi32, #tpu.memory_space<vmem>>) semaphore(%arg23 : memref<!tpu.dma_semaphore, #tpu.memory_space<semaphore_mem>>)
      %dma_start3A_637 = arith.constant 0 : i32
      %dma_start3A_638 = arith.constant 0 : i32
      %dma_start3A_639 = arith.constant 0 : i32
      %dma_start3A_640 = tpu.memref_slice %arg12[%dma_start3A_638, %dma_start3A_639] : memref<512x16xf32, #tpu.memory_space<vmem>> -> memref<128x16xf32, #tpu.memory_space<vmem>>
      %dma_start3A_641 = arith.constant 0 : i32
      %dma_start3A_642 = tpu.memref_slice %arg10[%dma_start3A_637, %dma_start3A_641] : memref<4x128xi32, #tpu.memory_space<vmem>> -> memref<1x128xi32, #tpu.memory_space<vmem>>
      %dma_start3A_643 = tpu.memref_squeeze %dma_start3A_642 : memref<1x128xi32, #tpu.memory_space<vmem>> -> memref<128xi32, #tpu.memory_space<vmem>>
      %dma_start3A_644 = arith.constant 0 : i32
      %dma_start3A_645 = arith.constant 0 : i32
      %dma_start3A_646 = tpu.memref_slice %arg3[%dma_start3A_644, %dma_start3A_645] : memref<10016x16xf32, #tpu.memory_space<hbm>> -> memref<10016x16xf32, #tpu.memory_space<hbm>>
      tpu.enqueue_indirect_dma source(%dma_start3A_646 : memref<10016x16xf32, #tpu.memory_space<hbm>>) target(%dma_start3A_640 : memref<128x16xf32, #tpu.memory_space<vmem>>) offsets(%dma_start3A_643 : memref<128xi32, #tpu.memory_space<vmem>>) semaphore(%arg23 : memref<!tpu.dma_semaphore, #tpu.memory_space<semaphore_mem>>)
      %dma_start3A_647 = arith.constant 1 : i32
      %dma_start3A_648 = arith.constant 128 : i32
      %dma_start3A_649 = arith.constant 0 : i32
      %dma_start3A_650 = arith.constant 0 : i32
      %dma_start3A_651 = tpu.memref_slice %arg11[%dma_start3A_648, %dma_start3A_649, %dma_start3A_650] : memref<512x2x16xf32, #tpu.memory_space<vmem>> -> memref<128x2x16xf32, #tpu.memory_space<vmem>>
      %dma_start3A_652 = arith.constant 0 : i32
      %dma_start3A_653 = tpu.memref_slice %arg9[%dma_start3A_647, %dma_start3A_652] : memref<4x128xi32, #tpu.memory_space<vmem>> -> memref<1x128xi32, #tpu.memory_space<vmem>>
      %dma_start3A_654 = tpu.memref_squeeze %dma_start3A_653 : memref<1x128xi32, #tpu.memory_space<vmem>> -> memref<128xi32, #tpu.memory_space<vmem>>
      %dma_start3A_655 = arith.constant 0 : i32
      %dma_start3A_656 = arith.constant 0 : i32
      %dma_start3A_657 = arith.constant 0 : i32
      %dma_start3A_658 = tpu.memref_slice %arg2[%dma_start3A_655, %dma_start3A_656, %dma_start3A_657] : memref<10016x2x16xf32, #tpu.memory_space<hbm>> -> memref<10016x2x16xf32, #tpu.memory_space<hbm>>
      tpu.enqueue_indirect_dma source(%dma_start3A_658 : memref<10016x2x16xf32, #tpu.memory_space<hbm>>) target(%dma_start3A_651 : memref<128x2x16xf32, #tpu.memory_space<vmem>>) offsets(%dma_start3A_654 : memref<128xi32, #tpu.memory_space<vmem>>) semaphore(%arg23 : memref<!tpu.dma_semaphore, #tpu.memory_space<semaphore_mem>>)
      %dma_start3A_659 = arith.constant 1 : i32
      %dma_start3A_660 = arith.constant 128 : i32
      %dma_start3A_661 = arith.constant 0 : i32
      %dma_start3A_662 = tpu.memref_slice %arg12[%dma_start3A_660, %dma_start3A_661] : memref<512x16xf32, #tpu.memory_space<vmem>> -> memref<128x16xf32, #tpu.memory_space<vmem>>
      %dma_start3A_663 = arith.constant 0 : i32
      %dma_start3A_664 = tpu.memref_slice %arg10[%dma_start3A_659, %dma_start3A_663] : memref<4x128xi32, #tpu.memory_space<vmem>> -> memref<1x128xi32, #tpu.memory_space<vmem>>
      %dma_start3A_665 = tpu.memref_squeeze %dma_start3A_664 : memref<1x128xi32, #tpu.memory_space<vmem>> -> memref<128xi32, #tpu.memory_space<vmem>>
      %dma_start3A_666 = arith.constant 0 : i32
      %dma_start3A_667 = arith.constant 0 : i32
      %dma_start3A_668 = tpu.memref_slice %arg3[%dma_start3A_666, %dma_start3A_667] : memref<10016x16xf32, #tpu.memory_space<hbm>> -> memref<10016x16xf32, #tpu.memory_space<hbm>>
      tpu.enqueue_indirect_dma source(%dma_start3A_668 : memref<10016x16xf32, #tpu.memory_space<hbm>>) target(%dma_start3A_662 : memref<128x16xf32, #tpu.memory_space<vmem>>) offsets(%dma_start3A_665 : memref<128xi32, #tpu.memory_space<vmem>>) semaphore(%arg23 : memref<!tpu.dma_semaphore, #tpu.memory_space<semaphore_mem>>)
      %dma_start3A_669 = arith.constant 2 : i32
      %dma_start3A_670 = arith.constant 256 : i32
      %dma_start3A_671 = arith.constant 0 : i32
      %dma_start3A_672 = arith.constant 0 : i32
      %dma_start3A_673 = tpu.memref_slice %arg11[%dma_start3A_670, %dma_start3A_671, %dma_start3A_672] : memref<512x2x16xf32, #tpu.memory_space<vmem>> -> memref<128x2x16xf32, #tpu.memory_space<vmem>>
      %dma_start3A_674 = arith.constant 0 : i32
      %dma_start3A_675 = tpu.memref_slice %arg9[%dma_start3A_669, %dma_start3A_674] : memref<4x128xi32, #tpu.memory_space<vmem>> -> memref<1x128xi32, #tpu.memory_space<vmem>>
      %dma_start3A_676 = tpu.memref_squeeze %dma_start3A_675 : memref<1x128xi32, #tpu.memory_space<vmem>> -> memref<128xi32, #tpu.memory_space<vmem>>
      %dma_start3A_677 = arith.constant 0 : i32
      %dma_start3A_678 = arith.constant 0 : i32
      %dma_start3A_679 = arith.constant 0 : i32
      %dma_start3A_680 = tpu.memref_slice %arg2[%dma_start3A_677, %dma_start3A_678, %dma_start3A_679] : memref<10016x2x16xf32, #tpu.memory_space<hbm>> -> memref<10016x2x16xf32, #tpu.memory_space<hbm>>
      tpu.enqueue_indirect_dma source(%dma_start3A_680 : memref<10016x2x16xf32, #tpu.memory_space<hbm>>) target(%dma_start3A_673 : memref<128x2x16xf32, #tpu.memory_space<vmem>>) offsets(%dma_start3A_676 : memref<128xi32, #tpu.memory_space<vmem>>) semaphore(%arg23 : memref<!tpu.dma_semaphore, #tpu.memory_space<semaphore_mem>>)
      %dma_start3A_681 = arith.constant 2 : i32
      %dma_start3A_682 = arith.constant 256 : i32
      %dma_start3A_683 = arith.constant 0 : i32
      %dma_start3A_684 = tpu.memref_slice %arg12[%dma_start3A_682, %dma_start3A_683] : memref<512x16xf32, #tpu.memory_space<vmem>> -> memref<128x16xf32, #tpu.memory_space<vmem>>
      %dma_start3A_685 = arith.constant 0 : i32
      %dma_start3A_686 = tpu.memref_slice %arg10[%dma_start3A_681, %dma_start3A_685] : memref<4x128xi32, #tpu.memory_space<vmem>> -> memref<1x128xi32, #tpu.memory_space<vmem>>
      %dma_start3A_687 = tpu.memref_squeeze %dma_start3A_686 : memref<1x128xi32, #tpu.memory_space<vmem>> -> memref<128xi32, #tpu.memory_space<vmem>>
      %dma_start3A_688 = arith.constant 0 : i32
      %dma_start3A_689 = arith.constant 0 : i32
      %dma_start3A_690 = tpu.memref_slice %arg3[%dma_start3A_688, %dma_start3A_689] : memref<10016x16xf32, #tpu.memory_space<hbm>> -> memref<10016x16xf32, #tpu.memory_space<hbm>>
      tpu.enqueue_indirect_dma source(%dma_start3A_690 : memref<10016x16xf32, #tpu.memory_space<hbm>>) target(%dma_start3A_684 : memref<128x16xf32, #tpu.memory_space<vmem>>) offsets(%dma_start3A_687 : memref<128xi32, #tpu.memory_space<vmem>>) semaphore(%arg23 : memref<!tpu.dma_semaphore, #tpu.memory_space<semaphore_mem>>)
      %dma_start3A_691 = arith.constant 3 : i32
      %dma_start3A_692 = arith.constant 384 : i32
      %dma_start3A_693 = arith.constant 0 : i32
      %dma_start3A_694 = arith.constant 0 : i32
      %dma_start3A_695 = tpu.memref_slice %arg11[%dma_start3A_692, %dma_start3A_693, %dma_start3A_694] : memref<512x2x16xf32, #tpu.memory_space<vmem>> -> memref<128x2x16xf32, #tpu.memory_space<vmem>>
      %dma_start3A_696 = arith.constant 0 : i32
      %dma_start3A_697 = tpu.memref_slice %arg9[%dma_start3A_691, %dma_start3A_696] : memref<4x128xi32, #tpu.memory_space<vmem>> -> memref<1x128xi32, #tpu.memory_space<vmem>>
      %dma_start3A_698 = tpu.memref_squeeze %dma_start3A_697 : memref<1x128xi32, #tpu.memory_space<vmem>> -> memref<128xi32, #tpu.memory_space<vmem>>
      %dma_start3A_699 = arith.constant 0 : i32
      %dma_start3A_700 = arith.constant 0 : i32
      %dma_start3A_701 = arith.constant 0 : i32
      %dma_start3A_702 = tpu.memref_slice %arg2[%dma_start3A_699, %dma_start3A_700, %dma_start3A_701] : memref<10016x2x16xf32, #tpu.memory_space<hbm>> -> memref<10016x2x16xf32, #tpu.memory_space<hbm>>
      tpu.enqueue_indirect_dma source(%dma_start3A_702 : memref<10016x2x16xf32, #tpu.memory_space<hbm>>) target(%dma_start3A_695 : memref<128x2x16xf32, #tpu.memory_space<vmem>>) offsets(%dma_start3A_698 : memref<128xi32, #tpu.memory_space<vmem>>) semaphore(%arg23 : memref<!tpu.dma_semaphore, #tpu.memory_space<semaphore_mem>>)
      %dma_start3A_703 = arith.constant 3 : i32
      %dma_start3A_704 = arith.constant 384 : i32
      %dma_start3A_705 = arith.constant 0 : i32
      %dma_start3A_706 = tpu.memref_slice %arg12[%dma_start3A_704, %dma_start3A_705] : memref<512x16xf32, #tpu.memory_space<vmem>> -> memref<128x16xf32, #tpu.memory_space<vmem>>
      %dma_start3A_707 = arith.constant 0 : i32
      %dma_start3A_708 = tpu.memref_slice %arg10[%dma_start3A_703, %dma_start3A_707] : memref<4x128xi32, #tpu.memory_space<vmem>> -> memref<1x128xi32, #tpu.memory_space<vmem>>
      %dma_start3A_709 = tpu.memref_squeeze %dma_start3A_708 : memref<1x128xi32, #tpu.memory_space<vmem>> -> memref<128xi32, #tpu.memory_space<vmem>>
      %dma_start3A_710 = arith.constant 0 : i32
      %dma_start3A_711 = arith.constant 0 : i32
      %dma_start3A_712 = tpu.memref_slice %arg3[%dma_start3A_710, %dma_start3A_711] : memref<10016x16xf32, #tpu.memory_space<hbm>> -> memref<10016x16xf32, #tpu.memory_space<hbm>>
      tpu.enqueue_indirect_dma source(%dma_start3A_712 : memref<10016x16xf32, #tpu.memory_space<hbm>>) target(%dma_start3A_706 : memref<128x16xf32, #tpu.memory_space<vmem>>) offsets(%dma_start3A_709 : memref<128xi32, #tpu.memory_space<vmem>>) semaphore(%arg23 : memref<!tpu.dma_semaphore, #tpu.memory_space<semaphore_mem>>)
      %scan3A_713 = arith.constant 0 : i32
      %scan3A_714 = arith.constant 0 : i32
      %scan3A_715 = arith.constant 512 : i32
      %scan3A_716 = arith.addi %scan3A_714, %scan3A_715 : i32
      %scan3A_717 = arith.constant 1 : i32
      scf.for %scan3A_879 = %scan3A_714 to %scan3A_716 step %scan3A_717  : i32 {
        %get3A = arith.constant 0 : i32
        %get3A_880 = arith.index_cast %scan3A_879 : i32 to index
        %get3A_881 = arith.index_cast %get3A : i32 to index
        %get3A_882 = arith.constant 0 : index
        %get3A_883 = tpu.vector_load %arg17[%get3A_880, %get3A_881, %get3A_882] {strides = array<i32>} : memref<512x2x16xf32, #tpu.memory_space<vmem>>, vector<1x1x16xf32>,
        %get3A_884 = vector.shape_cast %get3A_883 : vector<1x1x16xf32> to vector<16xf32>
        %get3A_885 = arith.constant 1 : i32
        %get3A_886 = arith.index_cast %scan3A_879 : i32 to index
        %get3A_887 = arith.index_cast %get3A_885 : i32 to index
        %get3A_888 = arith.constant 0 : index
        %get3A_889 = tpu.vector_load %arg17[%get3A_886, %get3A_887, %get3A_888] {strides = array<i32>} : memref<512x2x16xf32, #tpu.memory_space<vmem>>, vector<1x1x16xf32>,
        %get3A_890 = vector.shape_cast %get3A_889 : vector<1x1x16xf32> to vector<16xf32>
        %get3A_891 = arith.index_cast %scan3A_879 : i32 to index
        %get3A_892 = arith.constant 0 : index
        %get3A_893 = tpu.vector_load %arg18[%get3A_891, %get3A_892] {strides = array<i32>} : memref<512x16xf32, #tpu.memory_space<vmem>>, vector<1x16xf32>,
        %get3A_894 = vector.shape_cast %get3A_893 : vector<1x16xf32> to vector<16xf32>
        %mul3A_895 = arith.mulf %get3A_884, %get3A_894 : vector<16xf32>
        %iota3A = tpu.iota {dimensions = array<i32: 0>} : vector<16xi32>
        %xor3A = arith.constant 1 : i32
        %xor3A_896 = vector.broadcast %xor3A : i32 to vector<16xi32>
        %xor3A_897 = arith.xori %iota3A, %xor3A_896 : vector<16xi32>
        %lt3A = arith.constant 0 : i32
        %lt3A_898 = vector.broadcast %lt3A : i32 to vector<16xi32>
        %lt3A_899 = arith.cmpi slt, %xor3A_897, %lt3A_898 : vector<16xi32>
        %add3A_900 = arith.constant 16 : i32
        %add3A_901 = vector.broadcast %add3A_900 : i32 to vector<16xi32>
        %add3A_902 = arith.addi %xor3A_897, %add3A_901 : vector<16xi32>
        %select_n3A = arith.select %lt3A_899, %add3A_902, %xor3A_897 : vector<16xi1>, vector<16xi32>
        %broadcast_in_dim3A = vector.shape_cast %select_n3A : vector<16xi32> to vector<16x1xi32>
        %gather3A = vector.shape_cast %broadcast_in_dim3A : vector<16x1xi32> to vector<16xi32>
        %gather3A_903 = tpu.dynamic_gather %mul3A_895[%gather3A] in [0] : vector<16xf32>, vector<16xi32> -> vector<16xf32>
        %add3A_904 = arith.addf %mul3A_895, %gather3A_903 : vector<16xf32>
        %xor3A_905 = arith.constant 2 : i32
        %xor3A_906 = vector.broadcast %xor3A_905 : i32 to vector<16xi32>
        %xor3A_907 = arith.xori %iota3A, %xor3A_906 : vector<16xi32>
        %lt3A_908 = arith.constant 0 : i32
        %lt3A_909 = vector.broadcast %lt3A_908 : i32 to vector<16xi32>
        %lt3A_910 = arith.cmpi slt, %xor3A_907, %lt3A_909 : vector<16xi32>
        %add3A_911 = arith.constant 16 : i32
        %add3A_912 = vector.broadcast %add3A_911 : i32 to vector<16xi32>
        %add3A_913 = arith.addi %xor3A_907, %add3A_912 : vector<16xi32>
        %select_n3A_914 = arith.select %lt3A_910, %add3A_913, %xor3A_907 : vector<16xi1>, vector<16xi32>
        %broadcast_in_dim3A_915 = vector.shape_cast %select_n3A_914 : vector<16xi32> to vector<16x1xi32>
        %gather3A_916 = vector.shape_cast %broadcast_in_dim3A_915 : vector<16x1xi32> to vector<16xi32>
        %gather3A_917 = tpu.dynamic_gather %add3A_904[%gather3A_916] in [0] : vector<16xf32>, vector<16xi32> -> vector<16xf32>
        %add3A_918 = arith.addf %add3A_904, %gather3A_917 : vector<16xf32>
        %xor3A_919 = arith.constant 4 : i32
        %xor3A_920 = vector.broadcast %xor3A_919 : i32 to vector<16xi32>
        %xor3A_921 = arith.xori %iota3A, %xor3A_920 : vector<16xi32>
        %lt3A_922 = arith.constant 0 : i32
        %lt3A_923 = vector.broadcast %lt3A_922 : i32 to vector<16xi32>
        %lt3A_924 = arith.cmpi slt, %xor3A_921, %lt3A_923 : vector<16xi32>
        %add3A_925 = arith.constant 16 : i32
        %add3A_926 = vector.broadcast %add3A_925 : i32 to vector<16xi32>
        %add3A_927 = arith.addi %xor3A_921, %add3A_926 : vector<16xi32>
        %select_n3A_928 = arith.select %lt3A_924, %add3A_927, %xor3A_921 : vector<16xi1>, vector<16xi32>
        %broadcast_in_dim3A_929 = vector.shape_cast %select_n3A_928 : vector<16xi32> to vector<16x1xi32>
        %gather3A_930 = vector.shape_cast %broadcast_in_dim3A_929 : vector<16x1xi32> to vector<16xi32>
        %gather3A_931 = tpu.dynamic_gather %add3A_918[%gather3A_930] in [0] : vector<16xf32>, vector<16xi32> -> vector<16xf32>
        %add3A_932 = arith.addf %add3A_918, %gather3A_931 : vector<16xf32>
        %xor3A_933 = arith.constant 8 : i32
        %xor3A_934 = vector.broadcast %xor3A_933 : i32 to vector<16xi32>
        %xor3A_935 = arith.xori %iota3A, %xor3A_934 : vector<16xi32>
        %lt3A_936 = arith.constant 0 : i32
        %lt3A_937 = vector.broadcast %lt3A_936 : i32 to vector<16xi32>
        %lt3A_938 = arith.cmpi slt, %xor3A_935, %lt3A_937 : vector<16xi32>
        %add3A_939 = arith.constant 16 : i32
        %add3A_940 = vector.broadcast %add3A_939 : i32 to vector<16xi32>
        %add3A_941 = arith.addi %xor3A_935, %add3A_940 : vector<16xi32>
        %select_n3A_942 = arith.select %lt3A_938, %add3A_941, %xor3A_935 : vector<16xi1>, vector<16xi32>
        %broadcast_in_dim3A_943 = vector.shape_cast %select_n3A_942 : vector<16xi32> to vector<16x1xi32>
        %gather3A_944 = vector.shape_cast %broadcast_in_dim3A_943 : vector<16x1xi32> to vector<16xi32>
        %gather3A_945 = tpu.dynamic_gather %add3A_932[%gather3A_944] in [0] : vector<16xf32>, vector<16xi32> -> vector<16xf32>
        %add3A_946 = arith.addf %add3A_932, %gather3A_945 : vector<16xf32>
        %exp3A = math.exp %add3A_946 : vector<16xf32>
        %mul3A_947 = arith.mulf %exp3A, %get3A_890 : vector<16xf32>
        %swap3A = arith.index_cast %scan3A_879 : i32 to index
        %swap3A_948 = arith.constant 0 : index
        %swap3A_949 = tpu.vector_load %arg19[%swap3A, %swap3A_948] {strides = array<i32>} : memref<512x16xf32, #tpu.memory_space<vmem>>, vector<1x16xf32>,
        %swap3A_950 = vector.shape_cast %swap3A_949 : vector<1x16xf32> to vector<16xf32>
        %swap3A_951 = vector.shape_cast %mul3A_947 : vector<16xf32> to vector<1x16xf32>
        tpu.vector_store %arg19[%swap3A, %swap3A_948], %swap3A_951 {strides = array<i32>} : memref<512x16xf32, #tpu.memory_space<vmem>>, vector<1x16xf32>,
        %swap3A_952 = arith.index_cast %scan3A_879 : i32 to index
        %swap3A_953 = arith.constant 0 : index
        %swap3A_954 = tpu.vector_load %arg20[%swap3A_952, %swap3A_953] {strides = array<i32>} : memref<512x16xf32, #tpu.memory_space<vmem>>, vector<1x16xf32>,
        %swap3A_955 = vector.shape_cast %swap3A_954 : vector<1x16xf32> to vector<16xf32>
        %swap3A_956 = vector.shape_cast %exp3A : vector<16xf32> to vector<1x16xf32>
        tpu.vector_store %arg20[%swap3A_952, %swap3A_953], %swap3A_956 {strides = array<i32>} : memref<512x16xf32, #tpu.memory_space<vmem>>, vector<1x16xf32>,
      }
      %scan3A_718 = arith.constant 512 : i32
      %dma_start3A_719 = arith.constant 0 : i32
      %dma_start3A_720 = arith.constant 0 : i32
      %dma_start3A_721 = arith.constant 0 : i32
      %dma_start3A_722 = tpu.memref_slice %arg19[%dma_start3A_720, %dma_start3A_721] : memref<512x16xf32, #tpu.memory_space<vmem>> -> memref<128x16xf32, #tpu.memory_space<vmem>>
      %dma_start3A_723 = arith.constant 0 : i32
      %dma_start3A_724 = tpu.memref_slice %arg16[%dma_start3A_719, %dma_start3A_723] : memref<4x128xi32, #tpu.memory_space<vmem>> -> memref<1x128xi32, #tpu.memory_space<vmem>>
      %dma_start3A_725 = tpu.memref_squeeze %dma_start3A_724 : memref<1x128xi32, #tpu.memory_space<vmem>> -> memref<128xi32, #tpu.memory_space<vmem>>
      %dma_start3A_726 = arith.constant 0 : i32
      %dma_start3A_727 = arith.constant 0 : i32
      %dma_start3A_728 = tpu.memref_slice %arg21[%dma_start3A_726, %dma_start3A_727] : memref<10016x16xf32, #tpu.memory_space<vmem_shared>> -> memref<10016x16xf32, #tpu.memory_space<vmem_shared>>
      tpu.enqueue_indirect_dma source(%dma_start3A_722 : memref<128x16xf32, #tpu.memory_space<vmem>>) target(%dma_start3A_728 : memref<10016x16xf32, #tpu.memory_space<vmem_shared>>) offsets(%dma_start3A_725 : memref<128xi32, #tpu.memory_space<vmem>>) semaphore(%arg26 : memref<!tpu.dma_semaphore, #tpu.memory_space<semaphore_mem>>) {add = true}
      %dma_start3A_729 = arith.constant 0 : i32
      %dma_start3A_730 = arith.constant 0 : i32
      %dma_start3A_731 = arith.constant 0 : i32
      %dma_start3A_732 = tpu.memref_slice %arg20[%dma_start3A_730, %dma_start3A_731] : memref<512x16xf32, #tpu.memory_space<vmem>> -> memref<128x16xf32, #tpu.memory_space<vmem>>
      %dma_start3A_733 = arith.constant 0 : i32
      %dma_start3A_734 = tpu.memref_slice %arg16[%dma_start3A_729, %dma_start3A_733] : memref<4x128xi32, #tpu.memory_space<vmem>> -> memref<1x128xi32, #tpu.memory_space<vmem>>
      %dma_start3A_735 = tpu.memref_squeeze %dma_start3A_734 : memref<1x128xi32, #tpu.memory_space<vmem>> -> memref<128xi32, #tpu.memory_space<vmem>>
      %dma_start3A_736 = arith.constant 0 : i32
      %dma_start3A_737 = arith.constant 0 : i32
      %dma_start3A_738 = tpu.memref_slice %arg22[%dma_start3A_736, %dma_start3A_737] : memref<10016x16xf32, #tpu.memory_space<vmem_shared>> -> memref<10016x16xf32, #tpu.memory_space<vmem_shared>>
      tpu.enqueue_indirect_dma source(%dma_start3A_732 : memref<128x16xf32, #tpu.memory_space<vmem>>) target(%dma_start3A_738 : memref<10016x16xf32, #tpu.memory_space<vmem_shared>>) offsets(%dma_start3A_735 : memref<128xi32, #tpu.memory_space<vmem>>) semaphore(%arg26 : memref<!tpu.dma_semaphore, #tpu.memory_space<semaphore_mem>>) {add = true}
      %dma_start3A_739 = arith.constant 1 : i32
      %dma_start3A_740 = arith.constant 128 : i32
      %dma_start3A_741 = arith.constant 0 : i32
      %dma_start3A_742 = tpu.memref_slice %arg19[%dma_start3A_740, %dma_start3A_741] : memref<512x16xf32, #tpu.memory_space<vmem>> -> memref<128x16xf32, #tpu.memory_space<vmem>>
      %dma_start3A_743 = arith.constant 0 : i32
      %dma_start3A_744 = tpu.memref_slice %arg16[%dma_start3A_739, %dma_start3A_743] : memref<4x128xi32, #tpu.memory_space<vmem>> -> memref<1x128xi32, #tpu.memory_space<vmem>>
      %dma_start3A_745 = tpu.memref_squeeze %dma_start3A_744 : memref<1x128xi32, #tpu.memory_space<vmem>> -> memref<128xi32, #tpu.memory_space<vmem>>
      %dma_start3A_746 = arith.constant 0 : i32
      %dma_start3A_747 = arith.constant 0 : i32
      %dma_start3A_748 = tpu.memref_slice %arg21[%dma_start3A_746, %dma_start3A_747] : memref<10016x16xf32, #tpu.memory_space<vmem_shared>> -> memref<10016x16xf32, #tpu.memory_space<vmem_shared>>
      tpu.enqueue_indirect_dma source(%dma_start3A_742 : memref<128x16xf32, #tpu.memory_space<vmem>>) target(%dma_start3A_748 : memref<10016x16xf32, #tpu.memory_space<vmem_shared>>) offsets(%dma_start3A_745 : memref<128xi32, #tpu.memory_space<vmem>>) semaphore(%arg26 : memref<!tpu.dma_semaphore, #tpu.memory_space<semaphore_mem>>) {add = true}
      %dma_start3A_749 = arith.constant 1 : i32
      %dma_start3A_750 = arith.constant 128 : i32
      %dma_start3A_751 = arith.constant 0 : i32
      %dma_start3A_752 = tpu.memref_slice %arg20[%dma_start3A_750, %dma_start3A_751] : memref<512x16xf32, #tpu.memory_space<vmem>> -> memref<128x16xf32, #tpu.memory_space<vmem>>
      %dma_start3A_753 = arith.constant 0 : i32
      %dma_start3A_754 = tpu.memref_slice %arg16[%dma_start3A_749, %dma_start3A_753] : memref<4x128xi32, #tpu.memory_space<vmem>> -> memref<1x128xi32, #tpu.memory_space<vmem>>
      %dma_start3A_755 = tpu.memref_squeeze %dma_start3A_754 : memref<1x128xi32, #tpu.memory_space<vmem>> -> memref<128xi32, #tpu.memory_space<vmem>>
      %dma_start3A_756 = arith.constant 0 : i32
      %dma_start3A_757 = arith.constant 0 : i32
      %dma_start3A_758 = tpu.memref_slice %arg22[%dma_start3A_756, %dma_start3A_757] : memref<10016x16xf32, #tpu.memory_space<vmem_shared>> -> memref<10016x16xf32, #tpu.memory_space<vmem_shared>>
      tpu.enqueue_indirect_dma source(%dma_start3A_752 : memref<128x16xf32, #tpu.memory_space<vmem>>) target(%dma_start3A_758 : memref<10016x16xf32, #tpu.memory_space<vmem_shared>>) offsets(%dma_start3A_755 : memref<128xi32, #tpu.memory_space<vmem>>) semaphore(%arg26 : memref<!tpu.dma_semaphore, #tpu.memory_space<semaphore_mem>>) {add = true}
      %dma_start3A_759 = arith.constant 2 : i32
      %dma_start3A_760 = arith.constant 256 : i32
      %dma_start3A_761 = arith.constant 0 : i32
      %dma_start3A_762 = tpu.memref_slice %arg19[%dma_start3A_760, %dma_start3A_761] : memref<512x16xf32, #tpu.memory_space<vmem>> -> memref<128x16xf32, #tpu.memory_space<vmem>>
      %dma_start3A_763 = arith.constant 0 : i32
      %dma_start3A_764 = tpu.memref_slice %arg16[%dma_start3A_759, %dma_start3A_763] : memref<4x128xi32, #tpu.memory_space<vmem>> -> memref<1x128xi32, #tpu.memory_space<vmem>>
      %dma_start3A_765 = tpu.memref_squeeze %dma_start3A_764 : memref<1x128xi32, #tpu.memory_space<vmem>> -> memref<128xi32, #tpu.memory_space<vmem>>
      %dma_start3A_766 = arith.constant 0 : i32
      %dma_start3A_767 = arith.constant 0 : i32
      %dma_start3A_768 = tpu.memref_slice %arg21[%dma_start3A_766, %dma_start3A_767] : memref<10016x16xf32, #tpu.memory_space<vmem_shared>> -> memref<10016x16xf32, #tpu.memory_space<vmem_shared>>
      tpu.enqueue_indirect_dma source(%dma_start3A_762 : memref<128x16xf32, #tpu.memory_space<vmem>>) target(%dma_start3A_768 : memref<10016x16xf32, #tpu.memory_space<vmem_shared>>) offsets(%dma_start3A_765 : memref<128xi32, #tpu.memory_space<vmem>>) semaphore(%arg26 : memref<!tpu.dma_semaphore, #tpu.memory_space<semaphore_mem>>) {add = true}
      %dma_start3A_769 = arith.constant 2 : i32
      %dma_start3A_770 = arith.constant 256 : i32
      %dma_start3A_771 = arith.constant 0 : i32
      %dma_start3A_772 = tpu.memref_slice %arg20[%dma_start3A_770, %dma_start3A_771] : memref<512x16xf32, #tpu.memory_space<vmem>> -> memref<128x16xf32, #tpu.memory_space<vmem>>
      %dma_start3A_773 = arith.constant 0 : i32
      %dma_start3A_774 = tpu.memref_slice %arg16[%dma_start3A_769, %dma_start3A_773] : memref<4x128xi32, #tpu.memory_space<vmem>> -> memref<1x128xi32, #tpu.memory_space<vmem>>
      %dma_start3A_775 = tpu.memref_squeeze %dma_start3A_774 : memref<1x128xi32, #tpu.memory_space<vmem>> -> memref<128xi32, #tpu.memory_space<vmem>>
      %dma_start3A_776 = arith.constant 0 : i32
      %dma_start3A_777 = arith.constant 0 : i32
      %dma_start3A_778 = tpu.memref_slice %arg22[%dma_start3A_776, %dma_start3A_777] : memref<10016x16xf32, #tpu.memory_space<vmem_shared>> -> memref<10016x16xf32, #tpu.memory_space<vmem_shared>>
      tpu.enqueue_indirect_dma source(%dma_start3A_772 : memref<128x16xf32, #tpu.memory_space<vmem>>) target(%dma_start3A_778 : memref<10016x16xf32, #tpu.memory_space<vmem_shared>>) offsets(%dma_start3A_775 : memref<128xi32, #tpu.memory_space<vmem>>) semaphore(%arg26 : memref<!tpu.dma_semaphore, #tpu.memory_space<semaphore_mem>>) {add = true}
      %dma_start3A_779 = arith.constant 3 : i32
      %dma_start3A_780 = arith.constant 384 : i32
      %dma_start3A_781 = arith.constant 0 : i32
      %dma_start3A_782 = tpu.memref_slice %arg19[%dma_start3A_780, %dma_start3A_781] : memref<512x16xf32, #tpu.memory_space<vmem>> -> memref<128x16xf32, #tpu.memory_space<vmem>>
      %dma_start3A_783 = arith.constant 0 : i32
      %dma_start3A_784 = tpu.memref_slice %arg16[%dma_start3A_779, %dma_start3A_783] : memref<4x128xi32, #tpu.memory_space<vmem>> -> memref<1x128xi32, #tpu.memory_space<vmem>>
      %dma_start3A_785 = tpu.memref_squeeze %dma_start3A_784 : memref<1x128xi32, #tpu.memory_space<vmem>> -> memref<128xi32, #tpu.memory_space<vmem>>
      %dma_start3A_786 = arith.constant 0 : i32
      %dma_start3A_787 = arith.constant 0 : i32
      %dma_start3A_788 = tpu.memref_slice %arg21[%dma_start3A_786, %dma_start3A_787] : memref<10016x16xf32, #tpu.memory_space<vmem_shared>> -> memref<10016x16xf32, #tpu.memory_space<vmem_shared>>
      tpu.enqueue_indirect_dma source(%dma_start3A_782 : memref<128x16xf32, #tpu.memory_space<vmem>>) target(%dma_start3A_788 : memref<10016x16xf32, #tpu.memory_space<vmem_shared>>) offsets(%dma_start3A_785 : memref<128xi32, #tpu.memory_space<vmem>>) semaphore(%arg26 : memref<!tpu.dma_semaphore, #tpu.memory_space<semaphore_mem>>) {add = true}
      %dma_start3A_789 = arith.constant 3 : i32
      %dma_start3A_790 = arith.constant 384 : i32
      %dma_start3A_791 = arith.constant 0 : i32
      %dma_start3A_792 = tpu.memref_slice %arg20[%dma_start3A_790, %dma_start3A_791] : memref<512x16xf32, #tpu.memory_space<vmem>> -> memref<128x16xf32, #tpu.memory_space<vmem>>
      %dma_start3A_793 = arith.constant 0 : i32
      %dma_start3A_794 = tpu.memref_slice %arg16[%dma_start3A_789, %dma_start3A_793] : memref<4x128xi32, #tpu.memory_space<vmem>> -> memref<1x128xi32, #tpu.memory_space<vmem>>
      %dma_start3A_795 = tpu.memref_squeeze %dma_start3A_794 : memref<1x128xi32, #tpu.memory_space<vmem>> -> memref<128xi32, #tpu.memory_space<vmem>>
      %dma_start3A_796 = arith.constant 0 : i32
      %dma_start3A_797 = arith.constant 0 : i32
      %dma_start3A_798 = tpu.memref_slice %arg22[%dma_start3A_796, %dma_start3A_797] : memref<10016x16xf32, #tpu.memory_space<vmem_shared>> -> memref<10016x16xf32, #tpu.memory_space<vmem_shared>>
      tpu.enqueue_indirect_dma source(%dma_start3A_792 : memref<128x16xf32, #tpu.memory_space<vmem>>) target(%dma_start3A_798 : memref<10016x16xf32, #tpu.memory_space<vmem_shared>>) offsets(%dma_start3A_795 : memref<128xi32, #tpu.memory_space<vmem>>) semaphore(%arg26 : memref<!tpu.dma_semaphore, #tpu.memory_space<semaphore_mem>>) {add = true}
      %dma_wait3A_799 = arith.constant 0 : i32
      %dma_wait3A_800 = arith.constant 0 : i32
      %dma_wait3A_801 = arith.constant 0 : i32
      %dma_wait3A_802 = tpu.memref_slice %arg19[%dma_wait3A_800, %dma_wait3A_801] : memref<512x16xf32, #tpu.memory_space<vmem>> -> memref<128x16xf32, #tpu.memory_space<vmem>>
      %dma_wait3A_803 = arith.constant 0 : i32
      %dma_wait3A_804 = tpu.memref_slice %arg16[%dma_wait3A_799, %dma_wait3A_803] : memref<4x128xi32, #tpu.memory_space<vmem>> -> memref<1x128xi32, #tpu.memory_space<vmem>>
      %dma_wait3A_805 = tpu.memref_squeeze %dma_wait3A_804 : memref<1x128xi32, #tpu.memory_space<vmem>> -> memref<128xi32, #tpu.memory_space<vmem>>
      %dma_wait3A_806 = arith.constant 0 : i32
      %dma_wait3A_807 = arith.constant 0 : i32
      %dma_wait3A_808 = tpu.memref_slice %arg21[%dma_wait3A_806, %dma_wait3A_807] : memref<10016x16xf32, #tpu.memory_space<vmem_shared>> -> memref<10016x16xf32, #tpu.memory_space<vmem_shared>>
      tpu.wait_indirect_dma semaphore(%arg26 : memref<!tpu.dma_semaphore, #tpu.memory_space<semaphore_mem>>) src(%dma_wait3A_802 : memref<128x16xf32, #tpu.memory_space<vmem>>) dst(%dma_wait3A_808 : memref<10016x16xf32, #tpu.memory_space<vmem_shared>>)
      %dma_wait3A_809 = arith.constant 0 : i32
      %dma_wait3A_810 = arith.constant 0 : i32
      %dma_wait3A_811 = arith.constant 0 : i32
      %dma_wait3A_812 = tpu.memref_slice %arg20[%dma_wait3A_810, %dma_wait3A_811] : memref<512x16xf32, #tpu.memory_space<vmem>> -> memref<128x16xf32, #tpu.memory_space<vmem>>
      %dma_wait3A_813 = arith.constant 0 : i32
      %dma_wait3A_814 = tpu.memref_slice %arg16[%dma_wait3A_809, %dma_wait3A_813] : memref<4x128xi32, #tpu.memory_space<vmem>> -> memref<1x128xi32, #tpu.memory_space<vmem>>
      %dma_wait3A_815 = tpu.memref_squeeze %dma_wait3A_814 : memref<1x128xi32, #tpu.memory_space<vmem>> -> memref<128xi32, #tpu.memory_space<vmem>>
      %dma_wait3A_816 = arith.constant 0 : i32
      %dma_wait3A_817 = arith.constant 0 : i32
      %dma_wait3A_818 = tpu.memref_slice %arg22[%dma_wait3A_816, %dma_wait3A_817] : memref<10016x16xf32, #tpu.memory_space<vmem_shared>> -> memref<10016x16xf32, #tpu.memory_space<vmem_shared>>
      tpu.wait_indirect_dma semaphore(%arg26 : memref<!tpu.dma_semaphore, #tpu.memory_space<semaphore_mem>>) src(%dma_wait3A_812 : memref<128x16xf32, #tpu.memory_space<vmem>>) dst(%dma_wait3A_818 : memref<10016x16xf32, #tpu.memory_space<vmem_shared>>)
      %dma_wait3A_819 = arith.constant 1 : i32
      %dma_wait3A_820 = arith.constant 128 : i32
      %dma_wait3A_821 = arith.constant 0 : i32
      %dma_wait3A_822 = tpu.memref_slice %arg19[%dma_wait3A_820, %dma_wait3A_821] : memref<512x16xf32, #tpu.memory_space<vmem>> -> memref<128x16xf32, #tpu.memory_space<vmem>>
      %dma_wait3A_823 = arith.constant 0 : i32
      %dma_wait3A_824 = tpu.memref_slice %arg16[%dma_wait3A_819, %dma_wait3A_823] : memref<4x128xi32, #tpu.memory_space<vmem>> -> memref<1x128xi32, #tpu.memory_space<vmem>>
      %dma_wait3A_825 = tpu.memref_squeeze %dma_wait3A_824 : memref<1x128xi32, #tpu.memory_space<vmem>> -> memref<128xi32, #tpu.memory_space<vmem>>
      %dma_wait3A_826 = arith.constant 0 : i32
      %dma_wait3A_827 = arith.constant 0 : i32
      %dma_wait3A_828 = tpu.memref_slice %arg21[%dma_wait3A_826, %dma_wait3A_827] : memref<10016x16xf32, #tpu.memory_space<vmem_shared>> -> memref<10016x16xf32, #tpu.memory_space<vmem_shared>>
      tpu.wait_indirect_dma semaphore(%arg26 : memref<!tpu.dma_semaphore, #tpu.memory_space<semaphore_mem>>) src(%dma_wait3A_822 : memref<128x16xf32, #tpu.memory_space<vmem>>) dst(%dma_wait3A_828 : memref<10016x16xf32, #tpu.memory_space<vmem_shared>>)
      %dma_wait3A_829 = arith.constant 1 : i32
      %dma_wait3A_830 = arith.constant 128 : i32
      %dma_wait3A_831 = arith.constant 0 : i32
      %dma_wait3A_832 = tpu.memref_slice %arg20[%dma_wait3A_830, %dma_wait3A_831] : memref<512x16xf32, #tpu.memory_space<vmem>> -> memref<128x16xf32, #tpu.memory_space<vmem>>
      %dma_wait3A_833 = arith.constant 0 : i32
      %dma_wait3A_834 = tpu.memref_slice %arg16[%dma_wait3A_829, %dma_wait3A_833] : memref<4x128xi32, #tpu.memory_space<vmem>> -> memref<1x128xi32, #tpu.memory_space<vmem>>
      %dma_wait3A_835 = tpu.memref_squeeze %dma_wait3A_834 : memref<1x128xi32, #tpu.memory_space<vmem>> -> memref<128xi32, #tpu.memory_space<vmem>>
      %dma_wait3A_836 = arith.constant 0 : i32
      %dma_wait3A_837 = arith.constant 0 : i32
      %dma_wait3A_838 = tpu.memref_slice %arg22[%dma_wait3A_836, %dma_wait3A_837] : memref<10016x16xf32, #tpu.memory_space<vmem_shared>> -> memref<10016x16xf32, #tpu.memory_space<vmem_shared>>
      tpu.wait_indirect_dma semaphore(%arg26 : memref<!tpu.dma_semaphore, #tpu.memory_space<semaphore_mem>>) src(%dma_wait3A_832 : memref<128x16xf32, #tpu.memory_space<vmem>>) dst(%dma_wait3A_838 : memref<10016x16xf32, #tpu.memory_space<vmem_shared>>)
      %dma_wait3A_839 = arith.constant 2 : i32
      %dma_wait3A_840 = arith.constant 256 : i32
      %dma_wait3A_841 = arith.constant 0 : i32
      %dma_wait3A_842 = tpu.memref_slice %arg19[%dma_wait3A_840, %dma_wait3A_841] : memref<512x16xf32, #tpu.memory_space<vmem>> -> memref<128x16xf32, #tpu.memory_space<vmem>>
      %dma_wait3A_843 = arith.constant 0 : i32
      %dma_wait3A_844 = tpu.memref_slice %arg16[%dma_wait3A_839, %dma_wait3A_843] : memref<4x128xi32, #tpu.memory_space<vmem>> -> memref<1x128xi32, #tpu.memory_space<vmem>>
      %dma_wait3A_845 = tpu.memref_squeeze %dma_wait3A_844 : memref<1x128xi32, #tpu.memory_space<vmem>> -> memref<128xi32, #tpu.memory_space<vmem>>
      %dma_wait3A_846 = arith.constant 0 : i32
      %dma_wait3A_847 = arith.constant 0 : i32
      %dma_wait3A_848 = tpu.memref_slice %arg21[%dma_wait3A_846, %dma_wait3A_847] : memref<10016x16xf32, #tpu.memory_space<vmem_shared>> -> memref<10016x16xf32, #tpu.memory_space<vmem_shared>>
      tpu.wait_indirect_dma semaphore(%arg26 : memref<!tpu.dma_semaphore, #tpu.memory_space<semaphore_mem>>) src(%dma_wait3A_842 : memref<128x16xf32, #tpu.memory_space<vmem>>) dst(%dma_wait3A_848 : memref<10016x16xf32, #tpu.memory_space<vmem_shared>>)
      %dma_wait3A_849 = arith.constant 2 : i32
      %dma_wait3A_850 = arith.constant 256 : i32
      %dma_wait3A_851 = arith.constant 0 : i32
      %dma_wait3A_852 = tpu.memref_slice %arg20[%dma_wait3A_850, %dma_wait3A_851] : memref<512x16xf32, #tpu.memory_space<vmem>> -> memref<128x16xf32, #tpu.memory_space<vmem>>
      %dma_wait3A_853 = arith.constant 0 : i32
      %dma_wait3A_854 = tpu.memref_slice %arg16[%dma_wait3A_849, %dma_wait3A_853] : memref<4x128xi32, #tpu.memory_space<vmem>> -> memref<1x128xi32, #tpu.memory_space<vmem>>
      %dma_wait3A_855 = tpu.memref_squeeze %dma_wait3A_854 : memref<1x128xi32, #tpu.memory_space<vmem>> -> memref<128xi32, #tpu.memory_space<vmem>>
      %dma_wait3A_856 = arith.constant 0 : i32
      %dma_wait3A_857 = arith.constant 0 : i32
      %dma_wait3A_858 = tpu.memref_slice %arg22[%dma_wait3A_856, %dma_wait3A_857] : memref<10016x16xf32, #tpu.memory_space<vmem_shared>> -> memref<10016x16xf32, #tpu.memory_space<vmem_shared>>
      tpu.wait_indirect_dma semaphore(%arg26 : memref<!tpu.dma_semaphore, #tpu.memory_space<semaphore_mem>>) src(%dma_wait3A_852 : memref<128x16xf32, #tpu.memory_space<vmem>>) dst(%dma_wait3A_858 : memref<10016x16xf32, #tpu.memory_space<vmem_shared>>)
      %dma_wait3A_859 = arith.constant 3 : i32
      %dma_wait3A_860 = arith.constant 384 : i32
      %dma_wait3A_861 = arith.constant 0 : i32
      %dma_wait3A_862 = tpu.memref_slice %arg19[%dma_wait3A_860, %dma_wait3A_861] : memref<512x16xf32, #tpu.memory_space<vmem>> -> memref<128x16xf32, #tpu.memory_space<vmem>>
      %dma_wait3A_863 = arith.constant 0 : i32
      %dma_wait3A_864 = tpu.memref_slice %arg16[%dma_wait3A_859, %dma_wait3A_863] : memref<4x128xi32, #tpu.memory_space<vmem>> -> memref<1x128xi32, #tpu.memory_space<vmem>>
      %dma_wait3A_865 = tpu.memref_squeeze %dma_wait3A_864 : memref<1x128xi32, #tpu.memory_space<vmem>> -> memref<128xi32, #tpu.memory_space<vmem>>
      %dma_wait3A_866 = arith.constant 0 : i32
      %dma_wait3A_867 = arith.constant 0 : i32
      %dma_wait3A_868 = tpu.memref_slice %arg21[%dma_wait3A_866, %dma_wait3A_867] : memref<10016x16xf32, #tpu.memory_space<vmem_shared>> -> memref<10016x16xf32, #tpu.memory_space<vmem_shared>>
      tpu.wait_indirect_dma semaphore(%arg26 : memref<!tpu.dma_semaphore, #tpu.memory_space<semaphore_mem>>) src(%dma_wait3A_862 : memref<128x16xf32, #tpu.memory_space<vmem>>) dst(%dma_wait3A_868 : memref<10016x16xf32, #tpu.memory_space<vmem_shared>>)
      %dma_wait3A_869 = arith.constant 3 : i32
      %dma_wait3A_870 = arith.constant 384 : i32
      %dma_wait3A_871 = arith.constant 0 : i32
      %dma_wait3A_872 = tpu.memref_slice %arg20[%dma_wait3A_870, %dma_wait3A_871] : memref<512x16xf32, #tpu.memory_space<vmem>> -> memref<128x16xf32, #tpu.memory_space<vmem>>
      %dma_wait3A_873 = arith.constant 0 : i32
      %dma_wait3A_874 = tpu.memref_slice %arg16[%dma_wait3A_869, %dma_wait3A_873] : memref<4x128xi32, #tpu.memory_space<vmem>> -> memref<1x128xi32, #tpu.memory_space<vmem>>
      %dma_wait3A_875 = tpu.memref_squeeze %dma_wait3A_874 : memref<1x128xi32, #tpu.memory_space<vmem>> -> memref<128xi32, #tpu.memory_space<vmem>>
      %dma_wait3A_876 = arith.constant 0 : i32
      %dma_wait3A_877 = arith.constant 0 : i32
      %dma_wait3A_878 = tpu.memref_slice %arg22[%dma_wait3A_876, %dma_wait3A_877] : memref<10016x16xf32, #tpu.memory_space<vmem_shared>> -> memref<10016x16xf32, #tpu.memory_space<vmem_shared>>
      tpu.wait_indirect_dma semaphore(%arg26 : memref<!tpu.dma_semaphore, #tpu.memory_space<semaphore_mem>>) src(%dma_wait3A_872 : memref<128x16xf32, #tpu.memory_space<vmem>>) dst(%dma_wait3A_878 : memref<10016x16xf32, #tpu.memory_space<vmem_shared>>)
    }
    %scan3A_104 = arith.constant 11 : i32
    %dma_wait3A = arith.constant 0 : i32
    %dma_wait3A_105 = arith.constant 0 : i32
    %dma_wait3A_106 = arith.constant 0 : i32
    %dma_wait3A_107 = arith.constant 0 : i32
    %dma_wait3A_108 = tpu.memref_slice %arg11[%dma_wait3A_105, %dma_wait3A_106, %dma_wait3A_107] : memref<512x2x16xf32, #tpu.memory_space<vmem>> -> memref<128x2x16xf32, #tpu.memory_space<vmem>>
    %dma_wait3A_109 = arith.constant 0 : i32
    %dma_wait3A_110 = tpu.memref_slice %arg9[%dma_wait3A, %dma_wait3A_109] : memref<4x128xi32, #tpu.memory_space<vmem>> -> memref<1x128xi32, #tpu.memory_space<vmem>>
    %dma_wait3A_111 = tpu.memref_squeeze %dma_wait3A_110 : memref<1x128xi32, #tpu.memory_space<vmem>> -> memref<128xi32, #tpu.memory_space<vmem>>
    %dma_wait3A_112 = arith.constant 0 : i32
    %dma_wait3A_113 = arith.constant 0 : i32
    %dma_wait3A_114 = arith.constant 0 : i32
    %dma_wait3A_115 = tpu.memref_slice %arg2[%dma_wait3A_112, %dma_wait3A_113, %dma_wait3A_114] : memref<10016x2x16xf32, #tpu.memory_space<hbm>> -> memref<10016x2x16xf32, #tpu.memory_space<hbm>>
    tpu.wait_indirect_dma semaphore(%arg23 : memref<!tpu.dma_semaphore, #tpu.memory_space<semaphore_mem>>) src(%dma_wait3A_115 : memref<10016x2x16xf32, #tpu.memory_space<hbm>>) dst(%dma_wait3A_108 : memref<128x2x16xf32, #tpu.memory_space<vmem>>)
    %dma_wait3A_116 = arith.constant 0 : i32
    %dma_wait3A_117 = arith.constant 0 : i32
    %dma_wait3A_118 = arith.constant 0 : i32
    %dma_wait3A_119 = tpu.memref_slice %arg12[%dma_wait3A_117, %dma_wait3A_118] : memref<512x16xf32, #tpu.memory_space<vmem>> -> memref<128x16xf32, #tpu.memory_space<vmem>>
    %dma_wait3A_120 = arith.constant 0 : i32
    %dma_wait3A_121 = tpu.memref_slice %arg10[%dma_wait3A_116, %dma_wait3A_120] : memref<4x128xi32, #tpu.memory_space<vmem>> -> memref<1x128xi32, #tpu.memory_space<vmem>>
    %dma_wait3A_122 = tpu.memref_squeeze %dma_wait3A_121 : memref<1x128xi32, #tpu.memory_space<vmem>> -> memref<128xi32, #tpu.memory_space<vmem>>
    %dma_wait3A_123 = arith.constant 0 : i32
    %dma_wait3A_124 = arith.constant 0 : i32
    %dma_wait3A_125 = tpu.memref_slice %arg3[%dma_wait3A_123, %dma_wait3A_124] : memref<10016x16xf32, #tpu.memory_space<hbm>> -> memref<10016x16xf32, #tpu.memory_space<hbm>>
    tpu.wait_indirect_dma semaphore(%arg23 : memref<!tpu.dma_semaphore, #tpu.memory_space<semaphore_mem>>) src(%dma_wait3A_125 : memref<10016x16xf32, #tpu.memory_space<hbm>>) dst(%dma_wait3A_119 : memref<128x16xf32, #tpu.memory_space<vmem>>)
    %dma_wait3A_126 = arith.constant 1 : i32
    %dma_wait3A_127 = arith.constant 128 : i32
    %dma_wait3A_128 = arith.constant 0 : i32
    %dma_wait3A_129 = arith.constant 0 : i32
    %dma_wait3A_130 = tpu.memref_slice %arg11[%dma_wait3A_127, %dma_wait3A_128, %dma_wait3A_129] : memref<512x2x16xf32, #tpu.memory_space<vmem>> -> memref<128x2x16xf32, #tpu.memory_space<vmem>>
    %dma_wait3A_131 = arith.constant 0 : i32
    %dma_wait3A_132 = tpu.memref_slice %arg9[%dma_wait3A_126, %dma_wait3A_131] : memref<4x128xi32, #tpu.memory_space<vmem>> -> memref<1x128xi32, #tpu.memory_space<vmem>>
    %dma_wait3A_133 = tpu.memref_squeeze %dma_wait3A_132 : memref<1x128xi32, #tpu.memory_space<vmem>> -> memref<128xi32, #tpu.memory_space<vmem>>
    %dma_wait3A_134 = arith.constant 0 : i32
    %dma_wait3A_135 = arith.constant 0 : i32
    %dma_wait3A_136 = arith.constant 0 : i32
    %dma_wait3A_137 = tpu.memref_slice %arg2[%dma_wait3A_134, %dma_wait3A_135, %dma_wait3A_136] : memref<10016x2x16xf32, #tpu.memory_space<hbm>> -> memref<10016x2x16xf32, #tpu.memory_space<hbm>>
    tpu.wait_indirect_dma semaphore(%arg23 : memref<!tpu.dma_semaphore, #tpu.memory_space<semaphore_mem>>) src(%dma_wait3A_137 : memref<10016x2x16xf32, #tpu.memory_space<hbm>>) dst(%dma_wait3A_130 : memref<128x2x16xf32, #tpu.memory_space<vmem>>)
    %dma_wait3A_138 = arith.constant 1 : i32
    %dma_wait3A_139 = arith.constant 128 : i32
    %dma_wait3A_140 = arith.constant 0 : i32
    %dma_wait3A_141 = tpu.memref_slice %arg12[%dma_wait3A_139, %dma_wait3A_140] : memref<512x16xf32, #tpu.memory_space<vmem>> -> memref<128x16xf32, #tpu.memory_space<vmem>>
    %dma_wait3A_142 = arith.constant 0 : i32
    %dma_wait3A_143 = tpu.memref_slice %arg10[%dma_wait3A_138, %dma_wait3A_142] : memref<4x128xi32, #tpu.memory_space<vmem>> -> memref<1x128xi32, #tpu.memory_space<vmem>>
    %dma_wait3A_144 = tpu.memref_squeeze %dma_wait3A_143 : memref<1x128xi32, #tpu.memory_space<vmem>> -> memref<128xi32, #tpu.memory_space<vmem>>
    %dma_wait3A_145 = arith.constant 0 : i32
    %dma_wait3A_146 = arith.constant 0 : i32
    %dma_wait3A_147 = tpu.memref_slice %arg3[%dma_wait3A_145, %dma_wait3A_146] : memref<10016x16xf32, #tpu.memory_space<hbm>> -> memref<10016x16xf32, #tpu.memory_space<hbm>>
    tpu.wait_indirect_dma semaphore(%arg23 : memref<!tpu.dma_semaphore, #tpu.memory_space<semaphore_mem>>) src(%dma_wait3A_147 : memref<10016x16xf32, #tpu.memory_space<hbm>>) dst(%dma_wait3A_141 : memref<128x16xf32, #tpu.memory_space<vmem>>)
    %dma_wait3A_148 = arith.constant 2 : i32
    %dma_wait3A_149 = arith.constant 256 : i32
    %dma_wait3A_150 = arith.constant 0 : i32
    %dma_wait3A_151 = arith.constant 0 : i32
    %dma_wait3A_152 = tpu.memref_slice %arg11[%dma_wait3A_149, %dma_wait3A_150, %dma_wait3A_151] : memref<512x2x16xf32, #tpu.memory_space<vmem>> -> memref<128x2x16xf32, #tpu.memory_space<vmem>>
    %dma_wait3A_153 = arith.constant 0 : i32
    %dma_wait3A_154 = tpu.memref_slice %arg9[%dma_wait3A_148, %dma_wait3A_153] : memref<4x128xi32, #tpu.memory_space<vmem>> -> memref<1x128xi32, #tpu.memory_space<vmem>>
    %dma_wait3A_155 = tpu.memref_squeeze %dma_wait3A_154 : memref<1x128xi32, #tpu.memory_space<vmem>> -> memref<128xi32, #tpu.memory_space<vmem>>
    %dma_wait3A_156 = arith.constant 0 : i32
    %dma_wait3A_157 = arith.constant 0 : i32
    %dma_wait3A_158 = arith.constant 0 : i32
    %dma_wait3A_159 = tpu.memref_slice %arg2[%dma_wait3A_156, %dma_wait3A_157, %dma_wait3A_158] : memref<10016x2x16xf32, #tpu.memory_space<hbm>> -> memref<10016x2x16xf32, #tpu.memory_space<hbm>>
    tpu.wait_indirect_dma semaphore(%arg23 : memref<!tpu.dma_semaphore, #tpu.memory_space<semaphore_mem>>) src(%dma_wait3A_159 : memref<10016x2x16xf32, #tpu.memory_space<hbm>>) dst(%dma_wait3A_152 : memref<128x2x16xf32, #tpu.memory_space<vmem>>)
    %dma_wait3A_160 = arith.constant 2 : i32
    %dma_wait3A_161 = arith.constant 256 : i32
    %dma_wait3A_162 = arith.constant 0 : i32
    %dma_wait3A_163 = tpu.memref_slice %arg12[%dma_wait3A_161, %dma_wait3A_162] : memref<512x16xf32, #tpu.memory_space<vmem>> -> memref<128x16xf32, #tpu.memory_space<vmem>>
    %dma_wait3A_164 = arith.constant 0 : i32
    %dma_wait3A_165 = tpu.memref_slice %arg10[%dma_wait3A_160, %dma_wait3A_164] : memref<4x128xi32, #tpu.memory_space<vmem>> -> memref<1x128xi32, #tpu.memory_space<vmem>>
    %dma_wait3A_166 = tpu.memref_squeeze %dma_wait3A_165 : memref<1x128xi32, #tpu.memory_space<vmem>> -> memref<128xi32, #tpu.memory_space<vmem>>
    %dma_wait3A_167 = arith.constant 0 : i32
    %dma_wait3A_168 = arith.constant 0 : i32
    %dma_wait3A_169 = tpu.memref_slice %arg3[%dma_wait3A_167, %dma_wait3A_168] : memref<10016x16xf32, #tpu.memory_space<hbm>> -> memref<10016x16xf32, #tpu.memory_space<hbm>>
    tpu.wait_indirect_dma semaphore(%arg23 : memref<!tpu.dma_semaphore, #tpu.memory_space<semaphore_mem>>) src(%dma_wait3A_169 : memref<10016x16xf32, #tpu.memory_space<hbm>>) dst(%dma_wait3A_163 : memref<128x16xf32, #tpu.memory_space<vmem>>)
    %dma_wait3A_170 = arith.constant 3 : i32
    %dma_wait3A_171 = arith.constant 384 : i32
    %dma_wait3A_172 = arith.constant 0 : i32
    %dma_wait3A_173 = arith.constant 0 : i32
    %dma_wait3A_174 = tpu.memref_slice %arg11[%dma_wait3A_171, %dma_wait3A_172, %dma_wait3A_173] : memref<512x2x16xf32, #tpu.memory_space<vmem>> -> memref<128x2x16xf32, #tpu.memory_space<vmem>>
    %dma_wait3A_175 = arith.constant 0 : i32
    %dma_wait3A_176 = tpu.memref_slice %arg9[%dma_wait3A_170, %dma_wait3A_175] : memref<4x128xi32, #tpu.memory_space<vmem>> -> memref<1x128xi32, #tpu.memory_space<vmem>>
    %dma_wait3A_177 = tpu.memref_squeeze %dma_wait3A_176 : memref<1x128xi32, #tpu.memory_space<vmem>> -> memref<128xi32, #tpu.memory_space<vmem>>
    %dma_wait3A_178 = arith.constant 0 : i32
    %dma_wait3A_179 = arith.constant 0 : i32
    %dma_wait3A_180 = arith.constant 0 : i32
    %dma_wait3A_181 = tpu.memref_slice %arg2[%dma_wait3A_178, %dma_wait3A_179, %dma_wait3A_180] : memref<10016x2x16xf32, #tpu.memory_space<hbm>> -> memref<10016x2x16xf32, #tpu.memory_space<hbm>>
    tpu.wait_indirect_dma semaphore(%arg23 : memref<!tpu.dma_semaphore, #tpu.memory_space<semaphore_mem>>) src(%dma_wait3A_181 : memref<10016x2x16xf32, #tpu.memory_space<hbm>>) dst(%dma_wait3A_174 : memref<128x2x16xf32, #tpu.memory_space<vmem>>)
    %dma_wait3A_182 = arith.constant 3 : i32
    %dma_wait3A_183 = arith.constant 384 : i32
    %dma_wait3A_184 = arith.constant 0 : i32
    %dma_wait3A_185 = tpu.memref_slice %arg12[%dma_wait3A_183, %dma_wait3A_184] : memref<512x16xf32, #tpu.memory_space<vmem>> -> memref<128x16xf32, #tpu.memory_space<vmem>>
    %dma_wait3A_186 = arith.constant 0 : i32
    %dma_wait3A_187 = tpu.memref_slice %arg10[%dma_wait3A_182, %dma_wait3A_186] : memref<4x128xi32, #tpu.memory_space<vmem>> -> memref<1x128xi32, #tpu.memory_space<vmem>>
    %dma_wait3A_188 = tpu.memref_squeeze %dma_wait3A_187 : memref<1x128xi32, #tpu.memory_space<vmem>> -> memref<128xi32, #tpu.memory_space<vmem>>
    %dma_wait3A_189 = arith.constant 0 : i32
    %dma_wait3A_190 = arith.constant 0 : i32
    %dma_wait3A_191 = tpu.memref_slice %arg3[%dma_wait3A_189, %dma_wait3A_190] : memref<10016x16xf32, #tpu.memory_space<hbm>> -> memref<10016x16xf32, #tpu.memory_space<hbm>>
    tpu.wait_indirect_dma semaphore(%arg23 : memref<!tpu.dma_semaphore, #tpu.memory_space<semaphore_mem>>) src(%dma_wait3A_191 : memref<10016x16xf32, #tpu.memory_space<hbm>>) dst(%dma_wait3A_185 : memref<128x16xf32, #tpu.memory_space<vmem>>)
    %barrier3A_192 = arith.constant 0 : index
    tpu.barrier barrier_id(%barrier3A_192)
    "tpu.region"() ({
      %run_scoped3A = tpu.sem_alloc : memref<!tpu.dma_semaphore, #tpu.memory_space<semaphore_mem>>
      %dma_start3A_193 = arith.constant 0 : i32
      %dma_start3A_194 = tpu.memref_slice %arg7[%arg0, %mul3A_2, %dma_start3A_193] : memref<2x10016x16xf32, #tpu.memory_space<hbm>> -> memref<1x626x16xf32, #tpu.memory_space<hbm>>
      %dma_start3A_195 = tpu.memref_squeeze %dma_start3A_194 : memref<1x626x16xf32, #tpu.memory_space<hbm>> -> memref<626x16xf32, #tpu.memory_space<hbm>>
      %dma_start3A_196 = arith.constant 0 : i32
      %dma_start3A_197 = tpu.memref_slice %arg21[%mul3A_2, %dma_start3A_196] : memref<10016x16xf32, #tpu.memory_space<vmem_shared>> -> memref<626x16xf32, #tpu.memory_space<vmem_shared>>
      tpu.enqueue_dma source(%dma_start3A_197 : memref<626x16xf32, #tpu.memory_space<vmem_shared>>) target(%dma_start3A_195 : memref<626x16xf32, #tpu.memory_space<hbm>>) target_semaphore(%run_scoped3A : memref<!tpu.dma_semaphore, #tpu.memory_space<semaphore_mem>>)
      %dma_wait3A_198 = arith.constant 0 : i32
      %dma_wait3A_199 = tpu.memref_slice %arg7[%arg0, %mul3A_2, %dma_wait3A_198] : memref<2x10016x16xf32, #tpu.memory_space<hbm>> -> memref<1x626x16xf32, #tpu.memory_space<hbm>>
      %dma_wait3A_200 = tpu.memref_squeeze %dma_wait3A_199 : memref<1x626x16xf32, #tpu.memory_space<hbm>> -> memref<626x16xf32, #tpu.memory_space<hbm>>
      %dma_wait3A_201 = arith.constant 0 : i32
      %dma_wait3A_202 = tpu.memref_slice %arg21[%mul3A_2, %dma_wait3A_201] : memref<10016x16xf32, #tpu.memory_space<vmem_shared>> -> memref<626x16xf32, #tpu.memory_space<vmem_shared>>
      tpu.wait_dma2 semaphore(%run_scoped3A : memref<!tpu.dma_semaphore, #tpu.memory_space<semaphore_mem>>) src(%dma_wait3A_202 : memref<626x16xf32, #tpu.memory_space<vmem_shared>>) dst(%dma_wait3A_200 : memref<626x16xf32, #tpu.memory_space<hbm>>)
      tpu.yield
    }) : () -> ()
    "tpu.region"() ({
      %run_scoped3A = tpu.sem_alloc : memref<!tpu.dma_semaphore, #tpu.memory_space<semaphore_mem>>
      %dma_start3A_193 = arith.constant 0 : i32
      %dma_start3A_194 = tpu.memref_slice %arg8[%arg0, %mul3A_2, %dma_start3A_193] : memref<2x10016x16xf32, #tpu.memory_space<hbm>> -> memref<1x626x16xf32, #tpu.memory_space<hbm>>
      %dma_start3A_195 = tpu.memref_squeeze %dma_start3A_194 : memref<1x626x16xf32, #tpu.memory_space<hbm>> -> memref<626x16xf32, #tpu.memory_space<hbm>>
      %dma_start3A_196 = arith.constant 0 : i32
      %dma_start3A_197 = tpu.memref_slice %arg22[%mul3A_2, %dma_start3A_196] : memref<10016x16xf32, #tpu.memory_space<vmem_shared>> -> memref<626x16xf32, #tpu.memory_space<vmem_shared>>
      tpu.enqueue_dma source(%dma_start3A_197 : memref<626x16xf32, #tpu.memory_space<vmem_shared>>) target(%dma_start3A_195 : memref<626x16xf32, #tpu.memory_space<hbm>>) target_semaphore(%run_scoped3A : memref<!tpu.dma_semaphore, #tpu.memory_space<semaphore_mem>>)
      %dma_wait3A_198 = arith.constant 0 : i32
      %dma_wait3A_199 = tpu.memref_slice %arg8[%arg0, %mul3A_2, %dma_wait3A_198] : memref<2x10016x16xf32, #tpu.memory_space<hbm>> -> memref<1x626x16xf32, #tpu.memory_space<hbm>>
      %dma_wait3A_200 = tpu.memref_squeeze %dma_wait3A_199 : memref<1x626x16xf32, #tpu.memory_space<hbm>> -> memref<626x16xf32, #tpu.memory_space<hbm>>
      %dma_wait3A_201 = arith.constant 0 : i32
      %dma_wait3A_202 = tpu.memref_slice %arg22[%mul3A_2, %dma_wait3A_201] : memref<10016x16xf32, #tpu.memory_space<vmem_shared>> -> memref<626x16xf32, #tpu.memory_space<vmem_shared>>
      tpu.wait_dma2 semaphore(%run_scoped3A : memref<!tpu.dma_semaphore, #tpu.memory_space<semaphore_mem>>) src(%dma_wait3A_202 : memref<626x16xf32, #tpu.memory_space<vmem_shared>>) dst(%dma_wait3A_200 : memref<626x16xf32, #tpu.memory_space<hbm>>)
      tpu.yield
    }) : () -> ()
    return
  }
}

module attributes {stable_mosaic.version = 14 : i64} {
  func.func @_entry_body(%arg0: memref<10000x128xf32, #tpu.memory_space<vmem>>, %arg1: memref<128x16xf32, #tpu.memory_space<vmem>>, %arg2: memref<1x16xf32, #tpu.memory_space<vmem>>, %arg3: memref<10000x16xf32, #tpu.memory_space<vmem>>, %arg4: memref<10000x16xf32, #tpu.memory_space<vmem>>) attributes {dimension_semantics = [], scalar_prefetch = 0 : i64, scratch_operands = 0 : i64, tpu.core_type = #tpu.core_type<tc>} {
    %get3A = arith.constant 0 : index
    %get3A_0 = arith.constant 0 : index
    %get3A_1 = vector.load %arg0[%get3A, %get3A_0] : memref<10000x128xf32, #tpu.memory_space<vmem>>, vector<10000x128xf32>
    %get3A_2 = arith.constant 0 : index
    %get3A_3 = arith.constant 0 : index
    %get3A_4 = vector.load %arg1[%get3A_2, %get3A_3] : memref<128x16xf32, #tpu.memory_space<vmem>>, vector<128x16xf32>
    %dot_general3A = arith.constant dense<0.000000e+00> : vector<10000x16xf32>
    %dot_general3A_5 = tpu.matmul %get3A_1, %get3A_4, %dot_general3A {dimension_numbers = #tpu.dot_dimension_numbers<[1], [0], [0], [1], [0, 0, 1, 1], [], []>, transpose_lhs_hint = false} : vector<10000x128xf32>, vector<128x16xf32>, vector<10000x16xf32> -> vector<10000x16xf32>
    %get3A_6 = arith.constant 0 : index
    %get3A_7 = arith.constant 0 : index
    %get3A_8 = vector.load %arg2[%get3A_6, %get3A_7] : memref<1x16xf32, #tpu.memory_space<vmem>>, vector<1x16xf32>
    %add3A = vector.broadcast %get3A_8 : vector<1x16xf32> to vector<10000x16xf32>
    %add3A_9 = arith.addf %dot_general3A_5, %add3A : vector<10000x16xf32>
    %max3A = arith.constant 0.000000e+00 : f32
    %max3A_10 = vector.broadcast %max3A : f32 to vector<10000x16xf32>
    %max3A_11 = arith.maximumf %add3A_9, %max3A_10 : vector<10000x16xf32>
    %mul3A = arith.mulf %max3A_11, %max3A_11 : vector<10000x16xf32>
    %reduce_sum3A = arith.constant dense<0.000000e+00> : vector<10000xf32>
    %reduce_sum3A_12 = vector.multi_reduction <add>, %mul3A, %reduce_sum3A [1] : vector<10000x16xf32> to vector<10000xf32>
    %broadcast_in_dim3A = vector.shape_cast %reduce_sum3A_12 : vector<10000xf32> to vector<10000x1xf32>
    %sqrt3A = math.sqrt %broadcast_in_dim3A : vector<10000x1xf32>
    %max3A_13 = arith.constant 9.99999996E-13 : f32
    %max3A_14 = vector.broadcast %max3A_13 : f32 to vector<10000x1xf32>
    %max3A_15 = arith.maximumf %sqrt3A, %max3A_14 : vector<10000x1xf32>
    %div3A = vector.broadcast %max3A_15 : vector<10000x1xf32> to vector<10000x16xf32>
    %div3A_16 = arith.divf %max3A_11, %div3A : vector<10000x16xf32>
    %swap3A = arith.constant 0 : index
    %swap3A_17 = arith.constant 0 : index
    %swap3A_18 = vector.load %arg3[%swap3A, %swap3A_17] : memref<10000x16xf32, #tpu.memory_space<vmem>>, vector<10000x16xf32>
    tpu.vector_store %arg3[%swap3A, %swap3A_17], %max3A_11 {strides = array<i32>} : memref<10000x16xf32, #tpu.memory_space<vmem>>, vector<10000x16xf32>,
    %swap3A_19 = arith.constant 0 : index
    %swap3A_20 = arith.constant 0 : index
    %swap3A_21 = vector.load %arg4[%swap3A_19, %swap3A_20] : memref<10000x16xf32, #tpu.memory_space<vmem>>, vector<10000x16xf32>
    tpu.vector_store %arg4[%swap3A_19, %swap3A_20], %div3A_16 {strides = array<i32>} : memref<10000x16xf32, #tpu.memory_space<vmem>>, vector<10000x16xf32>,
    return
  }
}

module attributes {stable_mosaic.version = 14 : i64} {
  func.func @_mid_body(%arg0: memref<1250x128xf32, #tpu.memory_space<vmem>>, %arg1: memref<1250x128xf32, #tpu.memory_space<vmem>>, %arg2: memref<1250x128xf32, #tpu.memory_space<vmem>>, %arg3: memref<1250x128xf32, #tpu.memory_space<vmem>>, %arg4: memref<128x128xf32, #tpu.memory_space<vmem>>, %arg5: memref<1x1xf32, #tpu.memory_space<vmem>>, %arg6: memref<1250x128xf32, #tpu.memory_space<vmem>>, %arg7: memref<1250x128xf32, #tpu.memory_space<vmem>>, %arg8: memref<1250x128xf32, #tpu.memory_space<vmem>>) attributes {dimension_semantics = [], scalar_prefetch = 0 : i64, scratch_operands = 0 : i64, tpu.core_type = #tpu.core_type<tc>} {
    %get3A = arith.constant 0 : index
    %get3A_0 = arith.constant 0 : index
    %get3A_1 = vector.load %arg0[%get3A, %get3A_0] : memref<1250x128xf32, #tpu.memory_space<vmem>>, vector<1250x128xf32>
    %get3A_2 = arith.constant 0 : index
    %get3A_3 = arith.constant 0 : index
    %get3A_4 = vector.load %arg1[%get3A_2, %get3A_3] : memref<1250x128xf32, #tpu.memory_space<vmem>>, vector<1250x128xf32>
    %add3A = arith.addf %get3A_1, %get3A_4 : vector<1250x128xf32>
    %get3A_5 = arith.constant 0 : index
    %get3A_6 = arith.constant 0 : index
    %get3A_7 = vector.load %arg2[%get3A_5, %get3A_6] : memref<1250x128xf32, #tpu.memory_space<vmem>>, vector<1250x128xf32>
    %get3A_8 = arith.constant 0 : index
    %get3A_9 = arith.constant 0 : index
    %get3A_10 = vector.load %arg3[%get3A_8, %get3A_9] : memref<1250x128xf32, #tpu.memory_space<vmem>>, vector<1250x128xf32>
    %add3A_11 = arith.addf %get3A_7, %get3A_10 : vector<1250x128xf32>
    %div3A = arith.divf %add3A, %add3A_11 : vector<1250x128xf32>
    %mul3A = arith.mulf %div3A, %div3A : vector<1250x128xf32>
    %get3A_12 = arith.constant 0 : index
    %get3A_13 = arith.constant 0 : index
    %get3A_14 = vector.load %arg4[%get3A_12, %get3A_13] : memref<128x128xf32, #tpu.memory_space<vmem>>, vector<128x128xf32>
    %dot_general3A = arith.constant dense<0.000000e+00> : vector<1250x128xf32>
    %dot_general3A_15 = tpu.matmul %mul3A, %get3A_14, %dot_general3A {dimension_numbers = #tpu.dot_dimension_numbers<[1], [0], [0], [1], [0, 0, 1, 1], [], []>, transpose_lhs_hint = false} : vector<1250x128xf32>, vector<128x128xf32>, vector<1250x128xf32> -> vector<1250x128xf32>
    %sqrt3A = math.sqrt %dot_general3A_15 : vector<1250x128xf32>
    %max3A = arith.constant 9.99999996E-13 : f32
    %max3A_16 = vector.broadcast %max3A : f32 to vector<1250x128xf32>
    %max3A_17 = arith.maximumf %sqrt3A, %max3A_16 : vector<1250x128xf32>
    %div3A_18 = arith.divf %div3A, %max3A_17 : vector<1250x128xf32>
    %swap3A = arith.constant 0 : index
    %swap3A_19 = arith.constant 0 : index
    %swap3A_20 = vector.load %arg6[%swap3A, %swap3A_19] : memref<1250x128xf32, #tpu.memory_space<vmem>>, vector<1250x128xf32>
    tpu.vector_store %arg6[%swap3A, %swap3A_19], %div3A {strides = array<i32>} : memref<1250x128xf32, #tpu.memory_space<vmem>>, vector<1250x128xf32>,
    %swap3A_21 = arith.constant 0 : index
    %swap3A_22 = arith.constant 0 : index
    %swap3A_23 = vector.load %arg7[%swap3A_21, %swap3A_22] : memref<1250x128xf32, #tpu.memory_space<vmem>>, vector<1250x128xf32>
    tpu.vector_store %arg7[%swap3A_21, %swap3A_22], %div3A_18 {strides = array<i32>} : memref<1250x128xf32, #tpu.memory_space<vmem>>, vector<1250x128xf32>,
    %get3A_24 = arith.constant 0 : index
    %get3A_25 = arith.constant 0 : index
    %get3A_26 = vector.load %arg5[%get3A_24, %get3A_25] : memref<1x1xf32, #tpu.memory_space<vmem>>, vector<1x1xf32>
    %get3A_27 = vector.extract %get3A_26[0, 0] : f32 from vector<1x1xf32>
    %mul3A_28 = vector.broadcast %get3A_27 : f32 to vector<1250x128xf32>
    %mul3A_29 = arith.mulf %div3A_18, %mul3A_28 : vector<1250x128xf32>
    %swap3A_30 = arith.constant 0 : index
    %swap3A_31 = arith.constant 0 : index
    %swap3A_32 = vector.load %arg8[%swap3A_30, %swap3A_31] : memref<1250x128xf32, #tpu.memory_space<vmem>>, vector<1250x128xf32>
    tpu.vector_store %arg8[%swap3A_30, %swap3A_31], %mul3A_29 {strides = array<i32>} : memref<1250x128xf32, #tpu.memory_space<vmem>>, vector<1250x128xf32>,
    return
  }
}

module attributes {stable_mosaic.version = 14 : i64} {
  func.func @_comb_body(%arg0: memref<1250x128xf32, #tpu.memory_space<vmem>>, %arg1: memref<1250x128xf32, #tpu.memory_space<vmem>>, %arg2: memref<1250x128xf32, #tpu.memory_space<vmem>>, %arg3: memref<1250x128xf32, #tpu.memory_space<vmem>>, %arg4: memref<1250x128xf32, #tpu.memory_space<vmem>>) attributes {dimension_semantics = [], scalar_prefetch = 0 : i64, scratch_operands = 0 : i64, tpu.core_type = #tpu.core_type<tc>} {
    %get3A = arith.constant 0 : index
    %get3A_0 = arith.constant 0 : index
    %get3A_1 = vector.load %arg0[%get3A, %get3A_0] : memref<1250x128xf32, #tpu.memory_space<vmem>>, vector<1250x128xf32>
    %get3A_2 = arith.constant 0 : index
    %get3A_3 = arith.constant 0 : index
    %get3A_4 = vector.load %arg1[%get3A_2, %get3A_3] : memref<1250x128xf32, #tpu.memory_space<vmem>>, vector<1250x128xf32>
    %add3A = arith.addf %get3A_1, %get3A_4 : vector<1250x128xf32>
    %get3A_5 = arith.constant 0 : index
    %get3A_6 = arith.constant 0 : index
    %get3A_7 = vector.load %arg2[%get3A_5, %get3A_6] : memref<1250x128xf32, #tpu.memory_space<vmem>>, vector<1250x128xf32>
    %get3A_8 = arith.constant 0 : index
    %get3A_9 = arith.constant 0 : index
    %get3A_10 = vector.load %arg3[%get3A_8, %get3A_9] : memref<1250x128xf32, #tpu.memory_space<vmem>>, vector<1250x128xf32>
    %add3A_11 = arith.addf %get3A_7, %get3A_10 : vector<1250x128xf32>
    %div3A = arith.divf %add3A, %add3A_11 : vector<1250x128xf32>
    %swap3A = arith.constant 0 : index
    %swap3A_12 = arith.constant 0 : index
    %swap3A_13 = vector.load %arg4[%swap3A, %swap3A_12] : memref<1250x128xf32, #tpu.memory_space<vmem>>, vector<1250x128xf32>
    tpu.vector_store %arg4[%swap3A, %swap3A_12], %div3A {strides = array<i32>} : memref<1250x128xf32, #tpu.memory_space<vmem>>, vector<1250x128xf32>,
    return
  }
}

module attributes {stable_mosaic.version = 14 : i64} {
  func.func @_exit_body(%arg0: memref<10000x16xf32, #tpu.memory_space<vmem>>, %arg1: memref<16x10xf32, #tpu.memory_space<vmem>>, %arg2: memref<1x10xf32, #tpu.memory_space<vmem>>, %arg3: memref<10000x10xf32, #tpu.memory_space<vmem>>) attributes {dimension_semantics = [], scalar_prefetch = 0 : i64, scratch_operands = 0 : i64, tpu.core_type = #tpu.core_type<tc>} {
    %get3A = arith.constant 0 : index
    %get3A_0 = arith.constant 0 : index
    %get3A_1 = vector.load %arg0[%get3A, %get3A_0] : memref<10000x16xf32, #tpu.memory_space<vmem>>, vector<10000x16xf32>
    %get3A_2 = arith.constant 0 : index
    %get3A_3 = arith.constant 0 : index
    %get3A_4 = vector.load %arg1[%get3A_2, %get3A_3] : memref<16x10xf32, #tpu.memory_space<vmem>>, vector<16x10xf32>
    %dot_general3A = arith.constant dense<0.000000e+00> : vector<10000x10xf32>
    %dot_general3A_5 = tpu.matmul %get3A_1, %get3A_4, %dot_general3A {dimension_numbers = #tpu.dot_dimension_numbers<[1], [0], [0], [1], [0, 0, 1, 1], [], []>, transpose_lhs_hint = false} : vector<10000x16xf32>, vector<16x10xf32>, vector<10000x10xf32> -> vector<10000x10xf32>
    %get3A_6 = arith.constant 0 : index
    %get3A_7 = arith.constant 0 : index
    %get3A_8 = vector.load %arg2[%get3A_6, %get3A_7] : memref<1x10xf32, #tpu.memory_space<vmem>>, vector<1x10xf32>
    %add3A = vector.broadcast %get3A_8 : vector<1x10xf32> to vector<10000x10xf32>
    %add3A_9 = arith.addf %dot_general3A_5, %add3A : vector<10000x10xf32>
    %reduce_max3A = arith.constant dense<0xFF800000> : vector<10000xf32>
    %reduce_max3A_10 = vector.multi_reduction <maximumf>, %add3A_9, %reduce_max3A [1] : vector<10000x10xf32> to vector<10000xf32>
    %broadcast_in_dim3A = vector.shape_cast %reduce_max3A_10 : vector<10000xf32> to vector<10000x1xf32>
    %sub3A = vector.broadcast %broadcast_in_dim3A : vector<10000x1xf32> to vector<10000x10xf32>
    %sub3A_11 = arith.subf %add3A_9, %sub3A : vector<10000x10xf32>
    %exp3A = math.exp %sub3A_11 : vector<10000x10xf32>
    %reduce_sum3A = arith.constant dense<0.000000e+00> : vector<10000xf32>
    %reduce_sum3A_12 = vector.multi_reduction <add>, %exp3A, %reduce_sum3A [1] : vector<10000x10xf32> to vector<10000xf32>
    %broadcast_in_dim3A_13 = vector.shape_cast %reduce_sum3A_12 : vector<10000xf32> to vector<10000x1xf32>
    %log3A = math.log %broadcast_in_dim3A_13 : vector<10000x1xf32>
    %sub3A_14 = vector.broadcast %log3A : vector<10000x1xf32> to vector<10000x10xf32>
    %sub3A_15 = arith.subf %sub3A_11, %sub3A_14 : vector<10000x10xf32>
    %swap3A = arith.constant 0 : index
    %swap3A_16 = arith.constant 0 : index
    %swap3A_17 = vector.load %arg3[%swap3A, %swap3A_16] : memref<10000x10xf32, #tpu.memory_space<vmem>>, vector<10000x10xf32>
    tpu.vector_store %arg3[%swap3A, %swap3A_16], %sub3A_15 {strides = array<i32>} : memref<10000x10xf32, #tpu.memory_space<vmem>>, vector<10000x10xf32>,
    return
  }
}

</mosaic_0001>

<sc_bundles>
// kernel: kernel.11.cloned.1.call-start
scs
__scs_entry_jumppad:
0x0: {  	(pc) =	sbr.rel $0x88, $3  }
0x1: {  	(tag) =	ssettag $0x0;
	lr =	simm.s32 $0x1  }
0x2: {  	[smem:$0x3F9A] =	sst lr;
	_ =	strace $0xD0000000  }
0x3: {  	_ = 	snop  }
0x4: {  	_ = 	snop  }
0x5: {  	_ = 	snop  }
0x6: {  	_ = 	snop  }
0x7: {  	_ = 	snop  }
__scs_overlays_trampoline_lowered:
0x8: {  	[smem:$0x3FA9] =	sst s0  }
0x9: {  	[smem:$0x3FAA] =	sst s1  }
0xa: {  	[smem:$0x3FAB] =	sst s2  }
0xb: {  	[smem:$0x3FAC] =	sst s3  }
0xc: {  	[smem:$0x3FAD] =	sst s4  }
0xd: {  	[smem:$0x3FAE] =	sst s5  }
0xe: {  	[smem:$0x3FAF] =	sst s6  }
0xf: {  	[smem:$0x3FB0] =	sst s7  }
0x10: {  	[smem:$0x3FB1] =	sst s8  }
0x11: {  	[smem:$0x3FB2] =	sst s9;
	s0 =	simm.s32 @!p0 $0x0  }
0x12: {  	s1 =	sld [smem:$0x3F98];
	s0 =	simm.s32 @p0 $0x1  }
0x13: {  	[smem:$0x3FB3] =	sst s0;
	s0 =	simm.s32 @!p1 $0x0  }
0x14: {  	s2 =	sld [smem:$0x3F97];
	s0 =	simm.s32 @p1 $0x1  }
0x15: {  	[smem:$0x3FB4] =	sst s0;
	s0 =	simm.s32 @!p2 $0x0  }
0x16: {  	s3 =	sld [smem:$0x3FDB];
	s0 =	simm.s32 @p2 $0x1  }
0x17: {  	s4 =	simm.s32 $0x1BF5;
	[smem:$0x3FB6] =	sst s0  }
0x18: {  	s0 =	sld [smem:$0x3F99];
	_ =	swait.ge [sflag:s4], $0x0  }
0x19: {  	s7 =	sld [smem:$0x3F9A]  }
0x1a: {  	s8 =	sadd.s32 $0xFFFFE003, lr  }
0x1b: {  	s9 =	sadd.s32 $0xFFFFFEF7, lr;
	s5 =	simm.s32 $0xFFFFFFFF;
	p2 =	slt.u32 s8, $0xFFFFF086  }
0x1c: {  	p1 =	slt.u32 s9, $0xF7A;
	s5 =	simm.s32 @!p2 $0x0  }
0x1d: {  	s5 =	simm.s32 @p1 $0x1;
	p0 =	seq.s32 s7, s2  }
0x1e: {  	s7 =	smul.u32 @!p0 $0xF7A, s2;
	p2 =	seq.s32 @!p0 s5, $0x0  }
0x1f: {  	s9 =	smul.u32 $0xF7A, s1;
	s8 =	simm.s32 @!p0 $0x1BF5;
	p2 =	por !p2, p0  }
0x20: {  	[sflag:s8] =	ssyncset.s32 @!p0 $0xFFFFF086;
	s6 =	sadd.s32 @!p0 s3, s7;
	s7 =	simm.s32 @!p0 $0x108  }
0x21: {  	s3 =	sadd.s32 s3, s9;
	s6 =	sadd.s32 @!p0 $0x88, s6;
	s7 =	simm.s32 @p2 $0x1082  }
0x22: {  	[simem:s7], [sflag:s8] =	dma.local @!p0 [hbm:s6], $0xF7A  }
0x23: {  	s9 =	sor.u32 $0xD0000000, s2;
	s6 =	simm.s32 $0x108;
	_ =	swait.ge @!p0 [sflag:s8], $0x0  }
0x24: {  	s3 =	sadd.s32 $0x88, s3;
	s6 =	simm.s32 @!p1 $0x1082;
	[sflag:s4] =	ssyncset.s32 $0xFFFFF086  }
0x25: {  	[simem:s6], [sflag:s4] =	dma.local [hbm:s3], $0xF7A  }
0x26: {  	[smem:$0x3F9A] =	sst s1;
	(tag) =	ssettag s2;
	_ =	strace s9  }
0x27: {  	s1 =	sld [smem:$0x3FAA]  }
0x28: {  	s2 =	sld [smem:$0x3FAB]  }
0x29: {  	s4 =	sld [smem:$0x3FAD]  }
0x2a: {  	p0 =	seq.s32 s5, $0x0;
	s5 =	sld [smem:$0x3FAE]  }
0x2b: {  	s6 =	sld [smem:$0x3FAF]  }
0x2c: {  	s7 =	sld [smem:$0x3FB0]  }
0x2d: {  	s3 =	simm.s32 $0x108;
	s8 =	sld [smem:$0x3FB1]  }
0x2e: {  	s3 =	simm.s32 @!p0 $0x1082;
	s9 =	sld [smem:$0x3FB2]  }
0x2f: {  	lr =	sadd.s32 s0, s3;
	s0 =	sld [smem:$0x3FA9]  }
0x30: {  	s3 =	sld [smem:$0x3FAC]  }
0x31: {  	[smem:$0x3FB5] =	sst s10  }
0x32: {  	s10 =	sld [smem:$0x3FB3];
	_ =	sdelay $0x3  }
0x33: {  	p0 =	seq.s32 s10, $0x1;
	s10 =	sld [smem:$0x3FB5];
	_ =	sdelay $0x3  }
0x34: {  	[smem:$0x3FB5] =	sst s10  }
0x35: {  	s10 =	sld [smem:$0x3FB4];
	_ =	sdelay $0x3  }
0x36: {  	p1 =	seq.s32 s10, $0x1;
	s10 =	sld [smem:$0x3FB5];
	_ =	sdelay $0x3  }
0x37: {  	[smem:$0x3FB5] =	sst s10  }
0x38: {  	s10 =	sld [smem:$0x3FB6]  }
0x39: {  	_ = 	snop;
	(pc) =	sbr.ind lr, $3  }
0x3a: {  	_ = 	snop  }
0x3b: {  	_ = 	snop  }
0x3c: {  	p2 =	seq.s32 s10, $0x1;
	s10 =	sld [smem:$0x3FB5]  }
0x3d: {  	_ =	shalt  }
0x3e: {  	_ =	shalt  }
0x3f: {  	_ =	shalt  }
0x40: {  	_ =	shalt  }
0x41: {  	_ =	shalt  }
0x42: {  	_ =	shalt  }
0x43: {  	_ =	shalt  }
0x44: {  	_ =	shalt  }
0x45: {  	_ =	shalt  }
0x46: {  	_ =	shalt  }
0x47: {  	_ =	shalt  }
0x48: {  	_ =	shalt  }
0x49: {  	_ =	shalt  }
0x4a: {  	_ =	shalt  }
0x4b: {  	_ =	shalt  }
0x4c: {  	_ =	shalt  }
0x4d: {  	_ =	shalt  }
0x4e: {  	_ =	shalt  }
0x4f: {  	_ =	shalt  }
0x50: {  	_ =	shalt  }
0x51: {  	_ =	shalt  }
0x52: {  	_ =	shalt  }
0x53: {  	_ =	shalt  }
0x54: {  	_ =	shalt  }
0x55: {  	_ =	shalt  }
0x56: {  	_ =	shalt  }
0x57: {  	_ =	shalt  }
0x58: {  	_ =	shalt  }
0x59: {  	_ =	shalt  }
0x5a: {  	_ =	shalt  }
0x5b: {  	_ =	shalt  }
0x5c: {  	_ =	shalt  }
0x5d: {  	_ =	shalt  }
0x5e: {  	_ =	shalt  }
0x5f: {  	_ =	shalt  }
0x60: {  	_ =	shalt  }
0x61: {  	_ =	shalt  }
0x62: {  	_ =	shalt  }
0x63: {  	_ =	shalt  }
0x64: {  	_ =	shalt  }
0x65: {  	_ =	shalt  }
0x66: {  	_ =	shalt  }
0x67: {  	_ =	shalt  }
0x68: {  	_ =	shalt  }
0x69: {  	_ =	shalt  }
0x6a: {  	_ =	shalt  }
0x6b: {  	_ =	shalt  }
0x6c: {  	_ =	shalt  }
0x6d: {  	_ =	shalt  }
0x6e: {  	_ =	shalt  }
0x6f: {  	_ =	shalt  }
0x70: {  	_ =	shalt  }
0x71: {  	_ =	shalt  }
0x72: {  	_ =	shalt  }
0x73: {  	_ =	shalt  }
0x74: {  	_ =	shalt  }
0x75: {  	_ =	shalt  }
0x76: {  	_ =	shalt  }
0x77: {  	_ =	shalt  }
0x78: {  	_ =	shalt  }
0x79: {  	_ =	shalt  }
0x7a: {  	_ =	shalt  }
0x7b: {  	_ =	shalt  }
0x7c: {  	_ =	shalt  }
0x7d: {  	_ =	shalt  }
0x7e: {  	_ =	shalt  }
0x7f: {  	_ =	shalt  }
0x80: {  	_ =	shalt  }
0x81: {  	_ =	shalt  }
0x82: {  	_ =	shalt  }
0x83: {  	_ =	shalt  }
0x84: {  	_ =	shalt  }
0x85: {  	_ =	shalt  }
0x86: {  	_ =	shalt  }
0x87: {  	_ =	shalt  }
.Lfunc_end0:
.L_simem_size_0:
called_computation.1_lowered:
.L_overlay_start_0:
0x88: {  	s2 =	sld [smem:$0x3FD9]  }
0x89: {  	s3 =	sld [smem:$0x3FFE];
	_ =	sdelay $0x1  }
0x8a: {  	s1 =	srdreg.scid  }
0x8b: {  	s0 =	sand.u32 $0x1, s1  }
0x8c: {  	s17 =	sshll.u32 s0, $0xA;
	s2 =	sadd.s32 s3, s2  }
0x8d: {  	s2 =	sadd.s32 s2, s17  }
0x8e: {  	[smem:$0x3FC1] =	sst s2  }
0x8f: {  	_ = 	snop  }
0x90: {  	s2 =	sld [smem:$0x3FD0];
	(tm) =	ssettm $0x1  }
0x91: {  	s18 =	sld [smem:$0x3FFB];
	_ =	sdelay $0x3  }
0x92: {  	_ =	strace s18  }
0x93: {  	s3 =	sld [smem:$0x3FFC];
	_ =	sdelay $0x3  }
0x94: {  	_ =	strace s3  }
0x95: {  	s3 =	sld [smem:$0x3FFD];
	_ =	sdelay $0x3  }
0x96: {  	_ =	strace s3  }
0x97: {  	_ =	strace $0x8FFFFFFF  }
0x98: {  	s19 =	sld [smem:$0x3FDB];
	_ =	sdelay $0x1  }
0x99: {  	s4 =	simm.s32 $_scs_section_size  }
0x9a: {  	s5 =	simm.s32 $_size__tile_overlayer_lowered;
	s6 =	simm.s32 $_tile_overlayer_lowered  }
0x9b: {  	s22 =	simm.s32 $0x1BFF;
	s21 =	sshll.u32 s6, $0x1;
	s3 =	sadd.s32 s4, s19  }
0x9c: {  	s7 =	simm.s32 $0x0;
	s20 =	sshll.u32 s5, $0x1;
	s5 =	sadd.s32 s21, s3  }
0x9d: {  	[timem:s7], [sflag:s22] =	dma.local [hbm:s5], s20  }
0x9e: {  	_ =	swait.ge [sflag:s22], s20  }
0x9f: {  	s4 =	ssub.s32 $0x0, s20;
	[sflag:s22] =	ssyncset.done $0x0  }
0xa0: {  	[sflag:s22] =	ssyncadd.s32 s4;
	_ =	sdelay $0x1  }
0xa1: {  	s23 =	simm.s32 $0x1B8B  }
0xa2: {  	_ =	swait.ge [sflag:s23], $0x1  }
0xa3: {  	[sflag:s23] =	ssyncset.done $0x0  }
0xa4: {  	s25 =	simm.s32 $0x1B8E;
	s24 =	sld [smem:$0x3FFE];
	[sflag:s23] =	ssyncadd.s32 $0xFFFFFFFF  }
0xa5: {  	s26 =	simm.s32 $execute0_lowered;
	[smem:$0x3FD2] =	sst s25  }
0xa6: {  	s5 =	sshll.u32 s26, $0x1;
	_ =	strace $0x80000049;
	[dreg:$0x1] =	wrdreg $0xFFFFFFFF  }
0xa7: {  	s28 =	simm.s32 $_size_execute0_lowered;
	s3 =	sadd.s32 s3, s5;
	[dreg:$0x0] =	wrdreg $0x0  }
0xa8: {  	s5 =	sshll.u32 s28, $0x1;
	[dreg:$0x2] =	wrdreg s3  }
0xa9: {  	[dreg:$0x3] =	wrdreg s5  }
0xaa: {  	[dreg:$0x4] =	wrdreg $0xC0  }
0xab: {  	_ =	task [dreg:s7], $0x5FFFF  }
0xac: {  	[dreg:$0x1] =	wrdreg $0xFFFFFFFF  }
0xad: {  	[dreg:$0x0] =	wrdreg $0x60  }
0xae: {  	[dreg:$0x2] =	wrdreg s24  }
0xaf: {  	[dreg:$0x3] =	wrdreg s2  }
0xb0: {  	[dreg:$0x4] =	wrdreg $0x148000  }
0xb1: {  	[dreg:$0x5] =	wrdreg $0x16F200  }
0xb2: {  	[dreg:$0x6] =	wrdreg $0x9  }
0xb3: {  	_ =	task.clear_ibuf [dreg:s7], $0x7FFFF;
	_ =	strace $0x90000049  }
0xb4: {  	s29 =	simm.s32 $0x9;
	_ =	strace $0x8000004B  }
0xb5: {  	_ =	swait.ge [sflag:s29], $0x1  }
0xb6: {  	[sflag:s29] =	ssyncadd.s32 $0xFFFFFFFF  }
0xb7: {  	_ =	strace $0x9000004B  }
0xb8: {  	_ =	sfence  }
0xb9: {  	s30 =	sld [smem:$0x0];
	_ =	sdelay $0x2  }
0xba: {  	s31 =	sshll.u32 s1, $0xD;
	s1 =	sshrl.u32 s1, $0x2  }
0xbb: {  	s3 =	sand.u32 $0x4000, s31;
	s1 =	sadd.s32 s1, s30  }
0xbc: {  	s0 =	sor.u32 s3, s0;
	s1 =	sshll.u32 s1, $0x11  }
0xbd: {  	s0 =	sor.u32 s1, s0  }
0xbe: {  	s0 =	sadd.s32 $0x8F2B, s0  }
0xbf: {  	[sflag:s0] =	ssyncadd.remote.s32 $0x1  }
0xc0: {  	_ =	sfence.sel $0xFFFF  }
0xc1: {  	[dreg:$0x0] =	wrdreg $0xFFFFFFFF;
	(pc) =	sbr.abs _section_cstart, $3  }
0xc2: {  	[dreg:$0x1] =	wrdreg $0xFFFFFFFF  }
0xc3: {  	_ =	task.clear_ibuf [dreg:s7], $0x2FFFF;
	_ =	strace $0x9FFFFFFF  }
0xc4: {  	(tm) =	ssettm $0x7FFFFFFF  }
0xc5: {  	_ =	shalt  }
tec
execute0_lowered:
.L_overlay_start_1:
0x0: {  	(tag) =	ssettag $0x1  }
0x1: {  	s0 =	rddreg [dreg:$0x0]  }
0x2: {  	s1 =	rddreg [dreg:$0x1]  }
0x3: {  	s3 =	rddreg [dreg:$0x2]  }
0x4: {  	s4 =	rddreg [dreg:$0x3];
	s5 =	simm.s32 $0x0;
	s13 =	stileid.u32  }
0x5: {  	s2 =	srdreg.scid;
	s18 =	simm.s32 $0x5;
	s30 =	simm.s32 $0x300  }
0x6: {  	s14 =	simm.s32 $0xA400;
	s15 =	simm.s32 $0xA600;
	s19 =	simm.s32 $0xA680  }
0x7: {  	s17 =	simm.s32 $0x1;
	s29 =	simm.s32 $0x0;
	[smem:$0x7FF] =	sst s5  }
0x8: {  	s20 =	smul.u32 $0x2720, s13;
	s2 =	sand.u32 $0x1, s2;
	s6 =	sadd.s32 $0x3600, s0  }
0x9: {  	s7 =	sadd.s32 $0x18C00, s0;
	s8 =	sadd.s32 $0xD400, s0;
	s5 =	simm.s32 $0x2  }
0xa: {  	_ =	strace $0x8000004A;
	s9 =	smul.u32 $0x27200, s2;
	s11 =	ssub.s32 $0x2, s2  }
0xb: {  	s2 =	sshll.u32 s2, $0x4;
	s10 =	sshrl.u32 s20, $0x3;
	s12 =	sshrl.u32 s11, $0x1  }
0xc: {  	s2 =	sor.u32 s13, s2;
	s21 =	sadd.s32 s20, s3;
	s13 =	sshll.u32 s13, $0x6  }
0xd: {  	s23 =	sadd.s32 s20, s4;
	s10 =	sadd.s32 s10, s0;
	s9 =	sadd.s32 s20, s9  }
0xe: {  	v0 =	vimm.s32 $0xEFCDAB89;
	v1 =	vimm.s32 $0x67452301;
	s11 =	ssub.s32 s11, s12;
	s16 =	sshrl.u32 s21, $0x3;
	s28 =	sshrl.u32 s23, $0x3  }
0xf: {  	v2 =	vimm.s32 $0xDCFE98BA;
	v3 =	vimm.s32 $0x54761032;
	s20 =	simm.s32 $0x200;
	s21 =	simm.s32 $0x80;
	s12 =	simm.s32 $0x380  }
0x10: {  	v4 =	vimm.s32 $0xBA98FEDC;
	v5 =	vimm.s32 $0x32107654;
	s23 =	simm.s32 $0xA700;
	s9 =	sshrl.u32 s9, $0x3;
	[dreg:$0xc] =	wrdreg s16  }
0x11: {  	v6 =	vimm.s32 $0xFEDCBA98;
	v7 =	vimm.s32 $0x76543210;
	v0 =	vunpack.c.l.s4.s8 v0;
	s22 =	sadd.s32 $0x24400, s10;
	s10 =	sor.u32 $0x1C05, s13;
	[dreg:$0xd] =	wrdreg s28  }
0x12: {  	v1 =	vunpack.c.l.s4.s8 v1;
	v2 =	vunpack.c.l.s4.s8 v2;
	v3 =	vunpack.c.l.s4.s8 v3;
	s31 =	smax.u32 s11, $0x1;
	s11 =	simm.s32 $0x12000;
	[dreg:$0x5] =	wrdreg s22  }
0x13: {  	v6 =	vunpack.c.l.s4.s8 v6;
	v4 =	vunpack.c.l.s4.s8 v4;
	v5 =	vunpack.c.l.s4.s8 v5;
	s13 =	simm.s32 $0x4;
	s0 =	sadd.s32 s9, s0;
	[dreg:$0xb] =	wrdreg s31  }
0x14: {  	v7 =	vunpack.c.l.s4.s8 v7;
	v0 =	vunpack.c.0.s8.s32 v0;
	v1 =	vunpack.c.0.s8.s32 v1;
	s9 =	smul.u32 $0x580, s2;
	[dreg:$0x6] =	wrdreg s10;
	s26 =	sadd.s32 $0x33200, s0  }
0x15: {  	v2 =	vunpack.c.0.s8.s32 v2;
	v3 =	vunpack.c.0.s8.s32 v3;
	v6 =	vunpack.c.0.s8.s32 v6;
	s2 =	simm.s32 $0x13800;
	s0 =	sadd.s32 $0x29400, s0;
	[dreg:$0x9] =	wrdreg s26  }
0x16: {  	v4 =	vunpack.c.0.s8.s32 v4;
	v5 =	vunpack.c.0.s8.s32 v5;
	v7 =	vunpack.c.0.s8.s32 v7;
	s22 =	simm.s32 $0x14000;
	s24 =	sadd.s32 s7, s9;
	[dreg:$0xa] =	wrdreg s0  }
0x17: {  	v0 =	vcombine.low v1, v0;
	v1 =	vcombine.low v3, v2;
	v3 =	vand.u32 $0xF, v6;
	s25 =	sadd.s32 s8, s9;
	s26 =	simm.s32 $0xA780;
	[dreg:$0x7] =	wrdreg s24  }
0x18: {  	v2 =	vcombine.low v5, v4;
	v3 =	vcombine.low v3, v7;
	[dreg:$0x8] =	wrdreg s25;
	s25 =	simm.s32 $0x280;
	s24 =	simm.s32 $0x3  }
.LBB2_1:
0x19: {  	[dreg:$0xe] =	wrdreg s29  }
0x1a: {  	s0 =	rddreg [dreg:$0x5]  }
0x1b: {  	[spmem:s16], [sflag:s10] =	dma.local [hbm:s0], $0x4E4  }
0x1c: {  	_ =	swait.ge [sflag:s18], $0x4E4  }
0x1d: {  	[sflag:s18] =	ssyncset.done $0x0  }
0x1e: {  	[sflag:s18] =	ssyncadd.s32 $0xFFFFFB1C  }
0x1f: {  	[spmem:s28], [sflag:s10] =	dma.local [hbm:s0], $0x4E4  }
0x20: {  	_ =	swait.ge [sflag:s18], $0x4E4  }
0x21: {  	[sflag:s18] =	ssyncset.done $0x0  }
0x22: {  	[sflag:s18] =	ssyncadd.s32 $0xFFFFFB1C  }
0x23: {  	[bflag:$0x0] =	sbarrier.arrive $0xFFFF  }
0x24: {  	s16 =	simm.s32 $0x0;
	s28 =	rddreg [dreg:$0x7]  }
0x25: {  	[tilespmem:s16], [sflag:$0x5] =	stream.linear.gather [hbm4b:s28+s16], $0x200, $0x38;
	[tilespmem:$0x19640] =	vst v63  }
0x26: {  	_ =	swait.ge [sflag:s18], $0x200  }
0x27: {  	[sflag:s18] =	ssyncset.done $0x0  }
0x28: {  	s29 =	rddreg [dreg:$0x8];
	[sflag:s18] =	ssyncadd.s32 $0xFFFFFE00  }
0x29: {  	[tilespmem:s20], [sflag:$0x5] =	stream.linear.gather [hbm4b:s29+s16], $0x200, $0x38;
	[tilespmem:$0x19640] =	vst v63  }
0x2a: {  	_ =	swait.ge [sflag:s18], $0x200  }
0x2b: {  	[sflag:s18] =	ssyncset.done $0x0  }
0x2c: {  	s31 =	simm.s32 $0x400;
	[sflag:s18] =	ssyncadd.s32 $0xFFFFFE00  }
0x2d: {  	[tilespmem:s31], [sflag:$0x1] =	stream.indirect.gather [hbm4b:s6+s21], $0x20, s16, s21, $0xb8;
	[tilespmem:$0x19640] =	vst v63  }
0x2e: {  	s10 =	simm.s32 $0x4400  }
0x2f: {  	[tilespmem:s10], [sflag:$0x1] =	stream.indirect.gather [hbm4b:s1+s21], $0x10, s20, s21, $0xb8;
	[tilespmem:$0x19640] =	vst v63  }
0x30: {  	s16 =	simm.s32 $0x1400  }
0x31: {  	[tilespmem:s16], [sflag:$0x1] =	stream.indirect.gather [hbm4b:s6+s21], $0x20, s21, s21, $0xb8;
	[tilespmem:$0x19640] =	vst v63  }
0x32: {  	s28 =	simm.s32 $0x4C00  }
0x33: {  	[tilespmem:s28], [sflag:$0x1] =	stream.indirect.gather [hbm4b:s1+s21], $0x10, s25, s21, $0xb8;
	[tilespmem:$0x19640] =	vst v63  }
0x34: {  	s29 =	simm.s32 $0x100;
	s31 =	simm.s32 $0x2400  }
0x35: {  	[tilespmem:s31], [sflag:$0x1] =	stream.indirect.gather [hbm4b:s6+s21], $0x20, s29, s21, $0xb8;
	[tilespmem:$0x19640] =	vst v63  }
0x36: {  	s16 =	simm.s32 $0x5400  }
0x37: {  	[tilespmem:s16], [sflag:$0x1] =	stream.indirect.gather [hbm4b:s1+s21], $0x10, s30, s21, $0xb8;
	[tilespmem:$0x19640] =	vst v63  }
0x38: {  	s28 =	simm.s32 $0x180;
	s29 =	simm.s32 $0x3400  }
0x39: {  	[tilespmem:s29], [sflag:$0x1] =	stream.indirect.gather [hbm4b:s6+s21], $0x20, s28, s21, $0xb8;
	[tilespmem:$0x19640] =	vst v63  }
0x3a: {  	s31 =	simm.s32 $0x5C00;
	s16 =	simm.s32 $0x0  }
0x3b: {  	[tilespmem:s31], [sflag:$0x1] =	stream.indirect.gather [hbm4b:s1+s21], $0x10, s12, s21, $0xb8;
	[tilespmem:$0x19640] =	vst v63  }
.LBB2_2:
0x3c: {  	s10 =	sshll.u32 s16, $0x7  }
0x3d: {  	s10 =	sadd.s32 s9, s10  }
0x3e: {  	s28 =	sor.u32 $0x40, s10  }
0x3f: {  	s31 =	simm.s32 $0x0;
	s29 =	sadd.s32 s7, s28  }
0x40: {  	[tilespmem:s14], [sflag:$0x5] =	stream.linear.gather [hbm4b:s29+s31], $0x200, $0x38;
	[tilespmem:$0x19640] =	vst v63  }
0x41: {  	_ =	swait.ge [sflag:s18], $0x200  }
0x42: {  	[sflag:s18] =	ssyncset.done $0x0  }
0x43: {  	s28 =	sadd.s32 s8, s28;
	[sflag:s18] =	ssyncadd.s32 $0xFFFFFE00  }
0x44: {  	[tilespmem:s15], [sflag:$0x5] =	stream.linear.gather [hbm4b:s28+s31], $0x200, $0x38;
	[tilespmem:$0x19640] =	vst v63  }
0x45: {  	_ =	swait.ge [sflag:s18], $0x200  }
0x46: {  	[sflag:s18] =	ssyncset.done $0x0  }
0x47: {  	s0 =	simm.s32 $0xA800;
	[sflag:s18] =	ssyncadd.s32 $0xFFFFFE00  }
0x48: {  	[tilespmem:s0], [sflag:$0x2] =	stream.indirect.gather [hbm4b:s6+s21], $0x20, s14, s21, $0xb8;
	[tilespmem:$0x19640] =	vst v63  }
0x49: {  	s0 =	simm.s32 $0xE800  }
0x4a: {  	[tilespmem:s0], [sflag:$0x2] =	stream.indirect.gather [hbm4b:s1+s21], $0x10, s15, s21, $0xb8;
	[tilespmem:$0x19640] =	vst v63  }
0x4b: {  	s28 =	simm.s32 $0xB800;
	s0 =	simm.s32 $0xA480  }
0x4c: {  	[tilespmem:s28], [sflag:$0x2] =	stream.indirect.gather [hbm4b:s6+s21], $0x20, s0, s21, $0xb8;
	[tilespmem:$0x19640] =	vst v63  }
0x4d: {  	s0 =	simm.s32 $0xF000  }
0x4e: {  	[tilespmem:s0], [sflag:$0x2] =	stream.indirect.gather [hbm4b:s1+s21], $0x10, s19, s21, $0xb8;
	[tilespmem:$0x19640] =	vst v63  }
0x4f: {  	s28 =	simm.s32 $0xC800;
	s0 =	simm.s32 $0xA500  }
0x50: {  	[tilespmem:s28], [sflag:$0x2] =	stream.indirect.gather [hbm4b:s6+s21], $0x20, s0, s21, $0xb8;
	[tilespmem:$0x19640] =	vst v63  }
0x51: {  	s0 =	simm.s32 $0xF800  }
0x52: {  	[tilespmem:s0], [sflag:$0x2] =	stream.indirect.gather [hbm4b:s1+s21], $0x10, s23, s21, $0xb8;
	[tilespmem:$0x19640] =	vst v63  }
0x53: {  	s28 =	simm.s32 $0xD800;
	s0 =	simm.s32 $0xA580  }
0x54: {  	[tilespmem:s28], [sflag:$0x2] =	stream.indirect.gather [hbm4b:s6+s21], $0x20, s0, s21, $0xb8;
	[tilespmem:$0x19640] =	vst v63  }
0x55: {  	s0 =	simm.s32 $0x10000  }
0x56: {  	[tilespmem:s0], [sflag:$0x2] =	stream.indirect.gather [hbm4b:s1+s21], $0x10, s26, s21, $0xb8;
	[tilespmem:$0x19640] =	vst v63  }
0x57: {  	_ =	swait.ge [sflag:s17], $0x1000  }
0x58: {  	[sflag:s17] =	ssyncset.done $0x0  }
0x59: {  	[sflag:s17] =	ssyncadd.s32 $0xFFFFF000  }
0x5a: {  	_ =	swait.ge [sflag:s17], $0x800  }
0x5b: {  	[sflag:s17] =	ssyncset.done $0x0  }
0x5c: {  	[sflag:s17] =	ssyncadd.s32 $0xFFFFF800  }
0x5d: {  	_ =	swait.ge [sflag:s17], $0x1000  }
0x5e: {  	[sflag:s17] =	ssyncset.done $0x0  }
0x5f: {  	[sflag:s17] =	ssyncadd.s32 $0xFFFFF000  }
0x60: {  	_ =	swait.ge [sflag:s17], $0x800  }
0x61: {  	[sflag:s17] =	ssyncset.done $0x0  }
0x62: {  	[sflag:s17] =	ssyncadd.s32 $0xFFFFF800  }
0x63: {  	_ =	swait.ge [sflag:s17], $0x1000  }
0x64: {  	[sflag:s17] =	ssyncset.done $0x0  }
0x65: {  	[sflag:s17] =	ssyncadd.s32 $0xFFFFF000  }
0x66: {  	_ =	swait.ge [sflag:s17], $0x800  }
0x67: {  	[sflag:s17] =	ssyncset.done $0x0  }
0x68: {  	[sflag:s17] =	ssyncadd.s32 $0xFFFFF800  }
0x69: {  	_ =	swait.ge [sflag:s17], $0x1000  }
0x6a: {  	[sflag:s17] =	ssyncset.done $0x0  }
0x6b: {  	[sflag:s17] =	ssyncadd.s32 $0xFFFFF000  }
0x6c: {  	_ =	swait.ge [sflag:s17], $0x800  }
0x6d: {  	[sflag:s17] =	ssyncset.done $0x0  }
0x6e: {  	s28 =	simm.s32 $0x0;
	[sflag:s17] =	ssyncadd.s32 $0xFFFFF800  }
0x6f: {  	s29 =	simm.s32 $0x410;
	s31 =	simm.s32 $0x40;
	v4 =	vld [tilespmem:s28+$0x4400]  }
.LBB2_3:
0x70: {  	p0 =	sne.s32 s31, $0x7FC0;
	v5 =	vld [tilespmem:s29+$0xFFFFFFF0];
	_ =	sdelay $0x4  }
0x71: {  	v4 =	vmul.f32 v4, v5;
	_ =	sdelay $0x1  }
0x72: {  	v5 =	vperm.xlane v4, v0;
	_ =	sdelay $0x1  }
0x73: {  	v4 =	vadd.f32 v5, v4;
	_ =	sdelay $0x1  }
0x74: {  	v5 =	vperm.xlane v4, v1;
	_ =	sdelay $0x1  }
0x75: {  	v4 =	vadd.f32 v5, v4;
	_ =	sdelay $0x1  }
0x76: {  	v5 =	vperm.xlane v4, v2;
	_ =	sdelay $0x1  }
0x77: {  	v4 =	vadd.f32 v5, v4;
	_ =	sdelay $0x1  }
0x78: {  	v5 =	vperm.xlane v4, v3;
	_ =	sdelay $0x1  }
0x79: {  	v4 =	vadd.f32 v5, v4;
	_ =	sdelay $0x1  }
0x7a: {  	v4 =	vmul.f32 $1.442695020e+00, v4;
	_ =	sdelay $0x1  }
0x7b: {  	(erf) = vpow2.f32 v4;
	_ =	sdelay $0x4  }
0x7c: {  	v4 =	vld [tilespmem:s29+$0x0];
	_ =	sdelay $0x2  }
.Ltmp0:
0x7d: {  	(pc) =	sbr.rel @p0 .LBB2_3-.Ltmp0, $4  }
0x7e: {  	v5 =	vpop (erf)  }
0x7f: {  	v6 =	vmul.f32 v5, v4;
	[tilespmem:s28+$0x8400] =	vst v5  }
0x80: {  	s0 =	sshra.s32 s31, $0x2  }
0x81: {  	s31 =	sadd.s32 $0x40, s31;
	s29 =	sadd.s32 $0x20, s29;
	v4 =	vld [tilespmem:s0+$0x4400];
	[tilespmem:s28+$0x6400] =	vst v6;
	s28 =	smov.u32 s0  }
0x82: {  	v5 =	vld [tilespmem:s29+$0xFFFFFFF0];
	_ =	sdelay $0x4  }
0x83: {  	v4 =	vmul.f32 v4, v5;
	_ =	sdelay $0x1  }
0x84: {  	v5 =	vperm.xlane v4, v0;
	_ =	sdelay $0x1  }
0x85: {  	v4 =	vadd.f32 v5, v4;
	_ =	sdelay $0x1  }
0x86: {  	v5 =	vperm.xlane v4, v1;
	_ =	sdelay $0x1  }
0x87: {  	v4 =	vadd.f32 v5, v4;
	_ =	sdelay $0x1  }
0x88: {  	v5 =	vperm.xlane v4, v2;
	_ =	sdelay $0x1  }
0x89: {  	v4 =	vadd.f32 v5, v4;
	_ =	sdelay $0x1  }
0x8a: {  	v5 =	vperm.xlane v4, v3;
	_ =	sdelay $0x1  }
0x8b: {  	v4 =	vadd.f32 v5, v4;
	_ =	sdelay $0x1  }
0x8c: {  	v4 =	vmul.f32 $1.442695020e+00, v4;
	_ =	sdelay $0x1  }
0x8d: {  	(erf) = vpow2.f32 v4;
	_ =	sdelay $0x4  }
0x8e: {  	v4 =	vld [tilespmem:s29+$0x0];
	_ =	sdelay $0x3  }
0x8f: {  	v5 =	vpop (erf)  }
0x90: {  	v4 =	vmul.f32 v5, v4  }
0x91: {  	[tilespmem:s28+$0x8400] =	vst v5  }
0x92: {  	s0 =	simm.s32 $0x6400;
	[tilespmem:s28+$0x6400] =	vst v4  }
0x93: {  	[spmem:s3] =	stream.indirect.scatter.add.f32 [tilespmem:s0], [sflag:$0x3], $0x10, s20, s21, $0xb8;
	[tilespmem:$0x19640] =	vst v63  }
0x94: {  	s31 =	simm.s32 $0x8400  }
0x95: {  	[spmem:s4] =	stream.indirect.scatter.add.f32 [tilespmem:s31], [sflag:$0x3], $0x10, s20, s21, $0xb8;
	[tilespmem:$0x19640] =	vst v63  }
0x96: {  	s31 =	simm.s32 $0x6C00  }
0x97: {  	[spmem:s3] =	stream.indirect.scatter.add.f32 [tilespmem:s31], [sflag:$0x3], $0x10, s25, s21, $0xb8;
	[tilespmem:$0x19640] =	vst v63  }
0x98: {  	s31 =	simm.s32 $0x8C00  }
0x99: {  	[spmem:s4] =	stream.indirect.scatter.add.f32 [tilespmem:s31], [sflag:$0x3], $0x10, s25, s21, $0xb8;
	[tilespmem:$0x19640] =	vst v63  }
0x9a: {  	s31 =	simm.s32 $0x7400  }
0x9b: {  	[spmem:s3] =	stream.indirect.scatter.add.f32 [tilespmem:s31], [sflag:$0x3], $0x10, s30, s21, $0xb8;
	[tilespmem:$0x19640] =	vst v63  }
0x9c: {  	s31 =	simm.s32 $0x9400  }
0x9d: {  	[spmem:s4] =	stream.indirect.scatter.add.f32 [tilespmem:s31], [sflag:$0x3], $0x10, s30, s21, $0xb8;
	[tilespmem:$0x19640] =	vst v63  }
0x9e: {  	s31 =	simm.s32 $0x7C00  }
0x9f: {  	[spmem:s3] =	stream.indirect.scatter.add.f32 [tilespmem:s31], [sflag:$0x3], $0x10, s12, s21, $0xb8;
	[tilespmem:$0x19640] =	vst v63  }
0xa0: {  	s31 =	simm.s32 $0x9C00  }
0xa1: {  	[spmem:s4] =	stream.indirect.scatter.add.f32 [tilespmem:s31], [sflag:$0x3], $0x10, s12, s21, $0xb8;
	[tilespmem:$0x19640] =	vst v63  }
0xa2: {  	_ =	swait.ge [sflag:s5], $0x1000  }
0xa3: {  	[sflag:s5] =	ssyncset.done $0x0  }
0xa4: {  	[sflag:s5] =	ssyncadd.s32 $0xFFFFF000  }
0xa5: {  	_ =	swait.ge [sflag:s5], $0x800  }
0xa6: {  	[sflag:s5] =	ssyncset.done $0x0  }
0xa7: {  	[sflag:s5] =	ssyncadd.s32 $0xFFFFF800  }
0xa8: {  	_ =	swait.ge [sflag:s5], $0x1000  }
0xa9: {  	[sflag:s5] =	ssyncset.done $0x0  }
0xaa: {  	[sflag:s5] =	ssyncadd.s32 $0xFFFFF000  }
0xab: {  	_ =	swait.ge [sflag:s5], $0x800  }
0xac: {  	[sflag:s5] =	ssyncset.done $0x0  }
0xad: {  	[sflag:s5] =	ssyncadd.s32 $0xFFFFF800  }
0xae: {  	_ =	swait.ge [sflag:s5], $0x1000  }
0xaf: {  	[sflag:s5] =	ssyncset.done $0x0  }
0xb0: {  	[sflag:s5] =	ssyncadd.s32 $0xFFFFF000  }
0xb1: {  	_ =	swait.ge [sflag:s5], $0x800  }
0xb2: {  	[sflag:s5] =	ssyncset.done $0x0  }
0xb3: {  	[sflag:s5] =	ssyncadd.s32 $0xFFFFF800  }
0xb4: {  	_ =	swait.ge [sflag:s5], $0x1000  }
0xb5: {  	[sflag:s5] =	ssyncset.done $0x0  }
0xb6: {  	[sflag:s5] =	ssyncadd.s32 $0xFFFFF000  }
0xb7: {  	_ =	swait.ge [sflag:s5], $0x800  }
0xb8: {  	[sflag:s5] =	ssyncset.done $0x0  }
0xb9: {  	[sflag:s5] =	ssyncadd.s32 $0xFFFFF800  }
0xba: {  	_ =	swait.ge [sflag:s24], $0x800  }
0xbb: {  	[sflag:s24] =	ssyncset.done $0x0  }
0xbc: {  	[sflag:s24] =	ssyncadd.s32 $0xFFFFF800  }
0xbd: {  	_ =	swait.ge [sflag:s24], $0x800  }
0xbe: {  	[sflag:s24] =	ssyncset.done $0x0  }
0xbf: {  	[sflag:s24] =	ssyncadd.s32 $0xFFFFF800  }
0xc0: {  	_ =	swait.ge [sflag:s24], $0x800  }
0xc1: {  	[sflag:s24] =	ssyncset.done $0x0  }
0xc2: {  	[sflag:s24] =	ssyncadd.s32 $0xFFFFF800  }
0xc3: {  	_ =	swait.ge [sflag:s24], $0x800  }
0xc4: {  	[sflag:s24] =	ssyncset.done $0x0  }
0xc5: {  	[sflag:s24] =	ssyncadd.s32 $0xFFFFF800  }
0xc6: {  	_ =	swait.ge [sflag:s24], $0x800  }
0xc7: {  	[sflag:s24] =	ssyncset.done $0x0  }
0xc8: {  	[sflag:s24] =	ssyncadd.s32 $0xFFFFF800  }
0xc9: {  	_ =	swait.ge [sflag:s24], $0x800  }
0xca: {  	[sflag:s24] =	ssyncset.done $0x0  }
0xcb: {  	[sflag:s24] =	ssyncadd.s32 $0xFFFFF800  }
0xcc: {  	_ =	swait.ge [sflag:s24], $0x800  }
0xcd: {  	[sflag:s24] =	ssyncset.done $0x0  }
0xce: {  	[sflag:s24] =	ssyncadd.s32 $0xFFFFF800  }
0xcf: {  	_ =	swait.ge [sflag:s24], $0x800  }
0xd0: {  	s31 =	sadd.s32 $0x80, s10;
	[sflag:s24] =	ssyncset.done $0x0  }
0xd1: {  	s28 =	simm.s32 $0x0;
	s10 =	sadd.s32 s7, s31;
	[sflag:s24] =	ssyncadd.s32 $0xFFFFF800  }
0xd2: {  	[tilespmem:s28], [sflag:$0x5] =	stream.linear.gather [hbm4b:s10+s28], $0x200, $0x38;
	[tilespmem:$0x19640] =	vst v63  }
0xd3: {  	_ =	swait.ge [sflag:s18], $0x200  }
0xd4: {  	[sflag:s18] =	ssyncset.done $0x0  }
0xd5: {  	s0 =	sadd.s32 s8, s31;
	[sflag:s18] =	ssyncadd.s32 $0xFFFFFE00  }
0xd6: {  	[tilespmem:s20], [sflag:$0x5] =	stream.linear.gather [hbm4b:s0+s28], $0x200, $0x38;
	[tilespmem:$0x19640] =	vst v63  }
0xd7: {  	_ =	swait.ge [sflag:s18], $0x200  }
0xd8: {  	[sflag:s18] =	ssyncset.done $0x0  }
0xd9: {  	s10 =	simm.s32 $0x400;
	[sflag:s18] =	ssyncadd.s32 $0xFFFFFE00  }
0xda: {  	[tilespmem:s10], [sflag:$0x1] =	stream.indirect.gather [hbm4b:s6+s21], $0x20, s28, s21, $0xb8;
	[tilespmem:$0x19640] =	vst v63  }
0xdb: {  	s31 =	simm.s32 $0x4400  }
0xdc: {  	[tilespmem:s31], [sflag:$0x1] =	stream.indirect.gather [hbm4b:s1+s21], $0x10, s20, s21, $0xb8;
	[tilespmem:$0x19640] =	vst v63  }
0xdd: {  	s10 =	simm.s32 $0x1400  }
0xde: {  	[tilespmem:s10], [sflag:$0x1] =	stream.indirect.gather [hbm4b:s6+s21], $0x20, s21, s21, $0xb8;
	[tilespmem:$0x19640] =	vst v63  }
0xdf: {  	s31 =	simm.s32 $0x4C00  }
0xe0: {  	[tilespmem:s31], [sflag:$0x1] =	stream.indirect.gather [hbm4b:s1+s21], $0x10, s25, s21, $0xb8;
	[tilespmem:$0x19640] =	vst v63  }
0xe1: {  	s10 =	simm.s32 $0x100;
	s31 =	simm.s32 $0x2400  }
0xe2: {  	[tilespmem:s31], [sflag:$0x1] =	stream.indirect.gather [hbm4b:s6+s21], $0x20, s10, s21, $0xb8;
	[tilespmem:$0x19640] =	vst v63  }
0xe3: {  	s31 =	simm.s32 $0x5400  }
0xe4: {  	[tilespmem:s31], [sflag:$0x1] =	stream.indirect.gather [hbm4b:s1+s21], $0x10, s30, s21, $0xb8;
	[tilespmem:$0x19640] =	vst v63  }
0xe5: {  	s10 =	simm.s32 $0x180;
	s31 =	simm.s32 $0x3400  }
0xe6: {  	[tilespmem:s31], [sflag:$0x1] =	stream.indirect.gather [hbm4b:s6+s21], $0x20, s10, s21, $0xb8;
	[tilespmem:$0x19640] =	vst v63  }
0xe7: {  	s31 =	simm.s32 $0x5C00;
	s10 =	simm.s32 $0x0  }
0xe8: {  	[tilespmem:s31], [sflag:$0x1] =	stream.indirect.gather [hbm4b:s1+s21], $0x10, s12, s21, $0xb8;
	[tilespmem:$0x19640] =	vst v63  }
0xe9: {  	s29 =	simm.s32 $0x40;
	s28 =	simm.s32 $0xA810;
	v4 =	vld [tilespmem:s10+$0xE800]  }
.LBB2_5:
0xea: {  	p0 =	sne.s32 s29, $0x7FC0;
	v5 =	vld [tilespmem:s28+$0xFFFFFFF0];
	_ =	sdelay $0x4  }
0xeb: {  	v4 =	vmul.f32 v4, v5;
	_ =	sdelay $0x1  }
0xec: {  	v5 =	vperm.xlane v4, v0;
	_ =	sdelay $0x1  }
0xed: {  	v4 =	vadd.f32 v5, v4;
	_ =	sdelay $0x1  }
0xee: {  	v5 =	vperm.xlane v4, v1;
	_ =	sdelay $0x1  }
0xef: {  	v4 =	vadd.f32 v5, v4;
	_ =	sdelay $0x1  }
0xf0: {  	v5 =	vperm.xlane v4, v2;
	_ =	sdelay $0x1  }
0xf1: {  	v4 =	vadd.f32 v5, v4;
	_ =	sdelay $0x1  }
0xf2: {  	v5 =	vperm.xlane v4, v3;
	_ =	sdelay $0x1  }
0xf3: {  	v4 =	vadd.f32 v5, v4;
	_ =	sdelay $0x1  }
0xf4: {  	v4 =	vmul.f32 $1.442695020e+00, v4;
	_ =	sdelay $0x1  }
0xf5: {  	(erf) = vpow2.f32 v4;
	_ =	sdelay $0x4  }
0xf6: {  	v4 =	vld [tilespmem:s28+$0x0];
	_ =	sdelay $0x2  }
.Ltmp1:
0xf7: {  	(pc) =	sbr.rel @p0 .LBB2_5-.Ltmp1, $4  }
0xf8: {  	v5 =	vpop (erf)  }
0xf9: {  	v6 =	vmul.f32 v5, v4;
	[tilespmem:s10+$0x12800] =	vst v5  }
0xfa: {  	s0 =	sshra.s32 s29, $0x2  }
0xfb: {  	s29 =	sadd.s32 $0x40, s29;
	s28 =	sadd.s32 $0x20, s28;
	v4 =	vld [tilespmem:s0+$0xE800];
	[tilespmem:s10+$0x10800] =	vst v6;
	s10 =	smov.u32 s0  }
0xfc: {  	v5 =	vld [tilespmem:s28+$0xFFFFFFF0];
	_ =	sdelay $0x4  }
0xfd: {  	v4 =	vmul.f32 v4, v5;
	_ =	sdelay $0x1  }
0xfe: {  	v5 =	vperm.xlane v4, v0;
	_ =	sdelay $0x1  }
0xff: {  	v4 =	vadd.f32 v5, v4;
	_ =	sdelay $0x1  }
0x100: {  	v5 =	vperm.xlane v4, v1;
	_ =	sdelay $0x1  }
0x101: {  	v4 =	vadd.f32 v5, v4;
	_ =	sdelay $0x1  }
0x102: {  	v5 =	vperm.xlane v4, v2;
	_ =	sdelay $0x1  }
0x103: {  	v4 =	vadd.f32 v5, v4;
	_ =	sdelay $0x1  }
0x104: {  	v5 =	vperm.xlane v4, v3;
	_ =	sdelay $0x1  }
0x105: {  	v4 =	vadd.f32 v5, v4;
	_ =	sdelay $0x1  }
0x106: {  	v4 =	vmul.f32 $1.442695020e+00, v4;
	_ =	sdelay $0x1  }
0x107: {  	(erf) = vpow2.f32 v4;
	_ =	sdelay $0x4  }
0x108: {  	v4 =	vld [tilespmem:s28+$0x0];
	_ =	sdelay $0x3  }
0x109: {  	v5 =	vpop (erf)  }
0x10a: {  	v4 =	vmul.f32 v5, v4  }
0x10b: {  	[tilespmem:s10+$0x12800] =	vst v5  }
0x10c: {  	s0 =	simm.s32 $0x10800;
	[tilespmem:s10+$0x10800] =	vst v4  }
0x10d: {  	[spmem:s3] =	stream.indirect.scatter.add.f32 [tilespmem:s0], [sflag:$0x4], $0x10, s15, s21, $0xb8;
	[tilespmem:$0x19640] =	vst v63  }
0x10e: {  	s10 =	simm.s32 $0x12800  }
0x10f: {  	[spmem:s4] =	stream.indirect.scatter.add.f32 [tilespmem:s10], [sflag:$0x4], $0x10, s15, s21, $0xb8;
	[tilespmem:$0x19640] =	vst v63  }
0x110: {  	s28 =	simm.s32 $0x11000  }
0x111: {  	[spmem:s3] =	stream.indirect.scatter.add.f32 [tilespmem:s28], [sflag:$0x4], $0x10, s19, s21, $0xb8;
	[tilespmem:$0x19640] =	vst v63  }
0x112: {  	s29 =	simm.s32 $0x13000  }
0x113: {  	[spmem:s4] =	stream.indirect.scatter.add.f32 [tilespmem:s29], [sflag:$0x4], $0x10, s19, s21, $0xb8;
	[tilespmem:$0x19640] =	vst v63  }
0x114: {  	s31 =	simm.s32 $0x11800  }
0x115: {  	[spmem:s3] =	stream.indirect.scatter.add.f32 [tilespmem:s31], [sflag:$0x4], $0x10, s23, s21, $0xb8;
	[tilespmem:$0x19640] =	vst v63  }
0x116: {  	_ = 	snop  }
0x117: {  	[spmem:s4] =	stream.indirect.scatter.add.f32 [tilespmem:s2], [sflag:$0x4], $0x10, s23, s21, $0xb8;
	[tilespmem:$0x19640] =	vst v63  }
0x118: {  	_ = 	snop  }
0x119: {  	[spmem:s3] =	stream.indirect.scatter.add.f32 [tilespmem:s11], [sflag:$0x4], $0x10, s26, s21, $0xb8;
	[tilespmem:$0x19640] =	vst v63  }
0x11a: {  	_ = 	snop  }
0x11b: {  	[spmem:s4] =	stream.indirect.scatter.add.f32 [tilespmem:s22], [sflag:$0x4], $0x10, s26, s21, $0xb8;
	[tilespmem:$0x19640] =	vst v63  }
0x11c: {  	_ =	swait.ge [sflag:s13], $0x800  }
0x11d: {  	[sflag:s13] =	ssyncset.done $0x0  }
0x11e: {  	[sflag:s13] =	ssyncadd.s32 $0xFFFFF800  }
0x11f: {  	_ =	swait.ge [sflag:s13], $0x800  }
0x120: {  	[sflag:s13] =	ssyncset.done $0x0  }
0x121: {  	[sflag:s13] =	ssyncadd.s32 $0xFFFFF800  }
0x122: {  	_ =	swait.ge [sflag:s13], $0x800  }
0x123: {  	[sflag:s13] =	ssyncset.done $0x0  }
0x124: {  	[sflag:s13] =	ssyncadd.s32 $0xFFFFF800  }
0x125: {  	_ =	swait.ge [sflag:s13], $0x800  }
0x126: {  	[sflag:s13] =	ssyncset.done $0x0  }
0x127: {  	[sflag:s13] =	ssyncadd.s32 $0xFFFFF800  }
0x128: {  	_ =	swait.ge [sflag:s13], $0x800  }
0x129: {  	[sflag:s13] =	ssyncset.done $0x0  }
0x12a: {  	[sflag:s13] =	ssyncadd.s32 $0xFFFFF800  }
0x12b: {  	_ =	swait.ge [sflag:s13], $0x800  }
0x12c: {  	[sflag:s13] =	ssyncset.done $0x0  }
0x12d: {  	s16 =	sadd.s32 $0x1, s16;
	[sflag:s13] =	ssyncadd.s32 $0xFFFFF800  }
0x12e: {  	p0 =	sne.s32 s16, $0xB;
	_ =	swait.ge [sflag:s13], $0x800  }
.Ltmp2:
0x12f: {  	[sflag:s13] =	ssyncset.done $0x0;
	(pc) =	sbr.rel @p0 .LBB2_2-.Ltmp2, $4  }
0x130: {  	[sflag:s13] =	ssyncadd.s32 $0xFFFFF800  }
0x131: {  	_ =	swait.ge [sflag:s13], $0x800  }
0x132: {  	[sflag:s13] =	ssyncset.done $0x0  }
0x133: {  	[sflag:s13] =	ssyncadd.s32 $0xFFFFF800  }
0x134: {  	_ =	swait.ge [sflag:s17], $0x1000  }
0x135: {  	[sflag:s17] =	ssyncset.done $0x0  }
0x136: {  	[sflag:s17] =	ssyncadd.s32 $0xFFFFF000  }
0x137: {  	_ =	swait.ge [sflag:s17], $0x800  }
0x138: {  	[sflag:s17] =	ssyncset.done $0x0  }
0x139: {  	[sflag:s17] =	ssyncadd.s32 $0xFFFFF800  }
0x13a: {  	_ =	swait.ge [sflag:s17], $0x1000  }
0x13b: {  	[sflag:s17] =	ssyncset.done $0x0  }
0x13c: {  	[sflag:s17] =	ssyncadd.s32 $0xFFFFF000  }
0x13d: {  	_ =	swait.ge [sflag:s17], $0x800  }
0x13e: {  	[sflag:s17] =	ssyncset.done $0x0  }
0x13f: {  	[sflag:s17] =	ssyncadd.s32 $0xFFFFF800  }
0x140: {  	_ =	swait.ge [sflag:s17], $0x1000  }
0x141: {  	[sflag:s17] =	ssyncset.done $0x0  }
0x142: {  	[sflag:s17] =	ssyncadd.s32 $0xFFFFF000  }
0x143: {  	_ =	swait.ge [sflag:s17], $0x800  }
0x144: {  	[sflag:s17] =	ssyncset.done $0x0  }
0x145: {  	[sflag:s17] =	ssyncadd.s32 $0xFFFFF800  }
0x146: {  	_ =	swait.ge [sflag:s17], $0x1000  }
0x147: {  	[sflag:s17] =	ssyncset.done $0x0  }
0x148: {  	[sflag:s17] =	ssyncadd.s32 $0xFFFFF000  }
0x149: {  	_ =	swait.ge [sflag:s17], $0x800  }
0x14a: {  	[sflag:s17] =	ssyncset.done $0x0  }
0x14b: {  	[sflag:s17] =	ssyncadd.s32 $0xFFFFF800  }
0x14c: {  	[bflag:$0x0] =	sbarrier.arrive $0xFFFF  }
0x14d: {  	s10 =	rddreg [dreg:$0x6]  }
0x14e: {  	s0 =	rddreg [dreg:$0x9]  }
0x14f: {  	s16 =	rddreg [dreg:$0xc]  }
0x150: {  	[hbm:s0], [sflag:s10] =	dma.local [spmem:s16], $0x4E4  }
0x151: {  	_ =	swait.ge [sflag:s18], $0x4E4  }
0x152: {  	[sflag:s18] =	ssyncset.done $0x0;
	s31 =	rddreg [dreg:$0xa]  }
0x153: {  	s28 =	rddreg [dreg:$0xd];
	[sflag:s18] =	ssyncadd.s32 $0xFFFFFB1C  }
0x154: {  	[hbm:s31], [sflag:s10] =	dma.local [spmem:s28], $0x4E4  }
0x155: {  	_ =	swait.ge [sflag:s18], $0x4E4  }
0x156: {  	s29 =	rddreg [dreg:$0xe]  }
0x157: {  	s31 =	rddreg [dreg:$0xb];
	s29 =	sadd.s32 $0x1, s29  }
0x158: {  	p0 =	sne.s32 s29, s31  }
.Ltmp3:
0x159: {  	_ = 	snop;
	(pc) =	sbr.rel @p0 .LBB2_1-.Ltmp3, $3  }
0x15a: {  	_ =	sdelay $0x1  }
0x15b: {  	[sflag:s18] =	ssyncset.done $0x0  }
0x15c: {  	[sflag:s18] =	ssyncadd.s32 $0xFFFFFB1C  }
0x15d: {  	_ =	sfence.sel $0x180000  }
0x15e: {  	[bflag:$0x0] =	sbarrier.arrive $0xFFFF  }
0x15f: {  	_ =	strace $0x9000004A  }
0x160: {  	s0 =	stileid.u32;
	[bflag:$0x2] =	sbarrier.arrive $0xFFFF  }
0x161: {  	p0 =	sne.s32 s0, $0x0;
	s0 =	rddreg [dreg:$0x4]  }
0x162: {  	s0 =	sadd.s32 @!p0 $0x100000, s0  }
0x163: {  	[sflag:s0] =	ssyncadd.tile.s32 @!p0 $0x1;
	_ =	shalt  }
.Lfunc_end2:
_tile_overlayer_lowered:
.L_overlay_start_2:
0x164: {  	(tag) =	ssettag $0x2  }
0x165: {  	s0 =	rddreg [dreg:$0x0];
	s2 =	stileid.u32  }
0x166: {  	s1 =	rddreg [dreg:$0x1];
	p0 =	sne.s32 s2, $0x0  }
0x167: {  	s3 =	rddreg [dreg:$0x2];
	[bflag:$0x3] =	sbarrier.arrive $0xFFFF;
	s2 =	simm.s32 @!p0 $0x1C05  }
0x168: {  	[timem:s3], [sflag:s2] =	dma.local @!p0 [hbm:s0], s1  }
0x169: {  	s0 =	simm.s32 @!p0 $0x5  }
0x16a: {  	_ =	swait.ge @!p0 [sflag:s0], s1  }
0x16b: {  	s1 =	ssub.s32 @!p0 $0x0, s1;
	[sflag:s0] =	ssyncset.done @!p0 $0x0  }
0x16c: {  	[sflag:s0] =	ssyncadd.s32 @!p0 s1  }
0x16d: {  	[bflag:$0x3] =	sbarrier.arrive $0xFFFF  }
0x16e: {  	_ =	shalt  }

// kernel: kernel.8.cloned.1.call-start
scs
__scs_entry_jumppad:
0x0: {  	(pc) =	sbr.rel $0x88, $3  }
0x1: {  	(tag) =	ssettag $0x0;
	lr =	simm.s32 $0x1  }
0x2: {  	[smem:$0x3F9A] =	sst lr;
	_ =	strace $0xD0000000  }
0x3: {  	_ = 	snop  }
0x4: {  	_ = 	snop  }
0x5: {  	_ = 	snop  }
0x6: {  	_ = 	snop  }
0x7: {  	_ = 	snop  }
__scs_overlays_trampoline_lowered:
0x8: {  	[smem:$0x3FA9] =	sst s0  }
0x9: {  	[smem:$0x3FAA] =	sst s1  }
0xa: {  	[smem:$0x3FAB] =	sst s2  }
0xb: {  	[smem:$0x3FAC] =	sst s3  }
0xc: {  	[smem:$0x3FAD] =	sst s4  }
0xd: {  	[smem:$0x3FAE] =	sst s5  }
0xe: {  	[smem:$0x3FAF] =	sst s6  }
0xf: {  	[smem:$0x3FB0] =	sst s7  }
0x10: {  	[smem:$0x3FB1] =	sst s8  }
0x11: {  	[smem:$0x3FB2] =	sst s9;
	s0 =	simm.s32 @!p0 $0x0  }
0x12: {  	s1 =	sld [smem:$0x3F98];
	s0 =	simm.s32 @p0 $0x1  }
0x13: {  	[smem:$0x3FB3] =	sst s0;
	s0 =	simm.s32 @!p1 $0x0  }
0x14: {  	s2 =	sld [smem:$0x3F97];
	s0 =	simm.s32 @p1 $0x1  }
0x15: {  	[smem:$0x3FB4] =	sst s0;
	s0 =	simm.s32 @!p2 $0x0  }
0x16: {  	s3 =	sld [smem:$0x3FDB];
	s0 =	simm.s32 @p2 $0x1  }
0x17: {  	s4 =	simm.s32 $0x1BF5;
	[smem:$0x3FB6] =	sst s0  }
0x18: {  	s0 =	sld [smem:$0x3F99];
	_ =	swait.ge [sflag:s4], $0x0  }
0x19: {  	s7 =	sld [smem:$0x3F9A]  }
0x1a: {  	s8 =	sadd.s32 $0xFFFFE003, lr  }
0x1b: {  	s9 =	sadd.s32 $0xFFFFFEF7, lr;
	s5 =	simm.s32 $0xFFFFFFFF;
	p2 =	slt.u32 s8, $0xFFFFF086  }
0x1c: {  	p1 =	slt.u32 s9, $0xF7A;
	s5 =	simm.s32 @!p2 $0x0  }
0x1d: {  	s5 =	simm.s32 @p1 $0x1;
	p0 =	seq.s32 s7, s2  }
0x1e: {  	s7 =	smul.u32 @!p0 $0xF7A, s2;
	p2 =	seq.s32 @!p0 s5, $0x0  }
0x1f: {  	s9 =	smul.u32 $0xF7A, s1;
	s8 =	simm.s32 @!p0 $0x1BF5;
	p2 =	por !p2, p0  }
0x20: {  	[sflag:s8] =	ssyncset.s32 @!p0 $0xFFFFF086;
	s6 =	sadd.s32 @!p0 s3, s7;
	s7 =	simm.s32 @!p0 $0x108  }
0x21: {  	s3 =	sadd.s32 s3, s9;
	s6 =	sadd.s32 @!p0 $0x88, s6;
	s7 =	simm.s32 @p2 $0x1082  }
0x22: {  	[simem:s7], [sflag:s8] =	dma.local @!p0 [hbm:s6], $0xF7A  }
0x23: {  	s9 =	sor.u32 $0xD0000000, s2;
	s6 =	simm.s32 $0x108;
	_ =	swait.ge @!p0 [sflag:s8], $0x0  }
0x24: {  	s3 =	sadd.s32 $0x88, s3;
	s6 =	simm.s32 @!p1 $0x1082;
	[sflag:s4] =	ssyncset.s32 $0xFFFFF086  }
0x25: {  	[simem:s6], [sflag:s4] =	dma.local [hbm:s3], $0xF7A  }
0x26: {  	[smem:$0x3F9A] =	sst s1;
	(tag) =	ssettag s2;
	_ =	strace s9  }
0x27: {  	s1 =	sld [smem:$0x3FAA]  }
0x28: {  	s2 =	sld [smem:$0x3FAB]  }
0x29: {  	s4 =	sld [smem:$0x3FAD]  }
0x2a: {  	p0 =	seq.s32 s5, $0x0;
	s5 =	sld [smem:$0x3FAE]  }
0x2b: {  	s6 =	sld [smem:$0x3FAF]  }
0x2c: {  	s7 =	sld [smem:$0x3FB0]  }
0x2d: {  	s3 =	simm.s32 $0x108;
	s8 =	sld [smem:$0x3FB1]  }
0x2e: {  	s3 =	simm.s32 @!p0 $0x1082;
	s9 =	sld [smem:$0x3FB2]  }
0x2f: {  	lr =	sadd.s32 s0, s3;
	s0 =	sld [smem:$0x3FA9]  }
0x30: {  	s3 =	sld [smem:$0x3FAC]  }
0x31: {  	[smem:$0x3FB5] =	sst s10  }
0x32: {  	s10 =	sld [smem:$0x3FB3];
	_ =	sdelay $0x3  }
0x33: {  	p0 =	seq.s32 s10, $0x1;
	s10 =	sld [smem:$0x3FB5];
	_ =	sdelay $0x3  }
0x34: {  	[smem:$0x3FB5] =	sst s10  }
0x35: {  	s10 =	sld [smem:$0x3FB4];
	_ =	sdelay $0x3  }
0x36: {  	p1 =	seq.s32 s10, $0x1;
	s10 =	sld [smem:$0x3FB5];
	_ =	sdelay $0x3  }
0x37: {  	[smem:$0x3FB5] =	sst s10  }
0x38: {  	s10 =	sld [smem:$0x3FB6]  }
0x39: {  	_ = 	snop;
	(pc) =	sbr.ind lr, $3  }
0x3a: {  	_ = 	snop  }
0x3b: {  	_ = 	snop  }
0x3c: {  	p2 =	seq.s32 s10, $0x1;
	s10 =	sld [smem:$0x3FB5]  }
0x3d: {  	_ =	shalt  }
0x3e: {  	_ =	shalt  }
0x3f: {  	_ =	shalt  }
0x40: {  	_ =	shalt  }
0x41: {  	_ =	shalt  }
0x42: {  	_ =	shalt  }
0x43: {  	_ =	shalt  }
0x44: {  	_ =	shalt  }
0x45: {  	_ =	shalt  }
0x46: {  	_ =	shalt  }
0x47: {  	_ =	shalt  }
0x48: {  	_ =	shalt  }
0x49: {  	_ =	shalt  }
0x4a: {  	_ =	shalt  }
0x4b: {  	_ =	shalt  }
0x4c: {  	_ =	shalt  }
0x4d: {  	_ =	shalt  }
0x4e: {  	_ =	shalt  }
0x4f: {  	_ =	shalt  }
0x50: {  	_ =	shalt  }
0x51: {  	_ =	shalt  }
0x52: {  	_ =	shalt  }
0x53: {  	_ =	shalt  }
0x54: {  	_ =	shalt  }
0x55: {  	_ =	shalt  }
0x56: {  	_ =	shalt  }
0x57: {  	_ =	shalt  }
0x58: {  	_ =	shalt  }
0x59: {  	_ =	shalt  }
0x5a: {  	_ =	shalt  }
0x5b: {  	_ =	shalt  }
0x5c: {  	_ =	shalt  }
0x5d: {  	_ =	shalt  }
0x5e: {  	_ =	shalt  }
0x5f: {  	_ =	shalt  }
0x60: {  	_ =	shalt  }
0x61: {  	_ =	shalt  }
0x62: {  	_ =	shalt  }
0x63: {  	_ =	shalt  }
0x64: {  	_ =	shalt  }
0x65: {  	_ =	shalt  }
0x66: {  	_ =	shalt  }
0x67: {  	_ =	shalt  }
0x68: {  	_ =	shalt  }
0x69: {  	_ =	shalt  }
0x6a: {  	_ =	shalt  }
0x6b: {  	_ =	shalt  }
0x6c: {  	_ =	shalt  }
0x6d: {  	_ =	shalt  }
0x6e: {  	_ =	shalt  }
0x6f: {  	_ =	shalt  }
0x70: {  	_ =	shalt  }
0x71: {  	_ =	shalt  }
0x72: {  	_ =	shalt  }
0x73: {  	_ =	shalt  }
0x74: {  	_ =	shalt  }
0x75: {  	_ =	shalt  }
0x76: {  	_ =	shalt  }
0x77: {  	_ =	shalt  }
0x78: {  	_ =	shalt  }
0x79: {  	_ =	shalt  }
0x7a: {  	_ =	shalt  }
0x7b: {  	_ =	shalt  }
0x7c: {  	_ =	shalt  }
0x7d: {  	_ =	shalt  }
0x7e: {  	_ =	shalt  }
0x7f: {  	_ =	shalt  }
0x80: {  	_ =	shalt  }
0x81: {  	_ =	shalt  }
0x82: {  	_ =	shalt  }
0x83: {  	_ =	shalt  }
0x84: {  	_ =	shalt  }
0x85: {  	_ =	shalt  }
0x86: {  	_ =	shalt  }
0x87: {  	_ =	shalt  }
.Lfunc_end0:
.L_simem_size_0:
called_computation_lowered:
.L_overlay_start_0:
0x88: {  	s2 =	sld [smem:$0x3FD9]  }
0x89: {  	s3 =	sld [smem:$0x3FFE];
	_ =	sdelay $0x1  }
0x8a: {  	s1 =	srdreg.scid  }
0x8b: {  	s0 =	sand.u32 $0x1, s1  }
0x8c: {  	s17 =	sshll.u32 s0, $0xA;
	s2 =	sadd.s32 s3, s2  }
0x8d: {  	s2 =	sadd.s32 s2, s17  }
0x8e: {  	[smem:$0x3FC1] =	sst s2  }
0x8f: {  	_ = 	snop  }
0x90: {  	s2 =	sld [smem:$0x3FD0];
	(tm) =	ssettm $0x1  }
0x91: {  	s18 =	sld [smem:$0x3FFB];
	_ =	sdelay $0x3  }
0x92: {  	_ =	strace s18  }
0x93: {  	s3 =	sld [smem:$0x3FFC];
	_ =	sdelay $0x3  }
0x94: {  	_ =	strace s3  }
0x95: {  	s3 =	sld [smem:$0x3FFD];
	_ =	sdelay $0x3  }
0x96: {  	_ =	strace s3  }
0x97: {  	_ =	strace $0x8FFFFFFF  }
0x98: {  	s19 =	sld [smem:$0x3FDB];
	_ =	sdelay $0x1  }
0x99: {  	s4 =	simm.s32 $_scs_section_size  }
0x9a: {  	s5 =	simm.s32 $_size__tile_overlayer_lowered;
	s6 =	simm.s32 $_tile_overlayer_lowered  }
0x9b: {  	s22 =	simm.s32 $0x1BFF;
	s21 =	sshll.u32 s6, $0x1;
	s3 =	sadd.s32 s4, s19  }
0x9c: {  	s7 =	simm.s32 $0x0;
	s20 =	sshll.u32 s5, $0x1;
	s5 =	sadd.s32 s21, s3  }
0x9d: {  	[timem:s7], [sflag:s22] =	dma.local [hbm:s5], s20  }
0x9e: {  	_ =	swait.ge [sflag:s22], s20  }
0x9f: {  	s4 =	ssub.s32 $0x0, s20;
	[sflag:s22] =	ssyncset.done $0x0  }
0xa0: {  	[sflag:s22] =	ssyncadd.s32 s4;
	_ =	sdelay $0x1  }
0xa1: {  	s23 =	simm.s32 $0x1B8B  }
0xa2: {  	_ =	swait.ge [sflag:s23], $0x1  }
0xa3: {  	[sflag:s23] =	ssyncset.done $0x0  }
0xa4: {  	s25 =	simm.s32 $0x1B8E;
	s24 =	sld [smem:$0x3FFE];
	[sflag:s23] =	ssyncadd.s32 $0xFFFFFFFF  }
0xa5: {  	s26 =	simm.s32 $execute0_lowered;
	[smem:$0x3FD2] =	sst s25  }
0xa6: {  	s5 =	sshll.u32 s26, $0x1;
	_ =	strace $0x80000046;
	[dreg:$0x1] =	wrdreg $0xFFFFFFFF  }
0xa7: {  	s28 =	simm.s32 $_size_execute0_lowered;
	s3 =	sadd.s32 s3, s5;
	[dreg:$0x0] =	wrdreg $0x0  }
0xa8: {  	s5 =	sshll.u32 s28, $0x1;
	[dreg:$0x2] =	wrdreg s3  }
0xa9: {  	[dreg:$0x3] =	wrdreg s5  }
0xaa: {  	[dreg:$0x4] =	wrdreg $0xC0  }
0xab: {  	_ =	task [dreg:s7], $0x5FFFF  }
0xac: {  	[dreg:$0x1] =	wrdreg $0xFFFFFFFF  }
0xad: {  	[dreg:$0x0] =	wrdreg $0x60  }
0xae: {  	[dreg:$0x2] =	wrdreg s24  }
0xaf: {  	[dreg:$0x3] =	wrdreg s2  }
0xb0: {  	[dreg:$0x4] =	wrdreg $0x148000  }
0xb1: {  	[dreg:$0x5] =	wrdreg $0x16F200  }
0xb2: {  	[dreg:$0x6] =	wrdreg $0x9  }
0xb3: {  	_ =	task.clear_ibuf [dreg:s7], $0x7FFFF;
	_ =	strace $0x90000046  }
0xb4: {  	s29 =	simm.s32 $0x9;
	_ =	strace $0x80000048  }
0xb5: {  	_ =	swait.ge [sflag:s29], $0x1  }
0xb6: {  	[sflag:s29] =	ssyncadd.s32 $0xFFFFFFFF  }
0xb7: {  	_ =	strace $0x90000048  }
0xb8: {  	_ =	sfence  }
0xb9: {  	s30 =	sld [smem:$0x0];
	_ =	sdelay $0x2  }
0xba: {  	s31 =	sshll.u32 s1, $0xD;
	s1 =	sshrl.u32 s1, $0x2  }
0xbb: {  	s3 =	sand.u32 $0x4000, s31;
	s1 =	sadd.s32 s1, s30  }
0xbc: {  	s0 =	sor.u32 s3, s0;
	s1 =	sshll.u32 s1, $0x11  }
0xbd: {  	s0 =	sor.u32 s1, s0  }
0xbe: {  	s0 =	sadd.s32 $0x8F2B, s0  }
0xbf: {  	[sflag:s0] =	ssyncadd.remote.s32 $0x1  }
0xc0: {  	_ =	sfence.sel $0xFFFF  }
0xc1: {  	[dreg:$0x0] =	wrdreg $0xFFFFFFFF;
	(pc) =	sbr.abs _section_cstart, $3  }
0xc2: {  	[dreg:$0x1] =	wrdreg $0xFFFFFFFF  }
0xc3: {  	_ =	task.clear_ibuf [dreg:s7], $0x2FFFF;
	_ =	strace $0x9FFFFFFF  }
0xc4: {  	(tm) =	ssettm $0x7FFFFFFF  }
0xc5: {  	_ =	shalt  }
tec
execute0_lowered:
.L_overlay_start_1:
0x0: {  	(tag) =	ssettag $0x1  }
0x1: {  	s0 =	rddreg [dreg:$0x0]  }
0x2: {  	s1 =	rddreg [dreg:$0x1]  }
0x3: {  	s3 =	rddreg [dreg:$0x2]  }
0x4: {  	s4 =	rddreg [dreg:$0x3];
	s5 =	simm.s32 $0x0;
	s13 =	stileid.u32  }
0x5: {  	s2 =	srdreg.scid;
	s18 =	simm.s32 $0x5;
	s30 =	simm.s32 $0x300  }
0x6: {  	s14 =	simm.s32 $0xA400;
	s15 =	simm.s32 $0xA600;
	s19 =	simm.s32 $0xA680  }
0x7: {  	s17 =	simm.s32 $0x1;
	s29 =	simm.s32 $0x0;
	[smem:$0x7FF] =	sst s5  }
0x8: {  	s20 =	smul.u32 $0x2720, s13;
	s2 =	sand.u32 $0x1, s2;
	s6 =	sadd.s32 $0x3600, s0  }
0x9: {  	s7 =	sadd.s32 $0x18C00, s0;
	s8 =	sadd.s32 $0xD400, s0;
	s5 =	simm.s32 $0x2  }
0xa: {  	_ =	strace $0x80000047;
	s9 =	smul.u32 $0x27200, s2;
	s11 =	ssub.s32 $0x2, s2  }
0xb: {  	s2 =	sshll.u32 s2, $0x4;
	s10 =	sshrl.u32 s20, $0x3;
	s12 =	sshrl.u32 s11, $0x1  }
0xc: {  	s2 =	sor.u32 s13, s2;
	s21 =	sadd.s32 s20, s3;
	s13 =	sshll.u32 s13, $0x6  }
0xd: {  	s23 =	sadd.s32 s20, s4;
	s10 =	sadd.s32 s10, s0;
	s9 =	sadd.s32 s20, s9  }
0xe: {  	v0 =	vimm.s32 $0xEFCDAB89;
	v1 =	vimm.s32 $0x67452301;
	s11 =	ssub.s32 s11, s12;
	s16 =	sshrl.u32 s21, $0x3;
	s28 =	sshrl.u32 s23, $0x3  }
0xf: {  	v2 =	vimm.s32 $0xDCFE98BA;
	v3 =	vimm.s32 $0x54761032;
	s20 =	simm.s32 $0x200;
	s21 =	simm.s32 $0x80;
	s12 =	simm.s32 $0x380  }
0x10: {  	v4 =	vimm.s32 $0xBA98FEDC;
	v5 =	vimm.s32 $0x32107654;
	s23 =	simm.s32 $0xA700;
	s9 =	sshrl.u32 s9, $0x3;
	[dreg:$0xc] =	wrdreg s16  }
0x11: {  	v6 =	vimm.s32 $0xFEDCBA98;
	v7 =	vimm.s32 $0x76543210;
	v0 =	vunpack.c.l.s4.s8 v0;
	s22 =	sadd.s32 $0x24400, s10;
	s10 =	sor.u32 $0x1C05, s13;
	[dreg:$0xd] =	wrdreg s28  }
0x12: {  	v1 =	vunpack.c.l.s4.s8 v1;
	v2 =	vunpack.c.l.s4.s8 v2;
	v3 =	vunpack.c.l.s4.s8 v3;
	s31 =	smax.u32 s11, $0x1;
	s11 =	simm.s32 $0x12000;
	[dreg:$0x5] =	wrdreg s22  }
0x13: {  	v6 =	vunpack.c.l.s4.s8 v6;
	v4 =	vunpack.c.l.s4.s8 v4;
	v5 =	vunpack.c.l.s4.s8 v5;
	s13 =	simm.s32 $0x4;
	s0 =	sadd.s32 s9, s0;
	[dreg:$0xb] =	wrdreg s31  }
0x14: {  	v7 =	vunpack.c.l.s4.s8 v7;
	v0 =	vunpack.c.0.s8.s32 v0;
	v1 =	vunpack.c.0.s8.s32 v1;
	s9 =	smul.u32 $0x580, s2;
	[dreg:$0x6] =	wrdreg s10;
	s26 =	sadd.s32 $0x33200, s0  }
0x15: {  	v2 =	vunpack.c.0.s8.s32 v2;
	v3 =	vunpack.c.0.s8.s32 v3;
	v6 =	vunpack.c.0.s8.s32 v6;
	s2 =	simm.s32 $0x13800;
	s0 =	sadd.s32 $0x29400, s0;
	[dreg:$0x9] =	wrdreg s26  }
0x16: {  	v4 =	vunpack.c.0.s8.s32 v4;
	v5 =	vunpack.c.0.s8.s32 v5;
	v7 =	vunpack.c.0.s8.s32 v7;
	s22 =	simm.s32 $0x14000;
	s24 =	sadd.s32 s7, s9;
	[dreg:$0xa] =	wrdreg s0  }
0x17: {  	v0 =	vcombine.low v1, v0;
	v1 =	vcombine.low v3, v2;
	v3 =	vand.u32 $0xF, v6;
	s25 =	sadd.s32 s8, s9;
	s26 =	simm.s32 $0xA780;
	[dreg:$0x7] =	wrdreg s24  }
0x18: {  	v2 =	vcombine.low v5, v4;
	v3 =	vcombine.low v3, v7;
	[dreg:$0x8] =	wrdreg s25;
	s25 =	simm.s32 $0x280;
	s24 =	simm.s32 $0x3  }
.LBB2_1:
0x19: {  	[dreg:$0xe] =	wrdreg s29  }
0x1a: {  	s0 =	rddreg [dreg:$0x5]  }
0x1b: {  	[spmem:s16], [sflag:s10] =	dma.local [hbm:s0], $0x4E4  }
0x1c: {  	_ =	swait.ge [sflag:s18], $0x4E4  }
0x1d: {  	[sflag:s18] =	ssyncset.done $0x0  }
0x1e: {  	[sflag:s18] =	ssyncadd.s32 $0xFFFFFB1C  }
0x1f: {  	[spmem:s28], [sflag:s10] =	dma.local [hbm:s0], $0x4E4  }
0x20: {  	_ =	swait.ge [sflag:s18], $0x4E4  }
0x21: {  	[sflag:s18] =	ssyncset.done $0x0  }
0x22: {  	[sflag:s18] =	ssyncadd.s32 $0xFFFFFB1C  }
0x23: {  	[bflag:$0x0] =	sbarrier.arrive $0xFFFF  }
0x24: {  	s16 =	simm.s32 $0x0;
	s28 =	rddreg [dreg:$0x7]  }
0x25: {  	[tilespmem:s16], [sflag:$0x5] =	stream.linear.gather [hbm4b:s28+s16], $0x200, $0x38;
	[tilespmem:$0x19640] =	vst v63  }
0x26: {  	_ =	swait.ge [sflag:s18], $0x200  }
0x27: {  	[sflag:s18] =	ssyncset.done $0x0  }
0x28: {  	s29 =	rddreg [dreg:$0x8];
	[sflag:s18] =	ssyncadd.s32 $0xFFFFFE00  }
0x29: {  	[tilespmem:s20], [sflag:$0x5] =	stream.linear.gather [hbm4b:s29+s16], $0x200, $0x38;
	[tilespmem:$0x19640] =	vst v63  }
0x2a: {  	_ =	swait.ge [sflag:s18], $0x200  }
0x2b: {  	[sflag:s18] =	ssyncset.done $0x0  }
0x2c: {  	s31 =	simm.s32 $0x400;
	[sflag:s18] =	ssyncadd.s32 $0xFFFFFE00  }
0x2d: {  	[tilespmem:s31], [sflag:$0x1] =	stream.indirect.gather [hbm4b:s6+s21], $0x20, s16, s21, $0xb8;
	[tilespmem:$0x19640] =	vst v63  }
0x2e: {  	s10 =	simm.s32 $0x4400  }
0x2f: {  	[tilespmem:s10], [sflag:$0x1] =	stream.indirect.gather [hbm4b:s1+s21], $0x10, s20, s21, $0xb8;
	[tilespmem:$0x19640] =	vst v63  }
0x30: {  	s16 =	simm.s32 $0x1400  }
0x31: {  	[tilespmem:s16], [sflag:$0x1] =	stream.indirect.gather [hbm4b:s6+s21], $0x20, s21, s21, $0xb8;
	[tilespmem:$0x19640] =	vst v63  }
0x32: {  	s28 =	simm.s32 $0x4C00  }
0x33: {  	[tilespmem:s28], [sflag:$0x1] =	stream.indirect.gather [hbm4b:s1+s21], $0x10, s25, s21, $0xb8;
	[tilespmem:$0x19640] =	vst v63  }
0x34: {  	s29 =	simm.s32 $0x100;
	s31 =	simm.s32 $0x2400  }
0x35: {  	[tilespmem:s31], [sflag:$0x1] =	stream.indirect.gather [hbm4b:s6+s21], $0x20, s29, s21, $0xb8;
	[tilespmem:$0x19640] =	vst v63  }
0x36: {  	s16 =	simm.s32 $0x5400  }
0x37: {  	[tilespmem:s16], [sflag:$0x1] =	stream.indirect.gather [hbm4b:s1+s21], $0x10, s30, s21, $0xb8;
	[tilespmem:$0x19640] =	vst v63  }
0x38: {  	s28 =	simm.s32 $0x180;
	s29 =	simm.s32 $0x3400  }
0x39: {  	[tilespmem:s29], [sflag:$0x1] =	stream.indirect.gather [hbm4b:s6+s21], $0x20, s28, s21, $0xb8;
	[tilespmem:$0x19640] =	vst v63  }
0x3a: {  	s31 =	simm.s32 $0x5C00;
	s16 =	simm.s32 $0x0  }
0x3b: {  	[tilespmem:s31], [sflag:$0x1] =	stream.indirect.gather [hbm4b:s1+s21], $0x10, s12, s21, $0xb8;
	[tilespmem:$0x19640] =	vst v63  }
.LBB2_2:
0x3c: {  	s10 =	sshll.u32 s16, $0x7  }
0x3d: {  	s10 =	sadd.s32 s9, s10  }
0x3e: {  	s28 =	sor.u32 $0x40, s10  }
0x3f: {  	s31 =	simm.s32 $0x0;
	s29 =	sadd.s32 s7, s28  }
0x40: {  	[tilespmem:s14], [sflag:$0x5] =	stream.linear.gather [hbm4b:s29+s31], $0x200, $0x38;
	[tilespmem:$0x19640] =	vst v63  }
0x41: {  	_ =	swait.ge [sflag:s18], $0x200  }
0x42: {  	[sflag:s18] =	ssyncset.done $0x0  }
0x43: {  	s28 =	sadd.s32 s8, s28;
	[sflag:s18] =	ssyncadd.s32 $0xFFFFFE00  }
0x44: {  	[tilespmem:s15], [sflag:$0x5] =	stream.linear.gather [hbm4b:s28+s31], $0x200, $0x38;
	[tilespmem:$0x19640] =	vst v63  }
0x45: {  	_ =	swait.ge [sflag:s18], $0x200  }
0x46: {  	[sflag:s18] =	ssyncset.done $0x0  }
0x47: {  	s0 =	simm.s32 $0xA800;
	[sflag:s18] =	ssyncadd.s32 $0xFFFFFE00  }
0x48: {  	[tilespmem:s0], [sflag:$0x2] =	stream.indirect.gather [hbm4b:s6+s21], $0x20, s14, s21, $0xb8;
	[tilespmem:$0x19640] =	vst v63  }
0x49: {  	s0 =	simm.s32 $0xE800  }
0x4a: {  	[tilespmem:s0], [sflag:$0x2] =	stream.indirect.gather [hbm4b:s1+s21], $0x10, s15, s21, $0xb8;
	[tilespmem:$0x19640] =	vst v63  }
0x4b: {  	s28 =	simm.s32 $0xB800;
	s0 =	simm.s32 $0xA480  }
0x4c: {  	[tilespmem:s28], [sflag:$0x2] =	stream.indirect.gather [hbm4b:s6+s21], $0x20, s0, s21, $0xb8;
	[tilespmem:$0x19640] =	vst v63  }
0x4d: {  	s0 =	simm.s32 $0xF000  }
0x4e: {  	[tilespmem:s0], [sflag:$0x2] =	stream.indirect.gather [hbm4b:s1+s21], $0x10, s19, s21, $0xb8;
	[tilespmem:$0x19640] =	vst v63  }
0x4f: {  	s28 =	simm.s32 $0xC800;
	s0 =	simm.s32 $0xA500  }
0x50: {  	[tilespmem:s28], [sflag:$0x2] =	stream.indirect.gather [hbm4b:s6+s21], $0x20, s0, s21, $0xb8;
	[tilespmem:$0x19640] =	vst v63  }
0x51: {  	s0 =	simm.s32 $0xF800  }
0x52: {  	[tilespmem:s0], [sflag:$0x2] =	stream.indirect.gather [hbm4b:s1+s21], $0x10, s23, s21, $0xb8;
	[tilespmem:$0x19640] =	vst v63  }
0x53: {  	s28 =	simm.s32 $0xD800;
	s0 =	simm.s32 $0xA580  }
0x54: {  	[tilespmem:s28], [sflag:$0x2] =	stream.indirect.gather [hbm4b:s6+s21], $0x20, s0, s21, $0xb8;
	[tilespmem:$0x19640] =	vst v63  }
0x55: {  	s0 =	simm.s32 $0x10000  }
0x56: {  	[tilespmem:s0], [sflag:$0x2] =	stream.indirect.gather [hbm4b:s1+s21], $0x10, s26, s21, $0xb8;
	[tilespmem:$0x19640] =	vst v63  }
0x57: {  	_ =	swait.ge [sflag:s17], $0x1000  }
0x58: {  	[sflag:s17] =	ssyncset.done $0x0  }
0x59: {  	[sflag:s17] =	ssyncadd.s32 $0xFFFFF000  }
0x5a: {  	_ =	swait.ge [sflag:s17], $0x800  }
0x5b: {  	[sflag:s17] =	ssyncset.done $0x0  }
0x5c: {  	[sflag:s17] =	ssyncadd.s32 $0xFFFFF800  }
0x5d: {  	_ =	swait.ge [sflag:s17], $0x1000  }
0x5e: {  	[sflag:s17] =	ssyncset.done $0x0  }
0x5f: {  	[sflag:s17] =	ssyncadd.s32 $0xFFFFF000  }
0x60: {  	_ =	swait.ge [sflag:s17], $0x800  }
0x61: {  	[sflag:s17] =	ssyncset.done $0x0  }
0x62: {  	[sflag:s17] =	ssyncadd.s32 $0xFFFFF800  }
0x63: {  	_ =	swait.ge [sflag:s17], $0x1000  }
0x64: {  	[sflag:s17] =	ssyncset.done $0x0  }
0x65: {  	[sflag:s17] =	ssyncadd.s32 $0xFFFFF000  }
0x66: {  	_ =	swait.ge [sflag:s17], $0x800  }
0x67: {  	[sflag:s17] =	ssyncset.done $0x0  }
0x68: {  	[sflag:s17] =	ssyncadd.s32 $0xFFFFF800  }
0x69: {  	_ =	swait.ge [sflag:s17], $0x1000  }
0x6a: {  	[sflag:s17] =	ssyncset.done $0x0  }
0x6b: {  	[sflag:s17] =	ssyncadd.s32 $0xFFFFF000  }
0x6c: {  	_ =	swait.ge [sflag:s17], $0x800  }
0x6d: {  	[sflag:s17] =	ssyncset.done $0x0  }
0x6e: {  	s28 =	simm.s32 $0x0;
	[sflag:s17] =	ssyncadd.s32 $0xFFFFF800  }
0x6f: {  	s29 =	simm.s32 $0x410;
	s31 =	simm.s32 $0x40;
	v4 =	vld [tilespmem:s28+$0x4400]  }
.LBB2_3:
0x70: {  	p0 =	sne.s32 s31, $0x7FC0;
	v5 =	vld [tilespmem:s29+$0xFFFFFFF0];
	_ =	sdelay $0x4  }
0x71: {  	v4 =	vmul.f32 v4, v5;
	_ =	sdelay $0x1  }
0x72: {  	v5 =	vperm.xlane v4, v0;
	_ =	sdelay $0x1  }
0x73: {  	v4 =	vadd.f32 v5, v4;
	_ =	sdelay $0x1  }
0x74: {  	v5 =	vperm.xlane v4, v1;
	_ =	sdelay $0x1  }
0x75: {  	v4 =	vadd.f32 v5, v4;
	_ =	sdelay $0x1  }
0x76: {  	v5 =	vperm.xlane v4, v2;
	_ =	sdelay $0x1  }
0x77: {  	v4 =	vadd.f32 v5, v4;
	_ =	sdelay $0x1  }
0x78: {  	v5 =	vperm.xlane v4, v3;
	_ =	sdelay $0x1  }
0x79: {  	v4 =	vadd.f32 v5, v4;
	_ =	sdelay $0x1  }
0x7a: {  	v4 =	vmul.f32 $1.442695020e+00, v4;
	_ =	sdelay $0x1  }
0x7b: {  	(erf) = vpow2.f32 v4;
	_ =	sdelay $0x4  }
0x7c: {  	v4 =	vld [tilespmem:s29+$0x0];
	_ =	sdelay $0x2  }
.Ltmp0:
0x7d: {  	(pc) =	sbr.rel @p0 .LBB2_3-.Ltmp0, $4  }
0x7e: {  	v5 =	vpop (erf)  }
0x7f: {  	v6 =	vmul.f32 v5, v4;
	[tilespmem:s28+$0x8400] =	vst v5  }
0x80: {  	s0 =	sshra.s32 s31, $0x2  }
0x81: {  	s31 =	sadd.s32 $0x40, s31;
	s29 =	sadd.s32 $0x20, s29;
	v4 =	vld [tilespmem:s0+$0x4400];
	[tilespmem:s28+$0x6400] =	vst v6;
	s28 =	smov.u32 s0  }
0x82: {  	v5 =	vld [tilespmem:s29+$0xFFFFFFF0];
	_ =	sdelay $0x4  }
0x83: {  	v4 =	vmul.f32 v4, v5;
	_ =	sdelay $0x1  }
0x84: {  	v5 =	vperm.xlane v4, v0;
	_ =	sdelay $0x1  }
0x85: {  	v4 =	vadd.f32 v5, v4;
	_ =	sdelay $0x1  }
0x86: {  	v5 =	vperm.xlane v4, v1;
	_ =	sdelay $0x1  }
0x87: {  	v4 =	vadd.f32 v5, v4;
	_ =	sdelay $0x1  }
0x88: {  	v5 =	vperm.xlane v4, v2;
	_ =	sdelay $0x1  }
0x89: {  	v4 =	vadd.f32 v5, v4;
	_ =	sdelay $0x1  }
0x8a: {  	v5 =	vperm.xlane v4, v3;
	_ =	sdelay $0x1  }
0x8b: {  	v4 =	vadd.f32 v5, v4;
	_ =	sdelay $0x1  }
0x8c: {  	v4 =	vmul.f32 $1.442695020e+00, v4;
	_ =	sdelay $0x1  }
0x8d: {  	(erf) = vpow2.f32 v4;
	_ =	sdelay $0x4  }
0x8e: {  	v4 =	vld [tilespmem:s29+$0x0];
	_ =	sdelay $0x3  }
0x8f: {  	v5 =	vpop (erf)  }
0x90: {  	v4 =	vmul.f32 v5, v4  }
0x91: {  	[tilespmem:s28+$0x8400] =	vst v5  }
0x92: {  	s0 =	simm.s32 $0x6400;
	[tilespmem:s28+$0x6400] =	vst v4  }
0x93: {  	[spmem:s3] =	stream.indirect.scatter.add.f32 [tilespmem:s0], [sflag:$0x3], $0x10, s20, s21, $0xb8;
	[tilespmem:$0x19640] =	vst v63  }
0x94: {  	s31 =	simm.s32 $0x8400  }
0x95: {  	[spmem:s4] =	stream.indirect.scatter.add.f32 [tilespmem:s31], [sflag:$0x3], $0x10, s20, s21, $0xb8;
	[tilespmem:$0x19640] =	vst v63  }
0x96: {  	s31 =	simm.s32 $0x6C00  }
0x97: {  	[spmem:s3] =	stream.indirect.scatter.add.f32 [tilespmem:s31], [sflag:$0x3], $0x10, s25, s21, $0xb8;
	[tilespmem:$0x19640] =	vst v63  }
0x98: {  	s31 =	simm.s32 $0x8C00  }
0x99: {  	[spmem:s4] =	stream.indirect.scatter.add.f32 [tilespmem:s31], [sflag:$0x3], $0x10, s25, s21, $0xb8;
	[tilespmem:$0x19640] =	vst v63  }
0x9a: {  	s31 =	simm.s32 $0x7400  }
0x9b: {  	[spmem:s3] =	stream.indirect.scatter.add.f32 [tilespmem:s31], [sflag:$0x3], $0x10, s30, s21, $0xb8;
	[tilespmem:$0x19640] =	vst v63  }
0x9c: {  	s31 =	simm.s32 $0x9400  }
0x9d: {  	[spmem:s4] =	stream.indirect.scatter.add.f32 [tilespmem:s31], [sflag:$0x3], $0x10, s30, s21, $0xb8;
	[tilespmem:$0x19640] =	vst v63  }
0x9e: {  	s31 =	simm.s32 $0x7C00  }
0x9f: {  	[spmem:s3] =	stream.indirect.scatter.add.f32 [tilespmem:s31], [sflag:$0x3], $0x10, s12, s21, $0xb8;
	[tilespmem:$0x19640] =	vst v63  }
0xa0: {  	s31 =	simm.s32 $0x9C00  }
0xa1: {  	[spmem:s4] =	stream.indirect.scatter.add.f32 [tilespmem:s31], [sflag:$0x3], $0x10, s12, s21, $0xb8;
	[tilespmem:$0x19640] =	vst v63  }
0xa2: {  	_ =	swait.ge [sflag:s5], $0x1000  }
0xa3: {  	[sflag:s5] =	ssyncset.done $0x0  }
0xa4: {  	[sflag:s5] =	ssyncadd.s32 $0xFFFFF000  }
0xa5: {  	_ =	swait.ge [sflag:s5], $0x800  }
0xa6: {  	[sflag:s5] =	ssyncset.done $0x0  }
0xa7: {  	[sflag:s5] =	ssyncadd.s32 $0xFFFFF800  }
0xa8: {  	_ =	swait.ge [sflag:s5], $0x1000  }
0xa9: {  	[sflag:s5] =	ssyncset.done $0x0  }
0xaa: {  	[sflag:s5] =	ssyncadd.s32 $0xFFFFF000  }
0xab: {  	_ =	swait.ge [sflag:s5], $0x800  }
0xac: {  	[sflag:s5] =	ssyncset.done $0x0  }
0xad: {  	[sflag:s5] =	ssyncadd.s32 $0xFFFFF800  }
0xae: {  	_ =	swait.ge [sflag:s5], $0x1000  }
0xaf: {  	[sflag:s5] =	ssyncset.done $0x0  }
0xb0: {  	[sflag:s5] =	ssyncadd.s32 $0xFFFFF000  }
0xb1: {  	_ =	swait.ge [sflag:s5], $0x800  }
0xb2: {  	[sflag:s5] =	ssyncset.done $0x0  }
0xb3: {  	[sflag:s5] =	ssyncadd.s32 $0xFFFFF800  }
0xb4: {  	_ =	swait.ge [sflag:s5], $0x1000  }
0xb5: {  	[sflag:s5] =	ssyncset.done $0x0  }
0xb6: {  	[sflag:s5] =	ssyncadd.s32 $0xFFFFF000  }
0xb7: {  	_ =	swait.ge [sflag:s5], $0x800  }
0xb8: {  	[sflag:s5] =	ssyncset.done $0x0  }
0xb9: {  	[sflag:s5] =	ssyncadd.s32 $0xFFFFF800  }
0xba: {  	_ =	swait.ge [sflag:s24], $0x800  }
0xbb: {  	[sflag:s24] =	ssyncset.done $0x0  }
0xbc: {  	[sflag:s24] =	ssyncadd.s32 $0xFFFFF800  }
0xbd: {  	_ =	swait.ge [sflag:s24], $0x800  }
0xbe: {  	[sflag:s24] =	ssyncset.done $0x0  }
0xbf: {  	[sflag:s24] =	ssyncadd.s32 $0xFFFFF800  }
0xc0: {  	_ =	swait.ge [sflag:s24], $0x800  }
0xc1: {  	[sflag:s24] =	ssyncset.done $0x0  }
0xc2: {  	[sflag:s24] =	ssyncadd.s32 $0xFFFFF800  }
0xc3: {  	_ =	swait.ge [sflag:s24], $0x800  }
0xc4: {  	[sflag:s24] =	ssyncset.done $0x0  }
0xc5: {  	[sflag:s24] =	ssyncadd.s32 $0xFFFFF800  }
0xc6: {  	_ =	swait.ge [sflag:s24], $0x800  }
0xc7: {  	[sflag:s24] =	ssyncset.done $0x0  }
0xc8: {  	[sflag:s24] =	ssyncadd.s32 $0xFFFFF800  }
0xc9: {  	_ =	swait.ge [sflag:s24], $0x800  }
0xca: {  	[sflag:s24] =	ssyncset.done $0x0  }
0xcb: {  	[sflag:s24] =	ssyncadd.s32 $0xFFFFF800  }
0xcc: {  	_ =	swait.ge [sflag:s24], $0x800  }
0xcd: {  	[sflag:s24] =	ssyncset.done $0x0  }
0xce: {  	[sflag:s24] =	ssyncadd.s32 $0xFFFFF800  }
0xcf: {  	_ =	swait.ge [sflag:s24], $0x800  }
0xd0: {  	s31 =	sadd.s32 $0x80, s10;
	[sflag:s24] =	ssyncset.done $0x0  }
0xd1: {  	s28 =	simm.s32 $0x0;
	s10 =	sadd.s32 s7, s31;
	[sflag:s24] =	ssyncadd.s32 $0xFFFFF800  }
0xd2: {  	[tilespmem:s28], [sflag:$0x5] =	stream.linear.gather [hbm4b:s10+s28], $0x200, $0x38;
	[tilespmem:$0x19640] =	vst v63  }
0xd3: {  	_ =	swait.ge [sflag:s18], $0x200  }
0xd4: {  	[sflag:s18] =	ssyncset.done $0x0  }
0xd5: {  	s0 =	sadd.s32 s8, s31;
	[sflag:s18] =	ssyncadd.s32 $0xFFFFFE00  }
0xd6: {  	[tilespmem:s20], [sflag:$0x5] =	stream.linear.gather [hbm4b:s0+s28], $0x200, $0x38;
	[tilespmem:$0x19640] =	vst v63  }
0xd7: {  	_ =	swait.ge [sflag:s18], $0x200  }
0xd8: {  	[sflag:s18] =	ssyncset.done $0x0  }
0xd9: {  	s10 =	simm.s32 $0x400;
	[sflag:s18] =	ssyncadd.s32 $0xFFFFFE00  }
0xda: {  	[tilespmem:s10], [sflag:$0x1] =	stream.indirect.gather [hbm4b:s6+s21], $0x20, s28, s21, $0xb8;
	[tilespmem:$0x19640] =	vst v63  }
0xdb: {  	s31 =	simm.s32 $0x4400  }
0xdc: {  	[tilespmem:s31], [sflag:$0x1] =	stream.indirect.gather [hbm4b:s1+s21], $0x10, s20, s21, $0xb8;
	[tilespmem:$0x19640] =	vst v63  }
0xdd: {  	s10 =	simm.s32 $0x1400  }
0xde: {  	[tilespmem:s10], [sflag:$0x1] =	stream.indirect.gather [hbm4b:s6+s21], $0x20, s21, s21, $0xb8;
	[tilespmem:$0x19640] =	vst v63  }
0xdf: {  	s31 =	simm.s32 $0x4C00  }
0xe0: {  	[tilespmem:s31], [sflag:$0x1] =	stream.indirect.gather [hbm4b:s1+s21], $0x10, s25, s21, $0xb8;
	[tilespmem:$0x19640] =	vst v63  }
0xe1: {  	s10 =	simm.s32 $0x100;
	s31 =	simm.s32 $0x2400  }
0xe2: {  	[tilespmem:s31], [sflag:$0x1] =	stream.indirect.gather [hbm4b:s6+s21], $0x20, s10, s21, $0xb8;
	[tilespmem:$0x19640] =	vst v63  }
0xe3: {  	s31 =	simm.s32 $0x5400  }
0xe4: {  	[tilespmem:s31], [sflag:$0x1] =	stream.indirect.gather [hbm4b:s1+s21], $0x10, s30, s21, $0xb8;
	[tilespmem:$0x19640] =	vst v63  }
0xe5: {  	s10 =	simm.s32 $0x180;
	s31 =	simm.s32 $0x3400  }
0xe6: {  	[tilespmem:s31], [sflag:$0x1] =	stream.indirect.gather [hbm4b:s6+s21], $0x20, s10, s21, $0xb8;
	[tilespmem:$0x19640] =	vst v63  }
0xe7: {  	s31 =	simm.s32 $0x5C00;
	s10 =	simm.s32 $0x0  }
0xe8: {  	[tilespmem:s31], [sflag:$0x1] =	stream.indirect.gather [hbm4b:s1+s21], $0x10, s12, s21, $0xb8;
	[tilespmem:$0x19640] =	vst v63  }
0xe9: {  	s29 =	simm.s32 $0x40;
	s28 =	simm.s32 $0xA810;
	v4 =	vld [tilespmem:s10+$0xE800]  }
.LBB2_5:
0xea: {  	p0 =	sne.s32 s29, $0x7FC0;
	v5 =	vld [tilespmem:s28+$0xFFFFFFF0];
	_ =	sdelay $0x4  }
0xeb: {  	v4 =	vmul.f32 v4, v5;
	_ =	sdelay $0x1  }
0xec: {  	v5 =	vperm.xlane v4, v0;
	_ =	sdelay $0x1  }
0xed: {  	v4 =	vadd.f32 v5, v4;
	_ =	sdelay $0x1  }
0xee: {  	v5 =	vperm.xlane v4, v1;
	_ =	sdelay $0x1  }
0xef: {  	v4 =	vadd.f32 v5, v4;
	_ =	sdelay $0x1  }
0xf0: {  	v5 =	vperm.xlane v4, v2;
	_ =	sdelay $0x1  }
0xf1: {  	v4 =	vadd.f32 v5, v4;
	_ =	sdelay $0x1  }
0xf2: {  	v5 =	vperm.xlane v4, v3;
	_ =	sdelay $0x1  }
0xf3: {  	v4 =	vadd.f32 v5, v4;
	_ =	sdelay $0x1  }
0xf4: {  	v4 =	vmul.f32 $1.442695020e+00, v4;
	_ =	sdelay $0x1  }
0xf5: {  	(erf) = vpow2.f32 v4;
	_ =	sdelay $0x4  }
0xf6: {  	v4 =	vld [tilespmem:s28+$0x0];
	_ =	sdelay $0x2  }
.Ltmp1:
0xf7: {  	(pc) =	sbr.rel @p0 .LBB2_5-.Ltmp1, $4  }
0xf8: {  	v5 =	vpop (erf)  }
0xf9: {  	v6 =	vmul.f32 v5, v4;
	[tilespmem:s10+$0x12800] =	vst v5  }
0xfa: {  	s0 =	sshra.s32 s29, $0x2  }
0xfb: {  	s29 =	sadd.s32 $0x40, s29;
	s28 =	sadd.s32 $0x20, s28;
	v4 =	vld [tilespmem:s0+$0xE800];
	[tilespmem:s10+$0x10800] =	vst v6;
	s10 =	smov.u32 s0  }
0xfc: {  	v5 =	vld [tilespmem:s28+$0xFFFFFFF0];
	_ =	sdelay $0x4  }
0xfd: {  	v4 =	vmul.f32 v4, v5;
	_ =	sdelay $0x1  }
0xfe: {  	v5 =	vperm.xlane v4, v0;
	_ =	sdelay $0x1  }
0xff: {  	v4 =	vadd.f32 v5, v4;
	_ =	sdelay $0x1  }
0x100: {  	v5 =	vperm.xlane v4, v1;
	_ =	sdelay $0x1  }
0x101: {  	v4 =	vadd.f32 v5, v4;
	_ =	sdelay $0x1  }
0x102: {  	v5 =	vperm.xlane v4, v2;
	_ =	sdelay $0x1  }
0x103: {  	v4 =	vadd.f32 v5, v4;
	_ =	sdelay $0x1  }
0x104: {  	v5 =	vperm.xlane v4, v3;
	_ =	sdelay $0x1  }
0x105: {  	v4 =	vadd.f32 v5, v4;
	_ =	sdelay $0x1  }
0x106: {  	v4 =	vmul.f32 $1.442695020e+00, v4;
	_ =	sdelay $0x1  }
0x107: {  	(erf) = vpow2.f32 v4;
	_ =	sdelay $0x4  }
0x108: {  	v4 =	vld [tilespmem:s28+$0x0];
	_ =	sdelay $0x3  }
0x109: {  	v5 =	vpop (erf)  }
0x10a: {  	v4 =	vmul.f32 v5, v4  }
0x10b: {  	[tilespmem:s10+$0x12800] =	vst v5  }
0x10c: {  	s0 =	simm.s32 $0x10800;
	[tilespmem:s10+$0x10800] =	vst v4  }
0x10d: {  	[spmem:s3] =	stream.indirect.scatter.add.f32 [tilespmem:s0], [sflag:$0x4], $0x10, s15, s21, $0xb8;
	[tilespmem:$0x19640] =	vst v63  }
0x10e: {  	s10 =	simm.s32 $0x12800  }
0x10f: {  	[spmem:s4] =	stream.indirect.scatter.add.f32 [tilespmem:s10], [sflag:$0x4], $0x10, s15, s21, $0xb8;
	[tilespmem:$0x19640] =	vst v63  }
0x110: {  	s28 =	simm.s32 $0x11000  }
0x111: {  	[spmem:s3] =	stream.indirect.scatter.add.f32 [tilespmem:s28], [sflag:$0x4], $0x10, s19, s21, $0xb8;
	[tilespmem:$0x19640] =	vst v63  }
0x112: {  	s29 =	simm.s32 $0x13000  }
0x113: {  	[spmem:s4] =	stream.indirect.scatter.add.f32 [tilespmem:s29], [sflag:$0x4], $0x10, s19, s21, $0xb8;
	[tilespmem:$0x19640] =	vst v63  }
0x114: {  	s31 =	simm.s32 $0x11800  }
0x115: {  	[spmem:s3] =	stream.indirect.scatter.add.f32 [tilespmem:s31], [sflag:$0x4], $0x10, s23, s21, $0xb8;
	[tilespmem:$0x19640] =	vst v63  }
0x116: {  	_ = 	snop  }
0x117: {  	[spmem:s4] =	stream.indirect.scatter.add.f32 [tilespmem:s2], [sflag:$0x4], $0x10, s23, s21, $0xb8;
	[tilespmem:$0x19640] =	vst v63  }
0x118: {  	_ = 	snop  }
0x119: {  	[spmem:s3] =	stream.indirect.scatter.add.f32 [tilespmem:s11], [sflag:$0x4], $0x10, s26, s21, $0xb8;
	[tilespmem:$0x19640] =	vst v63  }
0x11a: {  	_ = 	snop  }
0x11b: {  	[spmem:s4] =	stream.indirect.scatter.add.f32 [tilespmem:s22], [sflag:$0x4], $0x10, s26, s21, $0xb8;
	[tilespmem:$0x19640] =	vst v63  }
0x11c: {  	_ =	swait.ge [sflag:s13], $0x800  }
0x11d: {  	[sflag:s13] =	ssyncset.done $0x0  }
0x11e: {  	[sflag:s13] =	ssyncadd.s32 $0xFFFFF800  }
0x11f: {  	_ =	swait.ge [sflag:s13], $0x800  }
0x120: {  	[sflag:s13] =	ssyncset.done $0x0  }
0x121: {  	[sflag:s13] =	ssyncadd.s32 $0xFFFFF800  }
0x122: {  	_ =	swait.ge [sflag:s13], $0x800  }
0x123: {  	[sflag:s13] =	ssyncset.done $0x0  }
0x124: {  	[sflag:s13] =	ssyncadd.s32 $0xFFFFF800  }
0x125: {  	_ =	swait.ge [sflag:s13], $0x800  }
0x126: {  	[sflag:s13] =	ssyncset.done $0x0  }
0x127: {  	[sflag:s13] =	ssyncadd.s32 $0xFFFFF800  }
0x128: {  	_ =	swait.ge [sflag:s13], $0x800  }
0x129: {  	[sflag:s13] =	ssyncset.done $0x0  }
0x12a: {  	[sflag:s13] =	ssyncadd.s32 $0xFFFFF800  }
0x12b: {  	_ =	swait.ge [sflag:s13], $0x800  }
0x12c: {  	[sflag:s13] =	ssyncset.done $0x0  }
0x12d: {  	s16 =	sadd.s32 $0x1, s16;
	[sflag:s13] =	ssyncadd.s32 $0xFFFFF800  }
0x12e: {  	p0 =	sne.s32 s16, $0xB;
	_ =	swait.ge [sflag:s13], $0x800  }
.Ltmp2:
0x12f: {  	[sflag:s13] =	ssyncset.done $0x0;
	(pc) =	sbr.rel @p0 .LBB2_2-.Ltmp2, $4  }
0x130: {  	[sflag:s13] =	ssyncadd.s32 $0xFFFFF800  }
0x131: {  	_ =	swait.ge [sflag:s13], $0x800  }
0x132: {  	[sflag:s13] =	ssyncset.done $0x0  }
0x133: {  	[sflag:s13] =	ssyncadd.s32 $0xFFFFF800  }
0x134: {  	_ =	swait.ge [sflag:s17], $0x1000  }
0x135: {  	[sflag:s17] =	ssyncset.done $0x0  }
0x136: {  	[sflag:s17] =	ssyncadd.s32 $0xFFFFF000  }
0x137: {  	_ =	swait.ge [sflag:s17], $0x800  }
0x138: {  	[sflag:s17] =	ssyncset.done $0x0  }
0x139: {  	[sflag:s17] =	ssyncadd.s32 $0xFFFFF800  }
0x13a: {  	_ =	swait.ge [sflag:s17], $0x1000  }
0x13b: {  	[sflag:s17] =	ssyncset.done $0x0  }
0x13c: {  	[sflag:s17] =	ssyncadd.s32 $0xFFFFF000  }
0x13d: {  	_ =	swait.ge [sflag:s17], $0x800  }
0x13e: {  	[sflag:s17] =	ssyncset.done $0x0  }
0x13f: {  	[sflag:s17] =	ssyncadd.s32 $0xFFFFF800  }
0x140: {  	_ =	swait.ge [sflag:s17], $0x1000  }
0x141: {  	[sflag:s17] =	ssyncset.done $0x0  }
0x142: {  	[sflag:s17] =	ssyncadd.s32 $0xFFFFF000  }
0x143: {  	_ =	swait.ge [sflag:s17], $0x800  }
0x144: {  	[sflag:s17] =	ssyncset.done $0x0  }
0x145: {  	[sflag:s17] =	ssyncadd.s32 $0xFFFFF800  }
0x146: {  	_ =	swait.ge [sflag:s17], $0x1000  }
0x147: {  	[sflag:s17] =	ssyncset.done $0x0  }
0x148: {  	[sflag:s17] =	ssyncadd.s32 $0xFFFFF000  }
0x149: {  	_ =	swait.ge [sflag:s17], $0x800  }
0x14a: {  	[sflag:s17] =	ssyncset.done $0x0  }
0x14b: {  	[sflag:s17] =	ssyncadd.s32 $0xFFFFF800  }
0x14c: {  	[bflag:$0x0] =	sbarrier.arrive $0xFFFF  }
0x14d: {  	s10 =	rddreg [dreg:$0x6]  }
0x14e: {  	s0 =	rddreg [dreg:$0x9]  }
0x14f: {  	s16 =	rddreg [dreg:$0xc]  }
0x150: {  	[hbm:s0], [sflag:s10] =	dma.local [spmem:s16], $0x4E4  }
0x151: {  	_ =	swait.ge [sflag:s18], $0x4E4  }
0x152: {  	[sflag:s18] =	ssyncset.done $0x0;
	s31 =	rddreg [dreg:$0xa]  }
0x153: {  	s28 =	rddreg [dreg:$0xd];
	[sflag:s18] =	ssyncadd.s32 $0xFFFFFB1C  }
0x154: {  	[hbm:s31], [sflag:s10] =	dma.local [spmem:s28], $0x4E4  }
0x155: {  	_ =	swait.ge [sflag:s18], $0x4E4  }
0x156: {  	s29 =	rddreg [dreg:$0xe]  }
0x157: {  	s31 =	rddreg [dreg:$0xb];
	s29 =	sadd.s32 $0x1, s29  }
0x158: {  	p0 =	sne.s32 s29, s31  }
.Ltmp3:
0x159: {  	_ = 	snop;
	(pc) =	sbr.rel @p0 .LBB2_1-.Ltmp3, $3  }
0x15a: {  	_ =	sdelay $0x1  }
0x15b: {  	[sflag:s18] =	ssyncset.done $0x0  }
0x15c: {  	[sflag:s18] =	ssyncadd.s32 $0xFFFFFB1C  }
0x15d: {  	_ =	sfence.sel $0x180000  }
0x15e: {  	[bflag:$0x0] =	sbarrier.arrive $0xFFFF  }
0x15f: {  	_ =	strace $0x90000047  }
0x160: {  	s0 =	stileid.u32;
	[bflag:$0x2] =	sbarrier.arrive $0xFFFF  }
0x161: {  	p0 =	sne.s32 s0, $0x0;
	s0 =	rddreg [dreg:$0x4]  }
0x162: {  	s0 =	sadd.s32 @!p0 $0x100000, s0  }
0x163: {  	[sflag:s0] =	ssyncadd.tile.s32 @!p0 $0x1;
	_ =	shalt  }
.Lfunc_end2:
_tile_overlayer_lowered:
.L_overlay_start_2:
0x164: {  	(tag) =	ssettag $0x2  }
0x165: {  	s0 =	rddreg [dreg:$0x0];
	s2 =	stileid.u32  }
0x166: {  	s1 =	rddreg [dreg:$0x1];
	p0 =	sne.s32 s2, $0x0  }
0x167: {  	s3 =	rddreg [dreg:$0x2];
	[bflag:$0x3] =	sbarrier.arrive $0xFFFF;
	s2 =	simm.s32 @!p0 $0x1C05  }
0x168: {  	[timem:s3], [sflag:s2] =	dma.local @!p0 [hbm:s0], s1  }
0x169: {  	s0 =	simm.s32 @!p0 $0x5  }
0x16a: {  	_ =	swait.ge @!p0 [sflag:s0], s1  }
0x16b: {  	s1 =	ssub.s32 @!p0 $0x0, s1;
	[sflag:s0] =	ssyncset.done @!p0 $0x0  }
0x16c: {  	[sflag:s0] =	ssyncadd.s32 @!p0 s1  }
0x16d: {  	[bflag:$0x3] =	sbarrier.arrive $0xFFFF  }
0x16e: {  	_ =	shalt  }

</sc_bundles>
